<compile_context>
chip_gen: v7x
topology: tpu7x:2x2x1
jax: 0.10.2.dev20260603
libtpu: 0.0.44.dev20260713+nightly
codegen_flags: <defaults>
</compile_context>

<pallas_src>
import functools

import jax
import jax.numpy as jnp
from jax import lax
from jax.experimental import pallas as pl
from jax.experimental.pallas import tpu as pltpu
from jax.experimental.pallas import tpu_sc as plsc

B, S, D = 8, 2048, 8
VOCAB = 100000
D_MODEL = 256
BS = B * S

NC, NS, L = 2, 16, 16
NW = NC * NS
TW = BS // NW
C = 8
SLOTS = C * D
NCH = TW // C
NV = D_MODEL // L
ZROW = SLOTS + D_MODEL
NROWS = ZROW + 1


def _sc_pooled(ids, tys, lens, key_table, index_table):
    mesh = plsc.VectorSubcoreMesh(core_axis_name="c", subcore_axis_name="s")

    @functools.partial(
        pl.kernel,
        out_type=jax.ShapeDtypeStruct((BS * D_MODEL,), jnp.float32),
        mesh=mesh,
        scratch_types=[
            pltpu.VMEM((SLOTS,), jnp.int32),
            pltpu.VMEM((SLOTS,), jnp.int32),
            pltpu.VMEM((SLOTS,), jnp.int32),
            pltpu.VMEM((SLOTS,), jnp.int32),
            pltpu.VMEM((SLOTS,), jnp.int32),
            pltpu.VMEM((NROWS * D_MODEL,), jnp.float32),
            pltpu.VMEM((C * D_MODEL,), jnp.float32),
            pltpu.SemaphoreType.DMA,
        ],
    )
    def k(ids_hbm, tys_hbm, lens_hbm, ktab_hbm, itab_hbm, out_hbm,
          ids_v, tys_v, lens_v, kr_v, sr_v, rows_v, out_v, gsem):
        wid = lax.axis_index("s") * NC + lax.axis_index("c")
        lane = lax.iota(jnp.int32, L)
        pos = lax.rem(lane, D)
        zeros = jnp.zeros((L,), jnp.float32)
        pltpu.sync_copy(itab_hbm,
                        rows_v.at[pl.ds(SLOTS * D_MODEL, D_MODEL * D_MODEL)])
        for v in range(NV):
            rows_v[pl.ds(ZROW * D_MODEL + v * L, L)] = zeros

        @pl.loop(0, NCH)
        def _(ch):
            tok0 = wid * TW + ch * C
            s0 = tok0 * D
            pltpu.sync_copy(ids_hbm.at[pl.ds(s0, SLOTS)], ids_v)
            pltpu.sync_copy(tys_hbm.at[pl.ds(s0, SLOTS)], tys_v)
            pltpu.sync_copy(lens_hbm.at[pl.ds(s0, SLOTS)], lens_v)

            for g in range(SLOTS // L):
                sl = pl.ds(g * L, L)
                idv = ids_v[sl]
                tyv = tys_v[sl]
                valid = pos < lens_v[sl]
                km = valid & (tyv == 1)
                im = valid & (tyv == 2)
                slot = lane + (g * L)
                kv = jnp.where(km, idv, 0)
                sr_v[sl] = jnp.where(
                    km, slot,
                    jnp.where(im, SLOTS + jnp.minimum(idv, D_MODEL - 1), ZROW))
                for dd in range(L):
                    rid = kv[dd]
                    pltpu.async_copy(
                        ktab_hbm.at[pl.ds(rid * D_MODEL, D_MODEL)],
                        rows_v.at[pl.ds((g * L + dd) * D_MODEL, D_MODEL)],
                        gsem)
            @pl.loop(0, SLOTS)
            def _(j):
                pltpu.make_async_copy(
                    ktab_hbm.at[pl.ds(0, D_MODEL)],
                    rows_v.at[pl.ds(0, D_MODEL)], gsem).wait()

            @pl.loop(0, SLOTS // L)
            def _(g):
                srv = sr_v[pl.ds(g * L, L)]
                for half in range(L // D):
                    t = g * (L // D) + half
                    r0 = srv[half * D] * D_MODEL
                    acc = [rows_v[pl.ds(r0 + v * L, L)] for v in range(NV)]
                    for d in range(1, D):
                        r = srv[half * D + d] * D_MODEL
                        for v in range(NV):
                            acc[v] = acc[v] + rows_v[pl.ds(r + v * L, L)]
                    for v in range(NV):
                        out_v[pl.ds(t * D_MODEL + v * L, L)] = acc[v]

            pltpu.sync_copy(out_v, out_hbm.at[pl.ds(tok0 * D_MODEL,
                                                    C * D_MODEL)])

    return k(ids, tys, lens, key_table, index_table)


@jax.jit
def kernel(path_types, path_ids, path_lengths, key_table, index_table):
    ids = path_ids.reshape(-1).astype(jnp.int32)
    tys = path_types.reshape(-1).astype(jnp.int32)
    lens = jnp.broadcast_to(
        path_lengths.astype(jnp.int32)[..., None], (B, S, D)
    ).reshape(-1)
    out = _sc_pooled(ids, tys, lens,
                     key_table.astype(jnp.float32).reshape(-1),
                     index_table.astype(jnp.float32).reshape(-1))
    return out.reshape(B, S, D_MODEL)

# --- scband reference (transcript-rebuilt; emitter-appended) ---
"""Pipeline reference for scband-key-value-position-encoding-12695923327673 (READ-ONLY COPY).

The authoritative reference and input builder live on the scoring server;
editing this copy changes nothing except your own understanding.
"""

import jax, jax.numpy as jnp
import numpy as np

B, S, D = 8, 2048, 8
D_MODEL = 256
VOCAB = 100000
MAX_ARRAY_INDEX = 256
PATH_TYPE_KEY = 1
PATH_TYPE_INDEX = 2


def setup_inputs(seed: int = 0) -> dict:
    key = jax.random.key(seed)
    k1, k2, k3, k4, k5 = jax.random.split(key, 5)
    path_types = jax.random.randint(k1, (B, S, D), 0, 3).astype(jnp.int64)
    path_ids = jax.random.randint(k2, (B, S, D), 0, VOCAB).astype(jnp.int64)
    path_lengths = jax.random.randint(k3, (B, S), 0, 9).astype(jnp.int64)
    key_table = jax.random.normal(k4, (VOCAB, D_MODEL), dtype=jnp.float32) * 0.02
    index_table = jax.random.normal(k5, (MAX_ARRAY_INDEX, D_MODEL), dtype=jnp.float32) * 0.02
    return {
        "path_types": path_types,
        "path_ids": path_ids,
        "path_lengths": path_lengths,
        "key_table": key_table,
        "index_table": index_table,
    }


def reference(path_types, path_ids, path_lengths, key_table, index_table):
    vocab = key_table.shape[0]
    max_array_index = index_table.shape[0]
    # _embed_path_elements
    key_ids_clamped = jnp.clip(path_ids, 0, vocab - 1)
    key_embeds = jnp.take(key_table, key_ids_clamped, axis=0)
    index_ids_clamped = jnp.clip(path_ids, 0, max_array_index - 1)
    index_embeds = jnp.take(index_table, index_ids_clamped, axis=0)
    key_mask = (path_types == PATH_TYPE_KEY)[..., None].astype(jnp.float32)
    index_mask = (path_types == PATH_TYPE_INDEX)[..., None].astype(jnp.float32)
    embeds = key_embeds * key_mask + index_embeds * index_mask
    # sum pooling over path depth, masked by path_lengths
    depth = embeds.shape[2]
    depth_mask = (jnp.arange(depth)[None, None, :] < path_lengths[..., None]).astype(jnp.float32)
    pooled = jnp.sum(embeds * depth_mask[..., None], axis=2)
    return pooled

if __name__ == "__main__":
    import jax
    _d = setup_inputs()
    print(jax.jit(kernel)(*tuple(_d.values())))

</pallas_src>

<mosaic_0001>
#map = affine_map<(d0, d1) -> (0)>
module attributes {stable_mosaic.version = 14 : i64} {
  func.func @k(%arg0: i32, %arg1: i32, %arg2: memref<131072xi32, #tpu.memory_space<hbm>>, %arg3: memref<131072xi32, #tpu.memory_space<hbm>>, %arg4: memref<131072xi32, #tpu.memory_space<hbm>>, %arg5: memref<25600000xf32, #tpu.memory_space<hbm>>, %arg6: memref<65536xf32, #tpu.memory_space<hbm>>, %arg7: memref<4194304xf32, #tpu.memory_space<hbm>>, %arg8: memref<64xi32, #tpu.memory_space<vmem>>, %arg9: memref<64xi32, #tpu.memory_space<vmem>>, %arg10: memref<64xi32, #tpu.memory_space<vmem>>, %arg11: memref<64xi32, #tpu.memory_space<vmem>>, %arg12: memref<64xi32, #tpu.memory_space<vmem>>, %arg13: memref<82176xf32, #tpu.memory_space<vmem>>, %arg14: memref<2048xf32, #tpu.memory_space<vmem>>, %arg15: memref<!tpu.dma_semaphore, #tpu.memory_space<semaphore_mem>>) attributes {dimension_semantics = [#tpu.dimension_semantics<core_parallel>, #tpu.dimension_semantics<subcore_parallel>], iteration_bounds = array<i64: 2, 16>, scalar_prefetch = 0 : i64, scratch_operands = 8 : i64, tpu.core_type = #tpu.core_type<sc_vector_subcore>, window_params = [{transform_indices = #map}, {transform_indices = #map}, {transform_indices = #map}, {transform_indices = #map}, {transform_indices = #map}, {transform_indices = #map}]} {
    %mul3A = arith.constant 2 : i32
    %mul3A_0 = arith.muli %arg1, %mul3A : i32
    %add3A = arith.addi %mul3A_0, %arg0 : i32
    %iota3A = tpu.iota {dimensions = array<i32: 0>} : vector<16xi32>
    %rem3A = arith.constant 8 : i32
    %rem3A_1 = vector.broadcast %rem3A : i32 to vector<16xi32>
    %rem3A_2 = arith.remsi %iota3A, %rem3A_1 : vector<16xi32>
    %broadcast_in_dim3A = arith.constant 0.000000e+00 : f32
    %broadcast_in_dim3A_3 = vector.broadcast %broadcast_in_dim3A : f32 to vector<16xf32>
    "tpu.region"() ({
      %run_scoped3A = tpu.sem_alloc : memref<!tpu.dma_semaphore, #tpu.memory_space<semaphore_mem>>
      %dma_start3A = arith.constant 16384 : i32
      %dma_start3A_71 = tpu.memref_slice %arg13[%dma_start3A] : memref<82176xf32, #tpu.memory_space<vmem>> -> memref<65536xf32, #tpu.memory_space<vmem>>
      %dma_start3A_72 = arith.constant 16384 : i32
      %dma_start3A_73 = tpu.memref_slice %arg13[%dma_start3A_72] : memref<82176xf32, #tpu.memory_space<vmem>> -> memref<65536xf32, #tpu.memory_space<vmem>>
      tpu.enqueue_dma source(%arg6 : memref<65536xf32, #tpu.memory_space<hbm>>) target(%dma_start3A_73 : memref<65536xf32, #tpu.memory_space<vmem>>) target_semaphore(%run_scoped3A : memref<!tpu.dma_semaphore, #tpu.memory_space<semaphore_mem>>)
      %dma_wait3A = arith.constant 16384 : i32
      %dma_wait3A_74 = tpu.memref_slice %arg13[%dma_wait3A] : memref<82176xf32, #tpu.memory_space<vmem>> -> memref<65536xf32, #tpu.memory_space<vmem>>
      %dma_wait3A_75 = arith.constant 16384 : i32
      %dma_wait3A_76 = tpu.memref_slice %arg13[%dma_wait3A_75] : memref<82176xf32, #tpu.memory_space<vmem>> -> memref<65536xf32, #tpu.memory_space<vmem>>
      tpu.wait_dma2 semaphore(%run_scoped3A : memref<!tpu.dma_semaphore, #tpu.memory_space<semaphore_mem>>) src(%arg6 : memref<65536xf32, #tpu.memory_space<hbm>>) dst(%dma_wait3A_76 : memref<65536xf32, #tpu.memory_space<vmem>>)
      tpu.yield
    }) : () -> ()
    %swap3A = arith.constant 81920 : index
    %swap3A_4 = tpu.vector_load %arg13[%swap3A] {strides = array<i32>} : memref<82176xf32, #tpu.memory_space<vmem>>, vector<16xf32>,
    %swap3A_5 = vector.shape_cast %swap3A_4 : vector<16xf32> to vector<16xf32>
    %swap3A_6 = vector.shape_cast %broadcast_in_dim3A_3 : vector<16xf32> to vector<16xf32>
    tpu.vector_store %arg13[%swap3A], %swap3A_6 {strides = array<i32>} : memref<82176xf32, #tpu.memory_space<vmem>>, vector<16xf32>,
    %swap3A_7 = arith.constant 81936 : index
    %swap3A_8 = tpu.vector_load %arg13[%swap3A_7] {strides = array<i32>} : memref<82176xf32, #tpu.memory_space<vmem>>, vector<16xf32>,
    %swap3A_9 = vector.shape_cast %swap3A_8 : vector<16xf32> to vector<16xf32>
    %swap3A_10 = vector.shape_cast %broadcast_in_dim3A_3 : vector<16xf32> to vector<16xf32>
    tpu.vector_store %arg13[%swap3A_7], %swap3A_10 {strides = array<i32>} : memref<82176xf32, #tpu.memory_space<vmem>>, vector<16xf32>,
    %swap3A_11 = arith.constant 81952 : index
    %swap3A_12 = tpu.vector_load %arg13[%swap3A_11] {strides = array<i32>} : memref<82176xf32, #tpu.memory_space<vmem>>, vector<16xf32>,
    %swap3A_13 = vector.shape_cast %swap3A_12 : vector<16xf32> to vector<16xf32>
    %swap3A_14 = vector.shape_cast %broadcast_in_dim3A_3 : vector<16xf32> to vector<16xf32>
    tpu.vector_store %arg13[%swap3A_11], %swap3A_14 {strides = array<i32>} : memref<82176xf32, #tpu.memory_space<vmem>>, vector<16xf32>,
    %swap3A_15 = arith.constant 81968 : index
    %swap3A_16 = tpu.vector_load %arg13[%swap3A_15] {strides = array<i32>} : memref<82176xf32, #tpu.memory_space<vmem>>, vector<16xf32>,
    %swap3A_17 = vector.shape_cast %swap3A_16 : vector<16xf32> to vector<16xf32>
    %swap3A_18 = vector.shape_cast %broadcast_in_dim3A_3 : vector<16xf32> to vector<16xf32>
    tpu.vector_store %arg13[%swap3A_15], %swap3A_18 {strides = array<i32>} : memref<82176xf32, #tpu.memory_space<vmem>>, vector<16xf32>,
    %swap3A_19 = arith.constant 81984 : index
    %swap3A_20 = tpu.vector_load %arg13[%swap3A_19] {strides = array<i32>} : memref<82176xf32, #tpu.memory_space<vmem>>, vector<16xf32>,
    %swap3A_21 = vector.shape_cast %swap3A_20 : vector<16xf32> to vector<16xf32>
    %swap3A_22 = vector.shape_cast %broadcast_in_dim3A_3 : vector<16xf32> to vector<16xf32>
    tpu.vector_store %arg13[%swap3A_19], %swap3A_22 {strides = array<i32>} : memref<82176xf32, #tpu.memory_space<vmem>>, vector<16xf32>,
    %swap3A_23 = arith.constant 82000 : index
    %swap3A_24 = tpu.vector_load %arg13[%swap3A_23] {strides = array<i32>} : memref<82176xf32, #tpu.memory_space<vmem>>, vector<16xf32>,
    %swap3A_25 = vector.shape_cast %swap3A_24 : vector<16xf32> to vector<16xf32>
    %swap3A_26 = vector.shape_cast %broadcast_in_dim3A_3 : vector<16xf32> to vector<16xf32>
    tpu.vector_store %arg13[%swap3A_23], %swap3A_26 {strides = array<i32>} : memref<82176xf32, #tpu.memory_space<vmem>>, vector<16xf32>,
    %swap3A_27 = arith.constant 82016 : index
    %swap3A_28 = tpu.vector_load %arg13[%swap3A_27] {strides = array<i32>} : memref<82176xf32, #tpu.memory_space<vmem>>, vector<16xf32>,
    %swap3A_29 = vector.shape_cast %swap3A_28 : vector<16xf32> to vector<16xf32>
    %swap3A_30 = vector.shape_cast %broadcast_in_dim3A_3 : vector<16xf32> to vector<16xf32>
    tpu.vector_store %arg13[%swap3A_27], %swap3A_30 {strides = array<i32>} : memref<82176xf32, #tpu.memory_space<vmem>>, vector<16xf32>,
    %swap3A_31 = arith.constant 82032 : index
    %swap3A_32 = tpu.vector_load %arg13[%swap3A_31] {strides = array<i32>} : memref<82176xf32, #tpu.memory_space<vmem>>, vector<16xf32>,
    %swap3A_33 = vector.shape_cast %swap3A_32 : vector<16xf32> to vector<16xf32>
    %swap3A_34 = vector.shape_cast %broadcast_in_dim3A_3 : vector<16xf32> to vector<16xf32>
    tpu.vector_store %arg13[%swap3A_31], %swap3A_34 {strides = array<i32>} : memref<82176xf32, #tpu.memory_space<vmem>>, vector<16xf32>,
    %swap3A_35 = arith.constant 82048 : index
    %swap3A_36 = tpu.vector_load %arg13[%swap3A_35] {strides = array<i32>} : memref<82176xf32, #tpu.memory_space<vmem>>, vector<16xf32>,
    %swap3A_37 = vector.shape_cast %swap3A_36 : vector<16xf32> to vector<16xf32>
    %swap3A_38 = vector.shape_cast %broadcast_in_dim3A_3 : vector<16xf32> to vector<16xf32>
    tpu.vector_store %arg13[%swap3A_35], %swap3A_38 {strides = array<i32>} : memref<82176xf32, #tpu.memory_space<vmem>>, vector<16xf32>,
    %swap3A_39 = arith.constant 82064 : index
    %swap3A_40 = tpu.vector_load %arg13[%swap3A_39] {strides = array<i32>} : memref<82176xf32, #tpu.memory_space<vmem>>, vector<16xf32>,
    %swap3A_41 = vector.shape_cast %swap3A_40 : vector<16xf32> to vector<16xf32>
    %swap3A_42 = vector.shape_cast %broadcast_in_dim3A_3 : vector<16xf32> to vector<16xf32>
    tpu.vector_store %arg13[%swap3A_39], %swap3A_42 {strides = array<i32>} : memref<82176xf32, #tpu.memory_space<vmem>>, vector<16xf32>,
    %swap3A_43 = arith.constant 82080 : index
    %swap3A_44 = tpu.vector_load %arg13[%swap3A_43] {strides = array<i32>} : memref<82176xf32, #tpu.memory_space<vmem>>, vector<16xf32>,
    %swap3A_45 = vector.shape_cast %swap3A_44 : vector<16xf32> to vector<16xf32>
    %swap3A_46 = vector.shape_cast %broadcast_in_dim3A_3 : vector<16xf32> to vector<16xf32>
    tpu.vector_store %arg13[%swap3A_43], %swap3A_46 {strides = array<i32>} : memref<82176xf32, #tpu.memory_space<vmem>>, vector<16xf32>,
    %swap3A_47 = arith.constant 82096 : index
    %swap3A_48 = tpu.vector_load %arg13[%swap3A_47] {strides = array<i32>} : memref<82176xf32, #tpu.memory_space<vmem>>, vector<16xf32>,
    %swap3A_49 = vector.shape_cast %swap3A_48 : vector<16xf32> to vector<16xf32>
    %swap3A_50 = vector.shape_cast %broadcast_in_dim3A_3 : vector<16xf32> to vector<16xf32>
    tpu.vector_store %arg13[%swap3A_47], %swap3A_50 {strides = array<i32>} : memref<82176xf32, #tpu.memory_space<vmem>>, vector<16xf32>,
    %swap3A_51 = arith.constant 82112 : index
    %swap3A_52 = tpu.vector_load %arg13[%swap3A_51] {strides = array<i32>} : memref<82176xf32, #tpu.memory_space<vmem>>, vector<16xf32>,
    %swap3A_53 = vector.shape_cast %swap3A_52 : vector<16xf32> to vector<16xf32>
    %swap3A_54 = vector.shape_cast %broadcast_in_dim3A_3 : vector<16xf32> to vector<16xf32>
    tpu.vector_store %arg13[%swap3A_51], %swap3A_54 {strides = array<i32>} : memref<82176xf32, #tpu.memory_space<vmem>>, vector<16xf32>,
    %swap3A_55 = arith.constant 82128 : index
    %swap3A_56 = tpu.vector_load %arg13[%swap3A_55] {strides = array<i32>} : memref<82176xf32, #tpu.memory_space<vmem>>, vector<16xf32>,
    %swap3A_57 = vector.shape_cast %swap3A_56 : vector<16xf32> to vector<16xf32>
    %swap3A_58 = vector.shape_cast %broadcast_in_dim3A_3 : vector<16xf32> to vector<16xf32>
    tpu.vector_store %arg13[%swap3A_55], %swap3A_58 {strides = array<i32>} : memref<82176xf32, #tpu.memory_space<vmem>>, vector<16xf32>,
    %swap3A_59 = arith.constant 82144 : index
    %swap3A_60 = tpu.vector_load %arg13[%swap3A_59] {strides = array<i32>} : memref<82176xf32, #tpu.memory_space<vmem>>, vector<16xf32>,
    %swap3A_61 = vector.shape_cast %swap3A_60 : vector<16xf32> to vector<16xf32>
    %swap3A_62 = vector.shape_cast %broadcast_in_dim3A_3 : vector<16xf32> to vector<16xf32>
    tpu.vector_store %arg13[%swap3A_59], %swap3A_62 {strides = array<i32>} : memref<82176xf32, #tpu.memory_space<vmem>>, vector<16xf32>,
    %swap3A_63 = arith.constant 82160 : index
    %swap3A_64 = tpu.vector_load %arg13[%swap3A_63] {strides = array<i32>} : memref<82176xf32, #tpu.memory_space<vmem>>, vector<16xf32>,
    %swap3A_65 = vector.shape_cast %swap3A_64 : vector<16xf32> to vector<16xf32>
    %swap3A_66 = vector.shape_cast %broadcast_in_dim3A_3 : vector<16xf32> to vector<16xf32>
    tpu.vector_store %arg13[%swap3A_63], %swap3A_66 {strides = array<i32>} : memref<82176xf32, #tpu.memory_space<vmem>>, vector<16xf32>,
    %scan3A = arith.constant 0 : i32
    %scan3A_67 = arith.constant 64 : i32
    %scan3A_68 = arith.addi %scan3A, %scan3A_67 : i32
    %scan3A_69 = arith.constant 1 : i32
    scf.for %scan3A_71 = %scan3A to %scan3A_68 step %scan3A_69  : i32 {
      %mul3A_72 = arith.constant 1 : i32
      %mul3A_73 = arith.muli %scan3A_71, %mul3A_72 : i32
      %add3A_74 = arith.constant 0 : i32
      %add3A_75 = arith.addi %add3A_74, %mul3A_73 : i32
      %mul3A_76 = arith.constant 512 : i32
      %mul3A_77 = arith.muli %add3A, %mul3A_76 : i32
      %mul3A_78 = arith.constant 8 : i32
      %mul3A_79 = arith.muli %add3A_75, %mul3A_78 : i32
      %add3A_80 = arith.addi %mul3A_77, %mul3A_79 : i32
      %mul3A_81 = arith.constant 8 : i32
      %mul3A_82 = arith.muli %add3A_80, %mul3A_81 : i32
      "tpu.region"() ({
        %run_scoped3A = tpu.sem_alloc : memref<!tpu.dma_semaphore, #tpu.memory_space<semaphore_mem>>
        %dma_start3A_877 = tpu.memref_slice %arg2[%mul3A_82] : memref<131072xi32, #tpu.memory_space<hbm>> -> memref<64xi32, #tpu.memory_space<hbm>>
        %dma_start3A_878 = tpu.memref_slice %arg2[%mul3A_82] : memref<131072xi32, #tpu.memory_space<hbm>> -> memref<64xi32, #tpu.memory_space<hbm>>
        tpu.enqueue_dma source(%dma_start3A_878 : memref<64xi32, #tpu.memory_space<hbm>>) target(%arg8 : memref<64xi32, #tpu.memory_space<vmem>>) target_semaphore(%run_scoped3A : memref<!tpu.dma_semaphore, #tpu.memory_space<semaphore_mem>>)
        %dma_wait3A = tpu.memref_slice %arg2[%mul3A_82] : memref<131072xi32, #tpu.memory_space<hbm>> -> memref<64xi32, #tpu.memory_space<hbm>>
        %dma_wait3A_879 = tpu.memref_slice %arg2[%mul3A_82] : memref<131072xi32, #tpu.memory_space<hbm>> -> memref<64xi32, #tpu.memory_space<hbm>>
        tpu.wait_dma2 semaphore(%run_scoped3A : memref<!tpu.dma_semaphore, #tpu.memory_space<semaphore_mem>>) src(%dma_wait3A_879 : memref<64xi32, #tpu.memory_space<hbm>>) dst(%arg8 : memref<64xi32, #tpu.memory_space<vmem>>)
        tpu.yield
      }) : () -> ()
      "tpu.region"() ({
        %run_scoped3A = tpu.sem_alloc : memref<!tpu.dma_semaphore, #tpu.memory_space<semaphore_mem>>
        %dma_start3A_877 = tpu.memref_slice %arg3[%mul3A_82] : memref<131072xi32, #tpu.memory_space<hbm>> -> memref<64xi32, #tpu.memory_space<hbm>>
        %dma_start3A_878 = tpu.memref_slice %arg3[%mul3A_82] : memref<131072xi32, #tpu.memory_space<hbm>> -> memref<64xi32, #tpu.memory_space<hbm>>
        tpu.enqueue_dma source(%dma_start3A_878 : memref<64xi32, #tpu.memory_space<hbm>>) target(%arg9 : memref<64xi32, #tpu.memory_space<vmem>>) target_semaphore(%run_scoped3A : memref<!tpu.dma_semaphore, #tpu.memory_space<semaphore_mem>>)
        %dma_wait3A = tpu.memref_slice %arg3[%mul3A_82] : memref<131072xi32, #tpu.memory_space<hbm>> -> memref<64xi32, #tpu.memory_space<hbm>>
        %dma_wait3A_879 = tpu.memref_slice %arg3[%mul3A_82] : memref<131072xi32, #tpu.memory_space<hbm>> -> memref<64xi32, #tpu.memory_space<hbm>>
        tpu.wait_dma2 semaphore(%run_scoped3A : memref<!tpu.dma_semaphore, #tpu.memory_space<semaphore_mem>>) src(%dma_wait3A_879 : memref<64xi32, #tpu.memory_space<hbm>>) dst(%arg9 : memref<64xi32, #tpu.memory_space<vmem>>)
        tpu.yield
      }) : () -> ()
      "tpu.region"() ({
        %run_scoped3A = tpu.sem_alloc : memref<!tpu.dma_semaphore, #tpu.memory_space<semaphore_mem>>
        %dma_start3A_877 = tpu.memref_slice %arg4[%mul3A_82] : memref<131072xi32, #tpu.memory_space<hbm>> -> memref<64xi32, #tpu.memory_space<hbm>>
        %dma_start3A_878 = tpu.memref_slice %arg4[%mul3A_82] : memref<131072xi32, #tpu.memory_space<hbm>> -> memref<64xi32, #tpu.memory_space<hbm>>
        tpu.enqueue_dma source(%dma_start3A_878 : memref<64xi32, #tpu.memory_space<hbm>>) target(%arg10 : memref<64xi32, #tpu.memory_space<vmem>>) target_semaphore(%run_scoped3A : memref<!tpu.dma_semaphore, #tpu.memory_space<semaphore_mem>>)
        %dma_wait3A = tpu.memref_slice %arg4[%mul3A_82] : memref<131072xi32, #tpu.memory_space<hbm>> -> memref<64xi32, #tpu.memory_space<hbm>>
        %dma_wait3A_879 = tpu.memref_slice %arg4[%mul3A_82] : memref<131072xi32, #tpu.memory_space<hbm>> -> memref<64xi32, #tpu.memory_space<hbm>>
        tpu.wait_dma2 semaphore(%run_scoped3A : memref<!tpu.dma_semaphore, #tpu.memory_space<semaphore_mem>>) src(%dma_wait3A_879 : memref<64xi32, #tpu.memory_space<hbm>>) dst(%arg10 : memref<64xi32, #tpu.memory_space<vmem>>)
        tpu.yield
      }) : () -> ()
      %get3A = arith.constant 0 : index
      %get3A_83 = tpu.vector_load %arg8[%get3A] {strides = array<i32>} : memref<64xi32, #tpu.memory_space<vmem>>, vector<16xi32>,
      %get3A_84 = vector.shape_cast %get3A_83 : vector<16xi32> to vector<16xi32>
      %get3A_85 = arith.constant 0 : index
      %get3A_86 = tpu.vector_load %arg9[%get3A_85] {strides = array<i32>} : memref<64xi32, #tpu.memory_space<vmem>>, vector<16xi32>,
      %get3A_87 = vector.shape_cast %get3A_86 : vector<16xi32> to vector<16xi32>
      %get3A_88 = arith.constant 0 : index
      %get3A_89 = tpu.vector_load %arg10[%get3A_88] {strides = array<i32>} : memref<64xi32, #tpu.memory_space<vmem>>, vector<16xi32>,
      %get3A_90 = vector.shape_cast %get3A_89 : vector<16xi32> to vector<16xi32>
      %lt3A = arith.cmpi slt, %rem3A_2, %get3A_90 : vector<16xi32>
      %eq3A = arith.constant 1 : i32
      %eq3A_91 = vector.broadcast %eq3A : i32 to vector<16xi32>
      %eq3A_92 = arith.cmpi eq, %get3A_87, %eq3A_91 : vector<16xi32>
      %and3A = arith.andi %lt3A, %eq3A_92 : vector<16xi1>
      %eq3A_93 = arith.constant 2 : i32
      %eq3A_94 = vector.broadcast %eq3A_93 : i32 to vector<16xi32>
      %eq3A_95 = arith.cmpi eq, %get3A_87, %eq3A_94 : vector<16xi32>
      %and3A_96 = arith.andi %lt3A, %eq3A_95 : vector<16xi1>
      %add3A_97 = arith.constant 0 : i32
      %add3A_98 = vector.broadcast %add3A_97 : i32 to vector<16xi32>
      %add3A_99 = arith.addi %iota3A, %add3A_98 : vector<16xi32>
      %jit3A = arith.constant 0 : i32
      %broadcast_in_dim3A_100 = vector.broadcast %jit3A : i32 to vector<16xi32>
      %select_n3A = arith.select %and3A, %get3A_84, %broadcast_in_dim3A_100 : vector<16xi1>, vector<16xi32>
      %min3A = arith.constant 255 : i32
      %min3A_101 = vector.broadcast %min3A : i32 to vector<16xi32>
      %min3A_102 = arith.minsi %get3A_84, %min3A_101 : vector<16xi32>
      %add3A_103 = arith.constant 64 : i32
      %add3A_104 = vector.broadcast %add3A_103 : i32 to vector<16xi32>
      %add3A_105 = arith.addi %add3A_104, %min3A_102 : vector<16xi32>
      %jit3A_106 = arith.constant 320 : i32
      %broadcast_in_dim3A_107 = vector.broadcast %jit3A_106 : i32 to vector<16xi32>
      %select_n3A_108 = arith.select %and3A_96, %add3A_105, %broadcast_in_dim3A_107 : vector<16xi1>, vector<16xi32>
      %select_n3A_109 = arith.select %and3A, %add3A_99, %select_n3A_108 : vector<16xi1>, vector<16xi32>
      %swap3A_110 = arith.constant 0 : index
      %swap3A_111 = tpu.vector_load %arg12[%swap3A_110] {strides = array<i32>} : memref<64xi32, #tpu.memory_space<vmem>>, vector<16xi32>,
      %swap3A_112 = vector.shape_cast %swap3A_111 : vector<16xi32> to vector<16xi32>
      %swap3A_113 = vector.shape_cast %select_n3A_109 : vector<16xi32> to vector<16xi32>
      tpu.vector_store %arg12[%swap3A_110], %swap3A_113 {strides = array<i32>} : memref<64xi32, #tpu.memory_space<vmem>>, vector<16xi32>,
      %slice3A = vector.extract_strided_slice %select_n3A {offsets = [0], sizes = [1], strides = [1]} : vector<16xi32> to vector<1xi32>
      %squeeze3A = vector.extract %slice3A[0] : i32 from vector<1xi32>
      %mul3A_114 = arith.constant 256 : i32
      %mul3A_115 = arith.muli %squeeze3A, %mul3A_114 : i32
      %dma_start3A = arith.constant 0 : i32
      %dma_start3A_116 = tpu.memref_slice %arg13[%dma_start3A] : memref<82176xf32, #tpu.memory_space<vmem>> -> memref<256xf32, #tpu.memory_space<vmem>>
      %dma_start3A_117 = tpu.memref_slice %arg5[%mul3A_115] : memref<25600000xf32, #tpu.memory_space<hbm>> -> memref<256xf32, #tpu.memory_space<hbm>>
      %dma_start3A_118 = arith.constant 0 : i32
      %dma_start3A_119 = tpu.memref_slice %arg13[%dma_start3A_118] : memref<82176xf32, #tpu.memory_space<vmem>> -> memref<256xf32, #tpu.memory_space<vmem>>
      %dma_start3A_120 = tpu.memref_slice %arg5[%mul3A_115] : memref<25600000xf32, #tpu.memory_space<hbm>> -> memref<256xf32, #tpu.memory_space<hbm>>
      tpu.enqueue_dma source(%dma_start3A_120 : memref<256xf32, #tpu.memory_space<hbm>>) target(%dma_start3A_119 : memref<256xf32, #tpu.memory_space<vmem>>) target_semaphore(%arg15 : memref<!tpu.dma_semaphore, #tpu.memory_space<semaphore_mem>>)
      %slice3A_121 = vector.extract_strided_slice %select_n3A {offsets = [1], sizes = [1], strides = [1]} : vector<16xi32> to vector<1xi32>
      %squeeze3A_122 = vector.extract %slice3A_121[0] : i32 from vector<1xi32>
      %mul3A_123 = arith.constant 256 : i32
      %mul3A_124 = arith.muli %squeeze3A_122, %mul3A_123 : i32
      %dma_start3A_125 = arith.constant 256 : i32
      %dma_start3A_126 = tpu.memref_slice %arg13[%dma_start3A_125] : memref<82176xf32, #tpu.memory_space<vmem>> -> memref<256xf32, #tpu.memory_space<vmem>>
      %dma_start3A_127 = tpu.memref_slice %arg5[%mul3A_124] : memref<25600000xf32, #tpu.memory_space<hbm>> -> memref<256xf32, #tpu.memory_space<hbm>>
      %dma_start3A_128 = arith.constant 256 : i32
      %dma_start3A_129 = tpu.memref_slice %arg13[%dma_start3A_128] : memref<82176xf32, #tpu.memory_space<vmem>> -> memref<256xf32, #tpu.memory_space<vmem>>
      %dma_start3A_130 = tpu.memref_slice %arg5[%mul3A_124] : memref<25600000xf32, #tpu.memory_space<hbm>> -> memref<256xf32, #tpu.memory_space<hbm>>
      tpu.enqueue_dma source(%dma_start3A_130 : memref<256xf32, #tpu.memory_space<hbm>>) target(%dma_start3A_129 : memref<256xf32, #tpu.memory_space<vmem>>) target_semaphore(%arg15 : memref<!tpu.dma_semaphore, #tpu.memory_space<semaphore_mem>>)
      %slice3A_131 = vector.extract_strided_slice %select_n3A {offsets = [2], sizes = [1], strides = [1]} : vector<16xi32> to vector<1xi32>
      %squeeze3A_132 = vector.extract %slice3A_131[0] : i32 from vector<1xi32>
      %mul3A_133 = arith.constant 256 : i32
      %mul3A_134 = arith.muli %squeeze3A_132, %mul3A_133 : i32
      %dma_start3A_135 = arith.constant 512 : i32
      %dma_start3A_136 = tpu.memref_slice %arg13[%dma_start3A_135] : memref<82176xf32, #tpu.memory_space<vmem>> -> memref<256xf32, #tpu.memory_space<vmem>>
      %dma_start3A_137 = tpu.memref_slice %arg5[%mul3A_134] : memref<25600000xf32, #tpu.memory_space<hbm>> -> memref<256xf32, #tpu.memory_space<hbm>>
      %dma_start3A_138 = arith.constant 512 : i32
      %dma_start3A_139 = tpu.memref_slice %arg13[%dma_start3A_138] : memref<82176xf32, #tpu.memory_space<vmem>> -> memref<256xf32, #tpu.memory_space<vmem>>
      %dma_start3A_140 = tpu.memref_slice %arg5[%mul3A_134] : memref<25600000xf32, #tpu.memory_space<hbm>> -> memref<256xf32, #tpu.memory_space<hbm>>
      tpu.enqueue_dma source(%dma_start3A_140 : memref<256xf32, #tpu.memory_space<hbm>>) target(%dma_start3A_139 : memref<256xf32, #tpu.memory_space<vmem>>) target_semaphore(%arg15 : memref<!tpu.dma_semaphore, #tpu.memory_space<semaphore_mem>>)
      %slice3A_141 = vector.extract_strided_slice %select_n3A {offsets = [3], sizes = [1], strides = [1]} : vector<16xi32> to vector<1xi32>
      %squeeze3A_142 = vector.extract %slice3A_141[0] : i32 from vector<1xi32>
      %mul3A_143 = arith.constant 256 : i32
      %mul3A_144 = arith.muli %squeeze3A_142, %mul3A_143 : i32
      %dma_start3A_145 = arith.constant 768 : i32
      %dma_start3A_146 = tpu.memref_slice %arg13[%dma_start3A_145] : memref<82176xf32, #tpu.memory_space<vmem>> -> memref<256xf32, #tpu.memory_space<vmem>>
      %dma_start3A_147 = tpu.memref_slice %arg5[%mul3A_144] : memref<25600000xf32, #tpu.memory_space<hbm>> -> memref<256xf32, #tpu.memory_space<hbm>>
      %dma_start3A_148 = arith.constant 768 : i32
      %dma_start3A_149 = tpu.memref_slice %arg13[%dma_start3A_148] : memref<82176xf32, #tpu.memory_space<vmem>> -> memref<256xf32, #tpu.memory_space<vmem>>
      %dma_start3A_150 = tpu.memref_slice %arg5[%mul3A_144] : memref<25600000xf32, #tpu.memory_space<hbm>> -> memref<256xf32, #tpu.memory_space<hbm>>
      tpu.enqueue_dma source(%dma_start3A_150 : memref<256xf32, #tpu.memory_space<hbm>>) target(%dma_start3A_149 : memref<256xf32, #tpu.memory_space<vmem>>) target_semaphore(%arg15 : memref<!tpu.dma_semaphore, #tpu.memory_space<semaphore_mem>>)
      %slice3A_151 = vector.extract_strided_slice %select_n3A {offsets = [4], sizes = [1], strides = [1]} : vector<16xi32> to vector<1xi32>
      %squeeze3A_152 = vector.extract %slice3A_151[0] : i32 from vector<1xi32>
      %mul3A_153 = arith.constant 256 : i32
      %mul3A_154 = arith.muli %squeeze3A_152, %mul3A_153 : i32
      %dma_start3A_155 = arith.constant 1024 : i32
      %dma_start3A_156 = tpu.memref_slice %arg13[%dma_start3A_155] : memref<82176xf32, #tpu.memory_space<vmem>> -> memref<256xf32, #tpu.memory_space<vmem>>
      %dma_start3A_157 = tpu.memref_slice %arg5[%mul3A_154] : memref<25600000xf32, #tpu.memory_space<hbm>> -> memref<256xf32, #tpu.memory_space<hbm>>
      %dma_start3A_158 = arith.constant 1024 : i32
      %dma_start3A_159 = tpu.memref_slice %arg13[%dma_start3A_158] : memref<82176xf32, #tpu.memory_space<vmem>> -> memref<256xf32, #tpu.memory_space<vmem>>
      %dma_start3A_160 = tpu.memref_slice %arg5[%mul3A_154] : memref<25600000xf32, #tpu.memory_space<hbm>> -> memref<256xf32, #tpu.memory_space<hbm>>
      tpu.enqueue_dma source(%dma_start3A_160 : memref<256xf32, #tpu.memory_space<hbm>>) target(%dma_start3A_159 : memref<256xf32, #tpu.memory_space<vmem>>) target_semaphore(%arg15 : memref<!tpu.dma_semaphore, #tpu.memory_space<semaphore_mem>>)
      %slice3A_161 = vector.extract_strided_slice %select_n3A {offsets = [5], sizes = [1], strides = [1]} : vector<16xi32> to vector<1xi32>
      %squeeze3A_162 = vector.extract %slice3A_161[0] : i32 from vector<1xi32>
      %mul3A_163 = arith.constant 256 : i32
      %mul3A_164 = arith.muli %squeeze3A_162, %mul3A_163 : i32
      %dma_start3A_165 = arith.constant 1280 : i32
      %dma_start3A_166 = tpu.memref_slice %arg13[%dma_start3A_165] : memref<82176xf32, #tpu.memory_space<vmem>> -> memref<256xf32, #tpu.memory_space<vmem>>
      %dma_start3A_167 = tpu.memref_slice %arg5[%mul3A_164] : memref<25600000xf32, #tpu.memory_space<hbm>> -> memref<256xf32, #tpu.memory_space<hbm>>
      %dma_start3A_168 = arith.constant 1280 : i32
      %dma_start3A_169 = tpu.memref_slice %arg13[%dma_start3A_168] : memref<82176xf32, #tpu.memory_space<vmem>> -> memref<256xf32, #tpu.memory_space<vmem>>
      %dma_start3A_170 = tpu.memref_slice %arg5[%mul3A_164] : memref<25600000xf32, #tpu.memory_space<hbm>> -> memref<256xf32, #tpu.memory_space<hbm>>
      tpu.enqueue_dma source(%dma_start3A_170 : memref<256xf32, #tpu.memory_space<hbm>>) target(%dma_start3A_169 : memref<256xf32, #tpu.memory_space<vmem>>) target_semaphore(%arg15 : memref<!tpu.dma_semaphore, #tpu.memory_space<semaphore_mem>>)
      %slice3A_171 = vector.extract_strided_slice %select_n3A {offsets = [6], sizes = [1], strides = [1]} : vector<16xi32> to vector<1xi32>
      %squeeze3A_172 = vector.extract %slice3A_171[0] : i32 from vector<1xi32>
      %mul3A_173 = arith.constant 256 : i32
      %mul3A_174 = arith.muli %squeeze3A_172, %mul3A_173 : i32
      %dma_start3A_175 = arith.constant 1536 : i32
      %dma_start3A_176 = tpu.memref_slice %arg13[%dma_start3A_175] : memref<82176xf32, #tpu.memory_space<vmem>> -> memref<256xf32, #tpu.memory_space<vmem>>
      %dma_start3A_177 = tpu.memref_slice %arg5[%mul3A_174] : memref<25600000xf32, #tpu.memory_space<hbm>> -> memref<256xf32, #tpu.memory_space<hbm>>
      %dma_start3A_178 = arith.constant 1536 : i32
      %dma_start3A_179 = tpu.memref_slice %arg13[%dma_start3A_178] : memref<82176xf32, #tpu.memory_space<vmem>> -> memref<256xf32, #tpu.memory_space<vmem>>
      %dma_start3A_180 = tpu.memref_slice %arg5[%mul3A_174] : memref<25600000xf32, #tpu.memory_space<hbm>> -> memref<256xf32, #tpu.memory_space<hbm>>
      tpu.enqueue_dma source(%dma_start3A_180 : memref<256xf32, #tpu.memory_space<hbm>>) target(%dma_start3A_179 : memref<256xf32, #tpu.memory_space<vmem>>) target_semaphore(%arg15 : memref<!tpu.dma_semaphore, #tpu.memory_space<semaphore_mem>>)
      %slice3A_181 = vector.extract_strided_slice %select_n3A {offsets = [7], sizes = [1], strides = [1]} : vector<16xi32> to vector<1xi32>
      %squeeze3A_182 = vector.extract %slice3A_181[0] : i32 from vector<1xi32>
      %mul3A_183 = arith.constant 256 : i32
      %mul3A_184 = arith.muli %squeeze3A_182, %mul3A_183 : i32
      %dma_start3A_185 = arith.constant 1792 : i32
      %dma_start3A_186 = tpu.memref_slice %arg13[%dma_start3A_185] : memref<82176xf32, #tpu.memory_space<vmem>> -> memref<256xf32, #tpu.memory_space<vmem>>
      %dma_start3A_187 = tpu.memref_slice %arg5[%mul3A_184] : memref<25600000xf32, #tpu.memory_space<hbm>> -> memref<256xf32, #tpu.memory_space<hbm>>
      %dma_start3A_188 = arith.constant 1792 : i32
      %dma_start3A_189 = tpu.memref_slice %arg13[%dma_start3A_188] : memref<82176xf32, #tpu.memory_space<vmem>> -> memref<256xf32, #tpu.memory_space<vmem>>
      %dma_start3A_190 = tpu.memref_slice %arg5[%mul3A_184] : memref<25600000xf32, #tpu.memory_space<hbm>> -> memref<256xf32, #tpu.memory_space<hbm>>
      tpu.enqueue_dma source(%dma_start3A_190 : memref<256xf32, #tpu.memory_space<hbm>>) target(%dma_start3A_189 : memref<256xf32, #tpu.memory_space<vmem>>) target_semaphore(%arg15 : memref<!tpu.dma_semaphore, #tpu.memory_space<semaphore_mem>>)
      %slice3A_191 = vector.extract_strided_slice %select_n3A {offsets = [8], sizes = [1], strides = [1]} : vector<16xi32> to vector<1xi32>
      %squeeze3A_192 = vector.extract %slice3A_191[0] : i32 from vector<1xi32>
      %mul3A_193 = arith.constant 256 : i32
      %mul3A_194 = arith.muli %squeeze3A_192, %mul3A_193 : i32
      %dma_start3A_195 = arith.constant 2048 : i32
      %dma_start3A_196 = tpu.memref_slice %arg13[%dma_start3A_195] : memref<82176xf32, #tpu.memory_space<vmem>> -> memref<256xf32, #tpu.memory_space<vmem>>
      %dma_start3A_197 = tpu.memref_slice %arg5[%mul3A_194] : memref<25600000xf32, #tpu.memory_space<hbm>> -> memref<256xf32, #tpu.memory_space<hbm>>
      %dma_start3A_198 = arith.constant 2048 : i32
      %dma_start3A_199 = tpu.memref_slice %arg13[%dma_start3A_198] : memref<82176xf32, #tpu.memory_space<vmem>> -> memref<256xf32, #tpu.memory_space<vmem>>
      %dma_start3A_200 = tpu.memref_slice %arg5[%mul3A_194] : memref<25600000xf32, #tpu.memory_space<hbm>> -> memref<256xf32, #tpu.memory_space<hbm>>
      tpu.enqueue_dma source(%dma_start3A_200 : memref<256xf32, #tpu.memory_space<hbm>>) target(%dma_start3A_199 : memref<256xf32, #tpu.memory_space<vmem>>) target_semaphore(%arg15 : memref<!tpu.dma_semaphore, #tpu.memory_space<semaphore_mem>>)
      %slice3A_201 = vector.extract_strided_slice %select_n3A {offsets = [9], sizes = [1], strides = [1]} : vector<16xi32> to vector<1xi32>
      %squeeze3A_202 = vector.extract %slice3A_201[0] : i32 from vector<1xi32>
      %mul3A_203 = arith.constant 256 : i32
      %mul3A_204 = arith.muli %squeeze3A_202, %mul3A_203 : i32
      %dma_start3A_205 = arith.constant 2304 : i32
      %dma_start3A_206 = tpu.memref_slice %arg13[%dma_start3A_205] : memref<82176xf32, #tpu.memory_space<vmem>> -> memref<256xf32, #tpu.memory_space<vmem>>
      %dma_start3A_207 = tpu.memref_slice %arg5[%mul3A_204] : memref<25600000xf32, #tpu.memory_space<hbm>> -> memref<256xf32, #tpu.memory_space<hbm>>
      %dma_start3A_208 = arith.constant 2304 : i32
      %dma_start3A_209 = tpu.memref_slice %arg13[%dma_start3A_208] : memref<82176xf32, #tpu.memory_space<vmem>> -> memref<256xf32, #tpu.memory_space<vmem>>
      %dma_start3A_210 = tpu.memref_slice %arg5[%mul3A_204] : memref<25600000xf32, #tpu.memory_space<hbm>> -> memref<256xf32, #tpu.memory_space<hbm>>
      tpu.enqueue_dma source(%dma_start3A_210 : memref<256xf32, #tpu.memory_space<hbm>>) target(%dma_start3A_209 : memref<256xf32, #tpu.memory_space<vmem>>) target_semaphore(%arg15 : memref<!tpu.dma_semaphore, #tpu.memory_space<semaphore_mem>>)
      %slice3A_211 = vector.extract_strided_slice %select_n3A {offsets = [10], sizes = [1], strides = [1]} : vector<16xi32> to vector<1xi32>
      %squeeze3A_212 = vector.extract %slice3A_211[0] : i32 from vector<1xi32>
      %mul3A_213 = arith.constant 256 : i32
      %mul3A_214 = arith.muli %squeeze3A_212, %mul3A_213 : i32
      %dma_start3A_215 = arith.constant 2560 : i32
      %dma_start3A_216 = tpu.memref_slice %arg13[%dma_start3A_215] : memref<82176xf32, #tpu.memory_space<vmem>> -> memref<256xf32, #tpu.memory_space<vmem>>
      %dma_start3A_217 = tpu.memref_slice %arg5[%mul3A_214] : memref<25600000xf32, #tpu.memory_space<hbm>> -> memref<256xf32, #tpu.memory_space<hbm>>
      %dma_start3A_218 = arith.constant 2560 : i32
      %dma_start3A_219 = tpu.memref_slice %arg13[%dma_start3A_218] : memref<82176xf32, #tpu.memory_space<vmem>> -> memref<256xf32, #tpu.memory_space<vmem>>
      %dma_start3A_220 = tpu.memref_slice %arg5[%mul3A_214] : memref<25600000xf32, #tpu.memory_space<hbm>> -> memref<256xf32, #tpu.memory_space<hbm>>
      tpu.enqueue_dma source(%dma_start3A_220 : memref<256xf32, #tpu.memory_space<hbm>>) target(%dma_start3A_219 : memref<256xf32, #tpu.memory_space<vmem>>) target_semaphore(%arg15 : memref<!tpu.dma_semaphore, #tpu.memory_space<semaphore_mem>>)
      %slice3A_221 = vector.extract_strided_slice %select_n3A {offsets = [11], sizes = [1], strides = [1]} : vector<16xi32> to vector<1xi32>
      %squeeze3A_222 = vector.extract %slice3A_221[0] : i32 from vector<1xi32>
      %mul3A_223 = arith.constant 256 : i32
      %mul3A_224 = arith.muli %squeeze3A_222, %mul3A_223 : i32
      %dma_start3A_225 = arith.constant 2816 : i32
      %dma_start3A_226 = tpu.memref_slice %arg13[%dma_start3A_225] : memref<82176xf32, #tpu.memory_space<vmem>> -> memref<256xf32, #tpu.memory_space<vmem>>
      %dma_start3A_227 = tpu.memref_slice %arg5[%mul3A_224] : memref<25600000xf32, #tpu.memory_space<hbm>> -> memref<256xf32, #tpu.memory_space<hbm>>
      %dma_start3A_228 = arith.constant 2816 : i32
      %dma_start3A_229 = tpu.memref_slice %arg13[%dma_start3A_228] : memref<82176xf32, #tpu.memory_space<vmem>> -> memref<256xf32, #tpu.memory_space<vmem>>
      %dma_start3A_230 = tpu.memref_slice %arg5[%mul3A_224] : memref<25600000xf32, #tpu.memory_space<hbm>> -> memref<256xf32, #tpu.memory_space<hbm>>
      tpu.enqueue_dma source(%dma_start3A_230 : memref<256xf32, #tpu.memory_space<hbm>>) target(%dma_start3A_229 : memref<256xf32, #tpu.memory_space<vmem>>) target_semaphore(%arg15 : memref<!tpu.dma_semaphore, #tpu.memory_space<semaphore_mem>>)
      %slice3A_231 = vector.extract_strided_slice %select_n3A {offsets = [12], sizes = [1], strides = [1]} : vector<16xi32> to vector<1xi32>
      %squeeze3A_232 = vector.extract %slice3A_231[0] : i32 from vector<1xi32>
      %mul3A_233 = arith.constant 256 : i32
      %mul3A_234 = arith.muli %squeeze3A_232, %mul3A_233 : i32
      %dma_start3A_235 = arith.constant 3072 : i32
      %dma_start3A_236 = tpu.memref_slice %arg13[%dma_start3A_235] : memref<82176xf32, #tpu.memory_space<vmem>> -> memref<256xf32, #tpu.memory_space<vmem>>
      %dma_start3A_237 = tpu.memref_slice %arg5[%mul3A_234] : memref<25600000xf32, #tpu.memory_space<hbm>> -> memref<256xf32, #tpu.memory_space<hbm>>
      %dma_start3A_238 = arith.constant 3072 : i32
      %dma_start3A_239 = tpu.memref_slice %arg13[%dma_start3A_238] : memref<82176xf32, #tpu.memory_space<vmem>> -> memref<256xf32, #tpu.memory_space<vmem>>
      %dma_start3A_240 = tpu.memref_slice %arg5[%mul3A_234] : memref<25600000xf32, #tpu.memory_space<hbm>> -> memref<256xf32, #tpu.memory_space<hbm>>
      tpu.enqueue_dma source(%dma_start3A_240 : memref<256xf32, #tpu.memory_space<hbm>>) target(%dma_start3A_239 : memref<256xf32, #tpu.memory_space<vmem>>) target_semaphore(%arg15 : memref<!tpu.dma_semaphore, #tpu.memory_space<semaphore_mem>>)
      %slice3A_241 = vector.extract_strided_slice %select_n3A {offsets = [13], sizes = [1], strides = [1]} : vector<16xi32> to vector<1xi32>
      %squeeze3A_242 = vector.extract %slice3A_241[0] : i32 from vector<1xi32>
      %mul3A_243 = arith.constant 256 : i32
      %mul3A_244 = arith.muli %squeeze3A_242, %mul3A_243 : i32
      %dma_start3A_245 = arith.constant 3328 : i32
      %dma_start3A_246 = tpu.memref_slice %arg13[%dma_start3A_245] : memref<82176xf32, #tpu.memory_space<vmem>> -> memref<256xf32, #tpu.memory_space<vmem>>
      %dma_start3A_247 = tpu.memref_slice %arg5[%mul3A_244] : memref<25600000xf32, #tpu.memory_space<hbm>> -> memref<256xf32, #tpu.memory_space<hbm>>
      %dma_start3A_248 = arith.constant 3328 : i32
      %dma_start3A_249 = tpu.memref_slice %arg13[%dma_start3A_248] : memref<82176xf32, #tpu.memory_space<vmem>> -> memref<256xf32, #tpu.memory_space<vmem>>
      %dma_start3A_250 = tpu.memref_slice %arg5[%mul3A_244] : memref<25600000xf32, #tpu.memory_space<hbm>> -> memref<256xf32, #tpu.memory_space<hbm>>
      tpu.enqueue_dma source(%dma_start3A_250 : memref<256xf32, #tpu.memory_space<hbm>>) target(%dma_start3A_249 : memref<256xf32, #tpu.memory_space<vmem>>) target_semaphore(%arg15 : memref<!tpu.dma_semaphore, #tpu.memory_space<semaphore_mem>>)
      %slice3A_251 = vector.extract_strided_slice %select_n3A {offsets = [14], sizes = [1], strides = [1]} : vector<16xi32> to vector<1xi32>
      %squeeze3A_252 = vector.extract %slice3A_251[0] : i32 from vector<1xi32>
      %mul3A_253 = arith.constant 256 : i32
      %mul3A_254 = arith.muli %squeeze3A_252, %mul3A_253 : i32
      %dma_start3A_255 = arith.constant 3584 : i32
      %dma_start3A_256 = tpu.memref_slice %arg13[%dma_start3A_255] : memref<82176xf32, #tpu.memory_space<vmem>> -> memref<256xf32, #tpu.memory_space<vmem>>
      %dma_start3A_257 = tpu.memref_slice %arg5[%mul3A_254] : memref<25600000xf32, #tpu.memory_space<hbm>> -> memref<256xf32, #tpu.memory_space<hbm>>
      %dma_start3A_258 = arith.constant 3584 : i32
      %dma_start3A_259 = tpu.memref_slice %arg13[%dma_start3A_258] : memref<82176xf32, #tpu.memory_space<vmem>> -> memref<256xf32, #tpu.memory_space<vmem>>
      %dma_start3A_260 = tpu.memref_slice %arg5[%mul3A_254] : memref<25600000xf32, #tpu.memory_space<hbm>> -> memref<256xf32, #tpu.memory_space<hbm>>
      tpu.enqueue_dma source(%dma_start3A_260 : memref<256xf32, #tpu.memory_space<hbm>>) target(%dma_start3A_259 : memref<256xf32, #tpu.memory_space<vmem>>) target_semaphore(%arg15 : memref<!tpu.dma_semaphore, #tpu.memory_space<semaphore_mem>>)
      %slice3A_261 = vector.extract_strided_slice %select_n3A {offsets = [15], sizes = [1], strides = [1]} : vector<16xi32> to vector<1xi32>
      %squeeze3A_262 = vector.extract %slice3A_261[0] : i32 from vector<1xi32>
      %mul3A_263 = arith.constant 256 : i32
      %mul3A_264 = arith.muli %squeeze3A_262, %mul3A_263 : i32
      %dma_start3A_265 = arith.constant 3840 : i32
      %dma_start3A_266 = tpu.memref_slice %arg13[%dma_start3A_265] : memref<82176xf32, #tpu.memory_space<vmem>> -> memref<256xf32, #tpu.memory_space<vmem>>
      %dma_start3A_267 = tpu.memref_slice %arg5[%mul3A_264] : memref<25600000xf32, #tpu.memory_space<hbm>> -> memref<256xf32, #tpu.memory_space<hbm>>
      %dma_start3A_268 = arith.constant 3840 : i32
      %dma_start3A_269 = tpu.memref_slice %arg13[%dma_start3A_268] : memref<82176xf32, #tpu.memory_space<vmem>> -> memref<256xf32, #tpu.memory_space<vmem>>
      %dma_start3A_270 = tpu.memref_slice %arg5[%mul3A_264] : memref<25600000xf32, #tpu.memory_space<hbm>> -> memref<256xf32, #tpu.memory_space<hbm>>
      tpu.enqueue_dma source(%dma_start3A_270 : memref<256xf32, #tpu.memory_space<hbm>>) target(%dma_start3A_269 : memref<256xf32, #tpu.memory_space<vmem>>) target_semaphore(%arg15 : memref<!tpu.dma_semaphore, #tpu.memory_space<semaphore_mem>>)
      %get3A_271 = arith.constant 16 : index
      %get3A_272 = tpu.vector_load %arg8[%get3A_271] {strides = array<i32>} : memref<64xi32, #tpu.memory_space<vmem>>, vector<16xi32>,
      %get3A_273 = vector.shape_cast %get3A_272 : vector<16xi32> to vector<16xi32>
      %get3A_274 = arith.constant 16 : index
      %get3A_275 = tpu.vector_load %arg9[%get3A_274] {strides = array<i32>} : memref<64xi32, #tpu.memory_space<vmem>>, vector<16xi32>,
      %get3A_276 = vector.shape_cast %get3A_275 : vector<16xi32> to vector<16xi32>
      %get3A_277 = arith.constant 16 : index
      %get3A_278 = tpu.vector_load %arg10[%get3A_277] {strides = array<i32>} : memref<64xi32, #tpu.memory_space<vmem>>, vector<16xi32>,
      %get3A_279 = vector.shape_cast %get3A_278 : vector<16xi32> to vector<16xi32>
      %lt3A_280 = arith.cmpi slt, %rem3A_2, %get3A_279 : vector<16xi32>
      %eq3A_281 = arith.constant 1 : i32
      %eq3A_282 = vector.broadcast %eq3A_281 : i32 to vector<16xi32>
      %eq3A_283 = arith.cmpi eq, %get3A_276, %eq3A_282 : vector<16xi32>
      %and3A_284 = arith.andi %lt3A_280, %eq3A_283 : vector<16xi1>
      %eq3A_285 = arith.constant 2 : i32
      %eq3A_286 = vector.broadcast %eq3A_285 : i32 to vector<16xi32>
      %eq3A_287 = arith.cmpi eq, %get3A_276, %eq3A_286 : vector<16xi32>
      %and3A_288 = arith.andi %lt3A_280, %eq3A_287 : vector<16xi1>
      %add3A_289 = arith.constant 16 : i32
      %add3A_290 = vector.broadcast %add3A_289 : i32 to vector<16xi32>
      %add3A_291 = arith.addi %iota3A, %add3A_290 : vector<16xi32>
      %jit3A_292 = arith.constant 0 : i32
      %broadcast_in_dim3A_293 = vector.broadcast %jit3A_292 : i32 to vector<16xi32>
      %select_n3A_294 = arith.select %and3A_284, %get3A_273, %broadcast_in_dim3A_293 : vector<16xi1>, vector<16xi32>
      %min3A_295 = arith.constant 255 : i32
      %min3A_296 = vector.broadcast %min3A_295 : i32 to vector<16xi32>
      %min3A_297 = arith.minsi %get3A_273, %min3A_296 : vector<16xi32>
      %add3A_298 = arith.constant 64 : i32
      %add3A_299 = vector.broadcast %add3A_298 : i32 to vector<16xi32>
      %add3A_300 = arith.addi %add3A_299, %min3A_297 : vector<16xi32>
      %jit3A_301 = arith.constant 320 : i32
      %broadcast_in_dim3A_302 = vector.broadcast %jit3A_301 : i32 to vector<16xi32>
      %select_n3A_303 = arith.select %and3A_288, %add3A_300, %broadcast_in_dim3A_302 : vector<16xi1>, vector<16xi32>
      %select_n3A_304 = arith.select %and3A_284, %add3A_291, %select_n3A_303 : vector<16xi1>, vector<16xi32>
      %swap3A_305 = arith.constant 16 : index
      %swap3A_306 = tpu.vector_load %arg12[%swap3A_305] {strides = array<i32>} : memref<64xi32, #tpu.memory_space<vmem>>, vector<16xi32>,
      %swap3A_307 = vector.shape_cast %swap3A_306 : vector<16xi32> to vector<16xi32>
      %swap3A_308 = vector.shape_cast %select_n3A_304 : vector<16xi32> to vector<16xi32>
      tpu.vector_store %arg12[%swap3A_305], %swap3A_308 {strides = array<i32>} : memref<64xi32, #tpu.memory_space<vmem>>, vector<16xi32>,
      %slice3A_309 = vector.extract_strided_slice %select_n3A_294 {offsets = [0], sizes = [1], strides = [1]} : vector<16xi32> to vector<1xi32>
      %squeeze3A_310 = vector.extract %slice3A_309[0] : i32 from vector<1xi32>
      %mul3A_311 = arith.constant 256 : i32
      %mul3A_312 = arith.muli %squeeze3A_310, %mul3A_311 : i32
      %dma_start3A_313 = arith.constant 4096 : i32
      %dma_start3A_314 = tpu.memref_slice %arg13[%dma_start3A_313] : memref<82176xf32, #tpu.memory_space<vmem>> -> memref<256xf32, #tpu.memory_space<vmem>>
      %dma_start3A_315 = tpu.memref_slice %arg5[%mul3A_312] : memref<25600000xf32, #tpu.memory_space<hbm>> -> memref<256xf32, #tpu.memory_space<hbm>>
      %dma_start3A_316 = arith.constant 4096 : i32
      %dma_start3A_317 = tpu.memref_slice %arg13[%dma_start3A_316] : memref<82176xf32, #tpu.memory_space<vmem>> -> memref<256xf32, #tpu.memory_space<vmem>>
      %dma_start3A_318 = tpu.memref_slice %arg5[%mul3A_312] : memref<25600000xf32, #tpu.memory_space<hbm>> -> memref<256xf32, #tpu.memory_space<hbm>>
      tpu.enqueue_dma source(%dma_start3A_318 : memref<256xf32, #tpu.memory_space<hbm>>) target(%dma_start3A_317 : memref<256xf32, #tpu.memory_space<vmem>>) target_semaphore(%arg15 : memref<!tpu.dma_semaphore, #tpu.memory_space<semaphore_mem>>)
      %slice3A_319 = vector.extract_strided_slice %select_n3A_294 {offsets = [1], sizes = [1], strides = [1]} : vector<16xi32> to vector<1xi32>
      %squeeze3A_320 = vector.extract %slice3A_319[0] : i32 from vector<1xi32>
      %mul3A_321 = arith.constant 256 : i32
      %mul3A_322 = arith.muli %squeeze3A_320, %mul3A_321 : i32
      %dma_start3A_323 = arith.constant 4352 : i32
      %dma_start3A_324 = tpu.memref_slice %arg13[%dma_start3A_323] : memref<82176xf32, #tpu.memory_space<vmem>> -> memref<256xf32, #tpu.memory_space<vmem>>
      %dma_start3A_325 = tpu.memref_slice %arg5[%mul3A_322] : memref<25600000xf32, #tpu.memory_space<hbm>> -> memref<256xf32, #tpu.memory_space<hbm>>
      %dma_start3A_326 = arith.constant 4352 : i32
      %dma_start3A_327 = tpu.memref_slice %arg13[%dma_start3A_326] : memref<82176xf32, #tpu.memory_space<vmem>> -> memref<256xf32, #tpu.memory_space<vmem>>
      %dma_start3A_328 = tpu.memref_slice %arg5[%mul3A_322] : memref<25600000xf32, #tpu.memory_space<hbm>> -> memref<256xf32, #tpu.memory_space<hbm>>
      tpu.enqueue_dma source(%dma_start3A_328 : memref<256xf32, #tpu.memory_space<hbm>>) target(%dma_start3A_327 : memref<256xf32, #tpu.memory_space<vmem>>) target_semaphore(%arg15 : memref<!tpu.dma_semaphore, #tpu.memory_space<semaphore_mem>>)
      %slice3A_329 = vector.extract_strided_slice %select_n3A_294 {offsets = [2], sizes = [1], strides = [1]} : vector<16xi32> to vector<1xi32>
      %squeeze3A_330 = vector.extract %slice3A_329[0] : i32 from vector<1xi32>
      %mul3A_331 = arith.constant 256 : i32
      %mul3A_332 = arith.muli %squeeze3A_330, %mul3A_331 : i32
      %dma_start3A_333 = arith.constant 4608 : i32
      %dma_start3A_334 = tpu.memref_slice %arg13[%dma_start3A_333] : memref<82176xf32, #tpu.memory_space<vmem>> -> memref<256xf32, #tpu.memory_space<vmem>>
      %dma_start3A_335 = tpu.memref_slice %arg5[%mul3A_332] : memref<25600000xf32, #tpu.memory_space<hbm>> -> memref<256xf32, #tpu.memory_space<hbm>>
      %dma_start3A_336 = arith.constant 4608 : i32
      %dma_start3A_337 = tpu.memref_slice %arg13[%dma_start3A_336] : memref<82176xf32, #tpu.memory_space<vmem>> -> memref<256xf32, #tpu.memory_space<vmem>>
      %dma_start3A_338 = tpu.memref_slice %arg5[%mul3A_332] : memref<25600000xf32, #tpu.memory_space<hbm>> -> memref<256xf32, #tpu.memory_space<hbm>>
      tpu.enqueue_dma source(%dma_start3A_338 : memref<256xf32, #tpu.memory_space<hbm>>) target(%dma_start3A_337 : memref<256xf32, #tpu.memory_space<vmem>>) target_semaphore(%arg15 : memref<!tpu.dma_semaphore, #tpu.memory_space<semaphore_mem>>)
      %slice3A_339 = vector.extract_strided_slice %select_n3A_294 {offsets = [3], sizes = [1], strides = [1]} : vector<16xi32> to vector<1xi32>
      %squeeze3A_340 = vector.extract %slice3A_339[0] : i32 from vector<1xi32>
      %mul3A_341 = arith.constant 256 : i32
      %mul3A_342 = arith.muli %squeeze3A_340, %mul3A_341 : i32
      %dma_start3A_343 = arith.constant 4864 : i32
      %dma_start3A_344 = tpu.memref_slice %arg13[%dma_start3A_343] : memref<82176xf32, #tpu.memory_space<vmem>> -> memref<256xf32, #tpu.memory_space<vmem>>
      %dma_start3A_345 = tpu.memref_slice %arg5[%mul3A_342] : memref<25600000xf32, #tpu.memory_space<hbm>> -> memref<256xf32, #tpu.memory_space<hbm>>
      %dma_start3A_346 = arith.constant 4864 : i32
      %dma_start3A_347 = tpu.memref_slice %arg13[%dma_start3A_346] : memref<82176xf32, #tpu.memory_space<vmem>> -> memref<256xf32, #tpu.memory_space<vmem>>
      %dma_start3A_348 = tpu.memref_slice %arg5[%mul3A_342] : memref<25600000xf32, #tpu.memory_space<hbm>> -> memref<256xf32, #tpu.memory_space<hbm>>
      tpu.enqueue_dma source(%dma_start3A_348 : memref<256xf32, #tpu.memory_space<hbm>>) target(%dma_start3A_347 : memref<256xf32, #tpu.memory_space<vmem>>) target_semaphore(%arg15 : memref<!tpu.dma_semaphore, #tpu.memory_space<semaphore_mem>>)
      %slice3A_349 = vector.extract_strided_slice %select_n3A_294 {offsets = [4], sizes = [1], strides = [1]} : vector<16xi32> to vector<1xi32>
      %squeeze3A_350 = vector.extract %slice3A_349[0] : i32 from vector<1xi32>
      %mul3A_351 = arith.constant 256 : i32
      %mul3A_352 = arith.muli %squeeze3A_350, %mul3A_351 : i32
      %dma_start3A_353 = arith.constant 5120 : i32
      %dma_start3A_354 = tpu.memref_slice %arg13[%dma_start3A_353] : memref<82176xf32, #tpu.memory_space<vmem>> -> memref<256xf32, #tpu.memory_space<vmem>>
      %dma_start3A_355 = tpu.memref_slice %arg5[%mul3A_352] : memref<25600000xf32, #tpu.memory_space<hbm>> -> memref<256xf32, #tpu.memory_space<hbm>>
      %dma_start3A_356 = arith.constant 5120 : i32
      %dma_start3A_357 = tpu.memref_slice %arg13[%dma_start3A_356] : memref<82176xf32, #tpu.memory_space<vmem>> -> memref<256xf32, #tpu.memory_space<vmem>>
      %dma_start3A_358 = tpu.memref_slice %arg5[%mul3A_352] : memref<25600000xf32, #tpu.memory_space<hbm>> -> memref<256xf32, #tpu.memory_space<hbm>>
      tpu.enqueue_dma source(%dma_start3A_358 : memref<256xf32, #tpu.memory_space<hbm>>) target(%dma_start3A_357 : memref<256xf32, #tpu.memory_space<vmem>>) target_semaphore(%arg15 : memref<!tpu.dma_semaphore, #tpu.memory_space<semaphore_mem>>)
      %slice3A_359 = vector.extract_strided_slice %select_n3A_294 {offsets = [5], sizes = [1], strides = [1]} : vector<16xi32> to vector<1xi32>
      %squeeze3A_360 = vector.extract %slice3A_359[0] : i32 from vector<1xi32>
      %mul3A_361 = arith.constant 256 : i32
      %mul3A_362 = arith.muli %squeeze3A_360, %mul3A_361 : i32
      %dma_start3A_363 = arith.constant 5376 : i32
      %dma_start3A_364 = tpu.memref_slice %arg13[%dma_start3A_363] : memref<82176xf32, #tpu.memory_space<vmem>> -> memref<256xf32, #tpu.memory_space<vmem>>
      %dma_start3A_365 = tpu.memref_slice %arg5[%mul3A_362] : memref<25600000xf32, #tpu.memory_space<hbm>> -> memref<256xf32, #tpu.memory_space<hbm>>
      %dma_start3A_366 = arith.constant 5376 : i32
      %dma_start3A_367 = tpu.memref_slice %arg13[%dma_start3A_366] : memref<82176xf32, #tpu.memory_space<vmem>> -> memref<256xf32, #tpu.memory_space<vmem>>
      %dma_start3A_368 = tpu.memref_slice %arg5[%mul3A_362] : memref<25600000xf32, #tpu.memory_space<hbm>> -> memref<256xf32, #tpu.memory_space<hbm>>
      tpu.enqueue_dma source(%dma_start3A_368 : memref<256xf32, #tpu.memory_space<hbm>>) target(%dma_start3A_367 : memref<256xf32, #tpu.memory_space<vmem>>) target_semaphore(%arg15 : memref<!tpu.dma_semaphore, #tpu.memory_space<semaphore_mem>>)
      %slice3A_369 = vector.extract_strided_slice %select_n3A_294 {offsets = [6], sizes = [1], strides = [1]} : vector<16xi32> to vector<1xi32>
      %squeeze3A_370 = vector.extract %slice3A_369[0] : i32 from vector<1xi32>
      %mul3A_371 = arith.constant 256 : i32
      %mul3A_372 = arith.muli %squeeze3A_370, %mul3A_371 : i32
      %dma_start3A_373 = arith.constant 5632 : i32
      %dma_start3A_374 = tpu.memref_slice %arg13[%dma_start3A_373] : memref<82176xf32, #tpu.memory_space<vmem>> -> memref<256xf32, #tpu.memory_space<vmem>>
      %dma_start3A_375 = tpu.memref_slice %arg5[%mul3A_372] : memref<25600000xf32, #tpu.memory_space<hbm>> -> memref<256xf32, #tpu.memory_space<hbm>>
      %dma_start3A_376 = arith.constant 5632 : i32
      %dma_start3A_377 = tpu.memref_slice %arg13[%dma_start3A_376] : memref<82176xf32, #tpu.memory_space<vmem>> -> memref<256xf32, #tpu.memory_space<vmem>>
      %dma_start3A_378 = tpu.memref_slice %arg5[%mul3A_372] : memref<25600000xf32, #tpu.memory_space<hbm>> -> memref<256xf32, #tpu.memory_space<hbm>>
      tpu.enqueue_dma source(%dma_start3A_378 : memref<256xf32, #tpu.memory_space<hbm>>) target(%dma_start3A_377 : memref<256xf32, #tpu.memory_space<vmem>>) target_semaphore(%arg15 : memref<!tpu.dma_semaphore, #tpu.memory_space<semaphore_mem>>)
      %slice3A_379 = vector.extract_strided_slice %select_n3A_294 {offsets = [7], sizes = [1], strides = [1]} : vector<16xi32> to vector<1xi32>
      %squeeze3A_380 = vector.extract %slice3A_379[0] : i32 from vector<1xi32>
      %mul3A_381 = arith.constant 256 : i32
      %mul3A_382 = arith.muli %squeeze3A_380, %mul3A_381 : i32
      %dma_start3A_383 = arith.constant 5888 : i32
      %dma_start3A_384 = tpu.memref_slice %arg13[%dma_start3A_383] : memref<82176xf32, #tpu.memory_space<vmem>> -> memref<256xf32, #tpu.memory_space<vmem>>
      %dma_start3A_385 = tpu.memref_slice %arg5[%mul3A_382] : memref<25600000xf32, #tpu.memory_space<hbm>> -> memref<256xf32, #tpu.memory_space<hbm>>
      %dma_start3A_386 = arith.constant 5888 : i32
      %dma_start3A_387 = tpu.memref_slice %arg13[%dma_start3A_386] : memref<82176xf32, #tpu.memory_space<vmem>> -> memref<256xf32, #tpu.memory_space<vmem>>
      %dma_start3A_388 = tpu.memref_slice %arg5[%mul3A_382] : memref<25600000xf32, #tpu.memory_space<hbm>> -> memref<256xf32, #tpu.memory_space<hbm>>
      tpu.enqueue_dma source(%dma_start3A_388 : memref<256xf32, #tpu.memory_space<hbm>>) target(%dma_start3A_387 : memref<256xf32, #tpu.memory_space<vmem>>) target_semaphore(%arg15 : memref<!tpu.dma_semaphore, #tpu.memory_space<semaphore_mem>>)
      %slice3A_389 = vector.extract_strided_slice %select_n3A_294 {offsets = [8], sizes = [1], strides = [1]} : vector<16xi32> to vector<1xi32>
      %squeeze3A_390 = vector.extract %slice3A_389[0] : i32 from vector<1xi32>
      %mul3A_391 = arith.constant 256 : i32
      %mul3A_392 = arith.muli %squeeze3A_390, %mul3A_391 : i32
      %dma_start3A_393 = arith.constant 6144 : i32
      %dma_start3A_394 = tpu.memref_slice %arg13[%dma_start3A_393] : memref<82176xf32, #tpu.memory_space<vmem>> -> memref<256xf32, #tpu.memory_space<vmem>>
      %dma_start3A_395 = tpu.memref_slice %arg5[%mul3A_392] : memref<25600000xf32, #tpu.memory_space<hbm>> -> memref<256xf32, #tpu.memory_space<hbm>>
      %dma_start3A_396 = arith.constant 6144 : i32
      %dma_start3A_397 = tpu.memref_slice %arg13[%dma_start3A_396] : memref<82176xf32, #tpu.memory_space<vmem>> -> memref<256xf32, #tpu.memory_space<vmem>>
      %dma_start3A_398 = tpu.memref_slice %arg5[%mul3A_392] : memref<25600000xf32, #tpu.memory_space<hbm>> -> memref<256xf32, #tpu.memory_space<hbm>>
      tpu.enqueue_dma source(%dma_start3A_398 : memref<256xf32, #tpu.memory_space<hbm>>) target(%dma_start3A_397 : memref<256xf32, #tpu.memory_space<vmem>>) target_semaphore(%arg15 : memref<!tpu.dma_semaphore, #tpu.memory_space<semaphore_mem>>)
      %slice3A_399 = vector.extract_strided_slice %select_n3A_294 {offsets = [9], sizes = [1], strides = [1]} : vector<16xi32> to vector<1xi32>
      %squeeze3A_400 = vector.extract %slice3A_399[0] : i32 from vector<1xi32>
      %mul3A_401 = arith.constant 256 : i32
      %mul3A_402 = arith.muli %squeeze3A_400, %mul3A_401 : i32
      %dma_start3A_403 = arith.constant 6400 : i32
      %dma_start3A_404 = tpu.memref_slice %arg13[%dma_start3A_403] : memref<82176xf32, #tpu.memory_space<vmem>> -> memref<256xf32, #tpu.memory_space<vmem>>
      %dma_start3A_405 = tpu.memref_slice %arg5[%mul3A_402] : memref<25600000xf32, #tpu.memory_space<hbm>> -> memref<256xf32, #tpu.memory_space<hbm>>
      %dma_start3A_406 = arith.constant 6400 : i32
      %dma_start3A_407 = tpu.memref_slice %arg13[%dma_start3A_406] : memref<82176xf32, #tpu.memory_space<vmem>> -> memref<256xf32, #tpu.memory_space<vmem>>
      %dma_start3A_408 = tpu.memref_slice %arg5[%mul3A_402] : memref<25600000xf32, #tpu.memory_space<hbm>> -> memref<256xf32, #tpu.memory_space<hbm>>
      tpu.enqueue_dma source(%dma_start3A_408 : memref<256xf32, #tpu.memory_space<hbm>>) target(%dma_start3A_407 : memref<256xf32, #tpu.memory_space<vmem>>) target_semaphore(%arg15 : memref<!tpu.dma_semaphore, #tpu.memory_space<semaphore_mem>>)
      %slice3A_409 = vector.extract_strided_slice %select_n3A_294 {offsets = [10], sizes = [1], strides = [1]} : vector<16xi32> to vector<1xi32>
      %squeeze3A_410 = vector.extract %slice3A_409[0] : i32 from vector<1xi32>
      %mul3A_411 = arith.constant 256 : i32
      %mul3A_412 = arith.muli %squeeze3A_410, %mul3A_411 : i32
      %dma_start3A_413 = arith.constant 6656 : i32
      %dma_start3A_414 = tpu.memref_slice %arg13[%dma_start3A_413] : memref<82176xf32, #tpu.memory_space<vmem>> -> memref<256xf32, #tpu.memory_space<vmem>>
      %dma_start3A_415 = tpu.memref_slice %arg5[%mul3A_412] : memref<25600000xf32, #tpu.memory_space<hbm>> -> memref<256xf32, #tpu.memory_space<hbm>>
      %dma_start3A_416 = arith.constant 6656 : i32
      %dma_start3A_417 = tpu.memref_slice %arg13[%dma_start3A_416] : memref<82176xf32, #tpu.memory_space<vmem>> -> memref<256xf32, #tpu.memory_space<vmem>>
      %dma_start3A_418 = tpu.memref_slice %arg5[%mul3A_412] : memref<25600000xf32, #tpu.memory_space<hbm>> -> memref<256xf32, #tpu.memory_space<hbm>>
      tpu.enqueue_dma source(%dma_start3A_418 : memref<256xf32, #tpu.memory_space<hbm>>) target(%dma_start3A_417 : memref<256xf32, #tpu.memory_space<vmem>>) target_semaphore(%arg15 : memref<!tpu.dma_semaphore, #tpu.memory_space<semaphore_mem>>)
      %slice3A_419 = vector.extract_strided_slice %select_n3A_294 {offsets = [11], sizes = [1], strides = [1]} : vector<16xi32> to vector<1xi32>
      %squeeze3A_420 = vector.extract %slice3A_419[0] : i32 from vector<1xi32>
      %mul3A_421 = arith.constant 256 : i32
      %mul3A_422 = arith.muli %squeeze3A_420, %mul3A_421 : i32
      %dma_start3A_423 = arith.constant 6912 : i32
      %dma_start3A_424 = tpu.memref_slice %arg13[%dma_start3A_423] : memref<82176xf32, #tpu.memory_space<vmem>> -> memref<256xf32, #tpu.memory_space<vmem>>
      %dma_start3A_425 = tpu.memref_slice %arg5[%mul3A_422] : memref<25600000xf32, #tpu.memory_space<hbm>> -> memref<256xf32, #tpu.memory_space<hbm>>
      %dma_start3A_426 = arith.constant 6912 : i32
      %dma_start3A_427 = tpu.memref_slice %arg13[%dma_start3A_426] : memref<82176xf32, #tpu.memory_space<vmem>> -> memref<256xf32, #tpu.memory_space<vmem>>
      %dma_start3A_428 = tpu.memref_slice %arg5[%mul3A_422] : memref<25600000xf32, #tpu.memory_space<hbm>> -> memref<256xf32, #tpu.memory_space<hbm>>
      tpu.enqueue_dma source(%dma_start3A_428 : memref<256xf32, #tpu.memory_space<hbm>>) target(%dma_start3A_427 : memref<256xf32, #tpu.memory_space<vmem>>) target_semaphore(%arg15 : memref<!tpu.dma_semaphore, #tpu.memory_space<semaphore_mem>>)
      %slice3A_429 = vector.extract_strided_slice %select_n3A_294 {offsets = [12], sizes = [1], strides = [1]} : vector<16xi32> to vector<1xi32>
      %squeeze3A_430 = vector.extract %slice3A_429[0] : i32 from vector<1xi32>
      %mul3A_431 = arith.constant 256 : i32
      %mul3A_432 = arith.muli %squeeze3A_430, %mul3A_431 : i32
      %dma_start3A_433 = arith.constant 7168 : i32
      %dma_start3A_434 = tpu.memref_slice %arg13[%dma_start3A_433] : memref<82176xf32, #tpu.memory_space<vmem>> -> memref<256xf32, #tpu.memory_space<vmem>>
      %dma_start3A_435 = tpu.memref_slice %arg5[%mul3A_432] : memref<25600000xf32, #tpu.memory_space<hbm>> -> memref<256xf32, #tpu.memory_space<hbm>>
      %dma_start3A_436 = arith.constant 7168 : i32
      %dma_start3A_437 = tpu.memref_slice %arg13[%dma_start3A_436] : memref<82176xf32, #tpu.memory_space<vmem>> -> memref<256xf32, #tpu.memory_space<vmem>>
      %dma_start3A_438 = tpu.memref_slice %arg5[%mul3A_432] : memref<25600000xf32, #tpu.memory_space<hbm>> -> memref<256xf32, #tpu.memory_space<hbm>>
      tpu.enqueue_dma source(%dma_start3A_438 : memref<256xf32, #tpu.memory_space<hbm>>) target(%dma_start3A_437 : memref<256xf32, #tpu.memory_space<vmem>>) target_semaphore(%arg15 : memref<!tpu.dma_semaphore, #tpu.memory_space<semaphore_mem>>)
      %slice3A_439 = vector.extract_strided_slice %select_n3A_294 {offsets = [13], sizes = [1], strides = [1]} : vector<16xi32> to vector<1xi32>
      %squeeze3A_440 = vector.extract %slice3A_439[0] : i32 from vector<1xi32>
      %mul3A_441 = arith.constant 256 : i32
      %mul3A_442 = arith.muli %squeeze3A_440, %mul3A_441 : i32
      %dma_start3A_443 = arith.constant 7424 : i32
      %dma_start3A_444 = tpu.memref_slice %arg13[%dma_start3A_443] : memref<82176xf32, #tpu.memory_space<vmem>> -> memref<256xf32, #tpu.memory_space<vmem>>
      %dma_start3A_445 = tpu.memref_slice %arg5[%mul3A_442] : memref<25600000xf32, #tpu.memory_space<hbm>> -> memref<256xf32, #tpu.memory_space<hbm>>
      %dma_start3A_446 = arith.constant 7424 : i32
      %dma_start3A_447 = tpu.memref_slice %arg13[%dma_start3A_446] : memref<82176xf32, #tpu.memory_space<vmem>> -> memref<256xf32, #tpu.memory_space<vmem>>
      %dma_start3A_448 = tpu.memref_slice %arg5[%mul3A_442] : memref<25600000xf32, #tpu.memory_space<hbm>> -> memref<256xf32, #tpu.memory_space<hbm>>
      tpu.enqueue_dma source(%dma_start3A_448 : memref<256xf32, #tpu.memory_space<hbm>>) target(%dma_start3A_447 : memref<256xf32, #tpu.memory_space<vmem>>) target_semaphore(%arg15 : memref<!tpu.dma_semaphore, #tpu.memory_space<semaphore_mem>>)
      %slice3A_449 = vector.extract_strided_slice %select_n3A_294 {offsets = [14], sizes = [1], strides = [1]} : vector<16xi32> to vector<1xi32>
      %squeeze3A_450 = vector.extract %slice3A_449[0] : i32 from vector<1xi32>
      %mul3A_451 = arith.constant 256 : i32
      %mul3A_452 = arith.muli %squeeze3A_450, %mul3A_451 : i32
      %dma_start3A_453 = arith.constant 7680 : i32
      %dma_start3A_454 = tpu.memref_slice %arg13[%dma_start3A_453] : memref<82176xf32, #tpu.memory_space<vmem>> -> memref<256xf32, #tpu.memory_space<vmem>>
      %dma_start3A_455 = tpu.memref_slice %arg5[%mul3A_452] : memref<25600000xf32, #tpu.memory_space<hbm>> -> memref<256xf32, #tpu.memory_space<hbm>>
      %dma_start3A_456 = arith.constant 7680 : i32
      %dma_start3A_457 = tpu.memref_slice %arg13[%dma_start3A_456] : memref<82176xf32, #tpu.memory_space<vmem>> -> memref<256xf32, #tpu.memory_space<vmem>>
      %dma_start3A_458 = tpu.memref_slice %arg5[%mul3A_452] : memref<25600000xf32, #tpu.memory_space<hbm>> -> memref<256xf32, #tpu.memory_space<hbm>>
      tpu.enqueue_dma source(%dma_start3A_458 : memref<256xf32, #tpu.memory_space<hbm>>) target(%dma_start3A_457 : memref<256xf32, #tpu.memory_space<vmem>>) target_semaphore(%arg15 : memref<!tpu.dma_semaphore, #tpu.memory_space<semaphore_mem>>)
      %slice3A_459 = vector.extract_strided_slice %select_n3A_294 {offsets = [15], sizes = [1], strides = [1]} : vector<16xi32> to vector<1xi32>
      %squeeze3A_460 = vector.extract %slice3A_459[0] : i32 from vector<1xi32>
      %mul3A_461 = arith.constant 256 : i32
      %mul3A_462 = arith.muli %squeeze3A_460, %mul3A_461 : i32
      %dma_start3A_463 = arith.constant 7936 : i32
      %dma_start3A_464 = tpu.memref_slice %arg13[%dma_start3A_463] : memref<82176xf32, #tpu.memory_space<vmem>> -> memref<256xf32, #tpu.memory_space<vmem>>
      %dma_start3A_465 = tpu.memref_slice %arg5[%mul3A_462] : memref<25600000xf32, #tpu.memory_space<hbm>> -> memref<256xf32, #tpu.memory_space<hbm>>
      %dma_start3A_466 = arith.constant 7936 : i32
      %dma_start3A_467 = tpu.memref_slice %arg13[%dma_start3A_466] : memref<82176xf32, #tpu.memory_space<vmem>> -> memref<256xf32, #tpu.memory_space<vmem>>
      %dma_start3A_468 = tpu.memref_slice %arg5[%mul3A_462] : memref<25600000xf32, #tpu.memory_space<hbm>> -> memref<256xf32, #tpu.memory_space<hbm>>
      tpu.enqueue_dma source(%dma_start3A_468 : memref<256xf32, #tpu.memory_space<hbm>>) target(%dma_start3A_467 : memref<256xf32, #tpu.memory_space<vmem>>) target_semaphore(%arg15 : memref<!tpu.dma_semaphore, #tpu.memory_space<semaphore_mem>>)
      %get3A_469 = arith.constant 32 : index
      %get3A_470 = tpu.vector_load %arg8[%get3A_469] {strides = array<i32>} : memref<64xi32, #tpu.memory_space<vmem>>, vector<16xi32>,
      %get3A_471 = vector.shape_cast %get3A_470 : vector<16xi32> to vector<16xi32>
      %get3A_472 = arith.constant 32 : index
      %get3A_473 = tpu.vector_load %arg9[%get3A_472] {strides = array<i32>} : memref<64xi32, #tpu.memory_space<vmem>>, vector<16xi32>,
      %get3A_474 = vector.shape_cast %get3A_473 : vector<16xi32> to vector<16xi32>
      %get3A_475 = arith.constant 32 : index
      %get3A_476 = tpu.vector_load %arg10[%get3A_475] {strides = array<i32>} : memref<64xi32, #tpu.memory_space<vmem>>, vector<16xi32>,
      %get3A_477 = vector.shape_cast %get3A_476 : vector<16xi32> to vector<16xi32>
      %lt3A_478 = arith.cmpi slt, %rem3A_2, %get3A_477 : vector<16xi32>
      %eq3A_479 = arith.constant 1 : i32
      %eq3A_480 = vector.broadcast %eq3A_479 : i32 to vector<16xi32>
      %eq3A_481 = arith.cmpi eq, %get3A_474, %eq3A_480 : vector<16xi32>
      %and3A_482 = arith.andi %lt3A_478, %eq3A_481 : vector<16xi1>
      %eq3A_483 = arith.constant 2 : i32
      %eq3A_484 = vector.broadcast %eq3A_483 : i32 to vector<16xi32>
      %eq3A_485 = arith.cmpi eq, %get3A_474, %eq3A_484 : vector<16xi32>
      %and3A_486 = arith.andi %lt3A_478, %eq3A_485 : vector<16xi1>
      %add3A_487 = arith.constant 32 : i32
      %add3A_488 = vector.broadcast %add3A_487 : i32 to vector<16xi32>
      %add3A_489 = arith.addi %iota3A, %add3A_488 : vector<16xi32>
      %jit3A_490 = arith.constant 0 : i32
      %broadcast_in_dim3A_491 = vector.broadcast %jit3A_490 : i32 to vector<16xi32>
      %select_n3A_492 = arith.select %and3A_482, %get3A_471, %broadcast_in_dim3A_491 : vector<16xi1>, vector<16xi32>
      %min3A_493 = arith.constant 255 : i32
      %min3A_494 = vector.broadcast %min3A_493 : i32 to vector<16xi32>
      %min3A_495 = arith.minsi %get3A_471, %min3A_494 : vector<16xi32>
      %add3A_496 = arith.constant 64 : i32
      %add3A_497 = vector.broadcast %add3A_496 : i32 to vector<16xi32>
      %add3A_498 = arith.addi %add3A_497, %min3A_495 : vector<16xi32>
      %jit3A_499 = arith.constant 320 : i32
      %broadcast_in_dim3A_500 = vector.broadcast %jit3A_499 : i32 to vector<16xi32>
      %select_n3A_501 = arith.select %and3A_486, %add3A_498, %broadcast_in_dim3A_500 : vector<16xi1>, vector<16xi32>
      %select_n3A_502 = arith.select %and3A_482, %add3A_489, %select_n3A_501 : vector<16xi1>, vector<16xi32>
      %swap3A_503 = arith.constant 32 : index
      %swap3A_504 = tpu.vector_load %arg12[%swap3A_503] {strides = array<i32>} : memref<64xi32, #tpu.memory_space<vmem>>, vector<16xi32>,
      %swap3A_505 = vector.shape_cast %swap3A_504 : vector<16xi32> to vector<16xi32>
      %swap3A_506 = vector.shape_cast %select_n3A_502 : vector<16xi32> to vector<16xi32>
      tpu.vector_store %arg12[%swap3A_503], %swap3A_506 {strides = array<i32>} : memref<64xi32, #tpu.memory_space<vmem>>, vector<16xi32>,
      %slice3A_507 = vector.extract_strided_slice %select_n3A_492 {offsets = [0], sizes = [1], strides = [1]} : vector<16xi32> to vector<1xi32>
      %squeeze3A_508 = vector.extract %slice3A_507[0] : i32 from vector<1xi32>
      %mul3A_509 = arith.constant 256 : i32
      %mul3A_510 = arith.muli %squeeze3A_508, %mul3A_509 : i32
      %dma_start3A_511 = arith.constant 8192 : i32
      %dma_start3A_512 = tpu.memref_slice %arg13[%dma_start3A_511] : memref<82176xf32, #tpu.memory_space<vmem>> -> memref<256xf32, #tpu.memory_space<vmem>>
      %dma_start3A_513 = tpu.memref_slice %arg5[%mul3A_510] : memref<25600000xf32, #tpu.memory_space<hbm>> -> memref<256xf32, #tpu.memory_space<hbm>>
      %dma_start3A_514 = arith.constant 8192 : i32
      %dma_start3A_515 = tpu.memref_slice %arg13[%dma_start3A_514] : memref<82176xf32, #tpu.memory_space<vmem>> -> memref<256xf32, #tpu.memory_space<vmem>>
      %dma_start3A_516 = tpu.memref_slice %arg5[%mul3A_510] : memref<25600000xf32, #tpu.memory_space<hbm>> -> memref<256xf32, #tpu.memory_space<hbm>>
      tpu.enqueue_dma source(%dma_start3A_516 : memref<256xf32, #tpu.memory_space<hbm>>) target(%dma_start3A_515 : memref<256xf32, #tpu.memory_space<vmem>>) target_semaphore(%arg15 : memref<!tpu.dma_semaphore, #tpu.memory_space<semaphore_mem>>)
      %slice3A_517 = vector.extract_strided_slice %select_n3A_492 {offsets = [1], sizes = [1], strides = [1]} : vector<16xi32> to vector<1xi32>
      %squeeze3A_518 = vector.extract %slice3A_517[0] : i32 from vector<1xi32>
      %mul3A_519 = arith.constant 256 : i32
      %mul3A_520 = arith.muli %squeeze3A_518, %mul3A_519 : i32
      %dma_start3A_521 = arith.constant 8448 : i32
      %dma_start3A_522 = tpu.memref_slice %arg13[%dma_start3A_521] : memref<82176xf32, #tpu.memory_space<vmem>> -> memref<256xf32, #tpu.memory_space<vmem>>
      %dma_start3A_523 = tpu.memref_slice %arg5[%mul3A_520] : memref<25600000xf32, #tpu.memory_space<hbm>> -> memref<256xf32, #tpu.memory_space<hbm>>
      %dma_start3A_524 = arith.constant 8448 : i32
      %dma_start3A_525 = tpu.memref_slice %arg13[%dma_start3A_524] : memref<82176xf32, #tpu.memory_space<vmem>> -> memref<256xf32, #tpu.memory_space<vmem>>
      %dma_start3A_526 = tpu.memref_slice %arg5[%mul3A_520] : memref<25600000xf32, #tpu.memory_space<hbm>> -> memref<256xf32, #tpu.memory_space<hbm>>
      tpu.enqueue_dma source(%dma_start3A_526 : memref<256xf32, #tpu.memory_space<hbm>>) target(%dma_start3A_525 : memref<256xf32, #tpu.memory_space<vmem>>) target_semaphore(%arg15 : memref<!tpu.dma_semaphore, #tpu.memory_space<semaphore_mem>>)
      %slice3A_527 = vector.extract_strided_slice %select_n3A_492 {offsets = [2], sizes = [1], strides = [1]} : vector<16xi32> to vector<1xi32>
      %squeeze3A_528 = vector.extract %slice3A_527[0] : i32 from vector<1xi32>
      %mul3A_529 = arith.constant 256 : i32
      %mul3A_530 = arith.muli %squeeze3A_528, %mul3A_529 : i32
      %dma_start3A_531 = arith.constant 8704 : i32
      %dma_start3A_532 = tpu.memref_slice %arg13[%dma_start3A_531] : memref<82176xf32, #tpu.memory_space<vmem>> -> memref<256xf32, #tpu.memory_space<vmem>>
      %dma_start3A_533 = tpu.memref_slice %arg5[%mul3A_530] : memref<25600000xf32, #tpu.memory_space<hbm>> -> memref<256xf32, #tpu.memory_space<hbm>>
      %dma_start3A_534 = arith.constant 8704 : i32
      %dma_start3A_535 = tpu.memref_slice %arg13[%dma_start3A_534] : memref<82176xf32, #tpu.memory_space<vmem>> -> memref<256xf32, #tpu.memory_space<vmem>>
      %dma_start3A_536 = tpu.memref_slice %arg5[%mul3A_530] : memref<25600000xf32, #tpu.memory_space<hbm>> -> memref<256xf32, #tpu.memory_space<hbm>>
      tpu.enqueue_dma source(%dma_start3A_536 : memref<256xf32, #tpu.memory_space<hbm>>) target(%dma_start3A_535 : memref<256xf32, #tpu.memory_space<vmem>>) target_semaphore(%arg15 : memref<!tpu.dma_semaphore, #tpu.memory_space<semaphore_mem>>)
      %slice3A_537 = vector.extract_strided_slice %select_n3A_492 {offsets = [3], sizes = [1], strides = [1]} : vector<16xi32> to vector<1xi32>
      %squeeze3A_538 = vector.extract %slice3A_537[0] : i32 from vector<1xi32>
      %mul3A_539 = arith.constant 256 : i32
      %mul3A_540 = arith.muli %squeeze3A_538, %mul3A_539 : i32
      %dma_start3A_541 = arith.constant 8960 : i32
      %dma_start3A_542 = tpu.memref_slice %arg13[%dma_start3A_541] : memref<82176xf32, #tpu.memory_space<vmem>> -> memref<256xf32, #tpu.memory_space<vmem>>
      %dma_start3A_543 = tpu.memref_slice %arg5[%mul3A_540] : memref<25600000xf32, #tpu.memory_space<hbm>> -> memref<256xf32, #tpu.memory_space<hbm>>
      %dma_start3A_544 = arith.constant 8960 : i32
      %dma_start3A_545 = tpu.memref_slice %arg13[%dma_start3A_544] : memref<82176xf32, #tpu.memory_space<vmem>> -> memref<256xf32, #tpu.memory_space<vmem>>
      %dma_start3A_546 = tpu.memref_slice %arg5[%mul3A_540] : memref<25600000xf32, #tpu.memory_space<hbm>> -> memref<256xf32, #tpu.memory_space<hbm>>
      tpu.enqueue_dma source(%dma_start3A_546 : memref<256xf32, #tpu.memory_space<hbm>>) target(%dma_start3A_545 : memref<256xf32, #tpu.memory_space<vmem>>) target_semaphore(%arg15 : memref<!tpu.dma_semaphore, #tpu.memory_space<semaphore_mem>>)
      %slice3A_547 = vector.extract_strided_slice %select_n3A_492 {offsets = [4], sizes = [1], strides = [1]} : vector<16xi32> to vector<1xi32>
      %squeeze3A_548 = vector.extract %slice3A_547[0] : i32 from vector<1xi32>
      %mul3A_549 = arith.constant 256 : i32
      %mul3A_550 = arith.muli %squeeze3A_548, %mul3A_549 : i32
      %dma_start3A_551 = arith.constant 9216 : i32
      %dma_start3A_552 = tpu.memref_slice %arg13[%dma_start3A_551] : memref<82176xf32, #tpu.memory_space<vmem>> -> memref<256xf32, #tpu.memory_space<vmem>>
      %dma_start3A_553 = tpu.memref_slice %arg5[%mul3A_550] : memref<25600000xf32, #tpu.memory_space<hbm>> -> memref<256xf32, #tpu.memory_space<hbm>>
      %dma_start3A_554 = arith.constant 9216 : i32
      %dma_start3A_555 = tpu.memref_slice %arg13[%dma_start3A_554] : memref<82176xf32, #tpu.memory_space<vmem>> -> memref<256xf32, #tpu.memory_space<vmem>>
      %dma_start3A_556 = tpu.memref_slice %arg5[%mul3A_550] : memref<25600000xf32, #tpu.memory_space<hbm>> -> memref<256xf32, #tpu.memory_space<hbm>>
      tpu.enqueue_dma source(%dma_start3A_556 : memref<256xf32, #tpu.memory_space<hbm>>) target(%dma_start3A_555 : memref<256xf32, #tpu.memory_space<vmem>>) target_semaphore(%arg15 : memref<!tpu.dma_semaphore, #tpu.memory_space<semaphore_mem>>)
      %slice3A_557 = vector.extract_strided_slice %select_n3A_492 {offsets = [5], sizes = [1], strides = [1]} : vector<16xi32> to vector<1xi32>
      %squeeze3A_558 = vector.extract %slice3A_557[0] : i32 from vector<1xi32>
      %mul3A_559 = arith.constant 256 : i32
      %mul3A_560 = arith.muli %squeeze3A_558, %mul3A_559 : i32
      %dma_start3A_561 = arith.constant 9472 : i32
      %dma_start3A_562 = tpu.memref_slice %arg13[%dma_start3A_561] : memref<82176xf32, #tpu.memory_space<vmem>> -> memref<256xf32, #tpu.memory_space<vmem>>
      %dma_start3A_563 = tpu.memref_slice %arg5[%mul3A_560] : memref<25600000xf32, #tpu.memory_space<hbm>> -> memref<256xf32, #tpu.memory_space<hbm>>
      %dma_start3A_564 = arith.constant 9472 : i32
      %dma_start3A_565 = tpu.memref_slice %arg13[%dma_start3A_564] : memref<82176xf32, #tpu.memory_space<vmem>> -> memref<256xf32, #tpu.memory_space<vmem>>
      %dma_start3A_566 = tpu.memref_slice %arg5[%mul3A_560] : memref<25600000xf32, #tpu.memory_space<hbm>> -> memref<256xf32, #tpu.memory_space<hbm>>
      tpu.enqueue_dma source(%dma_start3A_566 : memref<256xf32, #tpu.memory_space<hbm>>) target(%dma_start3A_565 : memref<256xf32, #tpu.memory_space<vmem>>) target_semaphore(%arg15 : memref<!tpu.dma_semaphore, #tpu.memory_space<semaphore_mem>>)
      %slice3A_567 = vector.extract_strided_slice %select_n3A_492 {offsets = [6], sizes = [1], strides = [1]} : vector<16xi32> to vector<1xi32>
      %squeeze3A_568 = vector.extract %slice3A_567[0] : i32 from vector<1xi32>
      %mul3A_569 = arith.constant 256 : i32
      %mul3A_570 = arith.muli %squeeze3A_568, %mul3A_569 : i32
      %dma_start3A_571 = arith.constant 9728 : i32
      %dma_start3A_572 = tpu.memref_slice %arg13[%dma_start3A_571] : memref<82176xf32, #tpu.memory_space<vmem>> -> memref<256xf32, #tpu.memory_space<vmem>>
      %dma_start3A_573 = tpu.memref_slice %arg5[%mul3A_570] : memref<25600000xf32, #tpu.memory_space<hbm>> -> memref<256xf32, #tpu.memory_space<hbm>>
      %dma_start3A_574 = arith.constant 9728 : i32
      %dma_start3A_575 = tpu.memref_slice %arg13[%dma_start3A_574] : memref<82176xf32, #tpu.memory_space<vmem>> -> memref<256xf32, #tpu.memory_space<vmem>>
      %dma_start3A_576 = tpu.memref_slice %arg5[%mul3A_570] : memref<25600000xf32, #tpu.memory_space<hbm>> -> memref<256xf32, #tpu.memory_space<hbm>>
      tpu.enqueue_dma source(%dma_start3A_576 : memref<256xf32, #tpu.memory_space<hbm>>) target(%dma_start3A_575 : memref<256xf32, #tpu.memory_space<vmem>>) target_semaphore(%arg15 : memref<!tpu.dma_semaphore, #tpu.memory_space<semaphore_mem>>)
      %slice3A_577 = vector.extract_strided_slice %select_n3A_492 {offsets = [7], sizes = [1], strides = [1]} : vector<16xi32> to vector<1xi32>
      %squeeze3A_578 = vector.extract %slice3A_577[0] : i32 from vector<1xi32>
      %mul3A_579 = arith.constant 256 : i32
      %mul3A_580 = arith.muli %squeeze3A_578, %mul3A_579 : i32
      %dma_start3A_581 = arith.constant 9984 : i32
      %dma_start3A_582 = tpu.memref_slice %arg13[%dma_start3A_581] : memref<82176xf32, #tpu.memory_space<vmem>> -> memref<256xf32, #tpu.memory_space<vmem>>
      %dma_start3A_583 = tpu.memref_slice %arg5[%mul3A_580] : memref<25600000xf32, #tpu.memory_space<hbm>> -> memref<256xf32, #tpu.memory_space<hbm>>
      %dma_start3A_584 = arith.constant 9984 : i32
      %dma_start3A_585 = tpu.memref_slice %arg13[%dma_start3A_584] : memref<82176xf32, #tpu.memory_space<vmem>> -> memref<256xf32, #tpu.memory_space<vmem>>
      %dma_start3A_586 = tpu.memref_slice %arg5[%mul3A_580] : memref<25600000xf32, #tpu.memory_space<hbm>> -> memref<256xf32, #tpu.memory_space<hbm>>
      tpu.enqueue_dma source(%dma_start3A_586 : memref<256xf32, #tpu.memory_space<hbm>>) target(%dma_start3A_585 : memref<256xf32, #tpu.memory_space<vmem>>) target_semaphore(%arg15 : memref<!tpu.dma_semaphore, #tpu.memory_space<semaphore_mem>>)
      %slice3A_587 = vector.extract_strided_slice %select_n3A_492 {offsets = [8], sizes = [1], strides = [1]} : vector<16xi32> to vector<1xi32>
      %squeeze3A_588 = vector.extract %slice3A_587[0] : i32 from vector<1xi32>
      %mul3A_589 = arith.constant 256 : i32
      %mul3A_590 = arith.muli %squeeze3A_588, %mul3A_589 : i32
      %dma_start3A_591 = arith.constant 10240 : i32
      %dma_start3A_592 = tpu.memref_slice %arg13[%dma_start3A_591] : memref<82176xf32, #tpu.memory_space<vmem>> -> memref<256xf32, #tpu.memory_space<vmem>>
      %dma_start3A_593 = tpu.memref_slice %arg5[%mul3A_590] : memref<25600000xf32, #tpu.memory_space<hbm>> -> memref<256xf32, #tpu.memory_space<hbm>>
      %dma_start3A_594 = arith.constant 10240 : i32
      %dma_start3A_595 = tpu.memref_slice %arg13[%dma_start3A_594] : memref<82176xf32, #tpu.memory_space<vmem>> -> memref<256xf32, #tpu.memory_space<vmem>>
      %dma_start3A_596 = tpu.memref_slice %arg5[%mul3A_590] : memref<25600000xf32, #tpu.memory_space<hbm>> -> memref<256xf32, #tpu.memory_space<hbm>>
      tpu.enqueue_dma source(%dma_start3A_596 : memref<256xf32, #tpu.memory_space<hbm>>) target(%dma_start3A_595 : memref<256xf32, #tpu.memory_space<vmem>>) target_semaphore(%arg15 : memref<!tpu.dma_semaphore, #tpu.memory_space<semaphore_mem>>)
      %slice3A_597 = vector.extract_strided_slice %select_n3A_492 {offsets = [9], sizes = [1], strides = [1]} : vector<16xi32> to vector<1xi32>
      %squeeze3A_598 = vector.extract %slice3A_597[0] : i32 from vector<1xi32>
      %mul3A_599 = arith.constant 256 : i32
      %mul3A_600 = arith.muli %squeeze3A_598, %mul3A_599 : i32
      %dma_start3A_601 = arith.constant 10496 : i32
      %dma_start3A_602 = tpu.memref_slice %arg13[%dma_start3A_601] : memref<82176xf32, #tpu.memory_space<vmem>> -> memref<256xf32, #tpu.memory_space<vmem>>
      %dma_start3A_603 = tpu.memref_slice %arg5[%mul3A_600] : memref<25600000xf32, #tpu.memory_space<hbm>> -> memref<256xf32, #tpu.memory_space<hbm>>
      %dma_start3A_604 = arith.constant 10496 : i32
      %dma_start3A_605 = tpu.memref_slice %arg13[%dma_start3A_604] : memref<82176xf32, #tpu.memory_space<vmem>> -> memref<256xf32, #tpu.memory_space<vmem>>
      %dma_start3A_606 = tpu.memref_slice %arg5[%mul3A_600] : memref<25600000xf32, #tpu.memory_space<hbm>> -> memref<256xf32, #tpu.memory_space<hbm>>
      tpu.enqueue_dma source(%dma_start3A_606 : memref<256xf32, #tpu.memory_space<hbm>>) target(%dma_start3A_605 : memref<256xf32, #tpu.memory_space<vmem>>) target_semaphore(%arg15 : memref<!tpu.dma_semaphore, #tpu.memory_space<semaphore_mem>>)
      %slice3A_607 = vector.extract_strided_slice %select_n3A_492 {offsets = [10], sizes = [1], strides = [1]} : vector<16xi32> to vector<1xi32>
      %squeeze3A_608 = vector.extract %slice3A_607[0] : i32 from vector<1xi32>
      %mul3A_609 = arith.constant 256 : i32
      %mul3A_610 = arith.muli %squeeze3A_608, %mul3A_609 : i32
      %dma_start3A_611 = arith.constant 10752 : i32
      %dma_start3A_612 = tpu.memref_slice %arg13[%dma_start3A_611] : memref<82176xf32, #tpu.memory_space<vmem>> -> memref<256xf32, #tpu.memory_space<vmem>>
      %dma_start3A_613 = tpu.memref_slice %arg5[%mul3A_610] : memref<25600000xf32, #tpu.memory_space<hbm>> -> memref<256xf32, #tpu.memory_space<hbm>>
      %dma_start3A_614 = arith.constant 10752 : i32
      %dma_start3A_615 = tpu.memref_slice %arg13[%dma_start3A_614] : memref<82176xf32, #tpu.memory_space<vmem>> -> memref<256xf32, #tpu.memory_space<vmem>>
      %dma_start3A_616 = tpu.memref_slice %arg5[%mul3A_610] : memref<25600000xf32, #tpu.memory_space<hbm>> -> memref<256xf32, #tpu.memory_space<hbm>>
      tpu.enqueue_dma source(%dma_start3A_616 : memref<256xf32, #tpu.memory_space<hbm>>) target(%dma_start3A_615 : memref<256xf32, #tpu.memory_space<vmem>>) target_semaphore(%arg15 : memref<!tpu.dma_semaphore, #tpu.memory_space<semaphore_mem>>)
      %slice3A_617 = vector.extract_strided_slice %select_n3A_492 {offsets = [11], sizes = [1], strides = [1]} : vector<16xi32> to vector<1xi32>
      %squeeze3A_618 = vector.extract %slice3A_617[0] : i32 from vector<1xi32>
      %mul3A_619 = arith.constant 256 : i32
      %mul3A_620 = arith.muli %squeeze3A_618, %mul3A_619 : i32
      %dma_start3A_621 = arith.constant 11008 : i32
      %dma_start3A_622 = tpu.memref_slice %arg13[%dma_start3A_621] : memref<82176xf32, #tpu.memory_space<vmem>> -> memref<256xf32, #tpu.memory_space<vmem>>
      %dma_start3A_623 = tpu.memref_slice %arg5[%mul3A_620] : memref<25600000xf32, #tpu.memory_space<hbm>> -> memref<256xf32, #tpu.memory_space<hbm>>
      %dma_start3A_624 = arith.constant 11008 : i32
      %dma_start3A_625 = tpu.memref_slice %arg13[%dma_start3A_624] : memref<82176xf32, #tpu.memory_space<vmem>> -> memref<256xf32, #tpu.memory_space<vmem>>
      %dma_start3A_626 = tpu.memref_slice %arg5[%mul3A_620] : memref<25600000xf32, #tpu.memory_space<hbm>> -> memref<256xf32, #tpu.memory_space<hbm>>
      tpu.enqueue_dma source(%dma_start3A_626 : memref<256xf32, #tpu.memory_space<hbm>>) target(%dma_start3A_625 : memref<256xf32, #tpu.memory_space<vmem>>) target_semaphore(%arg15 : memref<!tpu.dma_semaphore, #tpu.memory_space<semaphore_mem>>)
      %slice3A_627 = vector.extract_strided_slice %select_n3A_492 {offsets = [12], sizes = [1], strides = [1]} : vector<16xi32> to vector<1xi32>
      %squeeze3A_628 = vector.extract %slice3A_627[0] : i32 from vector<1xi32>
      %mul3A_629 = arith.constant 256 : i32
      %mul3A_630 = arith.muli %squeeze3A_628, %mul3A_629 : i32
      %dma_start3A_631 = arith.constant 11264 : i32
      %dma_start3A_632 = tpu.memref_slice %arg13[%dma_start3A_631] : memref<82176xf32, #tpu.memory_space<vmem>> -> memref<256xf32, #tpu.memory_space<vmem>>
      %dma_start3A_633 = tpu.memref_slice %arg5[%mul3A_630] : memref<25600000xf32, #tpu.memory_space<hbm>> -> memref<256xf32, #tpu.memory_space<hbm>>
      %dma_start3A_634 = arith.constant 11264 : i32
      %dma_start3A_635 = tpu.memref_slice %arg13[%dma_start3A_634] : memref<82176xf32, #tpu.memory_space<vmem>> -> memref<256xf32, #tpu.memory_space<vmem>>
      %dma_start3A_636 = tpu.memref_slice %arg5[%mul3A_630] : memref<25600000xf32, #tpu.memory_space<hbm>> -> memref<256xf32, #tpu.memory_space<hbm>>
      tpu.enqueue_dma source(%dma_start3A_636 : memref<256xf32, #tpu.memory_space<hbm>>) target(%dma_start3A_635 : memref<256xf32, #tpu.memory_space<vmem>>) target_semaphore(%arg15 : memref<!tpu.dma_semaphore, #tpu.memory_space<semaphore_mem>>)
      %slice3A_637 = vector.extract_strided_slice %select_n3A_492 {offsets = [13], sizes = [1], strides = [1]} : vector<16xi32> to vector<1xi32>
      %squeeze3A_638 = vector.extract %slice3A_637[0] : i32 from vector<1xi32>
      %mul3A_639 = arith.constant 256 : i32
      %mul3A_640 = arith.muli %squeeze3A_638, %mul3A_639 : i32
      %dma_start3A_641 = arith.constant 11520 : i32
      %dma_start3A_642 = tpu.memref_slice %arg13[%dma_start3A_641] : memref<82176xf32, #tpu.memory_space<vmem>> -> memref<256xf32, #tpu.memory_space<vmem>>
      %dma_start3A_643 = tpu.memref_slice %arg5[%mul3A_640] : memref<25600000xf32, #tpu.memory_space<hbm>> -> memref<256xf32, #tpu.memory_space<hbm>>
      %dma_start3A_644 = arith.constant 11520 : i32
      %dma_start3A_645 = tpu.memref_slice %arg13[%dma_start3A_644] : memref<82176xf32, #tpu.memory_space<vmem>> -> memref<256xf32, #tpu.memory_space<vmem>>
      %dma_start3A_646 = tpu.memref_slice %arg5[%mul3A_640] : memref<25600000xf32, #tpu.memory_space<hbm>> -> memref<256xf32, #tpu.memory_space<hbm>>
      tpu.enqueue_dma source(%dma_start3A_646 : memref<256xf32, #tpu.memory_space<hbm>>) target(%dma_start3A_645 : memref<256xf32, #tpu.memory_space<vmem>>) target_semaphore(%arg15 : memref<!tpu.dma_semaphore, #tpu.memory_space<semaphore_mem>>)
      %slice3A_647 = vector.extract_strided_slice %select_n3A_492 {offsets = [14], sizes = [1], strides = [1]} : vector<16xi32> to vector<1xi32>
      %squeeze3A_648 = vector.extract %slice3A_647[0] : i32 from vector<1xi32>
      %mul3A_649 = arith.constant 256 : i32
      %mul3A_650 = arith.muli %squeeze3A_648, %mul3A_649 : i32
      %dma_start3A_651 = arith.constant 11776 : i32
      %dma_start3A_652 = tpu.memref_slice %arg13[%dma_start3A_651] : memref<82176xf32, #tpu.memory_space<vmem>> -> memref<256xf32, #tpu.memory_space<vmem>>
      %dma_start3A_653 = tpu.memref_slice %arg5[%mul3A_650] : memref<25600000xf32, #tpu.memory_space<hbm>> -> memref<256xf32, #tpu.memory_space<hbm>>
      %dma_start3A_654 = arith.constant 11776 : i32
      %dma_start3A_655 = tpu.memref_slice %arg13[%dma_start3A_654] : memref<82176xf32, #tpu.memory_space<vmem>> -> memref<256xf32, #tpu.memory_space<vmem>>
      %dma_start3A_656 = tpu.memref_slice %arg5[%mul3A_650] : memref<25600000xf32, #tpu.memory_space<hbm>> -> memref<256xf32, #tpu.memory_space<hbm>>
      tpu.enqueue_dma source(%dma_start3A_656 : memref<256xf32, #tpu.memory_space<hbm>>) target(%dma_start3A_655 : memref<256xf32, #tpu.memory_space<vmem>>) target_semaphore(%arg15 : memref<!tpu.dma_semaphore, #tpu.memory_space<semaphore_mem>>)
      %slice3A_657 = vector.extract_strided_slice %select_n3A_492 {offsets = [15], sizes = [1], strides = [1]} : vector<16xi32> to vector<1xi32>
      %squeeze3A_658 = vector.extract %slice3A_657[0] : i32 from vector<1xi32>
      %mul3A_659 = arith.constant 256 : i32
      %mul3A_660 = arith.muli %squeeze3A_658, %mul3A_659 : i32
      %dma_start3A_661 = arith.constant 12032 : i32
      %dma_start3A_662 = tpu.memref_slice %arg13[%dma_start3A_661] : memref<82176xf32, #tpu.memory_space<vmem>> -> memref<256xf32, #tpu.memory_space<vmem>>
      %dma_start3A_663 = tpu.memref_slice %arg5[%mul3A_660] : memref<25600000xf32, #tpu.memory_space<hbm>> -> memref<256xf32, #tpu.memory_space<hbm>>
      %dma_start3A_664 = arith.constant 12032 : i32
      %dma_start3A_665 = tpu.memref_slice %arg13[%dma_start3A_664] : memref<82176xf32, #tpu.memory_space<vmem>> -> memref<256xf32, #tpu.memory_space<vmem>>
      %dma_start3A_666 = tpu.memref_slice %arg5[%mul3A_660] : memref<25600000xf32, #tpu.memory_space<hbm>> -> memref<256xf32, #tpu.memory_space<hbm>>
      tpu.enqueue_dma source(%dma_start3A_666 : memref<256xf32, #tpu.memory_space<hbm>>) target(%dma_start3A_665 : memref<256xf32, #tpu.memory_space<vmem>>) target_semaphore(%arg15 : memref<!tpu.dma_semaphore, #tpu.memory_space<semaphore_mem>>)
      %get3A_667 = arith.constant 48 : index
      %get3A_668 = tpu.vector_load %arg8[%get3A_667] {strides = array<i32>} : memref<64xi32, #tpu.memory_space<vmem>>, vector<16xi32>,
      %get3A_669 = vector.shape_cast %get3A_668 : vector<16xi32> to vector<16xi32>
      %get3A_670 = arith.constant 48 : index
      %get3A_671 = tpu.vector_load %arg9[%get3A_670] {strides = array<i32>} : memref<64xi32, #tpu.memory_space<vmem>>, vector<16xi32>,
      %get3A_672 = vector.shape_cast %get3A_671 : vector<16xi32> to vector<16xi32>
      %get3A_673 = arith.constant 48 : index
      %get3A_674 = tpu.vector_load %arg10[%get3A_673] {strides = array<i32>} : memref<64xi32, #tpu.memory_space<vmem>>, vector<16xi32>,
      %get3A_675 = vector.shape_cast %get3A_674 : vector<16xi32> to vector<16xi32>
      %lt3A_676 = arith.cmpi slt, %rem3A_2, %get3A_675 : vector<16xi32>
      %eq3A_677 = arith.constant 1 : i32
      %eq3A_678 = vector.broadcast %eq3A_677 : i32 to vector<16xi32>
      %eq3A_679 = arith.cmpi eq, %get3A_672, %eq3A_678 : vector<16xi32>
      %and3A_680 = arith.andi %lt3A_676, %eq3A_679 : vector<16xi1>
      %eq3A_681 = arith.constant 2 : i32
      %eq3A_682 = vector.broadcast %eq3A_681 : i32 to vector<16xi32>
      %eq3A_683 = arith.cmpi eq, %get3A_672, %eq3A_682 : vector<16xi32>
      %and3A_684 = arith.andi %lt3A_676, %eq3A_683 : vector<16xi1>
      %add3A_685 = arith.constant 48 : i32
      %add3A_686 = vector.broadcast %add3A_685 : i32 to vector<16xi32>
      %add3A_687 = arith.addi %iota3A, %add3A_686 : vector<16xi32>
      %jit3A_688 = arith.constant 0 : i32
      %broadcast_in_dim3A_689 = vector.broadcast %jit3A_688 : i32 to vector<16xi32>
      %select_n3A_690 = arith.select %and3A_680, %get3A_669, %broadcast_in_dim3A_689 : vector<16xi1>, vector<16xi32>
      %min3A_691 = arith.constant 255 : i32
      %min3A_692 = vector.broadcast %min3A_691 : i32 to vector<16xi32>
      %min3A_693 = arith.minsi %get3A_669, %min3A_692 : vector<16xi32>
      %add3A_694 = arith.constant 64 : i32
      %add3A_695 = vector.broadcast %add3A_694 : i32 to vector<16xi32>
      %add3A_696 = arith.addi %add3A_695, %min3A_693 : vector<16xi32>
      %jit3A_697 = arith.constant 320 : i32
      %broadcast_in_dim3A_698 = vector.broadcast %jit3A_697 : i32 to vector<16xi32>
      %select_n3A_699 = arith.select %and3A_684, %add3A_696, %broadcast_in_dim3A_698 : vector<16xi1>, vector<16xi32>
      %select_n3A_700 = arith.select %and3A_680, %add3A_687, %select_n3A_699 : vector<16xi1>, vector<16xi32>
      %swap3A_701 = arith.constant 48 : index
      %swap3A_702 = tpu.vector_load %arg12[%swap3A_701] {strides = array<i32>} : memref<64xi32, #tpu.memory_space<vmem>>, vector<16xi32>,
      %swap3A_703 = vector.shape_cast %swap3A_702 : vector<16xi32> to vector<16xi32>
      %swap3A_704 = vector.shape_cast %select_n3A_700 : vector<16xi32> to vector<16xi32>
      tpu.vector_store %arg12[%swap3A_701], %swap3A_704 {strides = array<i32>} : memref<64xi32, #tpu.memory_space<vmem>>, vector<16xi32>,
      %slice3A_705 = vector.extract_strided_slice %select_n3A_690 {offsets = [0], sizes = [1], strides = [1]} : vector<16xi32> to vector<1xi32>
      %squeeze3A_706 = vector.extract %slice3A_705[0] : i32 from vector<1xi32>
      %mul3A_707 = arith.constant 256 : i32
      %mul3A_708 = arith.muli %squeeze3A_706, %mul3A_707 : i32
      %dma_start3A_709 = arith.constant 12288 : i32
      %dma_start3A_710 = tpu.memref_slice %arg13[%dma_start3A_709] : memref<82176xf32, #tpu.memory_space<vmem>> -> memref<256xf32, #tpu.memory_space<vmem>>
      %dma_start3A_711 = tpu.memref_slice %arg5[%mul3A_708] : memref<25600000xf32, #tpu.memory_space<hbm>> -> memref<256xf32, #tpu.memory_space<hbm>>
      %dma_start3A_712 = arith.constant 12288 : i32
      %dma_start3A_713 = tpu.memref_slice %arg13[%dma_start3A_712] : memref<82176xf32, #tpu.memory_space<vmem>> -> memref<256xf32, #tpu.memory_space<vmem>>
      %dma_start3A_714 = tpu.memref_slice %arg5[%mul3A_708] : memref<25600000xf32, #tpu.memory_space<hbm>> -> memref<256xf32, #tpu.memory_space<hbm>>
      tpu.enqueue_dma source(%dma_start3A_714 : memref<256xf32, #tpu.memory_space<hbm>>) target(%dma_start3A_713 : memref<256xf32, #tpu.memory_space<vmem>>) target_semaphore(%arg15 : memref<!tpu.dma_semaphore, #tpu.memory_space<semaphore_mem>>)
      %slice3A_715 = vector.extract_strided_slice %select_n3A_690 {offsets = [1], sizes = [1], strides = [1]} : vector<16xi32> to vector<1xi32>
      %squeeze3A_716 = vector.extract %slice3A_715[0] : i32 from vector<1xi32>
      %mul3A_717 = arith.constant 256 : i32
      %mul3A_718 = arith.muli %squeeze3A_716, %mul3A_717 : i32
      %dma_start3A_719 = arith.constant 12544 : i32
      %dma_start3A_720 = tpu.memref_slice %arg13[%dma_start3A_719] : memref<82176xf32, #tpu.memory_space<vmem>> -> memref<256xf32, #tpu.memory_space<vmem>>
      %dma_start3A_721 = tpu.memref_slice %arg5[%mul3A_718] : memref<25600000xf32, #tpu.memory_space<hbm>> -> memref<256xf32, #tpu.memory_space<hbm>>
      %dma_start3A_722 = arith.constant 12544 : i32
      %dma_start3A_723 = tpu.memref_slice %arg13[%dma_start3A_722] : memref<82176xf32, #tpu.memory_space<vmem>> -> memref<256xf32, #tpu.memory_space<vmem>>
      %dma_start3A_724 = tpu.memref_slice %arg5[%mul3A_718] : memref<25600000xf32, #tpu.memory_space<hbm>> -> memref<256xf32, #tpu.memory_space<hbm>>
      tpu.enqueue_dma source(%dma_start3A_724 : memref<256xf32, #tpu.memory_space<hbm>>) target(%dma_start3A_723 : memref<256xf32, #tpu.memory_space<vmem>>) target_semaphore(%arg15 : memref<!tpu.dma_semaphore, #tpu.memory_space<semaphore_mem>>)
      %slice3A_725 = vector.extract_strided_slice %select_n3A_690 {offsets = [2], sizes = [1], strides = [1]} : vector<16xi32> to vector<1xi32>
      %squeeze3A_726 = vector.extract %slice3A_725[0] : i32 from vector<1xi32>
      %mul3A_727 = arith.constant 256 : i32
      %mul3A_728 = arith.muli %squeeze3A_726, %mul3A_727 : i32
      %dma_start3A_729 = arith.constant 12800 : i32
      %dma_start3A_730 = tpu.memref_slice %arg13[%dma_start3A_729] : memref<82176xf32, #tpu.memory_space<vmem>> -> memref<256xf32, #tpu.memory_space<vmem>>
      %dma_start3A_731 = tpu.memref_slice %arg5[%mul3A_728] : memref<25600000xf32, #tpu.memory_space<hbm>> -> memref<256xf32, #tpu.memory_space<hbm>>
      %dma_start3A_732 = arith.constant 12800 : i32
      %dma_start3A_733 = tpu.memref_slice %arg13[%dma_start3A_732] : memref<82176xf32, #tpu.memory_space<vmem>> -> memref<256xf32, #tpu.memory_space<vmem>>
      %dma_start3A_734 = tpu.memref_slice %arg5[%mul3A_728] : memref<25600000xf32, #tpu.memory_space<hbm>> -> memref<256xf32, #tpu.memory_space<hbm>>
      tpu.enqueue_dma source(%dma_start3A_734 : memref<256xf32, #tpu.memory_space<hbm>>) target(%dma_start3A_733 : memref<256xf32, #tpu.memory_space<vmem>>) target_semaphore(%arg15 : memref<!tpu.dma_semaphore, #tpu.memory_space<semaphore_mem>>)
      %slice3A_735 = vector.extract_strided_slice %select_n3A_690 {offsets = [3], sizes = [1], strides = [1]} : vector<16xi32> to vector<1xi32>
      %squeeze3A_736 = vector.extract %slice3A_735[0] : i32 from vector<1xi32>
      %mul3A_737 = arith.constant 256 : i32
      %mul3A_738 = arith.muli %squeeze3A_736, %mul3A_737 : i32
      %dma_start3A_739 = arith.constant 13056 : i32
      %dma_start3A_740 = tpu.memref_slice %arg13[%dma_start3A_739] : memref<82176xf32, #tpu.memory_space<vmem>> -> memref<256xf32, #tpu.memory_space<vmem>>
      %dma_start3A_741 = tpu.memref_slice %arg5[%mul3A_738] : memref<25600000xf32, #tpu.memory_space<hbm>> -> memref<256xf32, #tpu.memory_space<hbm>>
      %dma_start3A_742 = arith.constant 13056 : i32
      %dma_start3A_743 = tpu.memref_slice %arg13[%dma_start3A_742] : memref<82176xf32, #tpu.memory_space<vmem>> -> memref<256xf32, #tpu.memory_space<vmem>>
      %dma_start3A_744 = tpu.memref_slice %arg5[%mul3A_738] : memref<25600000xf32, #tpu.memory_space<hbm>> -> memref<256xf32, #tpu.memory_space<hbm>>
      tpu.enqueue_dma source(%dma_start3A_744 : memref<256xf32, #tpu.memory_space<hbm>>) target(%dma_start3A_743 : memref<256xf32, #tpu.memory_space<vmem>>) target_semaphore(%arg15 : memref<!tpu.dma_semaphore, #tpu.memory_space<semaphore_mem>>)
      %slice3A_745 = vector.extract_strided_slice %select_n3A_690 {offsets = [4], sizes = [1], strides = [1]} : vector<16xi32> to vector<1xi32>
      %squeeze3A_746 = vector.extract %slice3A_745[0] : i32 from vector<1xi32>
      %mul3A_747 = arith.constant 256 : i32
      %mul3A_748 = arith.muli %squeeze3A_746, %mul3A_747 : i32
      %dma_start3A_749 = arith.constant 13312 : i32
      %dma_start3A_750 = tpu.memref_slice %arg13[%dma_start3A_749] : memref<82176xf32, #tpu.memory_space<vmem>> -> memref<256xf32, #tpu.memory_space<vmem>>
      %dma_start3A_751 = tpu.memref_slice %arg5[%mul3A_748] : memref<25600000xf32, #tpu.memory_space<hbm>> -> memref<256xf32, #tpu.memory_space<hbm>>
      %dma_start3A_752 = arith.constant 13312 : i32
      %dma_start3A_753 = tpu.memref_slice %arg13[%dma_start3A_752] : memref<82176xf32, #tpu.memory_space<vmem>> -> memref<256xf32, #tpu.memory_space<vmem>>
      %dma_start3A_754 = tpu.memref_slice %arg5[%mul3A_748] : memref<25600000xf32, #tpu.memory_space<hbm>> -> memref<256xf32, #tpu.memory_space<hbm>>
      tpu.enqueue_dma source(%dma_start3A_754 : memref<256xf32, #tpu.memory_space<hbm>>) target(%dma_start3A_753 : memref<256xf32, #tpu.memory_space<vmem>>) target_semaphore(%arg15 : memref<!tpu.dma_semaphore, #tpu.memory_space<semaphore_mem>>)
      %slice3A_755 = vector.extract_strided_slice %select_n3A_690 {offsets = [5], sizes = [1], strides = [1]} : vector<16xi32> to vector<1xi32>
      %squeeze3A_756 = vector.extract %slice3A_755[0] : i32 from vector<1xi32>
      %mul3A_757 = arith.constant 256 : i32
      %mul3A_758 = arith.muli %squeeze3A_756, %mul3A_757 : i32
      %dma_start3A_759 = arith.constant 13568 : i32
      %dma_start3A_760 = tpu.memref_slice %arg13[%dma_start3A_759] : memref<82176xf32, #tpu.memory_space<vmem>> -> memref<256xf32, #tpu.memory_space<vmem>>
      %dma_start3A_761 = tpu.memref_slice %arg5[%mul3A_758] : memref<25600000xf32, #tpu.memory_space<hbm>> -> memref<256xf32, #tpu.memory_space<hbm>>
      %dma_start3A_762 = arith.constant 13568 : i32
      %dma_start3A_763 = tpu.memref_slice %arg13[%dma_start3A_762] : memref<82176xf32, #tpu.memory_space<vmem>> -> memref<256xf32, #tpu.memory_space<vmem>>
      %dma_start3A_764 = tpu.memref_slice %arg5[%mul3A_758] : memref<25600000xf32, #tpu.memory_space<hbm>> -> memref<256xf32, #tpu.memory_space<hbm>>
      tpu.enqueue_dma source(%dma_start3A_764 : memref<256xf32, #tpu.memory_space<hbm>>) target(%dma_start3A_763 : memref<256xf32, #tpu.memory_space<vmem>>) target_semaphore(%arg15 : memref<!tpu.dma_semaphore, #tpu.memory_space<semaphore_mem>>)
      %slice3A_765 = vector.extract_strided_slice %select_n3A_690 {offsets = [6], sizes = [1], strides = [1]} : vector<16xi32> to vector<1xi32>
      %squeeze3A_766 = vector.extract %slice3A_765[0] : i32 from vector<1xi32>
      %mul3A_767 = arith.constant 256 : i32
      %mul3A_768 = arith.muli %squeeze3A_766, %mul3A_767 : i32
      %dma_start3A_769 = arith.constant 13824 : i32
      %dma_start3A_770 = tpu.memref_slice %arg13[%dma_start3A_769] : memref<82176xf32, #tpu.memory_space<vmem>> -> memref<256xf32, #tpu.memory_space<vmem>>
      %dma_start3A_771 = tpu.memref_slice %arg5[%mul3A_768] : memref<25600000xf32, #tpu.memory_space<hbm>> -> memref<256xf32, #tpu.memory_space<hbm>>
      %dma_start3A_772 = arith.constant 13824 : i32
      %dma_start3A_773 = tpu.memref_slice %arg13[%dma_start3A_772] : memref<82176xf32, #tpu.memory_space<vmem>> -> memref<256xf32, #tpu.memory_space<vmem>>
      %dma_start3A_774 = tpu.memref_slice %arg5[%mul3A_768] : memref<25600000xf32, #tpu.memory_space<hbm>> -> memref<256xf32, #tpu.memory_space<hbm>>
      tpu.enqueue_dma source(%dma_start3A_774 : memref<256xf32, #tpu.memory_space<hbm>>) target(%dma_start3A_773 : memref<256xf32, #tpu.memory_space<vmem>>) target_semaphore(%arg15 : memref<!tpu.dma_semaphore, #tpu.memory_space<semaphore_mem>>)
      %slice3A_775 = vector.extract_strided_slice %select_n3A_690 {offsets = [7], sizes = [1], strides = [1]} : vector<16xi32> to vector<1xi32>
      %squeeze3A_776 = vector.extract %slice3A_775[0] : i32 from vector<1xi32>
      %mul3A_777 = arith.constant 256 : i32
      %mul3A_778 = arith.muli %squeeze3A_776, %mul3A_777 : i32
      %dma_start3A_779 = arith.constant 14080 : i32
      %dma_start3A_780 = tpu.memref_slice %arg13[%dma_start3A_779] : memref<82176xf32, #tpu.memory_space<vmem>> -> memref<256xf32, #tpu.memory_space<vmem>>
      %dma_start3A_781 = tpu.memref_slice %arg5[%mul3A_778] : memref<25600000xf32, #tpu.memory_space<hbm>> -> memref<256xf32, #tpu.memory_space<hbm>>
      %dma_start3A_782 = arith.constant 14080 : i32
      %dma_start3A_783 = tpu.memref_slice %arg13[%dma_start3A_782] : memref<82176xf32, #tpu.memory_space<vmem>> -> memref<256xf32, #tpu.memory_space<vmem>>
      %dma_start3A_784 = tpu.memref_slice %arg5[%mul3A_778] : memref<25600000xf32, #tpu.memory_space<hbm>> -> memref<256xf32, #tpu.memory_space<hbm>>
      tpu.enqueue_dma source(%dma_start3A_784 : memref<256xf32, #tpu.memory_space<hbm>>) target(%dma_start3A_783 : memref<256xf32, #tpu.memory_space<vmem>>) target_semaphore(%arg15 : memref<!tpu.dma_semaphore, #tpu.memory_space<semaphore_mem>>)
      %slice3A_785 = vector.extract_strided_slice %select_n3A_690 {offsets = [8], sizes = [1], strides = [1]} : vector<16xi32> to vector<1xi32>
      %squeeze3A_786 = vector.extract %slice3A_785[0] : i32 from vector<1xi32>
      %mul3A_787 = arith.constant 256 : i32
      %mul3A_788 = arith.muli %squeeze3A_786, %mul3A_787 : i32
      %dma_start3A_789 = arith.constant 14336 : i32
      %dma_start3A_790 = tpu.memref_slice %arg13[%dma_start3A_789] : memref<82176xf32, #tpu.memory_space<vmem>> -> memref<256xf32, #tpu.memory_space<vmem>>
      %dma_start3A_791 = tpu.memref_slice %arg5[%mul3A_788] : memref<25600000xf32, #tpu.memory_space<hbm>> -> memref<256xf32, #tpu.memory_space<hbm>>
      %dma_start3A_792 = arith.constant 14336 : i32
      %dma_start3A_793 = tpu.memref_slice %arg13[%dma_start3A_792] : memref<82176xf32, #tpu.memory_space<vmem>> -> memref<256xf32, #tpu.memory_space<vmem>>
      %dma_start3A_794 = tpu.memref_slice %arg5[%mul3A_788] : memref<25600000xf32, #tpu.memory_space<hbm>> -> memref<256xf32, #tpu.memory_space<hbm>>
      tpu.enqueue_dma source(%dma_start3A_794 : memref<256xf32, #tpu.memory_space<hbm>>) target(%dma_start3A_793 : memref<256xf32, #tpu.memory_space<vmem>>) target_semaphore(%arg15 : memref<!tpu.dma_semaphore, #tpu.memory_space<semaphore_mem>>)
      %slice3A_795 = vector.extract_strided_slice %select_n3A_690 {offsets = [9], sizes = [1], strides = [1]} : vector<16xi32> to vector<1xi32>
      %squeeze3A_796 = vector.extract %slice3A_795[0] : i32 from vector<1xi32>
      %mul3A_797 = arith.constant 256 : i32
      %mul3A_798 = arith.muli %squeeze3A_796, %mul3A_797 : i32
      %dma_start3A_799 = arith.constant 14592 : i32
      %dma_start3A_800 = tpu.memref_slice %arg13[%dma_start3A_799] : memref<82176xf32, #tpu.memory_space<vmem>> -> memref<256xf32, #tpu.memory_space<vmem>>
      %dma_start3A_801 = tpu.memref_slice %arg5[%mul3A_798] : memref<25600000xf32, #tpu.memory_space<hbm>> -> memref<256xf32, #tpu.memory_space<hbm>>
      %dma_start3A_802 = arith.constant 14592 : i32
      %dma_start3A_803 = tpu.memref_slice %arg13[%dma_start3A_802] : memref<82176xf32, #tpu.memory_space<vmem>> -> memref<256xf32, #tpu.memory_space<vmem>>
      %dma_start3A_804 = tpu.memref_slice %arg5[%mul3A_798] : memref<25600000xf32, #tpu.memory_space<hbm>> -> memref<256xf32, #tpu.memory_space<hbm>>
      tpu.enqueue_dma source(%dma_start3A_804 : memref<256xf32, #tpu.memory_space<hbm>>) target(%dma_start3A_803 : memref<256xf32, #tpu.memory_space<vmem>>) target_semaphore(%arg15 : memref<!tpu.dma_semaphore, #tpu.memory_space<semaphore_mem>>)
      %slice3A_805 = vector.extract_strided_slice %select_n3A_690 {offsets = [10], sizes = [1], strides = [1]} : vector<16xi32> to vector<1xi32>
      %squeeze3A_806 = vector.extract %slice3A_805[0] : i32 from vector<1xi32>
      %mul3A_807 = arith.constant 256 : i32
      %mul3A_808 = arith.muli %squeeze3A_806, %mul3A_807 : i32
      %dma_start3A_809 = arith.constant 14848 : i32
      %dma_start3A_810 = tpu.memref_slice %arg13[%dma_start3A_809] : memref<82176xf32, #tpu.memory_space<vmem>> -> memref<256xf32, #tpu.memory_space<vmem>>
      %dma_start3A_811 = tpu.memref_slice %arg5[%mul3A_808] : memref<25600000xf32, #tpu.memory_space<hbm>> -> memref<256xf32, #tpu.memory_space<hbm>>
      %dma_start3A_812 = arith.constant 14848 : i32
      %dma_start3A_813 = tpu.memref_slice %arg13[%dma_start3A_812] : memref<82176xf32, #tpu.memory_space<vmem>> -> memref<256xf32, #tpu.memory_space<vmem>>
      %dma_start3A_814 = tpu.memref_slice %arg5[%mul3A_808] : memref<25600000xf32, #tpu.memory_space<hbm>> -> memref<256xf32, #tpu.memory_space<hbm>>
      tpu.enqueue_dma source(%dma_start3A_814 : memref<256xf32, #tpu.memory_space<hbm>>) target(%dma_start3A_813 : memref<256xf32, #tpu.memory_space<vmem>>) target_semaphore(%arg15 : memref<!tpu.dma_semaphore, #tpu.memory_space<semaphore_mem>>)
      %slice3A_815 = vector.extract_strided_slice %select_n3A_690 {offsets = [11], sizes = [1], strides = [1]} : vector<16xi32> to vector<1xi32>
      %squeeze3A_816 = vector.extract %slice3A_815[0] : i32 from vector<1xi32>
      %mul3A_817 = arith.constant 256 : i32
      %mul3A_818 = arith.muli %squeeze3A_816, %mul3A_817 : i32
      %dma_start3A_819 = arith.constant 15104 : i32
      %dma_start3A_820 = tpu.memref_slice %arg13[%dma_start3A_819] : memref<82176xf32, #tpu.memory_space<vmem>> -> memref<256xf32, #tpu.memory_space<vmem>>
      %dma_start3A_821 = tpu.memref_slice %arg5[%mul3A_818] : memref<25600000xf32, #tpu.memory_space<hbm>> -> memref<256xf32, #tpu.memory_space<hbm>>
      %dma_start3A_822 = arith.constant 15104 : i32
      %dma_start3A_823 = tpu.memref_slice %arg13[%dma_start3A_822] : memref<82176xf32, #tpu.memory_space<vmem>> -> memref<256xf32, #tpu.memory_space<vmem>>
      %dma_start3A_824 = tpu.memref_slice %arg5[%mul3A_818] : memref<25600000xf32, #tpu.memory_space<hbm>> -> memref<256xf32, #tpu.memory_space<hbm>>
      tpu.enqueue_dma source(%dma_start3A_824 : memref<256xf32, #tpu.memory_space<hbm>>) target(%dma_start3A_823 : memref<256xf32, #tpu.memory_space<vmem>>) target_semaphore(%arg15 : memref<!tpu.dma_semaphore, #tpu.memory_space<semaphore_mem>>)
      %slice3A_825 = vector.extract_strided_slice %select_n3A_690 {offsets = [12], sizes = [1], strides = [1]} : vector<16xi32> to vector<1xi32>
      %squeeze3A_826 = vector.extract %slice3A_825[0] : i32 from vector<1xi32>
      %mul3A_827 = arith.constant 256 : i32
      %mul3A_828 = arith.muli %squeeze3A_826, %mul3A_827 : i32
      %dma_start3A_829 = arith.constant 15360 : i32
      %dma_start3A_830 = tpu.memref_slice %arg13[%dma_start3A_829] : memref<82176xf32, #tpu.memory_space<vmem>> -> memref<256xf32, #tpu.memory_space<vmem>>
      %dma_start3A_831 = tpu.memref_slice %arg5[%mul3A_828] : memref<25600000xf32, #tpu.memory_space<hbm>> -> memref<256xf32, #tpu.memory_space<hbm>>
      %dma_start3A_832 = arith.constant 15360 : i32
      %dma_start3A_833 = tpu.memref_slice %arg13[%dma_start3A_832] : memref<82176xf32, #tpu.memory_space<vmem>> -> memref<256xf32, #tpu.memory_space<vmem>>
      %dma_start3A_834 = tpu.memref_slice %arg5[%mul3A_828] : memref<25600000xf32, #tpu.memory_space<hbm>> -> memref<256xf32, #tpu.memory_space<hbm>>
      tpu.enqueue_dma source(%dma_start3A_834 : memref<256xf32, #tpu.memory_space<hbm>>) target(%dma_start3A_833 : memref<256xf32, #tpu.memory_space<vmem>>) target_semaphore(%arg15 : memref<!tpu.dma_semaphore, #tpu.memory_space<semaphore_mem>>)
      %slice3A_835 = vector.extract_strided_slice %select_n3A_690 {offsets = [13], sizes = [1], strides = [1]} : vector<16xi32> to vector<1xi32>
      %squeeze3A_836 = vector.extract %slice3A_835[0] : i32 from vector<1xi32>
      %mul3A_837 = arith.constant 256 : i32
      %mul3A_838 = arith.muli %squeeze3A_836, %mul3A_837 : i32
      %dma_start3A_839 = arith.constant 15616 : i32
      %dma_start3A_840 = tpu.memref_slice %arg13[%dma_start3A_839] : memref<82176xf32, #tpu.memory_space<vmem>> -> memref<256xf32, #tpu.memory_space<vmem>>
      %dma_start3A_841 = tpu.memref_slice %arg5[%mul3A_838] : memref<25600000xf32, #tpu.memory_space<hbm>> -> memref<256xf32, #tpu.memory_space<hbm>>
      %dma_start3A_842 = arith.constant 15616 : i32
      %dma_start3A_843 = tpu.memref_slice %arg13[%dma_start3A_842] : memref<82176xf32, #tpu.memory_space<vmem>> -> memref<256xf32, #tpu.memory_space<vmem>>
      %dma_start3A_844 = tpu.memref_slice %arg5[%mul3A_838] : memref<25600000xf32, #tpu.memory_space<hbm>> -> memref<256xf32, #tpu.memory_space<hbm>>
      tpu.enqueue_dma source(%dma_start3A_844 : memref<256xf32, #tpu.memory_space<hbm>>) target(%dma_start3A_843 : memref<256xf32, #tpu.memory_space<vmem>>) target_semaphore(%arg15 : memref<!tpu.dma_semaphore, #tpu.memory_space<semaphore_mem>>)
      %slice3A_845 = vector.extract_strided_slice %select_n3A_690 {offsets = [14], sizes = [1], strides = [1]} : vector<16xi32> to vector<1xi32>
      %squeeze3A_846 = vector.extract %slice3A_845[0] : i32 from vector<1xi32>
      %mul3A_847 = arith.constant 256 : i32
      %mul3A_848 = arith.muli %squeeze3A_846, %mul3A_847 : i32
      %dma_start3A_849 = arith.constant 15872 : i32
      %dma_start3A_850 = tpu.memref_slice %arg13[%dma_start3A_849] : memref<82176xf32, #tpu.memory_space<vmem>> -> memref<256xf32, #tpu.memory_space<vmem>>
      %dma_start3A_851 = tpu.memref_slice %arg5[%mul3A_848] : memref<25600000xf32, #tpu.memory_space<hbm>> -> memref<256xf32, #tpu.memory_space<hbm>>
      %dma_start3A_852 = arith.constant 15872 : i32
      %dma_start3A_853 = tpu.memref_slice %arg13[%dma_start3A_852] : memref<82176xf32, #tpu.memory_space<vmem>> -> memref<256xf32, #tpu.memory_space<vmem>>
      %dma_start3A_854 = tpu.memref_slice %arg5[%mul3A_848] : memref<25600000xf32, #tpu.memory_space<hbm>> -> memref<256xf32, #tpu.memory_space<hbm>>
      tpu.enqueue_dma source(%dma_start3A_854 : memref<256xf32, #tpu.memory_space<hbm>>) target(%dma_start3A_853 : memref<256xf32, #tpu.memory_space<vmem>>) target_semaphore(%arg15 : memref<!tpu.dma_semaphore, #tpu.memory_space<semaphore_mem>>)
      %slice3A_855 = vector.extract_strided_slice %select_n3A_690 {offsets = [15], sizes = [1], strides = [1]} : vector<16xi32> to vector<1xi32>
      %squeeze3A_856 = vector.extract %slice3A_855[0] : i32 from vector<1xi32>
      %mul3A_857 = arith.constant 256 : i32
      %mul3A_858 = arith.muli %squeeze3A_856, %mul3A_857 : i32
      %dma_start3A_859 = arith.constant 16128 : i32
      %dma_start3A_860 = tpu.memref_slice %arg13[%dma_start3A_859] : memref<82176xf32, #tpu.memory_space<vmem>> -> memref<256xf32, #tpu.memory_space<vmem>>
      %dma_start3A_861 = tpu.memref_slice %arg5[%mul3A_858] : memref<25600000xf32, #tpu.memory_space<hbm>> -> memref<256xf32, #tpu.memory_space<hbm>>
      %dma_start3A_862 = arith.constant 16128 : i32
      %dma_start3A_863 = tpu.memref_slice %arg13[%dma_start3A_862] : memref<82176xf32, #tpu.memory_space<vmem>> -> memref<256xf32, #tpu.memory_space<vmem>>
      %dma_start3A_864 = tpu.memref_slice %arg5[%mul3A_858] : memref<25600000xf32, #tpu.memory_space<hbm>> -> memref<256xf32, #tpu.memory_space<hbm>>
      tpu.enqueue_dma source(%dma_start3A_864 : memref<256xf32, #tpu.memory_space<hbm>>) target(%dma_start3A_863 : memref<256xf32, #tpu.memory_space<vmem>>) target_semaphore(%arg15 : memref<!tpu.dma_semaphore, #tpu.memory_space<semaphore_mem>>)
      %scan3A_865 = arith.constant 0 : i32
      %scan3A_866 = arith.constant 64 : i32
      %scan3A_867 = arith.addi %scan3A_865, %scan3A_866 : i32
      %scan3A_868 = arith.constant 1 : i32
      scf.for %scan3A_877 = %scan3A_865 to %scan3A_867 step %scan3A_868  : i32 {
        %mul3A_878 = arith.constant 1 : i32
        %mul3A_879 = arith.muli %scan3A_877, %mul3A_878 : i32
        %add3A_880 = arith.constant 0 : i32
        %add3A_881 = arith.addi %add3A_880, %mul3A_879 : i32
        %dma_wait3A = arith.constant 0 : i32
        %dma_wait3A_882 = tpu.memref_slice %arg13[%dma_wait3A] : memref<82176xf32, #tpu.memory_space<vmem>> -> memref<256xf32, #tpu.memory_space<vmem>>
        %dma_wait3A_883 = arith.constant 0 : i32
        %dma_wait3A_884 = tpu.memref_slice %arg5[%dma_wait3A_883] : memref<25600000xf32, #tpu.memory_space<hbm>> -> memref<256xf32, #tpu.memory_space<hbm>>
        %dma_wait3A_885 = arith.constant 0 : i32
        %dma_wait3A_886 = tpu.memref_slice %arg13[%dma_wait3A_885] : memref<82176xf32, #tpu.memory_space<vmem>> -> memref<256xf32, #tpu.memory_space<vmem>>
        %dma_wait3A_887 = arith.constant 0 : i32
        %dma_wait3A_888 = tpu.memref_slice %arg5[%dma_wait3A_887] : memref<25600000xf32, #tpu.memory_space<hbm>> -> memref<256xf32, #tpu.memory_space<hbm>>
        tpu.wait_dma2 semaphore(%arg15 : memref<!tpu.dma_semaphore, #tpu.memory_space<semaphore_mem>>) src(%dma_wait3A_888 : memref<256xf32, #tpu.memory_space<hbm>>) dst(%dma_wait3A_886 : memref<256xf32, #tpu.memory_space<vmem>>)
      }
      %scan3A_869 = arith.constant 64 : i32
      %scan3A_870 = arith.constant 0 : i32
      %scan3A_871 = arith.constant 4 : i32
      %scan3A_872 = arith.addi %scan3A_870, %scan3A_871 : i32
      %scan3A_873 = arith.constant 1 : i32
      scf.for %scan3A_877 = %scan3A_870 to %scan3A_872 step %scan3A_873  : i32 {
        %mul3A_878 = arith.constant 1 : i32
        %mul3A_879 = arith.muli %scan3A_877, %mul3A_878 : i32
        %add3A_880 = arith.constant 0 : i32
        %add3A_881 = arith.addi %add3A_880, %mul3A_879 : i32
        %mul3A_882 = arith.constant 16 : i32
        %mul3A_883 = arith.muli %add3A_881, %mul3A_882 : i32
        %get3A_884 = arith.index_cast %mul3A_883 : i32 to index
        %get3A_885 = tpu.vector_load %arg12[%get3A_884] {strides = array<i32>} : memref<64xi32, #tpu.memory_space<vmem>>, vector<16xi32>,
        %get3A_886 = vector.shape_cast %get3A_885 : vector<16xi32> to vector<16xi32>
        %mul3A_887 = arith.constant 2 : i32
        %mul3A_888 = arith.muli %add3A_881, %mul3A_887 : i32
        %add3A_889 = arith.constant 0 : i32
        %add3A_890 = arith.addi %mul3A_888, %add3A_889 : i32
        %slice3A_891 = vector.extract_strided_slice %get3A_886 {offsets = [0], sizes = [1], strides = [1]} : vector<16xi32> to vector<1xi32>
        %squeeze3A_892 = vector.extract %slice3A_891[0] : i32 from vector<1xi32>
        %mul3A_893 = arith.constant 256 : i32
        %mul3A_894 = arith.muli %squeeze3A_892, %mul3A_893 : i32
        %add3A_895 = arith.constant 0 : i32
        %add3A_896 = arith.addi %mul3A_894, %add3A_895 : i32
        %get3A_897 = arith.index_cast %add3A_896 : i32 to index
        %get3A_898 = tpu.vector_load %arg13[%get3A_897] {strides = array<i32>} : memref<82176xf32, #tpu.memory_space<vmem>>, vector<16xf32>,
        %get3A_899 = vector.shape_cast %get3A_898 : vector<16xf32> to vector<16xf32>
        %add3A_900 = arith.constant 16 : i32
        %add3A_901 = arith.addi %mul3A_894, %add3A_900 : i32
        %get3A_902 = arith.index_cast %add3A_901 : i32 to index
        %get3A_903 = tpu.vector_load %arg13[%get3A_902] {strides = array<i32>} : memref<82176xf32, #tpu.memory_space<vmem>>, vector<16xf32>,
        %get3A_904 = vector.shape_cast %get3A_903 : vector<16xf32> to vector<16xf32>
        %add3A_905 = arith.constant 32 : i32
        %add3A_906 = arith.addi %mul3A_894, %add3A_905 : i32
        %get3A_907 = arith.index_cast %add3A_906 : i32 to index
        %get3A_908 = tpu.vector_load %arg13[%get3A_907] {strides = array<i32>} : memref<82176xf32, #tpu.memory_space<vmem>>, vector<16xf32>,
        %get3A_909 = vector.shape_cast %get3A_908 : vector<16xf32> to vector<16xf32>
        %add3A_910 = arith.constant 48 : i32
        %add3A_911 = arith.addi %mul3A_894, %add3A_910 : i32
        %get3A_912 = arith.index_cast %add3A_911 : i32 to index
        %get3A_913 = tpu.vector_load %arg13[%get3A_912] {strides = array<i32>} : memref<82176xf32, #tpu.memory_space<vmem>>, vector<16xf32>,
        %get3A_914 = vector.shape_cast %get3A_913 : vector<16xf32> to vector<16xf32>
        %add3A_915 = arith.constant 64 : i32
        %add3A_916 = arith.addi %mul3A_894, %add3A_915 : i32
        %get3A_917 = arith.index_cast %add3A_916 : i32 to index
        %get3A_918 = tpu.vector_load %arg13[%get3A_917] {strides = array<i32>} : memref<82176xf32, #tpu.memory_space<vmem>>, vector<16xf32>,
        %get3A_919 = vector.shape_cast %get3A_918 : vector<16xf32> to vector<16xf32>
        %add3A_920 = arith.constant 80 : i32
        %add3A_921 = arith.addi %mul3A_894, %add3A_920 : i32
        %get3A_922 = arith.index_cast %add3A_921 : i32 to index
        %get3A_923 = tpu.vector_load %arg13[%get3A_922] {strides = array<i32>} : memref<82176xf32, #tpu.memory_space<vmem>>, vector<16xf32>,
        %get3A_924 = vector.shape_cast %get3A_923 : vector<16xf32> to vector<16xf32>
        %add3A_925 = arith.constant 96 : i32
        %add3A_926 = arith.addi %mul3A_894, %add3A_925 : i32
        %get3A_927 = arith.index_cast %add3A_926 : i32 to index
        %get3A_928 = tpu.vector_load %arg13[%get3A_927] {strides = array<i32>} : memref<82176xf32, #tpu.memory_space<vmem>>, vector<16xf32>,
        %get3A_929 = vector.shape_cast %get3A_928 : vector<16xf32> to vector<16xf32>
        %add3A_930 = arith.constant 112 : i32
        %add3A_931 = arith.addi %mul3A_894, %add3A_930 : i32
        %get3A_932 = arith.index_cast %add3A_931 : i32 to index
        %get3A_933 = tpu.vector_load %arg13[%get3A_932] {strides = array<i32>} : memref<82176xf32, #tpu.memory_space<vmem>>, vector<16xf32>,
        %get3A_934 = vector.shape_cast %get3A_933 : vector<16xf32> to vector<16xf32>
        %add3A_935 = arith.constant 128 : i32
        %add3A_936 = arith.addi %mul3A_894, %add3A_935 : i32
        %get3A_937 = arith.index_cast %add3A_936 : i32 to index
        %get3A_938 = tpu.vector_load %arg13[%get3A_937] {strides = array<i32>} : memref<82176xf32, #tpu.memory_space<vmem>>, vector<16xf32>,
        %get3A_939 = vector.shape_cast %get3A_938 : vector<16xf32> to vector<16xf32>
        %add3A_940 = arith.constant 144 : i32
        %add3A_941 = arith.addi %mul3A_894, %add3A_940 : i32
        %get3A_942 = arith.index_cast %add3A_941 : i32 to index
        %get3A_943 = tpu.vector_load %arg13[%get3A_942] {strides = array<i32>} : memref<82176xf32, #tpu.memory_space<vmem>>, vector<16xf32>,
        %get3A_944 = vector.shape_cast %get3A_943 : vector<16xf32> to vector<16xf32>
        %add3A_945 = arith.constant 160 : i32
        %add3A_946 = arith.addi %mul3A_894, %add3A_945 : i32
        %get3A_947 = arith.index_cast %add3A_946 : i32 to index
        %get3A_948 = tpu.vector_load %arg13[%get3A_947] {strides = array<i32>} : memref<82176xf32, #tpu.memory_space<vmem>>, vector<16xf32>,
        %get3A_949 = vector.shape_cast %get3A_948 : vector<16xf32> to vector<16xf32>
        %add3A_950 = arith.constant 176 : i32
        %add3A_951 = arith.addi %mul3A_894, %add3A_950 : i32
        %get3A_952 = arith.index_cast %add3A_951 : i32 to index
        %get3A_953 = tpu.vector_load %arg13[%get3A_952] {strides = array<i32>} : memref<82176xf32, #tpu.memory_space<vmem>>, vector<16xf32>,
        %get3A_954 = vector.shape_cast %get3A_953 : vector<16xf32> to vector<16xf32>
        %add3A_955 = arith.constant 192 : i32
        %add3A_956 = arith.addi %mul3A_894, %add3A_955 : i32
        %get3A_957 = arith.index_cast %add3A_956 : i32 to index
        %get3A_958 = tpu.vector_load %arg13[%get3A_957] {strides = array<i32>} : memref<82176xf32, #tpu.memory_space<vmem>>, vector<16xf32>,
        %get3A_959 = vector.shape_cast %get3A_958 : vector<16xf32> to vector<16xf32>
        %add3A_960 = arith.constant 208 : i32
        %add3A_961 = arith.addi %mul3A_894, %add3A_960 : i32
        %get3A_962 = arith.index_cast %add3A_961 : i32 to index
        %get3A_963 = tpu.vector_load %arg13[%get3A_962] {strides = array<i32>} : memref<82176xf32, #tpu.memory_space<vmem>>, vector<16xf32>,
        %get3A_964 = vector.shape_cast %get3A_963 : vector<16xf32> to vector<16xf32>
        %add3A_965 = arith.constant 224 : i32
        %add3A_966 = arith.addi %mul3A_894, %add3A_965 : i32
        %get3A_967 = arith.index_cast %add3A_966 : i32 to index
        %get3A_968 = tpu.vector_load %arg13[%get3A_967] {strides = array<i32>} : memref<82176xf32, #tpu.memory_space<vmem>>, vector<16xf32>,
        %get3A_969 = vector.shape_cast %get3A_968 : vector<16xf32> to vector<16xf32>
        %add3A_970 = arith.constant 240 : i32
        %add3A_971 = arith.addi %mul3A_894, %add3A_970 : i32
        %get3A_972 = arith.index_cast %add3A_971 : i32 to index
        %get3A_973 = tpu.vector_load %arg13[%get3A_972] {strides = array<i32>} : memref<82176xf32, #tpu.memory_space<vmem>>, vector<16xf32>,
        %get3A_974 = vector.shape_cast %get3A_973 : vector<16xf32> to vector<16xf32>
        %slice3A_975 = vector.extract_strided_slice %get3A_886 {offsets = [1], sizes = [1], strides = [1]} : vector<16xi32> to vector<1xi32>
        %squeeze3A_976 = vector.extract %slice3A_975[0] : i32 from vector<1xi32>
        %mul3A_977 = arith.constant 256 : i32
        %mul3A_978 = arith.muli %squeeze3A_976, %mul3A_977 : i32
        %add3A_979 = arith.constant 0 : i32
        %add3A_980 = arith.addi %mul3A_978, %add3A_979 : i32
        %get3A_981 = arith.index_cast %add3A_980 : i32 to index
        %get3A_982 = tpu.vector_load %arg13[%get3A_981] {strides = array<i32>} : memref<82176xf32, #tpu.memory_space<vmem>>, vector<16xf32>,
        %get3A_983 = vector.shape_cast %get3A_982 : vector<16xf32> to vector<16xf32>
        %add3A_984 = arith.addf %get3A_899, %get3A_983 : vector<16xf32>
        %add3A_985 = arith.constant 16 : i32
        %add3A_986 = arith.addi %mul3A_978, %add3A_985 : i32
        %get3A_987 = arith.index_cast %add3A_986 : i32 to index
        %get3A_988 = tpu.vector_load %arg13[%get3A_987] {strides = array<i32>} : memref<82176xf32, #tpu.memory_space<vmem>>, vector<16xf32>,
        %get3A_989 = vector.shape_cast %get3A_988 : vector<16xf32> to vector<16xf32>
        %add3A_990 = arith.addf %get3A_904, %get3A_989 : vector<16xf32>
        %add3A_991 = arith.constant 32 : i32
        %add3A_992 = arith.addi %mul3A_978, %add3A_991 : i32
        %get3A_993 = arith.index_cast %add3A_992 : i32 to index
        %get3A_994 = tpu.vector_load %arg13[%get3A_993] {strides = array<i32>} : memref<82176xf32, #tpu.memory_space<vmem>>, vector<16xf32>,
        %get3A_995 = vector.shape_cast %get3A_994 : vector<16xf32> to vector<16xf32>
        %add3A_996 = arith.addf %get3A_909, %get3A_995 : vector<16xf32>
        %add3A_997 = arith.constant 48 : i32
        %add3A_998 = arith.addi %mul3A_978, %add3A_997 : i32
        %get3A_999 = arith.index_cast %add3A_998 : i32 to index
        %get3A_1000 = tpu.vector_load %arg13[%get3A_999] {strides = array<i32>} : memref<82176xf32, #tpu.memory_space<vmem>>, vector<16xf32>,
        %get3A_1001 = vector.shape_cast %get3A_1000 : vector<16xf32> to vector<16xf32>
        %add3A_1002 = arith.addf %get3A_914, %get3A_1001 : vector<16xf32>
        %add3A_1003 = arith.constant 64 : i32
        %add3A_1004 = arith.addi %mul3A_978, %add3A_1003 : i32
        %get3A_1005 = arith.index_cast %add3A_1004 : i32 to index
        %get3A_1006 = tpu.vector_load %arg13[%get3A_1005] {strides = array<i32>} : memref<82176xf32, #tpu.memory_space<vmem>>, vector<16xf32>,
        %get3A_1007 = vector.shape_cast %get3A_1006 : vector<16xf32> to vector<16xf32>
        %add3A_1008 = arith.addf %get3A_919, %get3A_1007 : vector<16xf32>
        %add3A_1009 = arith.constant 80 : i32
        %add3A_1010 = arith.addi %mul3A_978, %add3A_1009 : i32
        %get3A_1011 = arith.index_cast %add3A_1010 : i32 to index
        %get3A_1012 = tpu.vector_load %arg13[%get3A_1011] {strides = array<i32>} : memref<82176xf32, #tpu.memory_space<vmem>>, vector<16xf32>,
        %get3A_1013 = vector.shape_cast %get3A_1012 : vector<16xf32> to vector<16xf32>
        %add3A_1014 = arith.addf %get3A_924, %get3A_1013 : vector<16xf32>
        %add3A_1015 = arith.constant 96 : i32
        %add3A_1016 = arith.addi %mul3A_978, %add3A_1015 : i32
        %get3A_1017 = arith.index_cast %add3A_1016 : i32 to index
        %get3A_1018 = tpu.vector_load %arg13[%get3A_1017] {strides = array<i32>} : memref<82176xf32, #tpu.memory_space<vmem>>, vector<16xf32>,
        %get3A_1019 = vector.shape_cast %get3A_1018 : vector<16xf32> to vector<16xf32>
        %add3A_1020 = arith.addf %get3A_929, %get3A_1019 : vector<16xf32>
        %add3A_1021 = arith.constant 112 : i32
        %add3A_1022 = arith.addi %mul3A_978, %add3A_1021 : i32
        %get3A_1023 = arith.index_cast %add3A_1022 : i32 to index
        %get3A_1024 = tpu.vector_load %arg13[%get3A_1023] {strides = array<i32>} : memref<82176xf32, #tpu.memory_space<vmem>>, vector<16xf32>,
        %get3A_1025 = vector.shape_cast %get3A_1024 : vector<16xf32> to vector<16xf32>
        %add3A_1026 = arith.addf %get3A_934, %get3A_1025 : vector<16xf32>
        %add3A_1027 = arith.constant 128 : i32
        %add3A_1028 = arith.addi %mul3A_978, %add3A_1027 : i32
        %get3A_1029 = arith.index_cast %add3A_1028 : i32 to index
        %get3A_1030 = tpu.vector_load %arg13[%get3A_1029] {strides = array<i32>} : memref<82176xf32, #tpu.memory_space<vmem>>, vector<16xf32>,
        %get3A_1031 = vector.shape_cast %get3A_1030 : vector<16xf32> to vector<16xf32>
        %add3A_1032 = arith.addf %get3A_939, %get3A_1031 : vector<16xf32>
        %add3A_1033 = arith.constant 144 : i32
        %add3A_1034 = arith.addi %mul3A_978, %add3A_1033 : i32
        %get3A_1035 = arith.index_cast %add3A_1034 : i32 to index
        %get3A_1036 = tpu.vector_load %arg13[%get3A_1035] {strides = array<i32>} : memref<82176xf32, #tpu.memory_space<vmem>>, vector<16xf32>,
        %get3A_1037 = vector.shape_cast %get3A_1036 : vector<16xf32> to vector<16xf32>
        %add3A_1038 = arith.addf %get3A_944, %get3A_1037 : vector<16xf32>
        %add3A_1039 = arith.constant 160 : i32
        %add3A_1040 = arith.addi %mul3A_978, %add3A_1039 : i32
        %get3A_1041 = arith.index_cast %add3A_1040 : i32 to index
        %get3A_1042 = tpu.vector_load %arg13[%get3A_1041] {strides = array<i32>} : memref<82176xf32, #tpu.memory_space<vmem>>, vector<16xf32>,
        %get3A_1043 = vector.shape_cast %get3A_1042 : vector<16xf32> to vector<16xf32>
        %add3A_1044 = arith.addf %get3A_949, %get3A_1043 : vector<16xf32>
        %add3A_1045 = arith.constant 176 : i32
        %add3A_1046 = arith.addi %mul3A_978, %add3A_1045 : i32
        %get3A_1047 = arith.index_cast %add3A_1046 : i32 to index
        %get3A_1048 = tpu.vector_load %arg13[%get3A_1047] {strides = array<i32>} : memref<82176xf32, #tpu.memory_space<vmem>>, vector<16xf32>,
        %get3A_1049 = vector.shape_cast %get3A_1048 : vector<16xf32> to vector<16xf32>
        %add3A_1050 = arith.addf %get3A_954, %get3A_1049 : vector<16xf32>
        %add3A_1051 = arith.constant 192 : i32
        %add3A_1052 = arith.addi %mul3A_978, %add3A_1051 : i32
        %get3A_1053 = arith.index_cast %add3A_1052 : i32 to index
        %get3A_1054 = tpu.vector_load %arg13[%get3A_1053] {strides = array<i32>} : memref<82176xf32, #tpu.memory_space<vmem>>, vector<16xf32>,
        %get3A_1055 = vector.shape_cast %get3A_1054 : vector<16xf32> to vector<16xf32>
        %add3A_1056 = arith.addf %get3A_959, %get3A_1055 : vector<16xf32>
        %add3A_1057 = arith.constant 208 : i32
        %add3A_1058 = arith.addi %mul3A_978, %add3A_1057 : i32
        %get3A_1059 = arith.index_cast %add3A_1058 : i32 to index
        %get3A_1060 = tpu.vector_load %arg13[%get3A_1059] {strides = array<i32>} : memref<82176xf32, #tpu.memory_space<vmem>>, vector<16xf32>,
        %get3A_1061 = vector.shape_cast %get3A_1060 : vector<16xf32> to vector<16xf32>
        %add3A_1062 = arith.addf %get3A_964, %get3A_1061 : vector<16xf32>
        %add3A_1063 = arith.constant 224 : i32
        %add3A_1064 = arith.addi %mul3A_978, %add3A_1063 : i32
        %get3A_1065 = arith.index_cast %add3A_1064 : i32 to index
        %get3A_1066 = tpu.vector_load %arg13[%get3A_1065] {strides = array<i32>} : memref<82176xf32, #tpu.memory_space<vmem>>, vector<16xf32>,
        %get3A_1067 = vector.shape_cast %get3A_1066 : vector<16xf32> to vector<16xf32>
        %add3A_1068 = arith.addf %get3A_969, %get3A_1067 : vector<16xf32>
        %add3A_1069 = arith.constant 240 : i32
        %add3A_1070 = arith.addi %mul3A_978, %add3A_1069 : i32
        %get3A_1071 = arith.index_cast %add3A_1070 : i32 to index
        %get3A_1072 = tpu.vector_load %arg13[%get3A_1071] {strides = array<i32>} : memref<82176xf32, #tpu.memory_space<vmem>>, vector<16xf32>,
        %get3A_1073 = vector.shape_cast %get3A_1072 : vector<16xf32> to vector<16xf32>
        %add3A_1074 = arith.addf %get3A_974, %get3A_1073 : vector<16xf32>
        %slice3A_1075 = vector.extract_strided_slice %get3A_886 {offsets = [2], sizes = [1], strides = [1]} : vector<16xi32> to vector<1xi32>
        %squeeze3A_1076 = vector.extract %slice3A_1075[0] : i32 from vector<1xi32>
        %mul3A_1077 = arith.constant 256 : i32
        %mul3A_1078 = arith.muli %squeeze3A_1076, %mul3A_1077 : i32
        %add3A_1079 = arith.constant 0 : i32
        %add3A_1080 = arith.addi %mul3A_1078, %add3A_1079 : i32
        %get3A_1081 = arith.index_cast %add3A_1080 : i32 to index
        %get3A_1082 = tpu.vector_load %arg13[%get3A_1081] {strides = array<i32>} : memref<82176xf32, #tpu.memory_space<vmem>>, vector<16xf32>,
        %get3A_1083 = vector.shape_cast %get3A_1082 : vector<16xf32> to vector<16xf32>
        %add3A_1084 = arith.addf %add3A_984, %get3A_1083 : vector<16xf32>
        %add3A_1085 = arith.constant 16 : i32
        %add3A_1086 = arith.addi %mul3A_1078, %add3A_1085 : i32
        %get3A_1087 = arith.index_cast %add3A_1086 : i32 to index
        %get3A_1088 = tpu.vector_load %arg13[%get3A_1087] {strides = array<i32>} : memref<82176xf32, #tpu.memory_space<vmem>>, vector<16xf32>,
        %get3A_1089 = vector.shape_cast %get3A_1088 : vector<16xf32> to vector<16xf32>
        %add3A_1090 = arith.addf %add3A_990, %get3A_1089 : vector<16xf32>
        %add3A_1091 = arith.constant 32 : i32
        %add3A_1092 = arith.addi %mul3A_1078, %add3A_1091 : i32
        %get3A_1093 = arith.index_cast %add3A_1092 : i32 to index
        %get3A_1094 = tpu.vector_load %arg13[%get3A_1093] {strides = array<i32>} : memref<82176xf32, #tpu.memory_space<vmem>>, vector<16xf32>,
        %get3A_1095 = vector.shape_cast %get3A_1094 : vector<16xf32> to vector<16xf32>
        %add3A_1096 = arith.addf %add3A_996, %get3A_1095 : vector<16xf32>
        %add3A_1097 = arith.constant 48 : i32
        %add3A_1098 = arith.addi %mul3A_1078, %add3A_1097 : i32
        %get3A_1099 = arith.index_cast %add3A_1098 : i32 to index
        %get3A_1100 = tpu.vector_load %arg13[%get3A_1099] {strides = array<i32>} : memref<82176xf32, #tpu.memory_space<vmem>>, vector<16xf32>,
        %get3A_1101 = vector.shape_cast %get3A_1100 : vector<16xf32> to vector<16xf32>
        %add3A_1102 = arith.addf %add3A_1002, %get3A_1101 : vector<16xf32>
        %add3A_1103 = arith.constant 64 : i32
        %add3A_1104 = arith.addi %mul3A_1078, %add3A_1103 : i32
        %get3A_1105 = arith.index_cast %add3A_1104 : i32 to index
        %get3A_1106 = tpu.vector_load %arg13[%get3A_1105] {strides = array<i32>} : memref<82176xf32, #tpu.memory_space<vmem>>, vector<16xf32>,
        %get3A_1107 = vector.shape_cast %get3A_1106 : vector<16xf32> to vector<16xf32>
        %add3A_1108 = arith.addf %add3A_1008, %get3A_1107 : vector<16xf32>
        %add3A_1109 = arith.constant 80 : i32
        %add3A_1110 = arith.addi %mul3A_1078, %add3A_1109 : i32
        %get3A_1111 = arith.index_cast %add3A_1110 : i32 to index
        %get3A_1112 = tpu.vector_load %arg13[%get3A_1111] {strides = array<i32>} : memref<82176xf32, #tpu.memory_space<vmem>>, vector<16xf32>,
        %get3A_1113 = vector.shape_cast %get3A_1112 : vector<16xf32> to vector<16xf32>
        %add3A_1114 = arith.addf %add3A_1014, %get3A_1113 : vector<16xf32>
        %add3A_1115 = arith.constant 96 : i32
        %add3A_1116 = arith.addi %mul3A_1078, %add3A_1115 : i32
        %get3A_1117 = arith.index_cast %add3A_1116 : i32 to index
        %get3A_1118 = tpu.vector_load %arg13[%get3A_1117] {strides = array<i32>} : memref<82176xf32, #tpu.memory_space<vmem>>, vector<16xf32>,
        %get3A_1119 = vector.shape_cast %get3A_1118 : vector<16xf32> to vector<16xf32>
        %add3A_1120 = arith.addf %add3A_1020, %get3A_1119 : vector<16xf32>
        %add3A_1121 = arith.constant 112 : i32
        %add3A_1122 = arith.addi %mul3A_1078, %add3A_1121 : i32
        %get3A_1123 = arith.index_cast %add3A_1122 : i32 to index
        %get3A_1124 = tpu.vector_load %arg13[%get3A_1123] {strides = array<i32>} : memref<82176xf32, #tpu.memory_space<vmem>>, vector<16xf32>,
        %get3A_1125 = vector.shape_cast %get3A_1124 : vector<16xf32> to vector<16xf32>
        %add3A_1126 = arith.addf %add3A_1026, %get3A_1125 : vector<16xf32>
        %add3A_1127 = arith.constant 128 : i32
        %add3A_1128 = arith.addi %mul3A_1078, %add3A_1127 : i32
        %get3A_1129 = arith.index_cast %add3A_1128 : i32 to index
        %get3A_1130 = tpu.vector_load %arg13[%get3A_1129] {strides = array<i32>} : memref<82176xf32, #tpu.memory_space<vmem>>, vector<16xf32>,
        %get3A_1131 = vector.shape_cast %get3A_1130 : vector<16xf32> to vector<16xf32>
        %add3A_1132 = arith.addf %add3A_1032, %get3A_1131 : vector<16xf32>
        %add3A_1133 = arith.constant 144 : i32
        %add3A_1134 = arith.addi %mul3A_1078, %add3A_1133 : i32
        %get3A_1135 = arith.index_cast %add3A_1134 : i32 to index
        %get3A_1136 = tpu.vector_load %arg13[%get3A_1135] {strides = array<i32>} : memref<82176xf32, #tpu.memory_space<vmem>>, vector<16xf32>,
        %get3A_1137 = vector.shape_cast %get3A_1136 : vector<16xf32> to vector<16xf32>
        %add3A_1138 = arith.addf %add3A_1038, %get3A_1137 : vector<16xf32>
        %add3A_1139 = arith.constant 160 : i32
        %add3A_1140 = arith.addi %mul3A_1078, %add3A_1139 : i32
        %get3A_1141 = arith.index_cast %add3A_1140 : i32 to index
        %get3A_1142 = tpu.vector_load %arg13[%get3A_1141] {strides = array<i32>} : memref<82176xf32, #tpu.memory_space<vmem>>, vector<16xf32>,
        %get3A_1143 = vector.shape_cast %get3A_1142 : vector<16xf32> to vector<16xf32>
        %add3A_1144 = arith.addf %add3A_1044, %get3A_1143 : vector<16xf32>
        %add3A_1145 = arith.constant 176 : i32
        %add3A_1146 = arith.addi %mul3A_1078, %add3A_1145 : i32
        %get3A_1147 = arith.index_cast %add3A_1146 : i32 to index
        %get3A_1148 = tpu.vector_load %arg13[%get3A_1147] {strides = array<i32>} : memref<82176xf32, #tpu.memory_space<vmem>>, vector<16xf32>,
        %get3A_1149 = vector.shape_cast %get3A_1148 : vector<16xf32> to vector<16xf32>
        %add3A_1150 = arith.addf %add3A_1050, %get3A_1149 : vector<16xf32>
        %add3A_1151 = arith.constant 192 : i32
        %add3A_1152 = arith.addi %mul3A_1078, %add3A_1151 : i32
        %get3A_1153 = arith.index_cast %add3A_1152 : i32 to index
        %get3A_1154 = tpu.vector_load %arg13[%get3A_1153] {strides = array<i32>} : memref<82176xf32, #tpu.memory_space<vmem>>, vector<16xf32>,
        %get3A_1155 = vector.shape_cast %get3A_1154 : vector<16xf32> to vector<16xf32>
        %add3A_1156 = arith.addf %add3A_1056, %get3A_1155 : vector<16xf32>
        %add3A_1157 = arith.constant 208 : i32
        %add3A_1158 = arith.addi %mul3A_1078, %add3A_1157 : i32
        %get3A_1159 = arith.index_cast %add3A_1158 : i32 to index
        %get3A_1160 = tpu.vector_load %arg13[%get3A_1159] {strides = array<i32>} : memref<82176xf32, #tpu.memory_space<vmem>>, vector<16xf32>,
        %get3A_1161 = vector.shape_cast %get3A_1160 : vector<16xf32> to vector<16xf32>
        %add3A_1162 = arith.addf %add3A_1062, %get3A_1161 : vector<16xf32>
        %add3A_1163 = arith.constant 224 : i32
        %add3A_1164 = arith.addi %mul3A_1078, %add3A_1163 : i32
        %get3A_1165 = arith.index_cast %add3A_1164 : i32 to index
        %get3A_1166 = tpu.vector_load %arg13[%get3A_1165] {strides = array<i32>} : memref<82176xf32, #tpu.memory_space<vmem>>, vector<16xf32>,
        %get3A_1167 = vector.shape_cast %get3A_1166 : vector<16xf32> to vector<16xf32>
        %add3A_1168 = arith.addf %add3A_1068, %get3A_1167 : vector<16xf32>
        %add3A_1169 = arith.constant 240 : i32
        %add3A_1170 = arith.addi %mul3A_1078, %add3A_1169 : i32
        %get3A_1171 = arith.index_cast %add3A_1170 : i32 to index
        %get3A_1172 = tpu.vector_load %arg13[%get3A_1171] {strides = array<i32>} : memref<82176xf32, #tpu.memory_space<vmem>>, vector<16xf32>,
        %get3A_1173 = vector.shape_cast %get3A_1172 : vector<16xf32> to vector<16xf32>
        %add3A_1174 = arith.addf %add3A_1074, %get3A_1173 : vector<16xf32>
        %slice3A_1175 = vector.extract_strided_slice %get3A_886 {offsets = [3], sizes = [1], strides = [1]} : vector<16xi32> to vector<1xi32>
        %squeeze3A_1176 = vector.extract %slice3A_1175[0] : i32 from vector<1xi32>
        %mul3A_1177 = arith.constant 256 : i32
        %mul3A_1178 = arith.muli %squeeze3A_1176, %mul3A_1177 : i32
        %add3A_1179 = arith.constant 0 : i32
        %add3A_1180 = arith.addi %mul3A_1178, %add3A_1179 : i32
        %get3A_1181 = arith.index_cast %add3A_1180 : i32 to index
        %get3A_1182 = tpu.vector_load %arg13[%get3A_1181] {strides = array<i32>} : memref<82176xf32, #tpu.memory_space<vmem>>, vector<16xf32>,
        %get3A_1183 = vector.shape_cast %get3A_1182 : vector<16xf32> to vector<16xf32>
        %add3A_1184 = arith.addf %add3A_1084, %get3A_1183 : vector<16xf32>
        %add3A_1185 = arith.constant 16 : i32
        %add3A_1186 = arith.addi %mul3A_1178, %add3A_1185 : i32
        %get3A_1187 = arith.index_cast %add3A_1186 : i32 to index
        %get3A_1188 = tpu.vector_load %arg13[%get3A_1187] {strides = array<i32>} : memref<82176xf32, #tpu.memory_space<vmem>>, vector<16xf32>,
        %get3A_1189 = vector.shape_cast %get3A_1188 : vector<16xf32> to vector<16xf32>
        %add3A_1190 = arith.addf %add3A_1090, %get3A_1189 : vector<16xf32>
        %add3A_1191 = arith.constant 32 : i32
        %add3A_1192 = arith.addi %mul3A_1178, %add3A_1191 : i32
        %get3A_1193 = arith.index_cast %add3A_1192 : i32 to index
        %get3A_1194 = tpu.vector_load %arg13[%get3A_1193] {strides = array<i32>} : memref<82176xf32, #tpu.memory_space<vmem>>, vector<16xf32>,
        %get3A_1195 = vector.shape_cast %get3A_1194 : vector<16xf32> to vector<16xf32>
        %add3A_1196 = arith.addf %add3A_1096, %get3A_1195 : vector<16xf32>
        %add3A_1197 = arith.constant 48 : i32
        %add3A_1198 = arith.addi %mul3A_1178, %add3A_1197 : i32
        %get3A_1199 = arith.index_cast %add3A_1198 : i32 to index
        %get3A_1200 = tpu.vector_load %arg13[%get3A_1199] {strides = array<i32>} : memref<82176xf32, #tpu.memory_space<vmem>>, vector<16xf32>,
        %get3A_1201 = vector.shape_cast %get3A_1200 : vector<16xf32> to vector<16xf32>
        %add3A_1202 = arith.addf %add3A_1102, %get3A_1201 : vector<16xf32>
        %add3A_1203 = arith.constant 64 : i32
        %add3A_1204 = arith.addi %mul3A_1178, %add3A_1203 : i32
        %get3A_1205 = arith.index_cast %add3A_1204 : i32 to index
        %get3A_1206 = tpu.vector_load %arg13[%get3A_1205] {strides = array<i32>} : memref<82176xf32, #tpu.memory_space<vmem>>, vector<16xf32>,
        %get3A_1207 = vector.shape_cast %get3A_1206 : vector<16xf32> to vector<16xf32>
        %add3A_1208 = arith.addf %add3A_1108, %get3A_1207 : vector<16xf32>
        %add3A_1209 = arith.constant 80 : i32
        %add3A_1210 = arith.addi %mul3A_1178, %add3A_1209 : i32
        %get3A_1211 = arith.index_cast %add3A_1210 : i32 to index
        %get3A_1212 = tpu.vector_load %arg13[%get3A_1211] {strides = array<i32>} : memref<82176xf32, #tpu.memory_space<vmem>>, vector<16xf32>,
        %get3A_1213 = vector.shape_cast %get3A_1212 : vector<16xf32> to vector<16xf32>
        %add3A_1214 = arith.addf %add3A_1114, %get3A_1213 : vector<16xf32>
        %add3A_1215 = arith.constant 96 : i32
        %add3A_1216 = arith.addi %mul3A_1178, %add3A_1215 : i32
        %get3A_1217 = arith.index_cast %add3A_1216 : i32 to index
        %get3A_1218 = tpu.vector_load %arg13[%get3A_1217] {strides = array<i32>} : memref<82176xf32, #tpu.memory_space<vmem>>, vector<16xf32>,
        %get3A_1219 = vector.shape_cast %get3A_1218 : vector<16xf32> to vector<16xf32>
        %add3A_1220 = arith.addf %add3A_1120, %get3A_1219 : vector<16xf32>
        %add3A_1221 = arith.constant 112 : i32
        %add3A_1222 = arith.addi %mul3A_1178, %add3A_1221 : i32
        %get3A_1223 = arith.index_cast %add3A_1222 : i32 to index
        %get3A_1224 = tpu.vector_load %arg13[%get3A_1223] {strides = array<i32>} : memref<82176xf32, #tpu.memory_space<vmem>>, vector<16xf32>,
        %get3A_1225 = vector.shape_cast %get3A_1224 : vector<16xf32> to vector<16xf32>
        %add3A_1226 = arith.addf %add3A_1126, %get3A_1225 : vector<16xf32>
        %add3A_1227 = arith.constant 128 : i32
        %add3A_1228 = arith.addi %mul3A_1178, %add3A_1227 : i32
        %get3A_1229 = arith.index_cast %add3A_1228 : i32 to index
        %get3A_1230 = tpu.vector_load %arg13[%get3A_1229] {strides = array<i32>} : memref<82176xf32, #tpu.memory_space<vmem>>, vector<16xf32>,
        %get3A_1231 = vector.shape_cast %get3A_1230 : vector<16xf32> to vector<16xf32>
        %add3A_1232 = arith.addf %add3A_1132, %get3A_1231 : vector<16xf32>
        %add3A_1233 = arith.constant 144 : i32
        %add3A_1234 = arith.addi %mul3A_1178, %add3A_1233 : i32
        %get3A_1235 = arith.index_cast %add3A_1234 : i32 to index
        %get3A_1236 = tpu.vector_load %arg13[%get3A_1235] {strides = array<i32>} : memref<82176xf32, #tpu.memory_space<vmem>>, vector<16xf32>,
        %get3A_1237 = vector.shape_cast %get3A_1236 : vector<16xf32> to vector<16xf32>
        %add3A_1238 = arith.addf %add3A_1138, %get3A_1237 : vector<16xf32>
        %add3A_1239 = arith.constant 160 : i32
        %add3A_1240 = arith.addi %mul3A_1178, %add3A_1239 : i32
        %get3A_1241 = arith.index_cast %add3A_1240 : i32 to index
        %get3A_1242 = tpu.vector_load %arg13[%get3A_1241] {strides = array<i32>} : memref<82176xf32, #tpu.memory_space<vmem>>, vector<16xf32>,
        %get3A_1243 = vector.shape_cast %get3A_1242 : vector<16xf32> to vector<16xf32>
        %add3A_1244 = arith.addf %add3A_1144, %get3A_1243 : vector<16xf32>
        %add3A_1245 = arith.constant 176 : i32
        %add3A_1246 = arith.addi %mul3A_1178, %add3A_1245 : i32
        %get3A_1247 = arith.index_cast %add3A_1246 : i32 to index
        %get3A_1248 = tpu.vector_load %arg13[%get3A_1247] {strides = array<i32>} : memref<82176xf32, #tpu.memory_space<vmem>>, vector<16xf32>,
        %get3A_1249 = vector.shape_cast %get3A_1248 : vector<16xf32> to vector<16xf32>
        %add3A_1250 = arith.addf %add3A_1150, %get3A_1249 : vector<16xf32>
        %add3A_1251 = arith.constant 192 : i32
        %add3A_1252 = arith.addi %mul3A_1178, %add3A_1251 : i32
        %get3A_1253 = arith.index_cast %add3A_1252 : i32 to index
        %get3A_1254 = tpu.vector_load %arg13[%get3A_1253] {strides = array<i32>} : memref<82176xf32, #tpu.memory_space<vmem>>, vector<16xf32>,
        %get3A_1255 = vector.shape_cast %get3A_1254 : vector<16xf32> to vector<16xf32>
        %add3A_1256 = arith.addf %add3A_1156, %get3A_1255 : vector<16xf32>
        %add3A_1257 = arith.constant 208 : i32
        %add3A_1258 = arith.addi %mul3A_1178, %add3A_1257 : i32
        %get3A_1259 = arith.index_cast %add3A_1258 : i32 to index
        %get3A_1260 = tpu.vector_load %arg13[%get3A_1259] {strides = array<i32>} : memref<82176xf32, #tpu.memory_space<vmem>>, vector<16xf32>,
        %get3A_1261 = vector.shape_cast %get3A_1260 : vector<16xf32> to vector<16xf32>
        %add3A_1262 = arith.addf %add3A_1162, %get3A_1261 : vector<16xf32>
        %add3A_1263 = arith.constant 224 : i32
        %add3A_1264 = arith.addi %mul3A_1178, %add3A_1263 : i32
        %get3A_1265 = arith.index_cast %add3A_1264 : i32 to index
        %get3A_1266 = tpu.vector_load %arg13[%get3A_1265] {strides = array<i32>} : memref<82176xf32, #tpu.memory_space<vmem>>, vector<16xf32>,
        %get3A_1267 = vector.shape_cast %get3A_1266 : vector<16xf32> to vector<16xf32>
        %add3A_1268 = arith.addf %add3A_1168, %get3A_1267 : vector<16xf32>
        %add3A_1269 = arith.constant 240 : i32
        %add3A_1270 = arith.addi %mul3A_1178, %add3A_1269 : i32
        %get3A_1271 = arith.index_cast %add3A_1270 : i32 to index
        %get3A_1272 = tpu.vector_load %arg13[%get3A_1271] {strides = array<i32>} : memref<82176xf32, #tpu.memory_space<vmem>>, vector<16xf32>,
        %get3A_1273 = vector.shape_cast %get3A_1272 : vector<16xf32> to vector<16xf32>
        %add3A_1274 = arith.addf %add3A_1174, %get3A_1273 : vector<16xf32>
        %slice3A_1275 = vector.extract_strided_slice %get3A_886 {offsets = [4], sizes = [1], strides = [1]} : vector<16xi32> to vector<1xi32>
        %squeeze3A_1276 = vector.extract %slice3A_1275[0] : i32 from vector<1xi32>
        %mul3A_1277 = arith.constant 256 : i32
        %mul3A_1278 = arith.muli %squeeze3A_1276, %mul3A_1277 : i32
        %add3A_1279 = arith.constant 0 : i32
        %add3A_1280 = arith.addi %mul3A_1278, %add3A_1279 : i32
        %get3A_1281 = arith.index_cast %add3A_1280 : i32 to index
        %get3A_1282 = tpu.vector_load %arg13[%get3A_1281] {strides = array<i32>} : memref<82176xf32, #tpu.memory_space<vmem>>, vector<16xf32>,
        %get3A_1283 = vector.shape_cast %get3A_1282 : vector<16xf32> to vector<16xf32>
        %add3A_1284 = arith.addf %add3A_1184, %get3A_1283 : vector<16xf32>
        %add3A_1285 = arith.constant 16 : i32
        %add3A_1286 = arith.addi %mul3A_1278, %add3A_1285 : i32
        %get3A_1287 = arith.index_cast %add3A_1286 : i32 to index
        %get3A_1288 = tpu.vector_load %arg13[%get3A_1287] {strides = array<i32>} : memref<82176xf32, #tpu.memory_space<vmem>>, vector<16xf32>,
        %get3A_1289 = vector.shape_cast %get3A_1288 : vector<16xf32> to vector<16xf32>
        %add3A_1290 = arith.addf %add3A_1190, %get3A_1289 : vector<16xf32>
        %add3A_1291 = arith.constant 32 : i32
        %add3A_1292 = arith.addi %mul3A_1278, %add3A_1291 : i32
        %get3A_1293 = arith.index_cast %add3A_1292 : i32 to index
        %get3A_1294 = tpu.vector_load %arg13[%get3A_1293] {strides = array<i32>} : memref<82176xf32, #tpu.memory_space<vmem>>, vector<16xf32>,
        %get3A_1295 = vector.shape_cast %get3A_1294 : vector<16xf32> to vector<16xf32>
        %add3A_1296 = arith.addf %add3A_1196, %get3A_1295 : vector<16xf32>
        %add3A_1297 = arith.constant 48 : i32
        %add3A_1298 = arith.addi %mul3A_1278, %add3A_1297 : i32
        %get3A_1299 = arith.index_cast %add3A_1298 : i32 to index
        %get3A_1300 = tpu.vector_load %arg13[%get3A_1299] {strides = array<i32>} : memref<82176xf32, #tpu.memory_space<vmem>>, vector<16xf32>,
        %get3A_1301 = vector.shape_cast %get3A_1300 : vector<16xf32> to vector<16xf32>
        %add3A_1302 = arith.addf %add3A_1202, %get3A_1301 : vector<16xf32>
        %add3A_1303 = arith.constant 64 : i32
        %add3A_1304 = arith.addi %mul3A_1278, %add3A_1303 : i32
        %get3A_1305 = arith.index_cast %add3A_1304 : i32 to index
        %get3A_1306 = tpu.vector_load %arg13[%get3A_1305] {strides = array<i32>} : memref<82176xf32, #tpu.memory_space<vmem>>, vector<16xf32>,
        %get3A_1307 = vector.shape_cast %get3A_1306 : vector<16xf32> to vector<16xf32>
        %add3A_1308 = arith.addf %add3A_1208, %get3A_1307 : vector<16xf32>
        %add3A_1309 = arith.constant 80 : i32
        %add3A_1310 = arith.addi %mul3A_1278, %add3A_1309 : i32
        %get3A_1311 = arith.index_cast %add3A_1310 : i32 to index
        %get3A_1312 = tpu.vector_load %arg13[%get3A_1311] {strides = array<i32>} : memref<82176xf32, #tpu.memory_space<vmem>>, vector<16xf32>,
        %get3A_1313 = vector.shape_cast %get3A_1312 : vector<16xf32> to vector<16xf32>
        %add3A_1314 = arith.addf %add3A_1214, %get3A_1313 : vector<16xf32>
        %add3A_1315 = arith.constant 96 : i32
        %add3A_1316 = arith.addi %mul3A_1278, %add3A_1315 : i32
        %get3A_1317 = arith.index_cast %add3A_1316 : i32 to index
        %get3A_1318 = tpu.vector_load %arg13[%get3A_1317] {strides = array<i32>} : memref<82176xf32, #tpu.memory_space<vmem>>, vector<16xf32>,
        %get3A_1319 = vector.shape_cast %get3A_1318 : vector<16xf32> to vector<16xf32>
        %add3A_1320 = arith.addf %add3A_1220, %get3A_1319 : vector<16xf32>
        %add3A_1321 = arith.constant 112 : i32
        %add3A_1322 = arith.addi %mul3A_1278, %add3A_1321 : i32
        %get3A_1323 = arith.index_cast %add3A_1322 : i32 to index
        %get3A_1324 = tpu.vector_load %arg13[%get3A_1323] {strides = array<i32>} : memref<82176xf32, #tpu.memory_space<vmem>>, vector<16xf32>,
        %get3A_1325 = vector.shape_cast %get3A_1324 : vector<16xf32> to vector<16xf32>
        %add3A_1326 = arith.addf %add3A_1226, %get3A_1325 : vector<16xf32>
        %add3A_1327 = arith.constant 128 : i32
        %add3A_1328 = arith.addi %mul3A_1278, %add3A_1327 : i32
        %get3A_1329 = arith.index_cast %add3A_1328 : i32 to index
        %get3A_1330 = tpu.vector_load %arg13[%get3A_1329] {strides = array<i32>} : memref<82176xf32, #tpu.memory_space<vmem>>, vector<16xf32>,
        %get3A_1331 = vector.shape_cast %get3A_1330 : vector<16xf32> to vector<16xf32>
        %add3A_1332 = arith.addf %add3A_1232, %get3A_1331 : vector<16xf32>
        %add3A_1333 = arith.constant 144 : i32
        %add3A_1334 = arith.addi %mul3A_1278, %add3A_1333 : i32
        %get3A_1335 = arith.index_cast %add3A_1334 : i32 to index
        %get3A_1336 = tpu.vector_load %arg13[%get3A_1335] {strides = array<i32>} : memref<82176xf32, #tpu.memory_space<vmem>>, vector<16xf32>,
        %get3A_1337 = vector.shape_cast %get3A_1336 : vector<16xf32> to vector<16xf32>
        %add3A_1338 = arith.addf %add3A_1238, %get3A_1337 : vector<16xf32>
        %add3A_1339 = arith.constant 160 : i32
        %add3A_1340 = arith.addi %mul3A_1278, %add3A_1339 : i32
        %get3A_1341 = arith.index_cast %add3A_1340 : i32 to index
        %get3A_1342 = tpu.vector_load %arg13[%get3A_1341] {strides = array<i32>} : memref<82176xf32, #tpu.memory_space<vmem>>, vector<16xf32>,
        %get3A_1343 = vector.shape_cast %get3A_1342 : vector<16xf32> to vector<16xf32>
        %add3A_1344 = arith.addf %add3A_1244, %get3A_1343 : vector<16xf32>
        %add3A_1345 = arith.constant 176 : i32
        %add3A_1346 = arith.addi %mul3A_1278, %add3A_1345 : i32
        %get3A_1347 = arith.index_cast %add3A_1346 : i32 to index
        %get3A_1348 = tpu.vector_load %arg13[%get3A_1347] {strides = array<i32>} : memref<82176xf32, #tpu.memory_space<vmem>>, vector<16xf32>,
        %get3A_1349 = vector.shape_cast %get3A_1348 : vector<16xf32> to vector<16xf32>
        %add3A_1350 = arith.addf %add3A_1250, %get3A_1349 : vector<16xf32>
        %add3A_1351 = arith.constant 192 : i32
        %add3A_1352 = arith.addi %mul3A_1278, %add3A_1351 : i32
        %get3A_1353 = arith.index_cast %add3A_1352 : i32 to index
        %get3A_1354 = tpu.vector_load %arg13[%get3A_1353] {strides = array<i32>} : memref<82176xf32, #tpu.memory_space<vmem>>, vector<16xf32>,
        %get3A_1355 = vector.shape_cast %get3A_1354 : vector<16xf32> to vector<16xf32>
        %add3A_1356 = arith.addf %add3A_1256, %get3A_1355 : vector<16xf32>
        %add3A_1357 = arith.constant 208 : i32
        %add3A_1358 = arith.addi %mul3A_1278, %add3A_1357 : i32
        %get3A_1359 = arith.index_cast %add3A_1358 : i32 to index
        %get3A_1360 = tpu.vector_load %arg13[%get3A_1359] {strides = array<i32>} : memref<82176xf32, #tpu.memory_space<vmem>>, vector<16xf32>,
        %get3A_1361 = vector.shape_cast %get3A_1360 : vector<16xf32> to vector<16xf32>
        %add3A_1362 = arith.addf %add3A_1262, %get3A_1361 : vector<16xf32>
        %add3A_1363 = arith.constant 224 : i32
        %add3A_1364 = arith.addi %mul3A_1278, %add3A_1363 : i32
        %get3A_1365 = arith.index_cast %add3A_1364 : i32 to index
        %get3A_1366 = tpu.vector_load %arg13[%get3A_1365] {strides = array<i32>} : memref<82176xf32, #tpu.memory_space<vmem>>, vector<16xf32>,
        %get3A_1367 = vector.shape_cast %get3A_1366 : vector<16xf32> to vector<16xf32>
        %add3A_1368 = arith.addf %add3A_1268, %get3A_1367 : vector<16xf32>
        %add3A_1369 = arith.constant 240 : i32
        %add3A_1370 = arith.addi %mul3A_1278, %add3A_1369 : i32
        %get3A_1371 = arith.index_cast %add3A_1370 : i32 to index
        %get3A_1372 = tpu.vector_load %arg13[%get3A_1371] {strides = array<i32>} : memref<82176xf32, #tpu.memory_space<vmem>>, vector<16xf32>,
        %get3A_1373 = vector.shape_cast %get3A_1372 : vector<16xf32> to vector<16xf32>
        %add3A_1374 = arith.addf %add3A_1274, %get3A_1373 : vector<16xf32>
        %slice3A_1375 = vector.extract_strided_slice %get3A_886 {offsets = [5], sizes = [1], strides = [1]} : vector<16xi32> to vector<1xi32>
        %squeeze3A_1376 = vector.extract %slice3A_1375[0] : i32 from vector<1xi32>
        %mul3A_1377 = arith.constant 256 : i32
        %mul3A_1378 = arith.muli %squeeze3A_1376, %mul3A_1377 : i32
        %add3A_1379 = arith.constant 0 : i32
        %add3A_1380 = arith.addi %mul3A_1378, %add3A_1379 : i32
        %get3A_1381 = arith.index_cast %add3A_1380 : i32 to index
        %get3A_1382 = tpu.vector_load %arg13[%get3A_1381] {strides = array<i32>} : memref<82176xf32, #tpu.memory_space<vmem>>, vector<16xf32>,
        %get3A_1383 = vector.shape_cast %get3A_1382 : vector<16xf32> to vector<16xf32>
        %add3A_1384 = arith.addf %add3A_1284, %get3A_1383 : vector<16xf32>
        %add3A_1385 = arith.constant 16 : i32
        %add3A_1386 = arith.addi %mul3A_1378, %add3A_1385 : i32
        %get3A_1387 = arith.index_cast %add3A_1386 : i32 to index
        %get3A_1388 = tpu.vector_load %arg13[%get3A_1387] {strides = array<i32>} : memref<82176xf32, #tpu.memory_space<vmem>>, vector<16xf32>,
        %get3A_1389 = vector.shape_cast %get3A_1388 : vector<16xf32> to vector<16xf32>
        %add3A_1390 = arith.addf %add3A_1290, %get3A_1389 : vector<16xf32>
        %add3A_1391 = arith.constant 32 : i32
        %add3A_1392 = arith.addi %mul3A_1378, %add3A_1391 : i32
        %get3A_1393 = arith.index_cast %add3A_1392 : i32 to index
        %get3A_1394 = tpu.vector_load %arg13[%get3A_1393] {strides = array<i32>} : memref<82176xf32, #tpu.memory_space<vmem>>, vector<16xf32>,
        %get3A_1395 = vector.shape_cast %get3A_1394 : vector<16xf32> to vector<16xf32>
        %add3A_1396 = arith.addf %add3A_1296, %get3A_1395 : vector<16xf32>
        %add3A_1397 = arith.constant 48 : i32
        %add3A_1398 = arith.addi %mul3A_1378, %add3A_1397 : i32
        %get3A_1399 = arith.index_cast %add3A_1398 : i32 to index
        %get3A_1400 = tpu.vector_load %arg13[%get3A_1399] {strides = array<i32>} : memref<82176xf32, #tpu.memory_space<vmem>>, vector<16xf32>,
        %get3A_1401 = vector.shape_cast %get3A_1400 : vector<16xf32> to vector<16xf32>
        %add3A_1402 = arith.addf %add3A_1302, %get3A_1401 : vector<16xf32>
        %add3A_1403 = arith.constant 64 : i32
        %add3A_1404 = arith.addi %mul3A_1378, %add3A_1403 : i32
        %get3A_1405 = arith.index_cast %add3A_1404 : i32 to index
        %get3A_1406 = tpu.vector_load %arg13[%get3A_1405] {strides = array<i32>} : memref<82176xf32, #tpu.memory_space<vmem>>, vector<16xf32>,
        %get3A_1407 = vector.shape_cast %get3A_1406 : vector<16xf32> to vector<16xf32>
        %add3A_1408 = arith.addf %add3A_1308, %get3A_1407 : vector<16xf32>
        %add3A_1409 = arith.constant 80 : i32
        %add3A_1410 = arith.addi %mul3A_1378, %add3A_1409 : i32
        %get3A_1411 = arith.index_cast %add3A_1410 : i32 to index
        %get3A_1412 = tpu.vector_load %arg13[%get3A_1411] {strides = array<i32>} : memref<82176xf32, #tpu.memory_space<vmem>>, vector<16xf32>,
        %get3A_1413 = vector.shape_cast %get3A_1412 : vector<16xf32> to vector<16xf32>
        %add3A_1414 = arith.addf %add3A_1314, %get3A_1413 : vector<16xf32>
        %add3A_1415 = arith.constant 96 : i32
        %add3A_1416 = arith.addi %mul3A_1378, %add3A_1415 : i32
        %get3A_1417 = arith.index_cast %add3A_1416 : i32 to index
        %get3A_1418 = tpu.vector_load %arg13[%get3A_1417] {strides = array<i32>} : memref<82176xf32, #tpu.memory_space<vmem>>, vector<16xf32>,
        %get3A_1419 = vector.shape_cast %get3A_1418 : vector<16xf32> to vector<16xf32>
        %add3A_1420 = arith.addf %add3A_1320, %get3A_1419 : vector<16xf32>
        %add3A_1421 = arith.constant 112 : i32
        %add3A_1422 = arith.addi %mul3A_1378, %add3A_1421 : i32
        %get3A_1423 = arith.index_cast %add3A_1422 : i32 to index
        %get3A_1424 = tpu.vector_load %arg13[%get3A_1423] {strides = array<i32>} : memref<82176xf32, #tpu.memory_space<vmem>>, vector<16xf32>,
        %get3A_1425 = vector.shape_cast %get3A_1424 : vector<16xf32> to vector<16xf32>
        %add3A_1426 = arith.addf %add3A_1326, %get3A_1425 : vector<16xf32>
        %add3A_1427 = arith.constant 128 : i32
        %add3A_1428 = arith.addi %mul3A_1378, %add3A_1427 : i32
        %get3A_1429 = arith.index_cast %add3A_1428 : i32 to index
        %get3A_1430 = tpu.vector_load %arg13[%get3A_1429] {strides = array<i32>} : memref<82176xf32, #tpu.memory_space<vmem>>, vector<16xf32>,
        %get3A_1431 = vector.shape_cast %get3A_1430 : vector<16xf32> to vector<16xf32>
        %add3A_1432 = arith.addf %add3A_1332, %get3A_1431 : vector<16xf32>
        %add3A_1433 = arith.constant 144 : i32
        %add3A_1434 = arith.addi %mul3A_1378, %add3A_1433 : i32
        %get3A_1435 = arith.index_cast %add3A_1434 : i32 to index
        %get3A_1436 = tpu.vector_load %arg13[%get3A_1435] {strides = array<i32>} : memref<82176xf32, #tpu.memory_space<vmem>>, vector<16xf32>,
        %get3A_1437 = vector.shape_cast %get3A_1436 : vector<16xf32> to vector<16xf32>
        %add3A_1438 = arith.addf %add3A_1338, %get3A_1437 : vector<16xf32>
        %add3A_1439 = arith.constant 160 : i32
        %add3A_1440 = arith.addi %mul3A_1378, %add3A_1439 : i32
        %get3A_1441 = arith.index_cast %add3A_1440 : i32 to index
        %get3A_1442 = tpu.vector_load %arg13[%get3A_1441] {strides = array<i32>} : memref<82176xf32, #tpu.memory_space<vmem>>, vector<16xf32>,
        %get3A_1443 = vector.shape_cast %get3A_1442 : vector<16xf32> to vector<16xf32>
        %add3A_1444 = arith.addf %add3A_1344, %get3A_1443 : vector<16xf32>
        %add3A_1445 = arith.constant 176 : i32
        %add3A_1446 = arith.addi %mul3A_1378, %add3A_1445 : i32
        %get3A_1447 = arith.index_cast %add3A_1446 : i32 to index
        %get3A_1448 = tpu.vector_load %arg13[%get3A_1447] {strides = array<i32>} : memref<82176xf32, #tpu.memory_space<vmem>>, vector<16xf32>,
        %get3A_1449 = vector.shape_cast %get3A_1448 : vector<16xf32> to vector<16xf32>
        %add3A_1450 = arith.addf %add3A_1350, %get3A_1449 : vector<16xf32>
        %add3A_1451 = arith.constant 192 : i32
        %add3A_1452 = arith.addi %mul3A_1378, %add3A_1451 : i32
        %get3A_1453 = arith.index_cast %add3A_1452 : i32 to index
        %get3A_1454 = tpu.vector_load %arg13[%get3A_1453] {strides = array<i32>} : memref<82176xf32, #tpu.memory_space<vmem>>, vector<16xf32>,
        %get3A_1455 = vector.shape_cast %get3A_1454 : vector<16xf32> to vector<16xf32>
        %add3A_1456 = arith.addf %add3A_1356, %get3A_1455 : vector<16xf32>
        %add3A_1457 = arith.constant 208 : i32
        %add3A_1458 = arith.addi %mul3A_1378, %add3A_1457 : i32
        %get3A_1459 = arith.index_cast %add3A_1458 : i32 to index
        %get3A_1460 = tpu.vector_load %arg13[%get3A_1459] {strides = array<i32>} : memref<82176xf32, #tpu.memory_space<vmem>>, vector<16xf32>,
        %get3A_1461 = vector.shape_cast %get3A_1460 : vector<16xf32> to vector<16xf32>
        %add3A_1462 = arith.addf %add3A_1362, %get3A_1461 : vector<16xf32>
        %add3A_1463 = arith.constant 224 : i32
        %add3A_1464 = arith.addi %mul3A_1378, %add3A_1463 : i32
        %get3A_1465 = arith.index_cast %add3A_1464 : i32 to index
        %get3A_1466 = tpu.vector_load %arg13[%get3A_1465] {strides = array<i32>} : memref<82176xf32, #tpu.memory_space<vmem>>, vector<16xf32>,
        %get3A_1467 = vector.shape_cast %get3A_1466 : vector<16xf32> to vector<16xf32>
        %add3A_1468 = arith.addf %add3A_1368, %get3A_1467 : vector<16xf32>
        %add3A_1469 = arith.constant 240 : i32
        %add3A_1470 = arith.addi %mul3A_1378, %add3A_1469 : i32
        %get3A_1471 = arith.index_cast %add3A_1470 : i32 to index
        %get3A_1472 = tpu.vector_load %arg13[%get3A_1471] {strides = array<i32>} : memref<82176xf32, #tpu.memory_space<vmem>>, vector<16xf32>,
        %get3A_1473 = vector.shape_cast %get3A_1472 : vector<16xf32> to vector<16xf32>
        %add3A_1474 = arith.addf %add3A_1374, %get3A_1473 : vector<16xf32>
        %slice3A_1475 = vector.extract_strided_slice %get3A_886 {offsets = [6], sizes = [1], strides = [1]} : vector<16xi32> to vector<1xi32>
        %squeeze3A_1476 = vector.extract %slice3A_1475[0] : i32 from vector<1xi32>
        %mul3A_1477 = arith.constant 256 : i32
        %mul3A_1478 = arith.muli %squeeze3A_1476, %mul3A_1477 : i32
        %add3A_1479 = arith.constant 0 : i32
        %add3A_1480 = arith.addi %mul3A_1478, %add3A_1479 : i32
        %get3A_1481 = arith.index_cast %add3A_1480 : i32 to index
        %get3A_1482 = tpu.vector_load %arg13[%get3A_1481] {strides = array<i32>} : memref<82176xf32, #tpu.memory_space<vmem>>, vector<16xf32>,
        %get3A_1483 = vector.shape_cast %get3A_1482 : vector<16xf32> to vector<16xf32>
        %add3A_1484 = arith.addf %add3A_1384, %get3A_1483 : vector<16xf32>
        %add3A_1485 = arith.constant 16 : i32
        %add3A_1486 = arith.addi %mul3A_1478, %add3A_1485 : i32
        %get3A_1487 = arith.index_cast %add3A_1486 : i32 to index
        %get3A_1488 = tpu.vector_load %arg13[%get3A_1487] {strides = array<i32>} : memref<82176xf32, #tpu.memory_space<vmem>>, vector<16xf32>,
        %get3A_1489 = vector.shape_cast %get3A_1488 : vector<16xf32> to vector<16xf32>
        %add3A_1490 = arith.addf %add3A_1390, %get3A_1489 : vector<16xf32>
        %add3A_1491 = arith.constant 32 : i32
        %add3A_1492 = arith.addi %mul3A_1478, %add3A_1491 : i32
        %get3A_1493 = arith.index_cast %add3A_1492 : i32 to index
        %get3A_1494 = tpu.vector_load %arg13[%get3A_1493] {strides = array<i32>} : memref<82176xf32, #tpu.memory_space<vmem>>, vector<16xf32>,
        %get3A_1495 = vector.shape_cast %get3A_1494 : vector<16xf32> to vector<16xf32>
        %add3A_1496 = arith.addf %add3A_1396, %get3A_1495 : vector<16xf32>
        %add3A_1497 = arith.constant 48 : i32
        %add3A_1498 = arith.addi %mul3A_1478, %add3A_1497 : i32
        %get3A_1499 = arith.index_cast %add3A_1498 : i32 to index
        %get3A_1500 = tpu.vector_load %arg13[%get3A_1499] {strides = array<i32>} : memref<82176xf32, #tpu.memory_space<vmem>>, vector<16xf32>,
        %get3A_1501 = vector.shape_cast %get3A_1500 : vector<16xf32> to vector<16xf32>
        %add3A_1502 = arith.addf %add3A_1402, %get3A_1501 : vector<16xf32>
        %add3A_1503 = arith.constant 64 : i32
        %add3A_1504 = arith.addi %mul3A_1478, %add3A_1503 : i32
        %get3A_1505 = arith.index_cast %add3A_1504 : i32 to index
        %get3A_1506 = tpu.vector_load %arg13[%get3A_1505] {strides = array<i32>} : memref<82176xf32, #tpu.memory_space<vmem>>, vector<16xf32>,
        %get3A_1507 = vector.shape_cast %get3A_1506 : vector<16xf32> to vector<16xf32>
        %add3A_1508 = arith.addf %add3A_1408, %get3A_1507 : vector<16xf32>
        %add3A_1509 = arith.constant 80 : i32
        %add3A_1510 = arith.addi %mul3A_1478, %add3A_1509 : i32
        %get3A_1511 = arith.index_cast %add3A_1510 : i32 to index
        %get3A_1512 = tpu.vector_load %arg13[%get3A_1511] {strides = array<i32>} : memref<82176xf32, #tpu.memory_space<vmem>>, vector<16xf32>,
        %get3A_1513 = vector.shape_cast %get3A_1512 : vector<16xf32> to vector<16xf32>
        %add3A_1514 = arith.addf %add3A_1414, %get3A_1513 : vector<16xf32>
        %add3A_1515 = arith.constant 96 : i32
        %add3A_1516 = arith.addi %mul3A_1478, %add3A_1515 : i32
        %get3A_1517 = arith.index_cast %add3A_1516 : i32 to index
        %get3A_1518 = tpu.vector_load %arg13[%get3A_1517] {strides = array<i32>} : memref<82176xf32, #tpu.memory_space<vmem>>, vector<16xf32>,
        %get3A_1519 = vector.shape_cast %get3A_1518 : vector<16xf32> to vector<16xf32>
        %add3A_1520 = arith.addf %add3A_1420, %get3A_1519 : vector<16xf32>
        %add3A_1521 = arith.constant 112 : i32
        %add3A_1522 = arith.addi %mul3A_1478, %add3A_1521 : i32
        %get3A_1523 = arith.index_cast %add3A_1522 : i32 to index
        %get3A_1524 = tpu.vector_load %arg13[%get3A_1523] {strides = array<i32>} : memref<82176xf32, #tpu.memory_space<vmem>>, vector<16xf32>,
        %get3A_1525 = vector.shape_cast %get3A_1524 : vector<16xf32> to vector<16xf32>
        %add3A_1526 = arith.addf %add3A_1426, %get3A_1525 : vector<16xf32>
        %add3A_1527 = arith.constant 128 : i32
        %add3A_1528 = arith.addi %mul3A_1478, %add3A_1527 : i32
        %get3A_1529 = arith.index_cast %add3A_1528 : i32 to index
        %get3A_1530 = tpu.vector_load %arg13[%get3A_1529] {strides = array<i32>} : memref<82176xf32, #tpu.memory_space<vmem>>, vector<16xf32>,
        %get3A_1531 = vector.shape_cast %get3A_1530 : vector<16xf32> to vector<16xf32>
        %add3A_1532 = arith.addf %add3A_1432, %get3A_1531 : vector<16xf32>
        %add3A_1533 = arith.constant 144 : i32
        %add3A_1534 = arith.addi %mul3A_1478, %add3A_1533 : i32
        %get3A_1535 = arith.index_cast %add3A_1534 : i32 to index
        %get3A_1536 = tpu.vector_load %arg13[%get3A_1535] {strides = array<i32>} : memref<82176xf32, #tpu.memory_space<vmem>>, vector<16xf32>,
        %get3A_1537 = vector.shape_cast %get3A_1536 : vector<16xf32> to vector<16xf32>
        %add3A_1538 = arith.addf %add3A_1438, %get3A_1537 : vector<16xf32>
        %add3A_1539 = arith.constant 160 : i32
        %add3A_1540 = arith.addi %mul3A_1478, %add3A_1539 : i32
        %get3A_1541 = arith.index_cast %add3A_1540 : i32 to index
        %get3A_1542 = tpu.vector_load %arg13[%get3A_1541] {strides = array<i32>} : memref<82176xf32, #tpu.memory_space<vmem>>, vector<16xf32>,
        %get3A_1543 = vector.shape_cast %get3A_1542 : vector<16xf32> to vector<16xf32>
        %add3A_1544 = arith.addf %add3A_1444, %get3A_1543 : vector<16xf32>
        %add3A_1545 = arith.constant 176 : i32
        %add3A_1546 = arith.addi %mul3A_1478, %add3A_1545 : i32
        %get3A_1547 = arith.index_cast %add3A_1546 : i32 to index
        %get3A_1548 = tpu.vector_load %arg13[%get3A_1547] {strides = array<i32>} : memref<82176xf32, #tpu.memory_space<vmem>>, vector<16xf32>,
        %get3A_1549 = vector.shape_cast %get3A_1548 : vector<16xf32> to vector<16xf32>
        %add3A_1550 = arith.addf %add3A_1450, %get3A_1549 : vector<16xf32>
        %add3A_1551 = arith.constant 192 : i32
        %add3A_1552 = arith.addi %mul3A_1478, %add3A_1551 : i32
        %get3A_1553 = arith.index_cast %add3A_1552 : i32 to index
        %get3A_1554 = tpu.vector_load %arg13[%get3A_1553] {strides = array<i32>} : memref<82176xf32, #tpu.memory_space<vmem>>, vector<16xf32>,
        %get3A_1555 = vector.shape_cast %get3A_1554 : vector<16xf32> to vector<16xf32>
        %add3A_1556 = arith.addf %add3A_1456, %get3A_1555 : vector<16xf32>
        %add3A_1557 = arith.constant 208 : i32
        %add3A_1558 = arith.addi %mul3A_1478, %add3A_1557 : i32
        %get3A_1559 = arith.index_cast %add3A_1558 : i32 to index
        %get3A_1560 = tpu.vector_load %arg13[%get3A_1559] {strides = array<i32>} : memref<82176xf32, #tpu.memory_space<vmem>>, vector<16xf32>,
        %get3A_1561 = vector.shape_cast %get3A_1560 : vector<16xf32> to vector<16xf32>
        %add3A_1562 = arith.addf %add3A_1462, %get3A_1561 : vector<16xf32>
        %add3A_1563 = arith.constant 224 : i32
        %add3A_1564 = arith.addi %mul3A_1478, %add3A_1563 : i32
        %get3A_1565 = arith.index_cast %add3A_1564 : i32 to index
        %get3A_1566 = tpu.vector_load %arg13[%get3A_1565] {strides = array<i32>} : memref<82176xf32, #tpu.memory_space<vmem>>, vector<16xf32>,
        %get3A_1567 = vector.shape_cast %get3A_1566 : vector<16xf32> to vector<16xf32>
        %add3A_1568 = arith.addf %add3A_1468, %get3A_1567 : vector<16xf32>
        %add3A_1569 = arith.constant 240 : i32
        %add3A_1570 = arith.addi %mul3A_1478, %add3A_1569 : i32
        %get3A_1571 = arith.index_cast %add3A_1570 : i32 to index
        %get3A_1572 = tpu.vector_load %arg13[%get3A_1571] {strides = array<i32>} : memref<82176xf32, #tpu.memory_space<vmem>>, vector<16xf32>,
        %get3A_1573 = vector.shape_cast %get3A_1572 : vector<16xf32> to vector<16xf32>
        %add3A_1574 = arith.addf %add3A_1474, %get3A_1573 : vector<16xf32>
        %slice3A_1575 = vector.extract_strided_slice %get3A_886 {offsets = [7], sizes = [1], strides = [1]} : vector<16xi32> to vector<1xi32>
        %squeeze3A_1576 = vector.extract %slice3A_1575[0] : i32 from vector<1xi32>
        %mul3A_1577 = arith.constant 256 : i32
        %mul3A_1578 = arith.muli %squeeze3A_1576, %mul3A_1577 : i32
        %add3A_1579 = arith.constant 0 : i32
        %add3A_1580 = arith.addi %mul3A_1578, %add3A_1579 : i32
        %get3A_1581 = arith.index_cast %add3A_1580 : i32 to index
        %get3A_1582 = tpu.vector_load %arg13[%get3A_1581] {strides = array<i32>} : memref<82176xf32, #tpu.memory_space<vmem>>, vector<16xf32>,
        %get3A_1583 = vector.shape_cast %get3A_1582 : vector<16xf32> to vector<16xf32>
        %add3A_1584 = arith.addf %add3A_1484, %get3A_1583 : vector<16xf32>
        %add3A_1585 = arith.constant 16 : i32
        %add3A_1586 = arith.addi %mul3A_1578, %add3A_1585 : i32
        %get3A_1587 = arith.index_cast %add3A_1586 : i32 to index
        %get3A_1588 = tpu.vector_load %arg13[%get3A_1587] {strides = array<i32>} : memref<82176xf32, #tpu.memory_space<vmem>>, vector<16xf32>,
        %get3A_1589 = vector.shape_cast %get3A_1588 : vector<16xf32> to vector<16xf32>
        %add3A_1590 = arith.addf %add3A_1490, %get3A_1589 : vector<16xf32>
        %add3A_1591 = arith.constant 32 : i32
        %add3A_1592 = arith.addi %mul3A_1578, %add3A_1591 : i32
        %get3A_1593 = arith.index_cast %add3A_1592 : i32 to index
        %get3A_1594 = tpu.vector_load %arg13[%get3A_1593] {strides = array<i32>} : memref<82176xf32, #tpu.memory_space<vmem>>, vector<16xf32>,
        %get3A_1595 = vector.shape_cast %get3A_1594 : vector<16xf32> to vector<16xf32>
        %add3A_1596 = arith.addf %add3A_1496, %get3A_1595 : vector<16xf32>
        %add3A_1597 = arith.constant 48 : i32
        %add3A_1598 = arith.addi %mul3A_1578, %add3A_1597 : i32
        %get3A_1599 = arith.index_cast %add3A_1598 : i32 to index
        %get3A_1600 = tpu.vector_load %arg13[%get3A_1599] {strides = array<i32>} : memref<82176xf32, #tpu.memory_space<vmem>>, vector<16xf32>,
        %get3A_1601 = vector.shape_cast %get3A_1600 : vector<16xf32> to vector<16xf32>
        %add3A_1602 = arith.addf %add3A_1502, %get3A_1601 : vector<16xf32>
        %add3A_1603 = arith.constant 64 : i32
        %add3A_1604 = arith.addi %mul3A_1578, %add3A_1603 : i32
        %get3A_1605 = arith.index_cast %add3A_1604 : i32 to index
        %get3A_1606 = tpu.vector_load %arg13[%get3A_1605] {strides = array<i32>} : memref<82176xf32, #tpu.memory_space<vmem>>, vector<16xf32>,
        %get3A_1607 = vector.shape_cast %get3A_1606 : vector<16xf32> to vector<16xf32>
        %add3A_1608 = arith.addf %add3A_1508, %get3A_1607 : vector<16xf32>
        %add3A_1609 = arith.constant 80 : i32
        %add3A_1610 = arith.addi %mul3A_1578, %add3A_1609 : i32
        %get3A_1611 = arith.index_cast %add3A_1610 : i32 to index
        %get3A_1612 = tpu.vector_load %arg13[%get3A_1611] {strides = array<i32>} : memref<82176xf32, #tpu.memory_space<vmem>>, vector<16xf32>,
        %get3A_1613 = vector.shape_cast %get3A_1612 : vector<16xf32> to vector<16xf32>
        %add3A_1614 = arith.addf %add3A_1514, %get3A_1613 : vector<16xf32>
        %add3A_1615 = arith.constant 96 : i32
        %add3A_1616 = arith.addi %mul3A_1578, %add3A_1615 : i32
        %get3A_1617 = arith.index_cast %add3A_1616 : i32 to index
        %get3A_1618 = tpu.vector_load %arg13[%get3A_1617] {strides = array<i32>} : memref<82176xf32, #tpu.memory_space<vmem>>, vector<16xf32>,
        %get3A_1619 = vector.shape_cast %get3A_1618 : vector<16xf32> to vector<16xf32>
        %add3A_1620 = arith.addf %add3A_1520, %get3A_1619 : vector<16xf32>
        %add3A_1621 = arith.constant 112 : i32
        %add3A_1622 = arith.addi %mul3A_1578, %add3A_1621 : i32
        %get3A_1623 = arith.index_cast %add3A_1622 : i32 to index
        %get3A_1624 = tpu.vector_load %arg13[%get3A_1623] {strides = array<i32>} : memref<82176xf32, #tpu.memory_space<vmem>>, vector<16xf32>,
        %get3A_1625 = vector.shape_cast %get3A_1624 : vector<16xf32> to vector<16xf32>
        %add3A_1626 = arith.addf %add3A_1526, %get3A_1625 : vector<16xf32>
        %add3A_1627 = arith.constant 128 : i32
        %add3A_1628 = arith.addi %mul3A_1578, %add3A_1627 : i32
        %get3A_1629 = arith.index_cast %add3A_1628 : i32 to index
        %get3A_1630 = tpu.vector_load %arg13[%get3A_1629] {strides = array<i32>} : memref<82176xf32, #tpu.memory_space<vmem>>, vector<16xf32>,
        %get3A_1631 = vector.shape_cast %get3A_1630 : vector<16xf32> to vector<16xf32>
        %add3A_1632 = arith.addf %add3A_1532, %get3A_1631 : vector<16xf32>
        %add3A_1633 = arith.constant 144 : i32
        %add3A_1634 = arith.addi %mul3A_1578, %add3A_1633 : i32
        %get3A_1635 = arith.index_cast %add3A_1634 : i32 to index
        %get3A_1636 = tpu.vector_load %arg13[%get3A_1635] {strides = array<i32>} : memref<82176xf32, #tpu.memory_space<vmem>>, vector<16xf32>,
        %get3A_1637 = vector.shape_cast %get3A_1636 : vector<16xf32> to vector<16xf32>
        %add3A_1638 = arith.addf %add3A_1538, %get3A_1637 : vector<16xf32>
        %add3A_1639 = arith.constant 160 : i32
        %add3A_1640 = arith.addi %mul3A_1578, %add3A_1639 : i32
        %get3A_1641 = arith.index_cast %add3A_1640 : i32 to index
        %get3A_1642 = tpu.vector_load %arg13[%get3A_1641] {strides = array<i32>} : memref<82176xf32, #tpu.memory_space<vmem>>, vector<16xf32>,
        %get3A_1643 = vector.shape_cast %get3A_1642 : vector<16xf32> to vector<16xf32>
        %add3A_1644 = arith.addf %add3A_1544, %get3A_1643 : vector<16xf32>
        %add3A_1645 = arith.constant 176 : i32
        %add3A_1646 = arith.addi %mul3A_1578, %add3A_1645 : i32
        %get3A_1647 = arith.index_cast %add3A_1646 : i32 to index
        %get3A_1648 = tpu.vector_load %arg13[%get3A_1647] {strides = array<i32>} : memref<82176xf32, #tpu.memory_space<vmem>>, vector<16xf32>,
        %get3A_1649 = vector.shape_cast %get3A_1648 : vector<16xf32> to vector<16xf32>
        %add3A_1650 = arith.addf %add3A_1550, %get3A_1649 : vector<16xf32>
        %add3A_1651 = arith.constant 192 : i32
        %add3A_1652 = arith.addi %mul3A_1578, %add3A_1651 : i32
        %get3A_1653 = arith.index_cast %add3A_1652 : i32 to index
        %get3A_1654 = tpu.vector_load %arg13[%get3A_1653] {strides = array<i32>} : memref<82176xf32, #tpu.memory_space<vmem>>, vector<16xf32>,
        %get3A_1655 = vector.shape_cast %get3A_1654 : vector<16xf32> to vector<16xf32>
        %add3A_1656 = arith.addf %add3A_1556, %get3A_1655 : vector<16xf32>
        %add3A_1657 = arith.constant 208 : i32
        %add3A_1658 = arith.addi %mul3A_1578, %add3A_1657 : i32
        %get3A_1659 = arith.index_cast %add3A_1658 : i32 to index
        %get3A_1660 = tpu.vector_load %arg13[%get3A_1659] {strides = array<i32>} : memref<82176xf32, #tpu.memory_space<vmem>>, vector<16xf32>,
        %get3A_1661 = vector.shape_cast %get3A_1660 : vector<16xf32> to vector<16xf32>
        %add3A_1662 = arith.addf %add3A_1562, %get3A_1661 : vector<16xf32>
        %add3A_1663 = arith.constant 224 : i32
        %add3A_1664 = arith.addi %mul3A_1578, %add3A_1663 : i32
        %get3A_1665 = arith.index_cast %add3A_1664 : i32 to index
        %get3A_1666 = tpu.vector_load %arg13[%get3A_1665] {strides = array<i32>} : memref<82176xf32, #tpu.memory_space<vmem>>, vector<16xf32>,
        %get3A_1667 = vector.shape_cast %get3A_1666 : vector<16xf32> to vector<16xf32>
        %add3A_1668 = arith.addf %add3A_1568, %get3A_1667 : vector<16xf32>
        %add3A_1669 = arith.constant 240 : i32
        %add3A_1670 = arith.addi %mul3A_1578, %add3A_1669 : i32
        %get3A_1671 = arith.index_cast %add3A_1670 : i32 to index
        %get3A_1672 = tpu.vector_load %arg13[%get3A_1671] {strides = array<i32>} : memref<82176xf32, #tpu.memory_space<vmem>>, vector<16xf32>,
        %get3A_1673 = vector.shape_cast %get3A_1672 : vector<16xf32> to vector<16xf32>
        %add3A_1674 = arith.addf %add3A_1574, %get3A_1673 : vector<16xf32>
        %mul3A_1675 = arith.constant 256 : i32
        %mul3A_1676 = arith.muli %add3A_890, %mul3A_1675 : i32
        %add3A_1677 = arith.constant 0 : i32
        %add3A_1678 = arith.addi %mul3A_1676, %add3A_1677 : i32
        %swap3A_1679 = arith.index_cast %add3A_1678 : i32 to index
        %swap3A_1680 = tpu.vector_load %arg14[%swap3A_1679] {strides = array<i32>} : memref<2048xf32, #tpu.memory_space<vmem>>, vector<16xf32>,
        %swap3A_1681 = vector.shape_cast %swap3A_1680 : vector<16xf32> to vector<16xf32>
        %swap3A_1682 = vector.shape_cast %add3A_1584 : vector<16xf32> to vector<16xf32>
        tpu.vector_store %arg14[%swap3A_1679], %swap3A_1682 {strides = array<i32>} : memref<2048xf32, #tpu.memory_space<vmem>>, vector<16xf32>,
        %mul3A_1683 = arith.constant 256 : i32
        %mul3A_1684 = arith.muli %add3A_890, %mul3A_1683 : i32
        %add3A_1685 = arith.constant 16 : i32
        %add3A_1686 = arith.addi %mul3A_1684, %add3A_1685 : i32
        %swap3A_1687 = arith.index_cast %add3A_1686 : i32 to index
        %swap3A_1688 = tpu.vector_load %arg14[%swap3A_1687] {strides = array<i32>} : memref<2048xf32, #tpu.memory_space<vmem>>, vector<16xf32>,
        %swap3A_1689 = vector.shape_cast %swap3A_1688 : vector<16xf32> to vector<16xf32>
        %swap3A_1690 = vector.shape_cast %add3A_1590 : vector<16xf32> to vector<16xf32>
        tpu.vector_store %arg14[%swap3A_1687], %swap3A_1690 {strides = array<i32>} : memref<2048xf32, #tpu.memory_space<vmem>>, vector<16xf32>,
        %mul3A_1691 = arith.constant 256 : i32
        %mul3A_1692 = arith.muli %add3A_890, %mul3A_1691 : i32
        %add3A_1693 = arith.constant 32 : i32
        %add3A_1694 = arith.addi %mul3A_1692, %add3A_1693 : i32
        %swap3A_1695 = arith.index_cast %add3A_1694 : i32 to index
        %swap3A_1696 = tpu.vector_load %arg14[%swap3A_1695] {strides = array<i32>} : memref<2048xf32, #tpu.memory_space<vmem>>, vector<16xf32>,
        %swap3A_1697 = vector.shape_cast %swap3A_1696 : vector<16xf32> to vector<16xf32>
        %swap3A_1698 = vector.shape_cast %add3A_1596 : vector<16xf32> to vector<16xf32>
        tpu.vector_store %arg14[%swap3A_1695], %swap3A_1698 {strides = array<i32>} : memref<2048xf32, #tpu.memory_space<vmem>>, vector<16xf32>,
        %mul3A_1699 = arith.constant 256 : i32
        %mul3A_1700 = arith.muli %add3A_890, %mul3A_1699 : i32
        %add3A_1701 = arith.constant 48 : i32
        %add3A_1702 = arith.addi %mul3A_1700, %add3A_1701 : i32
        %swap3A_1703 = arith.index_cast %add3A_1702 : i32 to index
        %swap3A_1704 = tpu.vector_load %arg14[%swap3A_1703] {strides = array<i32>} : memref<2048xf32, #tpu.memory_space<vmem>>, vector<16xf32>,
        %swap3A_1705 = vector.shape_cast %swap3A_1704 : vector<16xf32> to vector<16xf32>
        %swap3A_1706 = vector.shape_cast %add3A_1602 : vector<16xf32> to vector<16xf32>
        tpu.vector_store %arg14[%swap3A_1703], %swap3A_1706 {strides = array<i32>} : memref<2048xf32, #tpu.memory_space<vmem>>, vector<16xf32>,
        %mul3A_1707 = arith.constant 256 : i32
        %mul3A_1708 = arith.muli %add3A_890, %mul3A_1707 : i32
        %add3A_1709 = arith.constant 64 : i32
        %add3A_1710 = arith.addi %mul3A_1708, %add3A_1709 : i32
        %swap3A_1711 = arith.index_cast %add3A_1710 : i32 to index
        %swap3A_1712 = tpu.vector_load %arg14[%swap3A_1711] {strides = array<i32>} : memref<2048xf32, #tpu.memory_space<vmem>>, vector<16xf32>,
        %swap3A_1713 = vector.shape_cast %swap3A_1712 : vector<16xf32> to vector<16xf32>
        %swap3A_1714 = vector.shape_cast %add3A_1608 : vector<16xf32> to vector<16xf32>
        tpu.vector_store %arg14[%swap3A_1711], %swap3A_1714 {strides = array<i32>} : memref<2048xf32, #tpu.memory_space<vmem>>, vector<16xf32>,
        %mul3A_1715 = arith.constant 256 : i32
        %mul3A_1716 = arith.muli %add3A_890, %mul3A_1715 : i32
        %add3A_1717 = arith.constant 80 : i32
        %add3A_1718 = arith.addi %mul3A_1716, %add3A_1717 : i32
        %swap3A_1719 = arith.index_cast %add3A_1718 : i32 to index
        %swap3A_1720 = tpu.vector_load %arg14[%swap3A_1719] {strides = array<i32>} : memref<2048xf32, #tpu.memory_space<vmem>>, vector<16xf32>,
        %swap3A_1721 = vector.shape_cast %swap3A_1720 : vector<16xf32> to vector<16xf32>
        %swap3A_1722 = vector.shape_cast %add3A_1614 : vector<16xf32> to vector<16xf32>
        tpu.vector_store %arg14[%swap3A_1719], %swap3A_1722 {strides = array<i32>} : memref<2048xf32, #tpu.memory_space<vmem>>, vector<16xf32>,
        %mul3A_1723 = arith.constant 256 : i32
        %mul3A_1724 = arith.muli %add3A_890, %mul3A_1723 : i32
        %add3A_1725 = arith.constant 96 : i32
        %add3A_1726 = arith.addi %mul3A_1724, %add3A_1725 : i32
        %swap3A_1727 = arith.index_cast %add3A_1726 : i32 to index
        %swap3A_1728 = tpu.vector_load %arg14[%swap3A_1727] {strides = array<i32>} : memref<2048xf32, #tpu.memory_space<vmem>>, vector<16xf32>,
        %swap3A_1729 = vector.shape_cast %swap3A_1728 : vector<16xf32> to vector<16xf32>
        %swap3A_1730 = vector.shape_cast %add3A_1620 : vector<16xf32> to vector<16xf32>
        tpu.vector_store %arg14[%swap3A_1727], %swap3A_1730 {strides = array<i32>} : memref<2048xf32, #tpu.memory_space<vmem>>, vector<16xf32>,
        %mul3A_1731 = arith.constant 256 : i32
        %mul3A_1732 = arith.muli %add3A_890, %mul3A_1731 : i32
        %add3A_1733 = arith.constant 112 : i32
        %add3A_1734 = arith.addi %mul3A_1732, %add3A_1733 : i32
        %swap3A_1735 = arith.index_cast %add3A_1734 : i32 to index
        %swap3A_1736 = tpu.vector_load %arg14[%swap3A_1735] {strides = array<i32>} : memref<2048xf32, #tpu.memory_space<vmem>>, vector<16xf32>,
        %swap3A_1737 = vector.shape_cast %swap3A_1736 : vector<16xf32> to vector<16xf32>
        %swap3A_1738 = vector.shape_cast %add3A_1626 : vector<16xf32> to vector<16xf32>
        tpu.vector_store %arg14[%swap3A_1735], %swap3A_1738 {strides = array<i32>} : memref<2048xf32, #tpu.memory_space<vmem>>, vector<16xf32>,
        %mul3A_1739 = arith.constant 256 : i32
        %mul3A_1740 = arith.muli %add3A_890, %mul3A_1739 : i32
        %add3A_1741 = arith.constant 128 : i32
        %add3A_1742 = arith.addi %mul3A_1740, %add3A_1741 : i32
        %swap3A_1743 = arith.index_cast %add3A_1742 : i32 to index
        %swap3A_1744 = tpu.vector_load %arg14[%swap3A_1743] {strides = array<i32>} : memref<2048xf32, #tpu.memory_space<vmem>>, vector<16xf32>,
        %swap3A_1745 = vector.shape_cast %swap3A_1744 : vector<16xf32> to vector<16xf32>
        %swap3A_1746 = vector.shape_cast %add3A_1632 : vector<16xf32> to vector<16xf32>
        tpu.vector_store %arg14[%swap3A_1743], %swap3A_1746 {strides = array<i32>} : memref<2048xf32, #tpu.memory_space<vmem>>, vector<16xf32>,
        %mul3A_1747 = arith.constant 256 : i32
        %mul3A_1748 = arith.muli %add3A_890, %mul3A_1747 : i32
        %add3A_1749 = arith.constant 144 : i32
        %add3A_1750 = arith.addi %mul3A_1748, %add3A_1749 : i32
        %swap3A_1751 = arith.index_cast %add3A_1750 : i32 to index
        %swap3A_1752 = tpu.vector_load %arg14[%swap3A_1751] {strides = array<i32>} : memref<2048xf32, #tpu.memory_space<vmem>>, vector<16xf32>,
        %swap3A_1753 = vector.shape_cast %swap3A_1752 : vector<16xf32> to vector<16xf32>
        %swap3A_1754 = vector.shape_cast %add3A_1638 : vector<16xf32> to vector<16xf32>
        tpu.vector_store %arg14[%swap3A_1751], %swap3A_1754 {strides = array<i32>} : memref<2048xf32, #tpu.memory_space<vmem>>, vector<16xf32>,
        %mul3A_1755 = arith.constant 256 : i32
        %mul3A_1756 = arith.muli %add3A_890, %mul3A_1755 : i32
        %add3A_1757 = arith.constant 160 : i32
        %add3A_1758 = arith.addi %mul3A_1756, %add3A_1757 : i32
        %swap3A_1759 = arith.index_cast %add3A_1758 : i32 to index
        %swap3A_1760 = tpu.vector_load %arg14[%swap3A_1759] {strides = array<i32>} : memref<2048xf32, #tpu.memory_space<vmem>>, vector<16xf32>,
        %swap3A_1761 = vector.shape_cast %swap3A_1760 : vector<16xf32> to vector<16xf32>
        %swap3A_1762 = vector.shape_cast %add3A_1644 : vector<16xf32> to vector<16xf32>
        tpu.vector_store %arg14[%swap3A_1759], %swap3A_1762 {strides = array<i32>} : memref<2048xf32, #tpu.memory_space<vmem>>, vector<16xf32>,
        %mul3A_1763 = arith.constant 256 : i32
        %mul3A_1764 = arith.muli %add3A_890, %mul3A_1763 : i32
        %add3A_1765 = arith.constant 176 : i32
        %add3A_1766 = arith.addi %mul3A_1764, %add3A_1765 : i32
        %swap3A_1767 = arith.index_cast %add3A_1766 : i32 to index
        %swap3A_1768 = tpu.vector_load %arg14[%swap3A_1767] {strides = array<i32>} : memref<2048xf32, #tpu.memory_space<vmem>>, vector<16xf32>,
        %swap3A_1769 = vector.shape_cast %swap3A_1768 : vector<16xf32> to vector<16xf32>
        %swap3A_1770 = vector.shape_cast %add3A_1650 : vector<16xf32> to vector<16xf32>
        tpu.vector_store %arg14[%swap3A_1767], %swap3A_1770 {strides = array<i32>} : memref<2048xf32, #tpu.memory_space<vmem>>, vector<16xf32>,
        %mul3A_1771 = arith.constant 256 : i32
        %mul3A_1772 = arith.muli %add3A_890, %mul3A_1771 : i32
        %add3A_1773 = arith.constant 192 : i32
        %add3A_1774 = arith.addi %mul3A_1772, %add3A_1773 : i32
        %swap3A_1775 = arith.index_cast %add3A_1774 : i32 to index
        %swap3A_1776 = tpu.vector_load %arg14[%swap3A_1775] {strides = array<i32>} : memref<2048xf32, #tpu.memory_space<vmem>>, vector<16xf32>,
        %swap3A_1777 = vector.shape_cast %swap3A_1776 : vector<16xf32> to vector<16xf32>
        %swap3A_1778 = vector.shape_cast %add3A_1656 : vector<16xf32> to vector<16xf32>
        tpu.vector_store %arg14[%swap3A_1775], %swap3A_1778 {strides = array<i32>} : memref<2048xf32, #tpu.memory_space<vmem>>, vector<16xf32>,
        %mul3A_1779 = arith.constant 256 : i32
        %mul3A_1780 = arith.muli %add3A_890, %mul3A_1779 : i32
        %add3A_1781 = arith.constant 208 : i32
        %add3A_1782 = arith.addi %mul3A_1780, %add3A_1781 : i32
        %swap3A_1783 = arith.index_cast %add3A_1782 : i32 to index
        %swap3A_1784 = tpu.vector_load %arg14[%swap3A_1783] {strides = array<i32>} : memref<2048xf32, #tpu.memory_space<vmem>>, vector<16xf32>,
        %swap3A_1785 = vector.shape_cast %swap3A_1784 : vector<16xf32> to vector<16xf32>
        %swap3A_1786 = vector.shape_cast %add3A_1662 : vector<16xf32> to vector<16xf32>
        tpu.vector_store %arg14[%swap3A_1783], %swap3A_1786 {strides = array<i32>} : memref<2048xf32, #tpu.memory_space<vmem>>, vector<16xf32>,
        %mul3A_1787 = arith.constant 256 : i32
        %mul3A_1788 = arith.muli %add3A_890, %mul3A_1787 : i32
        %add3A_1789 = arith.constant 224 : i32
        %add3A_1790 = arith.addi %mul3A_1788, %add3A_1789 : i32
        %swap3A_1791 = arith.index_cast %add3A_1790 : i32 to index
        %swap3A_1792 = tpu.vector_load %arg14[%swap3A_1791] {strides = array<i32>} : memref<2048xf32, #tpu.memory_space<vmem>>, vector<16xf32>,
        %swap3A_1793 = vector.shape_cast %swap3A_1792 : vector<16xf32> to vector<16xf32>
        %swap3A_1794 = vector.shape_cast %add3A_1668 : vector<16xf32> to vector<16xf32>
        tpu.vector_store %arg14[%swap3A_1791], %swap3A_1794 {strides = array<i32>} : memref<2048xf32, #tpu.memory_space<vmem>>, vector<16xf32>,
        %mul3A_1795 = arith.constant 256 : i32
        %mul3A_1796 = arith.muli %add3A_890, %mul3A_1795 : i32
        %add3A_1797 = arith.constant 240 : i32
        %add3A_1798 = arith.addi %mul3A_1796, %add3A_1797 : i32
        %swap3A_1799 = arith.index_cast %add3A_1798 : i32 to index
        %swap3A_1800 = tpu.vector_load %arg14[%swap3A_1799] {strides = array<i32>} : memref<2048xf32, #tpu.memory_space<vmem>>, vector<16xf32>,
        %swap3A_1801 = vector.shape_cast %swap3A_1800 : vector<16xf32> to vector<16xf32>
        %swap3A_1802 = vector.shape_cast %add3A_1674 : vector<16xf32> to vector<16xf32>
        tpu.vector_store %arg14[%swap3A_1799], %swap3A_1802 {strides = array<i32>} : memref<2048xf32, #tpu.memory_space<vmem>>, vector<16xf32>,
        %mul3A_1803 = arith.constant 2 : i32
        %mul3A_1804 = arith.muli %add3A_881, %mul3A_1803 : i32
        %add3A_1805 = arith.constant 1 : i32
        %add3A_1806 = arith.addi %mul3A_1804, %add3A_1805 : i32
        %slice3A_1807 = vector.extract_strided_slice %get3A_886 {offsets = [8], sizes = [1], strides = [1]} : vector<16xi32> to vector<1xi32>
        %squeeze3A_1808 = vector.extract %slice3A_1807[0] : i32 from vector<1xi32>
        %mul3A_1809 = arith.constant 256 : i32
        %mul3A_1810 = arith.muli %squeeze3A_1808, %mul3A_1809 : i32
        %add3A_1811 = arith.constant 0 : i32
        %add3A_1812 = arith.addi %mul3A_1810, %add3A_1811 : i32
        %get3A_1813 = arith.index_cast %add3A_1812 : i32 to index
        %get3A_1814 = tpu.vector_load %arg13[%get3A_1813] {strides = array<i32>} : memref<82176xf32, #tpu.memory_space<vmem>>, vector<16xf32>,
        %get3A_1815 = vector.shape_cast %get3A_1814 : vector<16xf32> to vector<16xf32>
        %add3A_1816 = arith.constant 16 : i32
        %add3A_1817 = arith.addi %mul3A_1810, %add3A_1816 : i32
        %get3A_1818 = arith.index_cast %add3A_1817 : i32 to index
        %get3A_1819 = tpu.vector_load %arg13[%get3A_1818] {strides = array<i32>} : memref<82176xf32, #tpu.memory_space<vmem>>, vector<16xf32>,
        %get3A_1820 = vector.shape_cast %get3A_1819 : vector<16xf32> to vector<16xf32>
        %add3A_1821 = arith.constant 32 : i32
        %add3A_1822 = arith.addi %mul3A_1810, %add3A_1821 : i32
        %get3A_1823 = arith.index_cast %add3A_1822 : i32 to index
        %get3A_1824 = tpu.vector_load %arg13[%get3A_1823] {strides = array<i32>} : memref<82176xf32, #tpu.memory_space<vmem>>, vector<16xf32>,
        %get3A_1825 = vector.shape_cast %get3A_1824 : vector<16xf32> to vector<16xf32>
        %add3A_1826 = arith.constant 48 : i32
        %add3A_1827 = arith.addi %mul3A_1810, %add3A_1826 : i32
        %get3A_1828 = arith.index_cast %add3A_1827 : i32 to index
        %get3A_1829 = tpu.vector_load %arg13[%get3A_1828] {strides = array<i32>} : memref<82176xf32, #tpu.memory_space<vmem>>, vector<16xf32>,
        %get3A_1830 = vector.shape_cast %get3A_1829 : vector<16xf32> to vector<16xf32>
        %add3A_1831 = arith.constant 64 : i32
        %add3A_1832 = arith.addi %mul3A_1810, %add3A_1831 : i32
        %get3A_1833 = arith.index_cast %add3A_1832 : i32 to index
        %get3A_1834 = tpu.vector_load %arg13[%get3A_1833] {strides = array<i32>} : memref<82176xf32, #tpu.memory_space<vmem>>, vector<16xf32>,
        %get3A_1835 = vector.shape_cast %get3A_1834 : vector<16xf32> to vector<16xf32>
        %add3A_1836 = arith.constant 80 : i32
        %add3A_1837 = arith.addi %mul3A_1810, %add3A_1836 : i32
        %get3A_1838 = arith.index_cast %add3A_1837 : i32 to index
        %get3A_1839 = tpu.vector_load %arg13[%get3A_1838] {strides = array<i32>} : memref<82176xf32, #tpu.memory_space<vmem>>, vector<16xf32>,
        %get3A_1840 = vector.shape_cast %get3A_1839 : vector<16xf32> to vector<16xf32>
        %add3A_1841 = arith.constant 96 : i32
        %add3A_1842 = arith.addi %mul3A_1810, %add3A_1841 : i32
        %get3A_1843 = arith.index_cast %add3A_1842 : i32 to index
        %get3A_1844 = tpu.vector_load %arg13[%get3A_1843] {strides = array<i32>} : memref<82176xf32, #tpu.memory_space<vmem>>, vector<16xf32>,
        %get3A_1845 = vector.shape_cast %get3A_1844 : vector<16xf32> to vector<16xf32>
        %add3A_1846 = arith.constant 112 : i32
        %add3A_1847 = arith.addi %mul3A_1810, %add3A_1846 : i32
        %get3A_1848 = arith.index_cast %add3A_1847 : i32 to index
        %get3A_1849 = tpu.vector_load %arg13[%get3A_1848] {strides = array<i32>} : memref<82176xf32, #tpu.memory_space<vmem>>, vector<16xf32>,
        %get3A_1850 = vector.shape_cast %get3A_1849 : vector<16xf32> to vector<16xf32>
        %add3A_1851 = arith.constant 128 : i32
        %add3A_1852 = arith.addi %mul3A_1810, %add3A_1851 : i32
        %get3A_1853 = arith.index_cast %add3A_1852 : i32 to index
        %get3A_1854 = tpu.vector_load %arg13[%get3A_1853] {strides = array<i32>} : memref<82176xf32, #tpu.memory_space<vmem>>, vector<16xf32>,
        %get3A_1855 = vector.shape_cast %get3A_1854 : vector<16xf32> to vector<16xf32>
        %add3A_1856 = arith.constant 144 : i32
        %add3A_1857 = arith.addi %mul3A_1810, %add3A_1856 : i32
        %get3A_1858 = arith.index_cast %add3A_1857 : i32 to index
        %get3A_1859 = tpu.vector_load %arg13[%get3A_1858] {strides = array<i32>} : memref<82176xf32, #tpu.memory_space<vmem>>, vector<16xf32>,
        %get3A_1860 = vector.shape_cast %get3A_1859 : vector<16xf32> to vector<16xf32>
        %add3A_1861 = arith.constant 160 : i32
        %add3A_1862 = arith.addi %mul3A_1810, %add3A_1861 : i32
        %get3A_1863 = arith.index_cast %add3A_1862 : i32 to index
        %get3A_1864 = tpu.vector_load %arg13[%get3A_1863] {strides = array<i32>} : memref<82176xf32, #tpu.memory_space<vmem>>, vector<16xf32>,
        %get3A_1865 = vector.shape_cast %get3A_1864 : vector<16xf32> to vector<16xf32>
        %add3A_1866 = arith.constant 176 : i32
        %add3A_1867 = arith.addi %mul3A_1810, %add3A_1866 : i32
        %get3A_1868 = arith.index_cast %add3A_1867 : i32 to index
        %get3A_1869 = tpu.vector_load %arg13[%get3A_1868] {strides = array<i32>} : memref<82176xf32, #tpu.memory_space<vmem>>, vector<16xf32>,
        %get3A_1870 = vector.shape_cast %get3A_1869 : vector<16xf32> to vector<16xf32>
        %add3A_1871 = arith.constant 192 : i32
        %add3A_1872 = arith.addi %mul3A_1810, %add3A_1871 : i32
        %get3A_1873 = arith.index_cast %add3A_1872 : i32 to index
        %get3A_1874 = tpu.vector_load %arg13[%get3A_1873] {strides = array<i32>} : memref<82176xf32, #tpu.memory_space<vmem>>, vector<16xf32>,
        %get3A_1875 = vector.shape_cast %get3A_1874 : vector<16xf32> to vector<16xf32>
        %add3A_1876 = arith.constant 208 : i32
        %add3A_1877 = arith.addi %mul3A_1810, %add3A_1876 : i32
        %get3A_1878 = arith.index_cast %add3A_1877 : i32 to index
        %get3A_1879 = tpu.vector_load %arg13[%get3A_1878] {strides = array<i32>} : memref<82176xf32, #tpu.memory_space<vmem>>, vector<16xf32>,
        %get3A_1880 = vector.shape_cast %get3A_1879 : vector<16xf32> to vector<16xf32>
        %add3A_1881 = arith.constant 224 : i32
        %add3A_1882 = arith.addi %mul3A_1810, %add3A_1881 : i32
        %get3A_1883 = arith.index_cast %add3A_1882 : i32 to index
        %get3A_1884 = tpu.vector_load %arg13[%get3A_1883] {strides = array<i32>} : memref<82176xf32, #tpu.memory_space<vmem>>, vector<16xf32>,
        %get3A_1885 = vector.shape_cast %get3A_1884 : vector<16xf32> to vector<16xf32>
        %add3A_1886 = arith.constant 240 : i32
        %add3A_1887 = arith.addi %mul3A_1810, %add3A_1886 : i32
        %get3A_1888 = arith.index_cast %add3A_1887 : i32 to index
        %get3A_1889 = tpu.vector_load %arg13[%get3A_1888] {strides = array<i32>} : memref<82176xf32, #tpu.memory_space<vmem>>, vector<16xf32>,
        %get3A_1890 = vector.shape_cast %get3A_1889 : vector<16xf32> to vector<16xf32>
        %slice3A_1891 = vector.extract_strided_slice %get3A_886 {offsets = [9], sizes = [1], strides = [1]} : vector<16xi32> to vector<1xi32>
        %squeeze3A_1892 = vector.extract %slice3A_1891[0] : i32 from vector<1xi32>
        %mul3A_1893 = arith.constant 256 : i32
        %mul3A_1894 = arith.muli %squeeze3A_1892, %mul3A_1893 : i32
        %add3A_1895 = arith.constant 0 : i32
        %add3A_1896 = arith.addi %mul3A_1894, %add3A_1895 : i32
        %get3A_1897 = arith.index_cast %add3A_1896 : i32 to index
        %get3A_1898 = tpu.vector_load %arg13[%get3A_1897] {strides = array<i32>} : memref<82176xf32, #tpu.memory_space<vmem>>, vector<16xf32>,
        %get3A_1899 = vector.shape_cast %get3A_1898 : vector<16xf32> to vector<16xf32>
        %add3A_1900 = arith.addf %get3A_1815, %get3A_1899 : vector<16xf32>
        %add3A_1901 = arith.constant 16 : i32
        %add3A_1902 = arith.addi %mul3A_1894, %add3A_1901 : i32
        %get3A_1903 = arith.index_cast %add3A_1902 : i32 to index
        %get3A_1904 = tpu.vector_load %arg13[%get3A_1903] {strides = array<i32>} : memref<82176xf32, #tpu.memory_space<vmem>>, vector<16xf32>,
        %get3A_1905 = vector.shape_cast %get3A_1904 : vector<16xf32> to vector<16xf32>
        %add3A_1906 = arith.addf %get3A_1820, %get3A_1905 : vector<16xf32>
        %add3A_1907 = arith.constant 32 : i32
        %add3A_1908 = arith.addi %mul3A_1894, %add3A_1907 : i32
        %get3A_1909 = arith.index_cast %add3A_1908 : i32 to index
        %get3A_1910 = tpu.vector_load %arg13[%get3A_1909] {strides = array<i32>} : memref<82176xf32, #tpu.memory_space<vmem>>, vector<16xf32>,
        %get3A_1911 = vector.shape_cast %get3A_1910 : vector<16xf32> to vector<16xf32>
        %add3A_1912 = arith.addf %get3A_1825, %get3A_1911 : vector<16xf32>
        %add3A_1913 = arith.constant 48 : i32
        %add3A_1914 = arith.addi %mul3A_1894, %add3A_1913 : i32
        %get3A_1915 = arith.index_cast %add3A_1914 : i32 to index
        %get3A_1916 = tpu.vector_load %arg13[%get3A_1915] {strides = array<i32>} : memref<82176xf32, #tpu.memory_space<vmem>>, vector<16xf32>,
        %get3A_1917 = vector.shape_cast %get3A_1916 : vector<16xf32> to vector<16xf32>
        %add3A_1918 = arith.addf %get3A_1830, %get3A_1917 : vector<16xf32>
        %add3A_1919 = arith.constant 64 : i32
        %add3A_1920 = arith.addi %mul3A_1894, %add3A_1919 : i32
        %get3A_1921 = arith.index_cast %add3A_1920 : i32 to index
        %get3A_1922 = tpu.vector_load %arg13[%get3A_1921] {strides = array<i32>} : memref<82176xf32, #tpu.memory_space<vmem>>, vector<16xf32>,
        %get3A_1923 = vector.shape_cast %get3A_1922 : vector<16xf32> to vector<16xf32>
        %add3A_1924 = arith.addf %get3A_1835, %get3A_1923 : vector<16xf32>
        %add3A_1925 = arith.constant 80 : i32
        %add3A_1926 = arith.addi %mul3A_1894, %add3A_1925 : i32
        %get3A_1927 = arith.index_cast %add3A_1926 : i32 to index
        %get3A_1928 = tpu.vector_load %arg13[%get3A_1927] {strides = array<i32>} : memref<82176xf32, #tpu.memory_space<vmem>>, vector<16xf32>,
        %get3A_1929 = vector.shape_cast %get3A_1928 : vector<16xf32> to vector<16xf32>
        %add3A_1930 = arith.addf %get3A_1840, %get3A_1929 : vector<16xf32>
        %add3A_1931 = arith.constant 96 : i32
        %add3A_1932 = arith.addi %mul3A_1894, %add3A_1931 : i32
        %get3A_1933 = arith.index_cast %add3A_1932 : i32 to index
        %get3A_1934 = tpu.vector_load %arg13[%get3A_1933] {strides = array<i32>} : memref<82176xf32, #tpu.memory_space<vmem>>, vector<16xf32>,
        %get3A_1935 = vector.shape_cast %get3A_1934 : vector<16xf32> to vector<16xf32>
        %add3A_1936 = arith.addf %get3A_1845, %get3A_1935 : vector<16xf32>
        %add3A_1937 = arith.constant 112 : i32
        %add3A_1938 = arith.addi %mul3A_1894, %add3A_1937 : i32
        %get3A_1939 = arith.index_cast %add3A_1938 : i32 to index
        %get3A_1940 = tpu.vector_load %arg13[%get3A_1939] {strides = array<i32>} : memref<82176xf32, #tpu.memory_space<vmem>>, vector<16xf32>,
        %get3A_1941 = vector.shape_cast %get3A_1940 : vector<16xf32> to vector<16xf32>
        %add3A_1942 = arith.addf %get3A_1850, %get3A_1941 : vector<16xf32>
        %add3A_1943 = arith.constant 128 : i32
        %add3A_1944 = arith.addi %mul3A_1894, %add3A_1943 : i32
        %get3A_1945 = arith.index_cast %add3A_1944 : i32 to index
        %get3A_1946 = tpu.vector_load %arg13[%get3A_1945] {strides = array<i32>} : memref<82176xf32, #tpu.memory_space<vmem>>, vector<16xf32>,
        %get3A_1947 = vector.shape_cast %get3A_1946 : vector<16xf32> to vector<16xf32>
        %add3A_1948 = arith.addf %get3A_1855, %get3A_1947 : vector<16xf32>
        %add3A_1949 = arith.constant 144 : i32
        %add3A_1950 = arith.addi %mul3A_1894, %add3A_1949 : i32
        %get3A_1951 = arith.index_cast %add3A_1950 : i32 to index
        %get3A_1952 = tpu.vector_load %arg13[%get3A_1951] {strides = array<i32>} : memref<82176xf32, #tpu.memory_space<vmem>>, vector<16xf32>,
        %get3A_1953 = vector.shape_cast %get3A_1952 : vector<16xf32> to vector<16xf32>
        %add3A_1954 = arith.addf %get3A_1860, %get3A_1953 : vector<16xf32>
        %add3A_1955 = arith.constant 160 : i32
        %add3A_1956 = arith.addi %mul3A_1894, %add3A_1955 : i32
        %get3A_1957 = arith.index_cast %add3A_1956 : i32 to index
        %get3A_1958 = tpu.vector_load %arg13[%get3A_1957] {strides = array<i32>} : memref<82176xf32, #tpu.memory_space<vmem>>, vector<16xf32>,
        %get3A_1959 = vector.shape_cast %get3A_1958 : vector<16xf32> to vector<16xf32>
        %add3A_1960 = arith.addf %get3A_1865, %get3A_1959 : vector<16xf32>
        %add3A_1961 = arith.constant 176 : i32
        %add3A_1962 = arith.addi %mul3A_1894, %add3A_1961 : i32
        %get3A_1963 = arith.index_cast %add3A_1962 : i32 to index
        %get3A_1964 = tpu.vector_load %arg13[%get3A_1963] {strides = array<i32>} : memref<82176xf32, #tpu.memory_space<vmem>>, vector<16xf32>,
        %get3A_1965 = vector.shape_cast %get3A_1964 : vector<16xf32> to vector<16xf32>
        %add3A_1966 = arith.addf %get3A_1870, %get3A_1965 : vector<16xf32>
        %add3A_1967 = arith.constant 192 : i32
        %add3A_1968 = arith.addi %mul3A_1894, %add3A_1967 : i32
        %get3A_1969 = arith.index_cast %add3A_1968 : i32 to index
        %get3A_1970 = tpu.vector_load %arg13[%get3A_1969] {strides = array<i32>} : memref<82176xf32, #tpu.memory_space<vmem>>, vector<16xf32>,
        %get3A_1971 = vector.shape_cast %get3A_1970 : vector<16xf32> to vector<16xf32>
        %add3A_1972 = arith.addf %get3A_1875, %get3A_1971 : vector<16xf32>
        %add3A_1973 = arith.constant 208 : i32
        %add3A_1974 = arith.addi %mul3A_1894, %add3A_1973 : i32
        %get3A_1975 = arith.index_cast %add3A_1974 : i32 to index
        %get3A_1976 = tpu.vector_load %arg13[%get3A_1975] {strides = array<i32>} : memref<82176xf32, #tpu.memory_space<vmem>>, vector<16xf32>,
        %get3A_1977 = vector.shape_cast %get3A_1976 : vector<16xf32> to vector<16xf32>
        %add3A_1978 = arith.addf %get3A_1880, %get3A_1977 : vector<16xf32>
        %add3A_1979 = arith.constant 224 : i32
        %add3A_1980 = arith.addi %mul3A_1894, %add3A_1979 : i32
        %get3A_1981 = arith.index_cast %add3A_1980 : i32 to index
        %get3A_1982 = tpu.vector_load %arg13[%get3A_1981] {strides = array<i32>} : memref<82176xf32, #tpu.memory_space<vmem>>, vector<16xf32>,
        %get3A_1983 = vector.shape_cast %get3A_1982 : vector<16xf32> to vector<16xf32>
        %add3A_1984 = arith.addf %get3A_1885, %get3A_1983 : vector<16xf32>
        %add3A_1985 = arith.constant 240 : i32
        %add3A_1986 = arith.addi %mul3A_1894, %add3A_1985 : i32
        %get3A_1987 = arith.index_cast %add3A_1986 : i32 to index
        %get3A_1988 = tpu.vector_load %arg13[%get3A_1987] {strides = array<i32>} : memref<82176xf32, #tpu.memory_space<vmem>>, vector<16xf32>,
        %get3A_1989 = vector.shape_cast %get3A_1988 : vector<16xf32> to vector<16xf32>
        %add3A_1990 = arith.addf %get3A_1890, %get3A_1989 : vector<16xf32>
        %slice3A_1991 = vector.extract_strided_slice %get3A_886 {offsets = [10], sizes = [1], strides = [1]} : vector<16xi32> to vector<1xi32>
        %squeeze3A_1992 = vector.extract %slice3A_1991[0] : i32 from vector<1xi32>
        %mul3A_1993 = arith.constant 256 : i32
        %mul3A_1994 = arith.muli %squeeze3A_1992, %mul3A_1993 : i32
        %add3A_1995 = arith.constant 0 : i32
        %add3A_1996 = arith.addi %mul3A_1994, %add3A_1995 : i32
        %get3A_1997 = arith.index_cast %add3A_1996 : i32 to index
        %get3A_1998 = tpu.vector_load %arg13[%get3A_1997] {strides = array<i32>} : memref<82176xf32, #tpu.memory_space<vmem>>, vector<16xf32>,
        %get3A_1999 = vector.shape_cast %get3A_1998 : vector<16xf32> to vector<16xf32>
        %add3A_2000 = arith.addf %add3A_1900, %get3A_1999 : vector<16xf32>
        %add3A_2001 = arith.constant 16 : i32
        %add3A_2002 = arith.addi %mul3A_1994, %add3A_2001 : i32
        %get3A_2003 = arith.index_cast %add3A_2002 : i32 to index
        %get3A_2004 = tpu.vector_load %arg13[%get3A_2003] {strides = array<i32>} : memref<82176xf32, #tpu.memory_space<vmem>>, vector<16xf32>,
        %get3A_2005 = vector.shape_cast %get3A_2004 : vector<16xf32> to vector<16xf32>
        %add3A_2006 = arith.addf %add3A_1906, %get3A_2005 : vector<16xf32>
        %add3A_2007 = arith.constant 32 : i32
        %add3A_2008 = arith.addi %mul3A_1994, %add3A_2007 : i32
        %get3A_2009 = arith.index_cast %add3A_2008 : i32 to index
        %get3A_2010 = tpu.vector_load %arg13[%get3A_2009] {strides = array<i32>} : memref<82176xf32, #tpu.memory_space<vmem>>, vector<16xf32>,
        %get3A_2011 = vector.shape_cast %get3A_2010 : vector<16xf32> to vector<16xf32>
        %add3A_2012 = arith.addf %add3A_1912, %get3A_2011 : vector<16xf32>
        %add3A_2013 = arith.constant 48 : i32
        %add3A_2014 = arith.addi %mul3A_1994, %add3A_2013 : i32
        %get3A_2015 = arith.index_cast %add3A_2014 : i32 to index
        %get3A_2016 = tpu.vector_load %arg13[%get3A_2015] {strides = array<i32>} : memref<82176xf32, #tpu.memory_space<vmem>>, vector<16xf32>,
        %get3A_2017 = vector.shape_cast %get3A_2016 : vector<16xf32> to vector<16xf32>
        %add3A_2018 = arith.addf %add3A_1918, %get3A_2017 : vector<16xf32>
        %add3A_2019 = arith.constant 64 : i32
        %add3A_2020 = arith.addi %mul3A_1994, %add3A_2019 : i32
        %get3A_2021 = arith.index_cast %add3A_2020 : i32 to index
        %get3A_2022 = tpu.vector_load %arg13[%get3A_2021] {strides = array<i32>} : memref<82176xf32, #tpu.memory_space<vmem>>, vector<16xf32>,
        %get3A_2023 = vector.shape_cast %get3A_2022 : vector<16xf32> to vector<16xf32>
        %add3A_2024 = arith.addf %add3A_1924, %get3A_2023 : vector<16xf32>
        %add3A_2025 = arith.constant 80 : i32
        %add3A_2026 = arith.addi %mul3A_1994, %add3A_2025 : i32
        %get3A_2027 = arith.index_cast %add3A_2026 : i32 to index
        %get3A_2028 = tpu.vector_load %arg13[%get3A_2027] {strides = array<i32>} : memref<82176xf32, #tpu.memory_space<vmem>>, vector<16xf32>,
        %get3A_2029 = vector.shape_cast %get3A_2028 : vector<16xf32> to vector<16xf32>
        %add3A_2030 = arith.addf %add3A_1930, %get3A_2029 : vector<16xf32>
        %add3A_2031 = arith.constant 96 : i32
        %add3A_2032 = arith.addi %mul3A_1994, %add3A_2031 : i32
        %get3A_2033 = arith.index_cast %add3A_2032 : i32 to index
        %get3A_2034 = tpu.vector_load %arg13[%get3A_2033] {strides = array<i32>} : memref<82176xf32, #tpu.memory_space<vmem>>, vector<16xf32>,
        %get3A_2035 = vector.shape_cast %get3A_2034 : vector<16xf32> to vector<16xf32>
        %add3A_2036 = arith.addf %add3A_1936, %get3A_2035 : vector<16xf32>
        %add3A_2037 = arith.constant 112 : i32
        %add3A_2038 = arith.addi %mul3A_1994, %add3A_2037 : i32
        %get3A_2039 = arith.index_cast %add3A_2038 : i32 to index
        %get3A_2040 = tpu.vector_load %arg13[%get3A_2039] {strides = array<i32>} : memref<82176xf32, #tpu.memory_space<vmem>>, vector<16xf32>,
        %get3A_2041 = vector.shape_cast %get3A_2040 : vector<16xf32> to vector<16xf32>
        %add3A_2042 = arith.addf %add3A_1942, %get3A_2041 : vector<16xf32>
        %add3A_2043 = arith.constant 128 : i32
        %add3A_2044 = arith.addi %mul3A_1994, %add3A_2043 : i32
        %get3A_2045 = arith.index_cast %add3A_2044 : i32 to index
        %get3A_2046 = tpu.vector_load %arg13[%get3A_2045] {strides = array<i32>} : memref<82176xf32, #tpu.memory_space<vmem>>, vector<16xf32>,
        %get3A_2047 = vector.shape_cast %get3A_2046 : vector<16xf32> to vector<16xf32>
        %add3A_2048 = arith.addf %add3A_1948, %get3A_2047 : vector<16xf32>
        %add3A_2049 = arith.constant 144 : i32
        %add3A_2050 = arith.addi %mul3A_1994, %add3A_2049 : i32
        %get3A_2051 = arith.index_cast %add3A_2050 : i32 to index
        %get3A_2052 = tpu.vector_load %arg13[%get3A_2051] {strides = array<i32>} : memref<82176xf32, #tpu.memory_space<vmem>>, vector<16xf32>,
        %get3A_2053 = vector.shape_cast %get3A_2052 : vector<16xf32> to vector<16xf32>
        %add3A_2054 = arith.addf %add3A_1954, %get3A_2053 : vector<16xf32>
        %add3A_2055 = arith.constant 160 : i32
        %add3A_2056 = arith.addi %mul3A_1994, %add3A_2055 : i32
        %get3A_2057 = arith.index_cast %add3A_2056 : i32 to index
        %get3A_2058 = tpu.vector_load %arg13[%get3A_2057] {strides = array<i32>} : memref<82176xf32, #tpu.memory_space<vmem>>, vector<16xf32>,
        %get3A_2059 = vector.shape_cast %get3A_2058 : vector<16xf32> to vector<16xf32>
        %add3A_2060 = arith.addf %add3A_1960, %get3A_2059 : vector<16xf32>
        %add3A_2061 = arith.constant 176 : i32
        %add3A_2062 = arith.addi %mul3A_1994, %add3A_2061 : i32
        %get3A_2063 = arith.index_cast %add3A_2062 : i32 to index
        %get3A_2064 = tpu.vector_load %arg13[%get3A_2063] {strides = array<i32>} : memref<82176xf32, #tpu.memory_space<vmem>>, vector<16xf32>,
        %get3A_2065 = vector.shape_cast %get3A_2064 : vector<16xf32> to vector<16xf32>
        %add3A_2066 = arith.addf %add3A_1966, %get3A_2065 : vector<16xf32>
        %add3A_2067 = arith.constant 192 : i32
        %add3A_2068 = arith.addi %mul3A_1994, %add3A_2067 : i32
        %get3A_2069 = arith.index_cast %add3A_2068 : i32 to index
        %get3A_2070 = tpu.vector_load %arg13[%get3A_2069] {strides = array<i32>} : memref<82176xf32, #tpu.memory_space<vmem>>, vector<16xf32>,
        %get3A_2071 = vector.shape_cast %get3A_2070 : vector<16xf32> to vector<16xf32>
        %add3A_2072 = arith.addf %add3A_1972, %get3A_2071 : vector<16xf32>
        %add3A_2073 = arith.constant 208 : i32
        %add3A_2074 = arith.addi %mul3A_1994, %add3A_2073 : i32
        %get3A_2075 = arith.index_cast %add3A_2074 : i32 to index
        %get3A_2076 = tpu.vector_load %arg13[%get3A_2075] {strides = array<i32>} : memref<82176xf32, #tpu.memory_space<vmem>>, vector<16xf32>,
        %get3A_2077 = vector.shape_cast %get3A_2076 : vector<16xf32> to vector<16xf32>
        %add3A_2078 = arith.addf %add3A_1978, %get3A_2077 : vector<16xf32>
        %add3A_2079 = arith.constant 224 : i32
        %add3A_2080 = arith.addi %mul3A_1994, %add3A_2079 : i32
        %get3A_2081 = arith.index_cast %add3A_2080 : i32 to index
        %get3A_2082 = tpu.vector_load %arg13[%get3A_2081] {strides = array<i32>} : memref<82176xf32, #tpu.memory_space<vmem>>, vector<16xf32>,
        %get3A_2083 = vector.shape_cast %get3A_2082 : vector<16xf32> to vector<16xf32>
        %add3A_2084 = arith.addf %add3A_1984, %get3A_2083 : vector<16xf32>
        %add3A_2085 = arith.constant 240 : i32
        %add3A_2086 = arith.addi %mul3A_1994, %add3A_2085 : i32
        %get3A_2087 = arith.index_cast %add3A_2086 : i32 to index
        %get3A_2088 = tpu.vector_load %arg13[%get3A_2087] {strides = array<i32>} : memref<82176xf32, #tpu.memory_space<vmem>>, vector<16xf32>,
        %get3A_2089 = vector.shape_cast %get3A_2088 : vector<16xf32> to vector<16xf32>
        %add3A_2090 = arith.addf %add3A_1990, %get3A_2089 : vector<16xf32>
        %slice3A_2091 = vector.extract_strided_slice %get3A_886 {offsets = [11], sizes = [1], strides = [1]} : vector<16xi32> to vector<1xi32>
        %squeeze3A_2092 = vector.extract %slice3A_2091[0] : i32 from vector<1xi32>
        %mul3A_2093 = arith.constant 256 : i32
        %mul3A_2094 = arith.muli %squeeze3A_2092, %mul3A_2093 : i32
        %add3A_2095 = arith.constant 0 : i32
        %add3A_2096 = arith.addi %mul3A_2094, %add3A_2095 : i32
        %get3A_2097 = arith.index_cast %add3A_2096 : i32 to index
        %get3A_2098 = tpu.vector_load %arg13[%get3A_2097] {strides = array<i32>} : memref<82176xf32, #tpu.memory_space<vmem>>, vector<16xf32>,
        %get3A_2099 = vector.shape_cast %get3A_2098 : vector<16xf32> to vector<16xf32>
        %add3A_2100 = arith.addf %add3A_2000, %get3A_2099 : vector<16xf32>
        %add3A_2101 = arith.constant 16 : i32
        %add3A_2102 = arith.addi %mul3A_2094, %add3A_2101 : i32
        %get3A_2103 = arith.index_cast %add3A_2102 : i32 to index
        %get3A_2104 = tpu.vector_load %arg13[%get3A_2103] {strides = array<i32>} : memref<82176xf32, #tpu.memory_space<vmem>>, vector<16xf32>,
        %get3A_2105 = vector.shape_cast %get3A_2104 : vector<16xf32> to vector<16xf32>
        %add3A_2106 = arith.addf %add3A_2006, %get3A_2105 : vector<16xf32>
        %add3A_2107 = arith.constant 32 : i32
        %add3A_2108 = arith.addi %mul3A_2094, %add3A_2107 : i32
        %get3A_2109 = arith.index_cast %add3A_2108 : i32 to index
        %get3A_2110 = tpu.vector_load %arg13[%get3A_2109] {strides = array<i32>} : memref<82176xf32, #tpu.memory_space<vmem>>, vector<16xf32>,
        %get3A_2111 = vector.shape_cast %get3A_2110 : vector<16xf32> to vector<16xf32>
        %add3A_2112 = arith.addf %add3A_2012, %get3A_2111 : vector<16xf32>
        %add3A_2113 = arith.constant 48 : i32
        %add3A_2114 = arith.addi %mul3A_2094, %add3A_2113 : i32
        %get3A_2115 = arith.index_cast %add3A_2114 : i32 to index
        %get3A_2116 = tpu.vector_load %arg13[%get3A_2115] {strides = array<i32>} : memref<82176xf32, #tpu.memory_space<vmem>>, vector<16xf32>,
        %get3A_2117 = vector.shape_cast %get3A_2116 : vector<16xf32> to vector<16xf32>
        %add3A_2118 = arith.addf %add3A_2018, %get3A_2117 : vector<16xf32>
        %add3A_2119 = arith.constant 64 : i32
        %add3A_2120 = arith.addi %mul3A_2094, %add3A_2119 : i32
        %get3A_2121 = arith.index_cast %add3A_2120 : i32 to index
        %get3A_2122 = tpu.vector_load %arg13[%get3A_2121] {strides = array<i32>} : memref<82176xf32, #tpu.memory_space<vmem>>, vector<16xf32>,
        %get3A_2123 = vector.shape_cast %get3A_2122 : vector<16xf32> to vector<16xf32>
        %add3A_2124 = arith.addf %add3A_2024, %get3A_2123 : vector<16xf32>
        %add3A_2125 = arith.constant 80 : i32
        %add3A_2126 = arith.addi %mul3A_2094, %add3A_2125 : i32
        %get3A_2127 = arith.index_cast %add3A_2126 : i32 to index
        %get3A_2128 = tpu.vector_load %arg13[%get3A_2127] {strides = array<i32>} : memref<82176xf32, #tpu.memory_space<vmem>>, vector<16xf32>,
        %get3A_2129 = vector.shape_cast %get3A_2128 : vector<16xf32> to vector<16xf32>
        %add3A_2130 = arith.addf %add3A_2030, %get3A_2129 : vector<16xf32>
        %add3A_2131 = arith.constant 96 : i32
        %add3A_2132 = arith.addi %mul3A_2094, %add3A_2131 : i32
        %get3A_2133 = arith.index_cast %add3A_2132 : i32 to index
        %get3A_2134 = tpu.vector_load %arg13[%get3A_2133] {strides = array<i32>} : memref<82176xf32, #tpu.memory_space<vmem>>, vector<16xf32>,
        %get3A_2135 = vector.shape_cast %get3A_2134 : vector<16xf32> to vector<16xf32>
        %add3A_2136 = arith.addf %add3A_2036, %get3A_2135 : vector<16xf32>
        %add3A_2137 = arith.constant 112 : i32
        %add3A_2138 = arith.addi %mul3A_2094, %add3A_2137 : i32
        %get3A_2139 = arith.index_cast %add3A_2138 : i32 to index
        %get3A_2140 = tpu.vector_load %arg13[%get3A_2139] {strides = array<i32>} : memref<82176xf32, #tpu.memory_space<vmem>>, vector<16xf32>,
        %get3A_2141 = vector.shape_cast %get3A_2140 : vector<16xf32> to vector<16xf32>
        %add3A_2142 = arith.addf %add3A_2042, %get3A_2141 : vector<16xf32>
        %add3A_2143 = arith.constant 128 : i32
        %add3A_2144 = arith.addi %mul3A_2094, %add3A_2143 : i32
        %get3A_2145 = arith.index_cast %add3A_2144 : i32 to index
        %get3A_2146 = tpu.vector_load %arg13[%get3A_2145] {strides = array<i32>} : memref<82176xf32, #tpu.memory_space<vmem>>, vector<16xf32>,
        %get3A_2147 = vector.shape_cast %get3A_2146 : vector<16xf32> to vector<16xf32>
        %add3A_2148 = arith.addf %add3A_2048, %get3A_2147 : vector<16xf32>
        %add3A_2149 = arith.constant 144 : i32
        %add3A_2150 = arith.addi %mul3A_2094, %add3A_2149 : i32
        %get3A_2151 = arith.index_cast %add3A_2150 : i32 to index
        %get3A_2152 = tpu.vector_load %arg13[%get3A_2151] {strides = array<i32>} : memref<82176xf32, #tpu.memory_space<vmem>>, vector<16xf32>,
        %get3A_2153 = vector.shape_cast %get3A_2152 : vector<16xf32> to vector<16xf32>
        %add3A_2154 = arith.addf %add3A_2054, %get3A_2153 : vector<16xf32>
        %add3A_2155 = arith.constant 160 : i32
        %add3A_2156 = arith.addi %mul3A_2094, %add3A_2155 : i32
        %get3A_2157 = arith.index_cast %add3A_2156 : i32 to index
        %get3A_2158 = tpu.vector_load %arg13[%get3A_2157] {strides = array<i32>} : memref<82176xf32, #tpu.memory_space<vmem>>, vector<16xf32>,
        %get3A_2159 = vector.shape_cast %get3A_2158 : vector<16xf32> to vector<16xf32>
        %add3A_2160 = arith.addf %add3A_2060, %get3A_2159 : vector<16xf32>
        %add3A_2161 = arith.constant 176 : i32
        %add3A_2162 = arith.addi %mul3A_2094, %add3A_2161 : i32
        %get3A_2163 = arith.index_cast %add3A_2162 : i32 to index
        %get3A_2164 = tpu.vector_load %arg13[%get3A_2163] {strides = array<i32>} : memref<82176xf32, #tpu.memory_space<vmem>>, vector<16xf32>,
        %get3A_2165 = vector.shape_cast %get3A_2164 : vector<16xf32> to vector<16xf32>
        %add3A_2166 = arith.addf %add3A_2066, %get3A_2165 : vector<16xf32>
        %add3A_2167 = arith.constant 192 : i32
        %add3A_2168 = arith.addi %mul3A_2094, %add3A_2167 : i32
        %get3A_2169 = arith.index_cast %add3A_2168 : i32 to index
        %get3A_2170 = tpu.vector_load %arg13[%get3A_2169] {strides = array<i32>} : memref<82176xf32, #tpu.memory_space<vmem>>, vector<16xf32>,
        %get3A_2171 = vector.shape_cast %get3A_2170 : vector<16xf32> to vector<16xf32>
        %add3A_2172 = arith.addf %add3A_2072, %get3A_2171 : vector<16xf32>
        %add3A_2173 = arith.constant 208 : i32
        %add3A_2174 = arith.addi %mul3A_2094, %add3A_2173 : i32
        %get3A_2175 = arith.index_cast %add3A_2174 : i32 to index
        %get3A_2176 = tpu.vector_load %arg13[%get3A_2175] {strides = array<i32>} : memref<82176xf32, #tpu.memory_space<vmem>>, vector<16xf32>,
        %get3A_2177 = vector.shape_cast %get3A_2176 : vector<16xf32> to vector<16xf32>
        %add3A_2178 = arith.addf %add3A_2078, %get3A_2177 : vector<16xf32>
        %add3A_2179 = arith.constant 224 : i32
        %add3A_2180 = arith.addi %mul3A_2094, %add3A_2179 : i32
        %get3A_2181 = arith.index_cast %add3A_2180 : i32 to index
        %get3A_2182 = tpu.vector_load %arg13[%get3A_2181] {strides = array<i32>} : memref<82176xf32, #tpu.memory_space<vmem>>, vector<16xf32>,
        %get3A_2183 = vector.shape_cast %get3A_2182 : vector<16xf32> to vector<16xf32>
        %add3A_2184 = arith.addf %add3A_2084, %get3A_2183 : vector<16xf32>
        %add3A_2185 = arith.constant 240 : i32
        %add3A_2186 = arith.addi %mul3A_2094, %add3A_2185 : i32
        %get3A_2187 = arith.index_cast %add3A_2186 : i32 to index
        %get3A_2188 = tpu.vector_load %arg13[%get3A_2187] {strides = array<i32>} : memref<82176xf32, #tpu.memory_space<vmem>>, vector<16xf32>,
        %get3A_2189 = vector.shape_cast %get3A_2188 : vector<16xf32> to vector<16xf32>
        %add3A_2190 = arith.addf %add3A_2090, %get3A_2189 : vector<16xf32>
        %slice3A_2191 = vector.extract_strided_slice %get3A_886 {offsets = [12], sizes = [1], strides = [1]} : vector<16xi32> to vector<1xi32>
        %squeeze3A_2192 = vector.extract %slice3A_2191[0] : i32 from vector<1xi32>
        %mul3A_2193 = arith.constant 256 : i32
        %mul3A_2194 = arith.muli %squeeze3A_2192, %mul3A_2193 : i32
        %add3A_2195 = arith.constant 0 : i32
        %add3A_2196 = arith.addi %mul3A_2194, %add3A_2195 : i32
        %get3A_2197 = arith.index_cast %add3A_2196 : i32 to index
        %get3A_2198 = tpu.vector_load %arg13[%get3A_2197] {strides = array<i32>} : memref<82176xf32, #tpu.memory_space<vmem>>, vector<16xf32>,
        %get3A_2199 = vector.shape_cast %get3A_2198 : vector<16xf32> to vector<16xf32>
        %add3A_2200 = arith.addf %add3A_2100, %get3A_2199 : vector<16xf32>
        %add3A_2201 = arith.constant 16 : i32
        %add3A_2202 = arith.addi %mul3A_2194, %add3A_2201 : i32
        %get3A_2203 = arith.index_cast %add3A_2202 : i32 to index
        %get3A_2204 = tpu.vector_load %arg13[%get3A_2203] {strides = array<i32>} : memref<82176xf32, #tpu.memory_space<vmem>>, vector<16xf32>,
        %get3A_2205 = vector.shape_cast %get3A_2204 : vector<16xf32> to vector<16xf32>
        %add3A_2206 = arith.addf %add3A_2106, %get3A_2205 : vector<16xf32>
        %add3A_2207 = arith.constant 32 : i32
        %add3A_2208 = arith.addi %mul3A_2194, %add3A_2207 : i32
        %get3A_2209 = arith.index_cast %add3A_2208 : i32 to index
        %get3A_2210 = tpu.vector_load %arg13[%get3A_2209] {strides = array<i32>} : memref<82176xf32, #tpu.memory_space<vmem>>, vector<16xf32>,
        %get3A_2211 = vector.shape_cast %get3A_2210 : vector<16xf32> to vector<16xf32>
        %add3A_2212 = arith.addf %add3A_2112, %get3A_2211 : vector<16xf32>
        %add3A_2213 = arith.constant 48 : i32
        %add3A_2214 = arith.addi %mul3A_2194, %add3A_2213 : i32
        %get3A_2215 = arith.index_cast %add3A_2214 : i32 to index
        %get3A_2216 = tpu.vector_load %arg13[%get3A_2215] {strides = array<i32>} : memref<82176xf32, #tpu.memory_space<vmem>>, vector<16xf32>,
        %get3A_2217 = vector.shape_cast %get3A_2216 : vector<16xf32> to vector<16xf32>
        %add3A_2218 = arith.addf %add3A_2118, %get3A_2217 : vector<16xf32>
        %add3A_2219 = arith.constant 64 : i32
        %add3A_2220 = arith.addi %mul3A_2194, %add3A_2219 : i32
        %get3A_2221 = arith.index_cast %add3A_2220 : i32 to index
        %get3A_2222 = tpu.vector_load %arg13[%get3A_2221] {strides = array<i32>} : memref<82176xf32, #tpu.memory_space<vmem>>, vector<16xf32>,
        %get3A_2223 = vector.shape_cast %get3A_2222 : vector<16xf32> to vector<16xf32>
        %add3A_2224 = arith.addf %add3A_2124, %get3A_2223 : vector<16xf32>
        %add3A_2225 = arith.constant 80 : i32
        %add3A_2226 = arith.addi %mul3A_2194, %add3A_2225 : i32
        %get3A_2227 = arith.index_cast %add3A_2226 : i32 to index
        %get3A_2228 = tpu.vector_load %arg13[%get3A_2227] {strides = array<i32>} : memref<82176xf32, #tpu.memory_space<vmem>>, vector<16xf32>,
        %get3A_2229 = vector.shape_cast %get3A_2228 : vector<16xf32> to vector<16xf32>
        %add3A_2230 = arith.addf %add3A_2130, %get3A_2229 : vector<16xf32>
        %add3A_2231 = arith.constant 96 : i32
        %add3A_2232 = arith.addi %mul3A_2194, %add3A_2231 : i32
        %get3A_2233 = arith.index_cast %add3A_2232 : i32 to index
        %get3A_2234 = tpu.vector_load %arg13[%get3A_2233] {strides = array<i32>} : memref<82176xf32, #tpu.memory_space<vmem>>, vector<16xf32>,
        %get3A_2235 = vector.shape_cast %get3A_2234 : vector<16xf32> to vector<16xf32>
        %add3A_2236 = arith.addf %add3A_2136, %get3A_2235 : vector<16xf32>
        %add3A_2237 = arith.constant 112 : i32
        %add3A_2238 = arith.addi %mul3A_2194, %add3A_2237 : i32
        %get3A_2239 = arith.index_cast %add3A_2238 : i32 to index
        %get3A_2240 = tpu.vector_load %arg13[%get3A_2239] {strides = array<i32>} : memref<82176xf32, #tpu.memory_space<vmem>>, vector<16xf32>,
        %get3A_2241 = vector.shape_cast %get3A_2240 : vector<16xf32> to vector<16xf32>
        %add3A_2242 = arith.addf %add3A_2142, %get3A_2241 : vector<16xf32>
        %add3A_2243 = arith.constant 128 : i32
        %add3A_2244 = arith.addi %mul3A_2194, %add3A_2243 : i32
        %get3A_2245 = arith.index_cast %add3A_2244 : i32 to index
        %get3A_2246 = tpu.vector_load %arg13[%get3A_2245] {strides = array<i32>} : memref<82176xf32, #tpu.memory_space<vmem>>, vector<16xf32>,
        %get3A_2247 = vector.shape_cast %get3A_2246 : vector<16xf32> to vector<16xf32>
        %add3A_2248 = arith.addf %add3A_2148, %get3A_2247 : vector<16xf32>
        %add3A_2249 = arith.constant 144 : i32
        %add3A_2250 = arith.addi %mul3A_2194, %add3A_2249 : i32
        %get3A_2251 = arith.index_cast %add3A_2250 : i32 to index
        %get3A_2252 = tpu.vector_load %arg13[%get3A_2251] {strides = array<i32>} : memref<82176xf32, #tpu.memory_space<vmem>>, vector<16xf32>,
        %get3A_2253 = vector.shape_cast %get3A_2252 : vector<16xf32> to vector<16xf32>
        %add3A_2254 = arith.addf %add3A_2154, %get3A_2253 : vector<16xf32>
        %add3A_2255 = arith.constant 160 : i32
        %add3A_2256 = arith.addi %mul3A_2194, %add3A_2255 : i32
        %get3A_2257 = arith.index_cast %add3A_2256 : i32 to index
        %get3A_2258 = tpu.vector_load %arg13[%get3A_2257] {strides = array<i32>} : memref<82176xf32, #tpu.memory_space<vmem>>, vector<16xf32>,
        %get3A_2259 = vector.shape_cast %get3A_2258 : vector<16xf32> to vector<16xf32>
        %add3A_2260 = arith.addf %add3A_2160, %get3A_2259 : vector<16xf32>
        %add3A_2261 = arith.constant 176 : i32
        %add3A_2262 = arith.addi %mul3A_2194, %add3A_2261 : i32
        %get3A_2263 = arith.index_cast %add3A_2262 : i32 to index
        %get3A_2264 = tpu.vector_load %arg13[%get3A_2263] {strides = array<i32>} : memref<82176xf32, #tpu.memory_space<vmem>>, vector<16xf32>,
        %get3A_2265 = vector.shape_cast %get3A_2264 : vector<16xf32> to vector<16xf32>
        %add3A_2266 = arith.addf %add3A_2166, %get3A_2265 : vector<16xf32>
        %add3A_2267 = arith.constant 192 : i32
        %add3A_2268 = arith.addi %mul3A_2194, %add3A_2267 : i32
        %get3A_2269 = arith.index_cast %add3A_2268 : i32 to index
        %get3A_2270 = tpu.vector_load %arg13[%get3A_2269] {strides = array<i32>} : memref<82176xf32, #tpu.memory_space<vmem>>, vector<16xf32>,
        %get3A_2271 = vector.shape_cast %get3A_2270 : vector<16xf32> to vector<16xf32>
        %add3A_2272 = arith.addf %add3A_2172, %get3A_2271 : vector<16xf32>
        %add3A_2273 = arith.constant 208 : i32
        %add3A_2274 = arith.addi %mul3A_2194, %add3A_2273 : i32
        %get3A_2275 = arith.index_cast %add3A_2274 : i32 to index
        %get3A_2276 = tpu.vector_load %arg13[%get3A_2275] {strides = array<i32>} : memref<82176xf32, #tpu.memory_space<vmem>>, vector<16xf32>,
        %get3A_2277 = vector.shape_cast %get3A_2276 : vector<16xf32> to vector<16xf32>
        %add3A_2278 = arith.addf %add3A_2178, %get3A_2277 : vector<16xf32>
        %add3A_2279 = arith.constant 224 : i32
        %add3A_2280 = arith.addi %mul3A_2194, %add3A_2279 : i32
        %get3A_2281 = arith.index_cast %add3A_2280 : i32 to index
        %get3A_2282 = tpu.vector_load %arg13[%get3A_2281] {strides = array<i32>} : memref<82176xf32, #tpu.memory_space<vmem>>, vector<16xf32>,
        %get3A_2283 = vector.shape_cast %get3A_2282 : vector<16xf32> to vector<16xf32>
        %add3A_2284 = arith.addf %add3A_2184, %get3A_2283 : vector<16xf32>
        %add3A_2285 = arith.constant 240 : i32
        %add3A_2286 = arith.addi %mul3A_2194, %add3A_2285 : i32
        %get3A_2287 = arith.index_cast %add3A_2286 : i32 to index
        %get3A_2288 = tpu.vector_load %arg13[%get3A_2287] {strides = array<i32>} : memref<82176xf32, #tpu.memory_space<vmem>>, vector<16xf32>,
        %get3A_2289 = vector.shape_cast %get3A_2288 : vector<16xf32> to vector<16xf32>
        %add3A_2290 = arith.addf %add3A_2190, %get3A_2289 : vector<16xf32>
        %slice3A_2291 = vector.extract_strided_slice %get3A_886 {offsets = [13], sizes = [1], strides = [1]} : vector<16xi32> to vector<1xi32>
        %squeeze3A_2292 = vector.extract %slice3A_2291[0] : i32 from vector<1xi32>
        %mul3A_2293 = arith.constant 256 : i32
        %mul3A_2294 = arith.muli %squeeze3A_2292, %mul3A_2293 : i32
        %add3A_2295 = arith.constant 0 : i32
        %add3A_2296 = arith.addi %mul3A_2294, %add3A_2295 : i32
        %get3A_2297 = arith.index_cast %add3A_2296 : i32 to index
        %get3A_2298 = tpu.vector_load %arg13[%get3A_2297] {strides = array<i32>} : memref<82176xf32, #tpu.memory_space<vmem>>, vector<16xf32>,
        %get3A_2299 = vector.shape_cast %get3A_2298 : vector<16xf32> to vector<16xf32>
        %add3A_2300 = arith.addf %add3A_2200, %get3A_2299 : vector<16xf32>
        %add3A_2301 = arith.constant 16 : i32
        %add3A_2302 = arith.addi %mul3A_2294, %add3A_2301 : i32
        %get3A_2303 = arith.index_cast %add3A_2302 : i32 to index
        %get3A_2304 = tpu.vector_load %arg13[%get3A_2303] {strides = array<i32>} : memref<82176xf32, #tpu.memory_space<vmem>>, vector<16xf32>,
        %get3A_2305 = vector.shape_cast %get3A_2304 : vector<16xf32> to vector<16xf32>
        %add3A_2306 = arith.addf %add3A_2206, %get3A_2305 : vector<16xf32>
        %add3A_2307 = arith.constant 32 : i32
        %add3A_2308 = arith.addi %mul3A_2294, %add3A_2307 : i32
        %get3A_2309 = arith.index_cast %add3A_2308 : i32 to index
        %get3A_2310 = tpu.vector_load %arg13[%get3A_2309] {strides = array<i32>} : memref<82176xf32, #tpu.memory_space<vmem>>, vector<16xf32>,
        %get3A_2311 = vector.shape_cast %get3A_2310 : vector<16xf32> to vector<16xf32>
        %add3A_2312 = arith.addf %add3A_2212, %get3A_2311 : vector<16xf32>
        %add3A_2313 = arith.constant 48 : i32
        %add3A_2314 = arith.addi %mul3A_2294, %add3A_2313 : i32
        %get3A_2315 = arith.index_cast %add3A_2314 : i32 to index
        %get3A_2316 = tpu.vector_load %arg13[%get3A_2315] {strides = array<i32>} : memref<82176xf32, #tpu.memory_space<vmem>>, vector<16xf32>,
        %get3A_2317 = vector.shape_cast %get3A_2316 : vector<16xf32> to vector<16xf32>
        %add3A_2318 = arith.addf %add3A_2218, %get3A_2317 : vector<16xf32>
        %add3A_2319 = arith.constant 64 : i32
        %add3A_2320 = arith.addi %mul3A_2294, %add3A_2319 : i32
        %get3A_2321 = arith.index_cast %add3A_2320 : i32 to index
        %get3A_2322 = tpu.vector_load %arg13[%get3A_2321] {strides = array<i32>} : memref<82176xf32, #tpu.memory_space<vmem>>, vector<16xf32>,
        %get3A_2323 = vector.shape_cast %get3A_2322 : vector<16xf32> to vector<16xf32>
        %add3A_2324 = arith.addf %add3A_2224, %get3A_2323 : vector<16xf32>
        %add3A_2325 = arith.constant 80 : i32
        %add3A_2326 = arith.addi %mul3A_2294, %add3A_2325 : i32
        %get3A_2327 = arith.index_cast %add3A_2326 : i32 to index
        %get3A_2328 = tpu.vector_load %arg13[%get3A_2327] {strides = array<i32>} : memref<82176xf32, #tpu.memory_space<vmem>>, vector<16xf32>,
        %get3A_2329 = vector.shape_cast %get3A_2328 : vector<16xf32> to vector<16xf32>
        %add3A_2330 = arith.addf %add3A_2230, %get3A_2329 : vector<16xf32>
        %add3A_2331 = arith.constant 96 : i32
        %add3A_2332 = arith.addi %mul3A_2294, %add3A_2331 : i32
        %get3A_2333 = arith.index_cast %add3A_2332 : i32 to index
        %get3A_2334 = tpu.vector_load %arg13[%get3A_2333] {strides = array<i32>} : memref<82176xf32, #tpu.memory_space<vmem>>, vector<16xf32>,
        %get3A_2335 = vector.shape_cast %get3A_2334 : vector<16xf32> to vector<16xf32>
        %add3A_2336 = arith.addf %add3A_2236, %get3A_2335 : vector<16xf32>
        %add3A_2337 = arith.constant 112 : i32
        %add3A_2338 = arith.addi %mul3A_2294, %add3A_2337 : i32
        %get3A_2339 = arith.index_cast %add3A_2338 : i32 to index
        %get3A_2340 = tpu.vector_load %arg13[%get3A_2339] {strides = array<i32>} : memref<82176xf32, #tpu.memory_space<vmem>>, vector<16xf32>,
        %get3A_2341 = vector.shape_cast %get3A_2340 : vector<16xf32> to vector<16xf32>
        %add3A_2342 = arith.addf %add3A_2242, %get3A_2341 : vector<16xf32>
        %add3A_2343 = arith.constant 128 : i32
        %add3A_2344 = arith.addi %mul3A_2294, %add3A_2343 : i32
        %get3A_2345 = arith.index_cast %add3A_2344 : i32 to index
        %get3A_2346 = tpu.vector_load %arg13[%get3A_2345] {strides = array<i32>} : memref<82176xf32, #tpu.memory_space<vmem>>, vector<16xf32>,
        %get3A_2347 = vector.shape_cast %get3A_2346 : vector<16xf32> to vector<16xf32>
        %add3A_2348 = arith.addf %add3A_2248, %get3A_2347 : vector<16xf32>
        %add3A_2349 = arith.constant 144 : i32
        %add3A_2350 = arith.addi %mul3A_2294, %add3A_2349 : i32
        %get3A_2351 = arith.index_cast %add3A_2350 : i32 to index
        %get3A_2352 = tpu.vector_load %arg13[%get3A_2351] {strides = array<i32>} : memref<82176xf32, #tpu.memory_space<vmem>>, vector<16xf32>,
        %get3A_2353 = vector.shape_cast %get3A_2352 : vector<16xf32> to vector<16xf32>
        %add3A_2354 = arith.addf %add3A_2254, %get3A_2353 : vector<16xf32>
        %add3A_2355 = arith.constant 160 : i32
        %add3A_2356 = arith.addi %mul3A_2294, %add3A_2355 : i32
        %get3A_2357 = arith.index_cast %add3A_2356 : i32 to index
        %get3A_2358 = tpu.vector_load %arg13[%get3A_2357] {strides = array<i32>} : memref<82176xf32, #tpu.memory_space<vmem>>, vector<16xf32>,
        %get3A_2359 = vector.shape_cast %get3A_2358 : vector<16xf32> to vector<16xf32>
        %add3A_2360 = arith.addf %add3A_2260, %get3A_2359 : vector<16xf32>
        %add3A_2361 = arith.constant 176 : i32
        %add3A_2362 = arith.addi %mul3A_2294, %add3A_2361 : i32
        %get3A_2363 = arith.index_cast %add3A_2362 : i32 to index
        %get3A_2364 = tpu.vector_load %arg13[%get3A_2363] {strides = array<i32>} : memref<82176xf32, #tpu.memory_space<vmem>>, vector<16xf32>,
        %get3A_2365 = vector.shape_cast %get3A_2364 : vector<16xf32> to vector<16xf32>
        %add3A_2366 = arith.addf %add3A_2266, %get3A_2365 : vector<16xf32>
        %add3A_2367 = arith.constant 192 : i32
        %add3A_2368 = arith.addi %mul3A_2294, %add3A_2367 : i32
        %get3A_2369 = arith.index_cast %add3A_2368 : i32 to index
        %get3A_2370 = tpu.vector_load %arg13[%get3A_2369] {strides = array<i32>} : memref<82176xf32, #tpu.memory_space<vmem>>, vector<16xf32>,
        %get3A_2371 = vector.shape_cast %get3A_2370 : vector<16xf32> to vector<16xf32>
        %add3A_2372 = arith.addf %add3A_2272, %get3A_2371 : vector<16xf32>
        %add3A_2373 = arith.constant 208 : i32
        %add3A_2374 = arith.addi %mul3A_2294, %add3A_2373 : i32
        %get3A_2375 = arith.index_cast %add3A_2374 : i32 to index
        %get3A_2376 = tpu.vector_load %arg13[%get3A_2375] {strides = array<i32>} : memref<82176xf32, #tpu.memory_space<vmem>>, vector<16xf32>,
        %get3A_2377 = vector.shape_cast %get3A_2376 : vector<16xf32> to vector<16xf32>
        %add3A_2378 = arith.addf %add3A_2278, %get3A_2377 : vector<16xf32>
        %add3A_2379 = arith.constant 224 : i32
        %add3A_2380 = arith.addi %mul3A_2294, %add3A_2379 : i32
        %get3A_2381 = arith.index_cast %add3A_2380 : i32 to index
        %get3A_2382 = tpu.vector_load %arg13[%get3A_2381] {strides = array<i32>} : memref<82176xf32, #tpu.memory_space<vmem>>, vector<16xf32>,
        %get3A_2383 = vector.shape_cast %get3A_2382 : vector<16xf32> to vector<16xf32>
        %add3A_2384 = arith.addf %add3A_2284, %get3A_2383 : vector<16xf32>
        %add3A_2385 = arith.constant 240 : i32
        %add3A_2386 = arith.addi %mul3A_2294, %add3A_2385 : i32
        %get3A_2387 = arith.index_cast %add3A_2386 : i32 to index
        %get3A_2388 = tpu.vector_load %arg13[%get3A_2387] {strides = array<i32>} : memref<82176xf32, #tpu.memory_space<vmem>>, vector<16xf32>,
        %get3A_2389 = vector.shape_cast %get3A_2388 : vector<16xf32> to vector<16xf32>
        %add3A_2390 = arith.addf %add3A_2290, %get3A_2389 : vector<16xf32>
        %slice3A_2391 = vector.extract_strided_slice %get3A_886 {offsets = [14], sizes = [1], strides = [1]} : vector<16xi32> to vector<1xi32>
        %squeeze3A_2392 = vector.extract %slice3A_2391[0] : i32 from vector<1xi32>
        %mul3A_2393 = arith.constant 256 : i32
        %mul3A_2394 = arith.muli %squeeze3A_2392, %mul3A_2393 : i32
        %add3A_2395 = arith.constant 0 : i32
        %add3A_2396 = arith.addi %mul3A_2394, %add3A_2395 : i32
        %get3A_2397 = arith.index_cast %add3A_2396 : i32 to index
        %get3A_2398 = tpu.vector_load %arg13[%get3A_2397] {strides = array<i32>} : memref<82176xf32, #tpu.memory_space<vmem>>, vector<16xf32>,
        %get3A_2399 = vector.shape_cast %get3A_2398 : vector<16xf32> to vector<16xf32>
        %add3A_2400 = arith.addf %add3A_2300, %get3A_2399 : vector<16xf32>
        %add3A_2401 = arith.constant 16 : i32
        %add3A_2402 = arith.addi %mul3A_2394, %add3A_2401 : i32
        %get3A_2403 = arith.index_cast %add3A_2402 : i32 to index
        %get3A_2404 = tpu.vector_load %arg13[%get3A_2403] {strides = array<i32>} : memref<82176xf32, #tpu.memory_space<vmem>>, vector<16xf32>,
        %get3A_2405 = vector.shape_cast %get3A_2404 : vector<16xf32> to vector<16xf32>
        %add3A_2406 = arith.addf %add3A_2306, %get3A_2405 : vector<16xf32>
        %add3A_2407 = arith.constant 32 : i32
        %add3A_2408 = arith.addi %mul3A_2394, %add3A_2407 : i32
        %get3A_2409 = arith.index_cast %add3A_2408 : i32 to index
        %get3A_2410 = tpu.vector_load %arg13[%get3A_2409] {strides = array<i32>} : memref<82176xf32, #tpu.memory_space<vmem>>, vector<16xf32>,
        %get3A_2411 = vector.shape_cast %get3A_2410 : vector<16xf32> to vector<16xf32>
        %add3A_2412 = arith.addf %add3A_2312, %get3A_2411 : vector<16xf32>
        %add3A_2413 = arith.constant 48 : i32
        %add3A_2414 = arith.addi %mul3A_2394, %add3A_2413 : i32
        %get3A_2415 = arith.index_cast %add3A_2414 : i32 to index
        %get3A_2416 = tpu.vector_load %arg13[%get3A_2415] {strides = array<i32>} : memref<82176xf32, #tpu.memory_space<vmem>>, vector<16xf32>,
        %get3A_2417 = vector.shape_cast %get3A_2416 : vector<16xf32> to vector<16xf32>
        %add3A_2418 = arith.addf %add3A_2318, %get3A_2417 : vector<16xf32>
        %add3A_2419 = arith.constant 64 : i32
        %add3A_2420 = arith.addi %mul3A_2394, %add3A_2419 : i32
        %get3A_2421 = arith.index_cast %add3A_2420 : i32 to index
        %get3A_2422 = tpu.vector_load %arg13[%get3A_2421] {strides = array<i32>} : memref<82176xf32, #tpu.memory_space<vmem>>, vector<16xf32>,
        %get3A_2423 = vector.shape_cast %get3A_2422 : vector<16xf32> to vector<16xf32>
        %add3A_2424 = arith.addf %add3A_2324, %get3A_2423 : vector<16xf32>
        %add3A_2425 = arith.constant 80 : i32
        %add3A_2426 = arith.addi %mul3A_2394, %add3A_2425 : i32
        %get3A_2427 = arith.index_cast %add3A_2426 : i32 to index
        %get3A_2428 = tpu.vector_load %arg13[%get3A_2427] {strides = array<i32>} : memref<82176xf32, #tpu.memory_space<vmem>>, vector<16xf32>,
        %get3A_2429 = vector.shape_cast %get3A_2428 : vector<16xf32> to vector<16xf32>
        %add3A_2430 = arith.addf %add3A_2330, %get3A_2429 : vector<16xf32>
        %add3A_2431 = arith.constant 96 : i32
        %add3A_2432 = arith.addi %mul3A_2394, %add3A_2431 : i32
        %get3A_2433 = arith.index_cast %add3A_2432 : i32 to index
        %get3A_2434 = tpu.vector_load %arg13[%get3A_2433] {strides = array<i32>} : memref<82176xf32, #tpu.memory_space<vmem>>, vector<16xf32>,
        %get3A_2435 = vector.shape_cast %get3A_2434 : vector<16xf32> to vector<16xf32>
        %add3A_2436 = arith.addf %add3A_2336, %get3A_2435 : vector<16xf32>
        %add3A_2437 = arith.constant 112 : i32
        %add3A_2438 = arith.addi %mul3A_2394, %add3A_2437 : i32
        %get3A_2439 = arith.index_cast %add3A_2438 : i32 to index
        %get3A_2440 = tpu.vector_load %arg13[%get3A_2439] {strides = array<i32>} : memref<82176xf32, #tpu.memory_space<vmem>>, vector<16xf32>,
        %get3A_2441 = vector.shape_cast %get3A_2440 : vector<16xf32> to vector<16xf32>
        %add3A_2442 = arith.addf %add3A_2342, %get3A_2441 : vector<16xf32>
        %add3A_2443 = arith.constant 128 : i32
        %add3A_2444 = arith.addi %mul3A_2394, %add3A_2443 : i32
        %get3A_2445 = arith.index_cast %add3A_2444 : i32 to index
        %get3A_2446 = tpu.vector_load %arg13[%get3A_2445] {strides = array<i32>} : memref<82176xf32, #tpu.memory_space<vmem>>, vector<16xf32>,
        %get3A_2447 = vector.shape_cast %get3A_2446 : vector<16xf32> to vector<16xf32>
        %add3A_2448 = arith.addf %add3A_2348, %get3A_2447 : vector<16xf32>
        %add3A_2449 = arith.constant 144 : i32
        %add3A_2450 = arith.addi %mul3A_2394, %add3A_2449 : i32
        %get3A_2451 = arith.index_cast %add3A_2450 : i32 to index
        %get3A_2452 = tpu.vector_load %arg13[%get3A_2451] {strides = array<i32>} : memref<82176xf32, #tpu.memory_space<vmem>>, vector<16xf32>,
        %get3A_2453 = vector.shape_cast %get3A_2452 : vector<16xf32> to vector<16xf32>
        %add3A_2454 = arith.addf %add3A_2354, %get3A_2453 : vector<16xf32>
        %add3A_2455 = arith.constant 160 : i32
        %add3A_2456 = arith.addi %mul3A_2394, %add3A_2455 : i32
        %get3A_2457 = arith.index_cast %add3A_2456 : i32 to index
        %get3A_2458 = tpu.vector_load %arg13[%get3A_2457] {strides = array<i32>} : memref<82176xf32, #tpu.memory_space<vmem>>, vector<16xf32>,
        %get3A_2459 = vector.shape_cast %get3A_2458 : vector<16xf32> to vector<16xf32>
        %add3A_2460 = arith.addf %add3A_2360, %get3A_2459 : vector<16xf32>
        %add3A_2461 = arith.constant 176 : i32
        %add3A_2462 = arith.addi %mul3A_2394, %add3A_2461 : i32
        %get3A_2463 = arith.index_cast %add3A_2462 : i32 to index
        %get3A_2464 = tpu.vector_load %arg13[%get3A_2463] {strides = array<i32>} : memref<82176xf32, #tpu.memory_space<vmem>>, vector<16xf32>,
        %get3A_2465 = vector.shape_cast %get3A_2464 : vector<16xf32> to vector<16xf32>
        %add3A_2466 = arith.addf %add3A_2366, %get3A_2465 : vector<16xf32>
        %add3A_2467 = arith.constant 192 : i32
        %add3A_2468 = arith.addi %mul3A_2394, %add3A_2467 : i32
        %get3A_2469 = arith.index_cast %add3A_2468 : i32 to index
        %get3A_2470 = tpu.vector_load %arg13[%get3A_2469] {strides = array<i32>} : memref<82176xf32, #tpu.memory_space<vmem>>, vector<16xf32>,
        %get3A_2471 = vector.shape_cast %get3A_2470 : vector<16xf32> to vector<16xf32>
        %add3A_2472 = arith.addf %add3A_2372, %get3A_2471 : vector<16xf32>
        %add3A_2473 = arith.constant 208 : i32
        %add3A_2474 = arith.addi %mul3A_2394, %add3A_2473 : i32
        %get3A_2475 = arith.index_cast %add3A_2474 : i32 to index
        %get3A_2476 = tpu.vector_load %arg13[%get3A_2475] {strides = array<i32>} : memref<82176xf32, #tpu.memory_space<vmem>>, vector<16xf32>,
        %get3A_2477 = vector.shape_cast %get3A_2476 : vector<16xf32> to vector<16xf32>
        %add3A_2478 = arith.addf %add3A_2378, %get3A_2477 : vector<16xf32>
        %add3A_2479 = arith.constant 224 : i32
        %add3A_2480 = arith.addi %mul3A_2394, %add3A_2479 : i32
        %get3A_2481 = arith.index_cast %add3A_2480 : i32 to index
        %get3A_2482 = tpu.vector_load %arg13[%get3A_2481] {strides = array<i32>} : memref<82176xf32, #tpu.memory_space<vmem>>, vector<16xf32>,
        %get3A_2483 = vector.shape_cast %get3A_2482 : vector<16xf32> to vector<16xf32>
        %add3A_2484 = arith.addf %add3A_2384, %get3A_2483 : vector<16xf32>
        %add3A_2485 = arith.constant 240 : i32
        %add3A_2486 = arith.addi %mul3A_2394, %add3A_2485 : i32
        %get3A_2487 = arith.index_cast %add3A_2486 : i32 to index
        %get3A_2488 = tpu.vector_load %arg13[%get3A_2487] {strides = array<i32>} : memref<82176xf32, #tpu.memory_space<vmem>>, vector<16xf32>,
        %get3A_2489 = vector.shape_cast %get3A_2488 : vector<16xf32> to vector<16xf32>
        %add3A_2490 = arith.addf %add3A_2390, %get3A_2489 : vector<16xf32>
        %slice3A_2491 = vector.extract_strided_slice %get3A_886 {offsets = [15], sizes = [1], strides = [1]} : vector<16xi32> to vector<1xi32>
        %squeeze3A_2492 = vector.extract %slice3A_2491[0] : i32 from vector<1xi32>
        %mul3A_2493 = arith.constant 256 : i32
        %mul3A_2494 = arith.muli %squeeze3A_2492, %mul3A_2493 : i32
        %add3A_2495 = arith.constant 0 : i32
        %add3A_2496 = arith.addi %mul3A_2494, %add3A_2495 : i32
        %get3A_2497 = arith.index_cast %add3A_2496 : i32 to index
        %get3A_2498 = tpu.vector_load %arg13[%get3A_2497] {strides = array<i32>} : memref<82176xf32, #tpu.memory_space<vmem>>, vector<16xf32>,
        %get3A_2499 = vector.shape_cast %get3A_2498 : vector<16xf32> to vector<16xf32>
        %add3A_2500 = arith.addf %add3A_2400, %get3A_2499 : vector<16xf32>
        %add3A_2501 = arith.constant 16 : i32
        %add3A_2502 = arith.addi %mul3A_2494, %add3A_2501 : i32
        %get3A_2503 = arith.index_cast %add3A_2502 : i32 to index
        %get3A_2504 = tpu.vector_load %arg13[%get3A_2503] {strides = array<i32>} : memref<82176xf32, #tpu.memory_space<vmem>>, vector<16xf32>,
        %get3A_2505 = vector.shape_cast %get3A_2504 : vector<16xf32> to vector<16xf32>
        %add3A_2506 = arith.addf %add3A_2406, %get3A_2505 : vector<16xf32>
        %add3A_2507 = arith.constant 32 : i32
        %add3A_2508 = arith.addi %mul3A_2494, %add3A_2507 : i32
        %get3A_2509 = arith.index_cast %add3A_2508 : i32 to index
        %get3A_2510 = tpu.vector_load %arg13[%get3A_2509] {strides = array<i32>} : memref<82176xf32, #tpu.memory_space<vmem>>, vector<16xf32>,
        %get3A_2511 = vector.shape_cast %get3A_2510 : vector<16xf32> to vector<16xf32>
        %add3A_2512 = arith.addf %add3A_2412, %get3A_2511 : vector<16xf32>
        %add3A_2513 = arith.constant 48 : i32
        %add3A_2514 = arith.addi %mul3A_2494, %add3A_2513 : i32
        %get3A_2515 = arith.index_cast %add3A_2514 : i32 to index
        %get3A_2516 = tpu.vector_load %arg13[%get3A_2515] {strides = array<i32>} : memref<82176xf32, #tpu.memory_space<vmem>>, vector<16xf32>,
        %get3A_2517 = vector.shape_cast %get3A_2516 : vector<16xf32> to vector<16xf32>
        %add3A_2518 = arith.addf %add3A_2418, %get3A_2517 : vector<16xf32>
        %add3A_2519 = arith.constant 64 : i32
        %add3A_2520 = arith.addi %mul3A_2494, %add3A_2519 : i32
        %get3A_2521 = arith.index_cast %add3A_2520 : i32 to index
        %get3A_2522 = tpu.vector_load %arg13[%get3A_2521] {strides = array<i32>} : memref<82176xf32, #tpu.memory_space<vmem>>, vector<16xf32>,
        %get3A_2523 = vector.shape_cast %get3A_2522 : vector<16xf32> to vector<16xf32>
        %add3A_2524 = arith.addf %add3A_2424, %get3A_2523 : vector<16xf32>
        %add3A_2525 = arith.constant 80 : i32
        %add3A_2526 = arith.addi %mul3A_2494, %add3A_2525 : i32
        %get3A_2527 = arith.index_cast %add3A_2526 : i32 to index
        %get3A_2528 = tpu.vector_load %arg13[%get3A_2527] {strides = array<i32>} : memref<82176xf32, #tpu.memory_space<vmem>>, vector<16xf32>,
        %get3A_2529 = vector.shape_cast %get3A_2528 : vector<16xf32> to vector<16xf32>
        %add3A_2530 = arith.addf %add3A_2430, %get3A_2529 : vector<16xf32>
        %add3A_2531 = arith.constant 96 : i32
        %add3A_2532 = arith.addi %mul3A_2494, %add3A_2531 : i32
        %get3A_2533 = arith.index_cast %add3A_2532 : i32 to index
        %get3A_2534 = tpu.vector_load %arg13[%get3A_2533] {strides = array<i32>} : memref<82176xf32, #tpu.memory_space<vmem>>, vector<16xf32>,
        %get3A_2535 = vector.shape_cast %get3A_2534 : vector<16xf32> to vector<16xf32>
        %add3A_2536 = arith.addf %add3A_2436, %get3A_2535 : vector<16xf32>
        %add3A_2537 = arith.constant 112 : i32
        %add3A_2538 = arith.addi %mul3A_2494, %add3A_2537 : i32
        %get3A_2539 = arith.index_cast %add3A_2538 : i32 to index
        %get3A_2540 = tpu.vector_load %arg13[%get3A_2539] {strides = array<i32>} : memref<82176xf32, #tpu.memory_space<vmem>>, vector<16xf32>,
        %get3A_2541 = vector.shape_cast %get3A_2540 : vector<16xf32> to vector<16xf32>
        %add3A_2542 = arith.addf %add3A_2442, %get3A_2541 : vector<16xf32>
        %add3A_2543 = arith.constant 128 : i32
        %add3A_2544 = arith.addi %mul3A_2494, %add3A_2543 : i32
        %get3A_2545 = arith.index_cast %add3A_2544 : i32 to index
        %get3A_2546 = tpu.vector_load %arg13[%get3A_2545] {strides = array<i32>} : memref<82176xf32, #tpu.memory_space<vmem>>, vector<16xf32>,
        %get3A_2547 = vector.shape_cast %get3A_2546 : vector<16xf32> to vector<16xf32>
        %add3A_2548 = arith.addf %add3A_2448, %get3A_2547 : vector<16xf32>
        %add3A_2549 = arith.constant 144 : i32
        %add3A_2550 = arith.addi %mul3A_2494, %add3A_2549 : i32
        %get3A_2551 = arith.index_cast %add3A_2550 : i32 to index
        %get3A_2552 = tpu.vector_load %arg13[%get3A_2551] {strides = array<i32>} : memref<82176xf32, #tpu.memory_space<vmem>>, vector<16xf32>,
        %get3A_2553 = vector.shape_cast %get3A_2552 : vector<16xf32> to vector<16xf32>
        %add3A_2554 = arith.addf %add3A_2454, %get3A_2553 : vector<16xf32>
        %add3A_2555 = arith.constant 160 : i32
        %add3A_2556 = arith.addi %mul3A_2494, %add3A_2555 : i32
        %get3A_2557 = arith.index_cast %add3A_2556 : i32 to index
        %get3A_2558 = tpu.vector_load %arg13[%get3A_2557] {strides = array<i32>} : memref<82176xf32, #tpu.memory_space<vmem>>, vector<16xf32>,
        %get3A_2559 = vector.shape_cast %get3A_2558 : vector<16xf32> to vector<16xf32>
        %add3A_2560 = arith.addf %add3A_2460, %get3A_2559 : vector<16xf32>
        %add3A_2561 = arith.constant 176 : i32
        %add3A_2562 = arith.addi %mul3A_2494, %add3A_2561 : i32
        %get3A_2563 = arith.index_cast %add3A_2562 : i32 to index
        %get3A_2564 = tpu.vector_load %arg13[%get3A_2563] {strides = array<i32>} : memref<82176xf32, #tpu.memory_space<vmem>>, vector<16xf32>,
        %get3A_2565 = vector.shape_cast %get3A_2564 : vector<16xf32> to vector<16xf32>
        %add3A_2566 = arith.addf %add3A_2466, %get3A_2565 : vector<16xf32>
        %add3A_2567 = arith.constant 192 : i32
        %add3A_2568 = arith.addi %mul3A_2494, %add3A_2567 : i32
        %get3A_2569 = arith.index_cast %add3A_2568 : i32 to index
        %get3A_2570 = tpu.vector_load %arg13[%get3A_2569] {strides = array<i32>} : memref<82176xf32, #tpu.memory_space<vmem>>, vector<16xf32>,
        %get3A_2571 = vector.shape_cast %get3A_2570 : vector<16xf32> to vector<16xf32>
        %add3A_2572 = arith.addf %add3A_2472, %get3A_2571 : vector<16xf32>
        %add3A_2573 = arith.constant 208 : i32
        %add3A_2574 = arith.addi %mul3A_2494, %add3A_2573 : i32
        %get3A_2575 = arith.index_cast %add3A_2574 : i32 to index
        %get3A_2576 = tpu.vector_load %arg13[%get3A_2575] {strides = array<i32>} : memref<82176xf32, #tpu.memory_space<vmem>>, vector<16xf32>,
        %get3A_2577 = vector.shape_cast %get3A_2576 : vector<16xf32> to vector<16xf32>
        %add3A_2578 = arith.addf %add3A_2478, %get3A_2577 : vector<16xf32>
        %add3A_2579 = arith.constant 224 : i32
        %add3A_2580 = arith.addi %mul3A_2494, %add3A_2579 : i32
        %get3A_2581 = arith.index_cast %add3A_2580 : i32 to index
        %get3A_2582 = tpu.vector_load %arg13[%get3A_2581] {strides = array<i32>} : memref<82176xf32, #tpu.memory_space<vmem>>, vector<16xf32>,
        %get3A_2583 = vector.shape_cast %get3A_2582 : vector<16xf32> to vector<16xf32>
        %add3A_2584 = arith.addf %add3A_2484, %get3A_2583 : vector<16xf32>
        %add3A_2585 = arith.constant 240 : i32
        %add3A_2586 = arith.addi %mul3A_2494, %add3A_2585 : i32
        %get3A_2587 = arith.index_cast %add3A_2586 : i32 to index
        %get3A_2588 = tpu.vector_load %arg13[%get3A_2587] {strides = array<i32>} : memref<82176xf32, #tpu.memory_space<vmem>>, vector<16xf32>,
        %get3A_2589 = vector.shape_cast %get3A_2588 : vector<16xf32> to vector<16xf32>
        %add3A_2590 = arith.addf %add3A_2490, %get3A_2589 : vector<16xf32>
        %mul3A_2591 = arith.constant 256 : i32
        %mul3A_2592 = arith.muli %add3A_1806, %mul3A_2591 : i32
        %add3A_2593 = arith.constant 0 : i32
        %add3A_2594 = arith.addi %mul3A_2592, %add3A_2593 : i32
        %swap3A_2595 = arith.index_cast %add3A_2594 : i32 to index
        %swap3A_2596 = tpu.vector_load %arg14[%swap3A_2595] {strides = array<i32>} : memref<2048xf32, #tpu.memory_space<vmem>>, vector<16xf32>,
        %swap3A_2597 = vector.shape_cast %swap3A_2596 : vector<16xf32> to vector<16xf32>
        %swap3A_2598 = vector.shape_cast %add3A_2500 : vector<16xf32> to vector<16xf32>
        tpu.vector_store %arg14[%swap3A_2595], %swap3A_2598 {strides = array<i32>} : memref<2048xf32, #tpu.memory_space<vmem>>, vector<16xf32>,
        %mul3A_2599 = arith.constant 256 : i32
        %mul3A_2600 = arith.muli %add3A_1806, %mul3A_2599 : i32
        %add3A_2601 = arith.constant 16 : i32
        %add3A_2602 = arith.addi %mul3A_2600, %add3A_2601 : i32
        %swap3A_2603 = arith.index_cast %add3A_2602 : i32 to index
        %swap3A_2604 = tpu.vector_load %arg14[%swap3A_2603] {strides = array<i32>} : memref<2048xf32, #tpu.memory_space<vmem>>, vector<16xf32>,
        %swap3A_2605 = vector.shape_cast %swap3A_2604 : vector<16xf32> to vector<16xf32>
        %swap3A_2606 = vector.shape_cast %add3A_2506 : vector<16xf32> to vector<16xf32>
        tpu.vector_store %arg14[%swap3A_2603], %swap3A_2606 {strides = array<i32>} : memref<2048xf32, #tpu.memory_space<vmem>>, vector<16xf32>,
        %mul3A_2607 = arith.constant 256 : i32
        %mul3A_2608 = arith.muli %add3A_1806, %mul3A_2607 : i32
        %add3A_2609 = arith.constant 32 : i32
        %add3A_2610 = arith.addi %mul3A_2608, %add3A_2609 : i32
        %swap3A_2611 = arith.index_cast %add3A_2610 : i32 to index
        %swap3A_2612 = tpu.vector_load %arg14[%swap3A_2611] {strides = array<i32>} : memref<2048xf32, #tpu.memory_space<vmem>>, vector<16xf32>,
        %swap3A_2613 = vector.shape_cast %swap3A_2612 : vector<16xf32> to vector<16xf32>
        %swap3A_2614 = vector.shape_cast %add3A_2512 : vector<16xf32> to vector<16xf32>
        tpu.vector_store %arg14[%swap3A_2611], %swap3A_2614 {strides = array<i32>} : memref<2048xf32, #tpu.memory_space<vmem>>, vector<16xf32>,
        %mul3A_2615 = arith.constant 256 : i32
        %mul3A_2616 = arith.muli %add3A_1806, %mul3A_2615 : i32
        %add3A_2617 = arith.constant 48 : i32
        %add3A_2618 = arith.addi %mul3A_2616, %add3A_2617 : i32
        %swap3A_2619 = arith.index_cast %add3A_2618 : i32 to index
        %swap3A_2620 = tpu.vector_load %arg14[%swap3A_2619] {strides = array<i32>} : memref<2048xf32, #tpu.memory_space<vmem>>, vector<16xf32>,
        %swap3A_2621 = vector.shape_cast %swap3A_2620 : vector<16xf32> to vector<16xf32>
        %swap3A_2622 = vector.shape_cast %add3A_2518 : vector<16xf32> to vector<16xf32>
        tpu.vector_store %arg14[%swap3A_2619], %swap3A_2622 {strides = array<i32>} : memref<2048xf32, #tpu.memory_space<vmem>>, vector<16xf32>,
        %mul3A_2623 = arith.constant 256 : i32
        %mul3A_2624 = arith.muli %add3A_1806, %mul3A_2623 : i32
        %add3A_2625 = arith.constant 64 : i32
        %add3A_2626 = arith.addi %mul3A_2624, %add3A_2625 : i32
        %swap3A_2627 = arith.index_cast %add3A_2626 : i32 to index
        %swap3A_2628 = tpu.vector_load %arg14[%swap3A_2627] {strides = array<i32>} : memref<2048xf32, #tpu.memory_space<vmem>>, vector<16xf32>,
        %swap3A_2629 = vector.shape_cast %swap3A_2628 : vector<16xf32> to vector<16xf32>
        %swap3A_2630 = vector.shape_cast %add3A_2524 : vector<16xf32> to vector<16xf32>
        tpu.vector_store %arg14[%swap3A_2627], %swap3A_2630 {strides = array<i32>} : memref<2048xf32, #tpu.memory_space<vmem>>, vector<16xf32>,
        %mul3A_2631 = arith.constant 256 : i32
        %mul3A_2632 = arith.muli %add3A_1806, %mul3A_2631 : i32
        %add3A_2633 = arith.constant 80 : i32
        %add3A_2634 = arith.addi %mul3A_2632, %add3A_2633 : i32
        %swap3A_2635 = arith.index_cast %add3A_2634 : i32 to index
        %swap3A_2636 = tpu.vector_load %arg14[%swap3A_2635] {strides = array<i32>} : memref<2048xf32, #tpu.memory_space<vmem>>, vector<16xf32>,
        %swap3A_2637 = vector.shape_cast %swap3A_2636 : vector<16xf32> to vector<16xf32>
        %swap3A_2638 = vector.shape_cast %add3A_2530 : vector<16xf32> to vector<16xf32>
        tpu.vector_store %arg14[%swap3A_2635], %swap3A_2638 {strides = array<i32>} : memref<2048xf32, #tpu.memory_space<vmem>>, vector<16xf32>,
        %mul3A_2639 = arith.constant 256 : i32
        %mul3A_2640 = arith.muli %add3A_1806, %mul3A_2639 : i32
        %add3A_2641 = arith.constant 96 : i32
        %add3A_2642 = arith.addi %mul3A_2640, %add3A_2641 : i32
        %swap3A_2643 = arith.index_cast %add3A_2642 : i32 to index
        %swap3A_2644 = tpu.vector_load %arg14[%swap3A_2643] {strides = array<i32>} : memref<2048xf32, #tpu.memory_space<vmem>>, vector<16xf32>,
        %swap3A_2645 = vector.shape_cast %swap3A_2644 : vector<16xf32> to vector<16xf32>
        %swap3A_2646 = vector.shape_cast %add3A_2536 : vector<16xf32> to vector<16xf32>
        tpu.vector_store %arg14[%swap3A_2643], %swap3A_2646 {strides = array<i32>} : memref<2048xf32, #tpu.memory_space<vmem>>, vector<16xf32>,
        %mul3A_2647 = arith.constant 256 : i32
        %mul3A_2648 = arith.muli %add3A_1806, %mul3A_2647 : i32
        %add3A_2649 = arith.constant 112 : i32
        %add3A_2650 = arith.addi %mul3A_2648, %add3A_2649 : i32
        %swap3A_2651 = arith.index_cast %add3A_2650 : i32 to index
        %swap3A_2652 = tpu.vector_load %arg14[%swap3A_2651] {strides = array<i32>} : memref<2048xf32, #tpu.memory_space<vmem>>, vector<16xf32>,
        %swap3A_2653 = vector.shape_cast %swap3A_2652 : vector<16xf32> to vector<16xf32>
        %swap3A_2654 = vector.shape_cast %add3A_2542 : vector<16xf32> to vector<16xf32>
        tpu.vector_store %arg14[%swap3A_2651], %swap3A_2654 {strides = array<i32>} : memref<2048xf32, #tpu.memory_space<vmem>>, vector<16xf32>,
        %mul3A_2655 = arith.constant 256 : i32
        %mul3A_2656 = arith.muli %add3A_1806, %mul3A_2655 : i32
        %add3A_2657 = arith.constant 128 : i32
        %add3A_2658 = arith.addi %mul3A_2656, %add3A_2657 : i32
        %swap3A_2659 = arith.index_cast %add3A_2658 : i32 to index
        %swap3A_2660 = tpu.vector_load %arg14[%swap3A_2659] {strides = array<i32>} : memref<2048xf32, #tpu.memory_space<vmem>>, vector<16xf32>,
        %swap3A_2661 = vector.shape_cast %swap3A_2660 : vector<16xf32> to vector<16xf32>
        %swap3A_2662 = vector.shape_cast %add3A_2548 : vector<16xf32> to vector<16xf32>
        tpu.vector_store %arg14[%swap3A_2659], %swap3A_2662 {strides = array<i32>} : memref<2048xf32, #tpu.memory_space<vmem>>, vector<16xf32>,
        %mul3A_2663 = arith.constant 256 : i32
        %mul3A_2664 = arith.muli %add3A_1806, %mul3A_2663 : i32
        %add3A_2665 = arith.constant 144 : i32
        %add3A_2666 = arith.addi %mul3A_2664, %add3A_2665 : i32
        %swap3A_2667 = arith.index_cast %add3A_2666 : i32 to index
        %swap3A_2668 = tpu.vector_load %arg14[%swap3A_2667] {strides = array<i32>} : memref<2048xf32, #tpu.memory_space<vmem>>, vector<16xf32>,
        %swap3A_2669 = vector.shape_cast %swap3A_2668 : vector<16xf32> to vector<16xf32>
        %swap3A_2670 = vector.shape_cast %add3A_2554 : vector<16xf32> to vector<16xf32>
        tpu.vector_store %arg14[%swap3A_2667], %swap3A_2670 {strides = array<i32>} : memref<2048xf32, #tpu.memory_space<vmem>>, vector<16xf32>,
        %mul3A_2671 = arith.constant 256 : i32
        %mul3A_2672 = arith.muli %add3A_1806, %mul3A_2671 : i32
        %add3A_2673 = arith.constant 160 : i32
        %add3A_2674 = arith.addi %mul3A_2672, %add3A_2673 : i32
        %swap3A_2675 = arith.index_cast %add3A_2674 : i32 to index
        %swap3A_2676 = tpu.vector_load %arg14[%swap3A_2675] {strides = array<i32>} : memref<2048xf32, #tpu.memory_space<vmem>>, vector<16xf32>,
        %swap3A_2677 = vector.shape_cast %swap3A_2676 : vector<16xf32> to vector<16xf32>
        %swap3A_2678 = vector.shape_cast %add3A_2560 : vector<16xf32> to vector<16xf32>
        tpu.vector_store %arg14[%swap3A_2675], %swap3A_2678 {strides = array<i32>} : memref<2048xf32, #tpu.memory_space<vmem>>, vector<16xf32>,
        %mul3A_2679 = arith.constant 256 : i32
        %mul3A_2680 = arith.muli %add3A_1806, %mul3A_2679 : i32
        %add3A_2681 = arith.constant 176 : i32
        %add3A_2682 = arith.addi %mul3A_2680, %add3A_2681 : i32
        %swap3A_2683 = arith.index_cast %add3A_2682 : i32 to index
        %swap3A_2684 = tpu.vector_load %arg14[%swap3A_2683] {strides = array<i32>} : memref<2048xf32, #tpu.memory_space<vmem>>, vector<16xf32>,
        %swap3A_2685 = vector.shape_cast %swap3A_2684 : vector<16xf32> to vector<16xf32>
        %swap3A_2686 = vector.shape_cast %add3A_2566 : vector<16xf32> to vector<16xf32>
        tpu.vector_store %arg14[%swap3A_2683], %swap3A_2686 {strides = array<i32>} : memref<2048xf32, #tpu.memory_space<vmem>>, vector<16xf32>,
        %mul3A_2687 = arith.constant 256 : i32
        %mul3A_2688 = arith.muli %add3A_1806, %mul3A_2687 : i32
        %add3A_2689 = arith.constant 192 : i32
        %add3A_2690 = arith.addi %mul3A_2688, %add3A_2689 : i32
        %swap3A_2691 = arith.index_cast %add3A_2690 : i32 to index
        %swap3A_2692 = tpu.vector_load %arg14[%swap3A_2691] {strides = array<i32>} : memref<2048xf32, #tpu.memory_space<vmem>>, vector<16xf32>,
        %swap3A_2693 = vector.shape_cast %swap3A_2692 : vector<16xf32> to vector<16xf32>
        %swap3A_2694 = vector.shape_cast %add3A_2572 : vector<16xf32> to vector<16xf32>
        tpu.vector_store %arg14[%swap3A_2691], %swap3A_2694 {strides = array<i32>} : memref<2048xf32, #tpu.memory_space<vmem>>, vector<16xf32>,
        %mul3A_2695 = arith.constant 256 : i32
        %mul3A_2696 = arith.muli %add3A_1806, %mul3A_2695 : i32
        %add3A_2697 = arith.constant 208 : i32
        %add3A_2698 = arith.addi %mul3A_2696, %add3A_2697 : i32
        %swap3A_2699 = arith.index_cast %add3A_2698 : i32 to index
        %swap3A_2700 = tpu.vector_load %arg14[%swap3A_2699] {strides = array<i32>} : memref<2048xf32, #tpu.memory_space<vmem>>, vector<16xf32>,
        %swap3A_2701 = vector.shape_cast %swap3A_2700 : vector<16xf32> to vector<16xf32>
        %swap3A_2702 = vector.shape_cast %add3A_2578 : vector<16xf32> to vector<16xf32>
        tpu.vector_store %arg14[%swap3A_2699], %swap3A_2702 {strides = array<i32>} : memref<2048xf32, #tpu.memory_space<vmem>>, vector<16xf32>,
        %mul3A_2703 = arith.constant 256 : i32
        %mul3A_2704 = arith.muli %add3A_1806, %mul3A_2703 : i32
        %add3A_2705 = arith.constant 224 : i32
        %add3A_2706 = arith.addi %mul3A_2704, %add3A_2705 : i32
        %swap3A_2707 = arith.index_cast %add3A_2706 : i32 to index
        %swap3A_2708 = tpu.vector_load %arg14[%swap3A_2707] {strides = array<i32>} : memref<2048xf32, #tpu.memory_space<vmem>>, vector<16xf32>,
        %swap3A_2709 = vector.shape_cast %swap3A_2708 : vector<16xf32> to vector<16xf32>
        %swap3A_2710 = vector.shape_cast %add3A_2584 : vector<16xf32> to vector<16xf32>
        tpu.vector_store %arg14[%swap3A_2707], %swap3A_2710 {strides = array<i32>} : memref<2048xf32, #tpu.memory_space<vmem>>, vector<16xf32>,
        %mul3A_2711 = arith.constant 256 : i32
        %mul3A_2712 = arith.muli %add3A_1806, %mul3A_2711 : i32
        %add3A_2713 = arith.constant 240 : i32
        %add3A_2714 = arith.addi %mul3A_2712, %add3A_2713 : i32
        %swap3A_2715 = arith.index_cast %add3A_2714 : i32 to index
        %swap3A_2716 = tpu.vector_load %arg14[%swap3A_2715] {strides = array<i32>} : memref<2048xf32, #tpu.memory_space<vmem>>, vector<16xf32>,
        %swap3A_2717 = vector.shape_cast %swap3A_2716 : vector<16xf32> to vector<16xf32>
        %swap3A_2718 = vector.shape_cast %add3A_2590 : vector<16xf32> to vector<16xf32>
        tpu.vector_store %arg14[%swap3A_2715], %swap3A_2718 {strides = array<i32>} : memref<2048xf32, #tpu.memory_space<vmem>>, vector<16xf32>,
      }
      %scan3A_874 = arith.constant 4 : i32
      %mul3A_875 = arith.constant 256 : i32
      %mul3A_876 = arith.muli %add3A_80, %mul3A_875 : i32
      "tpu.region"() ({
        %run_scoped3A = tpu.sem_alloc : memref<!tpu.dma_semaphore, #tpu.memory_space<semaphore_mem>>
        %dma_start3A_877 = tpu.memref_slice %arg7[%mul3A_876] : memref<4194304xf32, #tpu.memory_space<hbm>> -> memref<2048xf32, #tpu.memory_space<hbm>>
        %dma_start3A_878 = tpu.memref_slice %arg7[%mul3A_876] : memref<4194304xf32, #tpu.memory_space<hbm>> -> memref<2048xf32, #tpu.memory_space<hbm>>
        tpu.enqueue_dma source(%arg14 : memref<2048xf32, #tpu.memory_space<vmem>>) target(%dma_start3A_878 : memref<2048xf32, #tpu.memory_space<hbm>>) target_semaphore(%run_scoped3A : memref<!tpu.dma_semaphore, #tpu.memory_space<semaphore_mem>>)
        %dma_wait3A = tpu.memref_slice %arg7[%mul3A_876] : memref<4194304xf32, #tpu.memory_space<hbm>> -> memref<2048xf32, #tpu.memory_space<hbm>>
        %dma_wait3A_879 = tpu.memref_slice %arg7[%mul3A_876] : memref<4194304xf32, #tpu.memory_space<hbm>> -> memref<2048xf32, #tpu.memory_space<hbm>>
        tpu.wait_dma2 semaphore(%run_scoped3A : memref<!tpu.dma_semaphore, #tpu.memory_space<semaphore_mem>>) src(%arg14 : memref<2048xf32, #tpu.memory_space<vmem>>) dst(%dma_wait3A_879 : memref<2048xf32, #tpu.memory_space<hbm>>)
        tpu.yield
      }) : () -> ()
    }
    %scan3A_70 = arith.constant 64 : i32
    return
  }
}

</mosaic_0001>

<sc_bundles>
// kernel: kernel.3.cloned.1.call-start
scs
__scs_entry_jumppad:
0x0: {  	(pc) =	sbr.rel $0x88, $3  }
0x1: {  	(tag) =	ssettag $0x0;
	lr =	simm.s32 $0x1  }
0x2: {  	[smem:$0x3F9C] =	sst lr;
	_ =	strace $0xD0000000  }
0x3: {  	_ = 	snop  }
0x4: {  	_ = 	snop  }
0x5: {  	_ = 	snop  }
0x6: {  	_ = 	snop  }
0x7: {  	_ = 	snop  }
__scs_overlays_trampoline_lowered:
0x8: {  	[smem:$0x3FAB] =	sst s0  }
0x9: {  	[smem:$0x3FAC] =	sst s1  }
0xa: {  	[smem:$0x3FAD] =	sst s2  }
0xb: {  	[smem:$0x3FAE] =	sst s3  }
0xc: {  	[smem:$0x3FAF] =	sst s4  }
0xd: {  	[smem:$0x3FB0] =	sst s5  }
0xe: {  	[smem:$0x3FB1] =	sst s6  }
0xf: {  	[smem:$0x3FB2] =	sst s7  }
0x10: {  	[smem:$0x3FB3] =	sst s8  }
0x11: {  	[smem:$0x3FB4] =	sst s9;
	s0 =	simm.s32 @!p0 $0x0  }
0x12: {  	s1 =	sld [smem:$0x3F9A];
	s0 =	simm.s32 @p0 $0x1  }
0x13: {  	[smem:$0x3FB5] =	sst s0;
	s0 =	simm.s32 @!p1 $0x0  }
0x14: {  	s2 =	sld [smem:$0x3F99];
	s0 =	simm.s32 @p1 $0x1  }
0x15: {  	[smem:$0x3FB6] =	sst s0;
	s0 =	simm.s32 @!p2 $0x0  }
0x16: {  	s3 =	sld [smem:$0x3FDB];
	s0 =	simm.s32 @p2 $0x1  }
0x17: {  	s4 =	simm.s32 $0x1BF5;
	[smem:$0x3FB8] =	sst s0  }
0x18: {  	s0 =	sld [smem:$0x3F9B];
	_ =	swait.ge [sflag:s4], $0x0  }
0x19: {  	s7 =	sld [smem:$0x3F9C]  }
0x1a: {  	s8 =	sadd.s32 $0xFFFFE003, lr  }
0x1b: {  	s9 =	sadd.s32 $0xFFFFFEF7, lr;
	s5 =	simm.s32 $0xFFFFFFFF;
	p2 =	slt.u32 s8, $0xFFFFF086  }
0x1c: {  	p1 =	slt.u32 s9, $0xF7A;
	s5 =	simm.s32 @!p2 $0x0  }
0x1d: {  	s5 =	simm.s32 @p1 $0x1;
	p0 =	seq.s32 s7, s2  }
0x1e: {  	s7 =	smul.u32 @!p0 $0xF7A, s2;
	p2 =	seq.s32 @!p0 s5, $0x0  }
0x1f: {  	s9 =	smul.u32 $0xF7A, s1;
	s8 =	simm.s32 @!p0 $0x1BF5;
	p2 =	por !p2, p0  }
0x20: {  	[sflag:s8] =	ssyncset.s32 @!p0 $0xFFFFF086;
	s6 =	sadd.s32 @!p0 s3, s7;
	s7 =	simm.s32 @!p0 $0x108  }
0x21: {  	s3 =	sadd.s32 s3, s9;
	s6 =	sadd.s32 @!p0 $0x88, s6;
	s7 =	simm.s32 @p2 $0x1082  }
0x22: {  	[simem:s7], [sflag:s8] =	dma.local @!p0 [hbm:s6], $0xF7A  }
0x23: {  	s9 =	sor.u32 $0xD0000000, s2;
	s6 =	simm.s32 $0x108;
	_ =	swait.ge @!p0 [sflag:s8], $0x0  }
0x24: {  	s3 =	sadd.s32 $0x88, s3;
	s6 =	simm.s32 @!p1 $0x1082;
	[sflag:s4] =	ssyncset.s32 $0xFFFFF086  }
0x25: {  	[simem:s6], [sflag:s4] =	dma.local [hbm:s3], $0xF7A  }
0x26: {  	[smem:$0x3F9C] =	sst s1;
	(tag) =	ssettag s2;
	_ =	strace s9  }
0x27: {  	s1 =	sld [smem:$0x3FAC]  }
0x28: {  	s2 =	sld [smem:$0x3FAD]  }
0x29: {  	s4 =	sld [smem:$0x3FAF]  }
0x2a: {  	p0 =	seq.s32 s5, $0x0;
	s5 =	sld [smem:$0x3FB0]  }
0x2b: {  	s6 =	sld [smem:$0x3FB1]  }
0x2c: {  	s7 =	sld [smem:$0x3FB2]  }
0x2d: {  	s3 =	simm.s32 $0x108;
	s8 =	sld [smem:$0x3FB3]  }
0x2e: {  	s3 =	simm.s32 @!p0 $0x1082;
	s9 =	sld [smem:$0x3FB4]  }
0x2f: {  	lr =	sadd.s32 s0, s3;
	s0 =	sld [smem:$0x3FAB]  }
0x30: {  	s3 =	sld [smem:$0x3FAE]  }
0x31: {  	[smem:$0x3FB7] =	sst s10  }
0x32: {  	s10 =	sld [smem:$0x3FB5];
	_ =	sdelay $0x3  }
0x33: {  	p0 =	seq.s32 s10, $0x1;
	s10 =	sld [smem:$0x3FB7];
	_ =	sdelay $0x3  }
0x34: {  	[smem:$0x3FB7] =	sst s10  }
0x35: {  	s10 =	sld [smem:$0x3FB6];
	_ =	sdelay $0x3  }
0x36: {  	p1 =	seq.s32 s10, $0x1;
	s10 =	sld [smem:$0x3FB7];
	_ =	sdelay $0x3  }
0x37: {  	[smem:$0x3FB7] =	sst s10  }
0x38: {  	s10 =	sld [smem:$0x3FB8]  }
0x39: {  	_ = 	snop;
	(pc) =	sbr.ind lr, $3  }
0x3a: {  	_ = 	snop  }
0x3b: {  	_ = 	snop  }
0x3c: {  	p2 =	seq.s32 s10, $0x1;
	s10 =	sld [smem:$0x3FB7]  }
0x3d: {  	_ =	shalt  }
0x3e: {  	_ =	shalt  }
0x3f: {  	_ =	shalt  }
0x40: {  	_ =	shalt  }
0x41: {  	_ =	shalt  }
0x42: {  	_ =	shalt  }
0x43: {  	_ =	shalt  }
0x44: {  	_ =	shalt  }
0x45: {  	_ =	shalt  }
0x46: {  	_ =	shalt  }
0x47: {  	_ =	shalt  }
0x48: {  	_ =	shalt  }
0x49: {  	_ =	shalt  }
0x4a: {  	_ =	shalt  }
0x4b: {  	_ =	shalt  }
0x4c: {  	_ =	shalt  }
0x4d: {  	_ =	shalt  }
0x4e: {  	_ =	shalt  }
0x4f: {  	_ =	shalt  }
0x50: {  	_ =	shalt  }
0x51: {  	_ =	shalt  }
0x52: {  	_ =	shalt  }
0x53: {  	_ =	shalt  }
0x54: {  	_ =	shalt  }
0x55: {  	_ =	shalt  }
0x56: {  	_ =	shalt  }
0x57: {  	_ =	shalt  }
0x58: {  	_ =	shalt  }
0x59: {  	_ =	shalt  }
0x5a: {  	_ =	shalt  }
0x5b: {  	_ =	shalt  }
0x5c: {  	_ =	shalt  }
0x5d: {  	_ =	shalt  }
0x5e: {  	_ =	shalt  }
0x5f: {  	_ =	shalt  }
0x60: {  	_ =	shalt  }
0x61: {  	_ =	shalt  }
0x62: {  	_ =	shalt  }
0x63: {  	_ =	shalt  }
0x64: {  	_ =	shalt  }
0x65: {  	_ =	shalt  }
0x66: {  	_ =	shalt  }
0x67: {  	_ =	shalt  }
0x68: {  	_ =	shalt  }
0x69: {  	_ =	shalt  }
0x6a: {  	_ =	shalt  }
0x6b: {  	_ =	shalt  }
0x6c: {  	_ =	shalt  }
0x6d: {  	_ =	shalt  }
0x6e: {  	_ =	shalt  }
0x6f: {  	_ =	shalt  }
0x70: {  	_ =	shalt  }
0x71: {  	_ =	shalt  }
0x72: {  	_ =	shalt  }
0x73: {  	_ =	shalt  }
0x74: {  	_ =	shalt  }
0x75: {  	_ =	shalt  }
0x76: {  	_ =	shalt  }
0x77: {  	_ =	shalt  }
0x78: {  	_ =	shalt  }
0x79: {  	_ =	shalt  }
0x7a: {  	_ =	shalt  }
0x7b: {  	_ =	shalt  }
0x7c: {  	_ =	shalt  }
0x7d: {  	_ =	shalt  }
0x7e: {  	_ =	shalt  }
0x7f: {  	_ =	shalt  }
0x80: {  	_ =	shalt  }
0x81: {  	_ =	shalt  }
0x82: {  	_ =	shalt  }
0x83: {  	_ =	shalt  }
0x84: {  	_ =	shalt  }
0x85: {  	_ =	shalt  }
0x86: {  	_ =	shalt  }
0x87: {  	_ =	shalt  }
.Lfunc_end0:
.L_simem_size_0:
called_computation.1_lowered:
.L_overlay_start_0:
0x88: {  	s2 =	sld [smem:$0x3FD9]  }
0x89: {  	s3 =	sld [smem:$0x3FFE];
	_ =	sdelay $0x1  }
0x8a: {  	s1 =	srdreg.scid  }
0x8b: {  	s0 =	sand.u32 $0x1, s1  }
0x8c: {  	s17 =	sshll.u32 s0, $0xA;
	s2 =	sadd.s32 s3, s2  }
0x8d: {  	s2 =	sadd.s32 s2, s17  }
0x8e: {  	[smem:$0x3FC3] =	sst s2  }
0x8f: {  	_ = 	snop  }
0x90: {  	s2 =	sld [smem:$0x3FD0];
	(tm) =	ssettm $0x1  }
0x91: {  	s18 =	sld [smem:$0x3FFB];
	_ =	sdelay $0x3  }
0x92: {  	_ =	strace s18  }
0x93: {  	s3 =	sld [smem:$0x3FFC];
	_ =	sdelay $0x3  }
0x94: {  	_ =	strace s3  }
0x95: {  	s3 =	sld [smem:$0x3FFD];
	_ =	sdelay $0x3  }
0x96: {  	_ =	strace s3  }
0x97: {  	_ =	strace $0x8FFFFFFF  }
0x98: {  	s19 =	sld [smem:$0x3FDB];
	_ =	sdelay $0x1  }
0x99: {  	s4 =	simm.s32 $_scs_section_size  }
0x9a: {  	s5 =	simm.s32 $_size__tile_overlayer_lowered;
	s6 =	simm.s32 $_tile_overlayer_lowered  }
0x9b: {  	s22 =	simm.s32 $0x1BFF;
	s21 =	sshll.u32 s6, $0x1;
	s3 =	sadd.s32 s4, s19  }
0x9c: {  	s7 =	simm.s32 $0x0;
	s20 =	sshll.u32 s5, $0x1;
	s5 =	sadd.s32 s21, s3  }
0x9d: {  	[timem:s7], [sflag:s22] =	dma.local [hbm:s5], s20  }
0x9e: {  	_ =	swait.ge [sflag:s22], s20  }
0x9f: {  	s4 =	ssub.s32 $0x0, s20;
	[sflag:s22] =	ssyncset.done $0x0  }
0xa0: {  	[sflag:s22] =	ssyncadd.s32 s4;
	_ =	sdelay $0x1  }
0xa1: {  	s23 =	simm.s32 $0x1B8B  }
0xa2: {  	_ =	swait.ge [sflag:s23], $0x1  }
0xa3: {  	[sflag:s23] =	ssyncset.done $0x0  }
0xa4: {  	s25 =	simm.s32 $0x1B8E;
	s24 =	sld [smem:$0x3FFE];
	[sflag:s23] =	ssyncadd.s32 $0xFFFFFFFF  }
0xa5: {  	s26 =	simm.s32 $execute0_lowered;
	[smem:$0x3FD2] =	sst s25  }
0xa6: {  	s5 =	sshll.u32 s26, $0x1;
	_ =	strace $0x80000049;
	[dreg:$0x1] =	wrdreg $0xFFFFFFFF  }
0xa7: {  	s28 =	simm.s32 $_size_execute0_lowered;
	s3 =	sadd.s32 s3, s5;
	[dreg:$0x0] =	wrdreg $0x0  }
0xa8: {  	s5 =	sshll.u32 s28, $0x1;
	[dreg:$0x2] =	wrdreg s3  }
0xa9: {  	[dreg:$0x3] =	wrdreg s5  }
0xaa: {  	[dreg:$0x4] =	wrdreg $0xC0  }
0xab: {  	_ =	task [dreg:s7], $0x5FFFF  }
0xac: {  	[dreg:$0x1] =	wrdreg $0xFFFFFFFF  }
0xad: {  	[dreg:$0x0] =	wrdreg $0x60  }
0xae: {  	[dreg:$0x2] =	wrdreg s2  }
0xaf: {  	[dreg:$0x3] =	wrdreg s24  }
0xb0: {  	[dreg:$0x4] =	wrdreg $0x9  }
0xb1: {  	_ =	task.clear_ibuf [dreg:s7], $0x5FFFF;
	_ =	strace $0x90000049  }
0xb2: {  	s29 =	simm.s32 $0x9;
	_ =	strace $0x8000004B  }
0xb3: {  	_ =	swait.ge [sflag:s29], $0x1  }
0xb4: {  	[sflag:s29] =	ssyncadd.s32 $0xFFFFFFFF  }
0xb5: {  	_ =	strace $0x9000004B  }
0xb6: {  	_ =	sfence  }
0xb7: {  	s30 =	sld [smem:$0x0];
	_ =	sdelay $0x2  }
0xb8: {  	s31 =	sshll.u32 s1, $0xD;
	s1 =	sshrl.u32 s1, $0x2  }
0xb9: {  	s3 =	sand.u32 $0x4000, s31;
	s1 =	sadd.s32 s1, s30  }
0xba: {  	s0 =	sor.u32 s3, s0;
	s1 =	sshll.u32 s1, $0x11  }
0xbb: {  	s0 =	sor.u32 s1, s0  }
0xbc: {  	s0 =	sadd.s32 $0x8F2B, s0  }
0xbd: {  	[sflag:s0] =	ssyncadd.remote.s32 $0x1  }
0xbe: {  	_ =	sfence.sel $0xFFFF  }
0xbf: {  	[dreg:$0x0] =	wrdreg $0xFFFFFFFF;
	(pc) =	sbr.abs _section_cstart, $3  }
0xc0: {  	[dreg:$0x1] =	wrdreg $0xFFFFFFFF  }
0xc1: {  	_ =	task.clear_ibuf [dreg:s7], $0x2FFFF;
	_ =	strace $0x9FFFFFFF  }
0xc2: {  	(tm) =	ssettm $0x7FFFFFFF  }
0xc3: {  	_ =	shalt  }
tec
execute0_lowered:
.L_overlay_start_1:
0x0: {  	(tag) =	ssettag $0x1  }
0x1: {  	s0 =	rddreg [dreg:$0x1];
	s2 =	simm.s32 $0x0  }
0x2: {  	s1 =	srdreg.scid;
	s8 =	stileid.u32;
	s12 =	simm.s32 $0x2  }
0x3: {  	s15 =	simm.s32 $0x3200;
	s16 =	simm.s32 $0x3300;
	s17 =	simm.s32 $0x3400  }
0x4: {  	s18 =	simm.s32 $0x3500;
	s19 =	simm.s32 $0x3600;
	s20 =	simm.s32 $0x3700  }
0x5: {  	s21 =	simm.s32 $0x3800;
	s22 =	simm.s32 $0x3900;
	s23 =	simm.s32 $0x3A00  }
0x6: {  	s24 =	simm.s32 $0x3B00;
	s28 =	simm.s32 $0x3E00;
	s29 =	simm.s32 $0x3F00  }
0x7: {  	s30 =	simm.s32 $0x4000;
	s31 =	simm.s32 $0x4100;
	s3 =	sadd.s32 $0x310400, s0  }
0x8: {  	[smem:$0x7FF] =	sst s2;
	s5 =	sadd.s32 $0x314400, s0;
	s6 =	sadd.s32 $0x1000, s0  }
0x9: {  	v0 =	vlaneseq.u32;
	s1 =	sand.u32 $0x1, s1;
	s4 =	sadd.s32 $0x30E400, s0;
	s9 =	sshll.u32 s8, $0xA  }
0xa: {  	s8 =	sadd.s32 $0x318400, s0;
	v1 =	vand.u32 $0x7, v0;
	_ =	strace $0x8000004A;
	s25 =	ssub.s32 $0x2, s1  }
0xb: {  	v62 =	vor.u32 $0x10, v0;
	[dreg:$0x3] =	wrdreg s4;
	s1 =	sshll.u32 s1, $0x9;
	[tilespmem:$0x1FFC0] =	vst v1;
	s7 =	sshrl.u32 s25, $0x1  }
0xc: {  	v63 =	vor.u32 $0x20, v0;
	[tilespmem:$0x1FFD0] =	vst v62;
	s4 =	simm.s32 $0x14300;
	s9 =	sor.u32 s1, s9;
	s26 =	ssub.s32 s25, s7  }
0xd: {  	v0 =	vor.u32 $0x30, v0;
	[tilespmem:$0x1FFE0] =	vst v63;
	s25 =	simm.s32 $0x3C00;
	s7 =	simm.s32 $0x0;
	s0 =	smax.u32 s26, $0x1  }
0xe: {  	[tilespmem:$0x1FFF0] =	vst v0;
	s26 =	simm.s32 $0x3D00;
	[dreg:$0x4] =	wrdreg s0;
	s0 =	simm.s32 $0x1  }
.LBB2_1:
0xf: {  	[dreg:$0x5] =	wrdreg s7  }
0x10: {  	s1 =	rddreg [dreg:$0x3];
	s14 =	simm.s32 $0x4200  }
0x11: {  	[tilespmem:s14], [sflag:$0x2] =	stream.linear.gather [hbm4b:s1+s2], $0x10000, $0x38;
	[tilespmem:$0x14B00] =	vst v63  }
0x12: {  	_ =	swait.ge [sflag:s12], $0x10000  }
0x13: {  	[sflag:s12] =	ssyncset.done $0x0  }
0x14: {  	v0 =	vimm.f32 $0.0e+00;
	[sflag:s12] =	ssyncadd.s32 $0xFFFF0000  }
0x15: {  	[tilespmem:$0x14200] =	vst v0  }
0x16: {  	[tilespmem:$0x14210] =	vst v0  }
0x17: {  	[tilespmem:$0x14220] =	vst v0  }
0x18: {  	[tilespmem:$0x14230] =	vst v0  }
0x19: {  	[tilespmem:$0x14240] =	vst v0  }
0x1a: {  	[tilespmem:$0x14250] =	vst v0  }
0x1b: {  	[tilespmem:$0x14260] =	vst v0  }
0x1c: {  	[tilespmem:$0x14270] =	vst v0  }
0x1d: {  	[tilespmem:$0x14280] =	vst v0  }
0x1e: {  	[tilespmem:$0x14290] =	vst v0  }
0x1f: {  	[tilespmem:$0x142A0] =	vst v0  }
0x20: {  	[tilespmem:$0x142B0] =	vst v0  }
0x21: {  	[tilespmem:$0x142C0] =	vst v0  }
0x22: {  	[tilespmem:$0x142D0] =	vst v0  }
0x23: {  	[tilespmem:$0x142E0] =	vst v0  }
0x24: {  	s11 =	simm.s32 $0x0;
	[tilespmem:$0x142F0] =	vst v0  }
.LBB2_2:
0x25: {  	s1 =	sshll.u32 s11, $0x3  }
0x26: {  	s13 =	rddreg [dreg:$0x0];
	s7 =	sadd.s32 s9, s1  }
0x27: {  	s1 =	sadd.s32 s13, s7  }
0x28: {  	[tilespmem:s2], [sflag:$0x2] =	stream.linear.gather [hbm4b:s1+s2], $0x40, $0x38;
	[tilespmem:$0x14B00] =	vst v63  }
0x29: {  	_ =	swait.ge [sflag:s12], $0x40  }
0x2a: {  	[sflag:s12] =	ssyncset.done $0x0  }
0x2b: {  	s10 =	simm.s32 $0x80;
	s14 =	sadd.s32 s3, s7;
	[sflag:s12] =	ssyncadd.s32 $0xFFFFFFC0  }
0x2c: {  	[tilespmem:s10], [sflag:$0x2] =	stream.linear.gather [hbm4b:s14+s2], $0x40, $0x38;
	[tilespmem:$0x14B00] =	vst v63  }
0x2d: {  	_ =	swait.ge [sflag:s12], $0x40  }
0x2e: {  	[sflag:s12] =	ssyncset.done $0x0  }
0x2f: {  	s13 =	sadd.s32 s5, s7;
	s14 =	simm.s32 $0x100;
	[sflag:s12] =	ssyncadd.s32 $0xFFFFFFC0  }
0x30: {  	[tilespmem:s14], [sflag:$0x2] =	stream.linear.gather [hbm4b:s13+s2], $0x40, $0x38;
	[tilespmem:$0x14B00] =	vst v63  }
0x31: {  	_ =	swait.ge [sflag:s12], $0x40  }
0x32: {  	[sflag:s12] =	ssyncset.done $0x0  }
0x33: {  	v1 =	vld [tilespmem:$0x1FFC0];
	[sflag:s12] =	ssyncadd.s32 $0xFFFFFFC0  }
0x34: {  	v6 =	vld [tilespmem:$0x80]  }
0x35: {  	v7 =	vld [tilespmem:$0x100];
	_ =	sdelay $0x1  }
0x36: {  	v8 =	vld [tilespmem:$0x0];
	_ =	sdelay $0x2  }
0x37: {  	vm0 =	vgt.s32 v7, v1;
	vm1 =	veq.s32 v6, $0x1  }
0x38: {  	vm1 =	vmand vm1, vm0  }
0x39: {  	v44 =	vnsel vm1, $0x0, v8  }
0x3a: {  	v7 =	vshll.u32 v44, $0x5  }
0x3b: {  	(v2sf) =	vpush v7, $0x0;
	_ =	sdelay $0x1  }
0x3c: {  	(v2sf) =	vpush v7, $0x1;
	_ =	sdelay $0x2  }
0x3d: {  	(v2sf) =	vpush v7, $0x2;
	_ =	sdelay $0x2  }
0x3e: {  	(v2sf) =	vpush v7, $0x3;
	_ =	sdelay $0x4  }
0x3f: {  	vm2 =	vlt.s32 v8, $0xFF  }
0x40: {  	vm15 =	veq.s32 v6, $0x2;
	v8 =	vnsel vm2, $0xFF, v8  }
0x41: {  	vm0 =	vmand vm15, vm0;
	v45 =	vadd.s32 $0x40, v8;
	s13 =	spop (v2sf);
	(v2sf) =	vpush v7, $0x4  }
0x42: {  	v0 =	vlaneseq.u32;
	v6 =	vnsel vm0, $0x140, v45  }
0x43: {  	v6 =	vsel vm1, v0, v6;
	s1 =	sand.u32 $0x1FFFFFE0, s13;
	s13 =	spop (v2sf);
	(v2sf) =	vpush v7, $0x5  }
0x44: {  	s14 =	simm.s32 $0x200;
	[tilespmem:$0x180] =	vst v6;
	s1 =	sadd.s32 s6, s1  }
0x45: {  	[tilespmem:s14], [sflag:$0x1] =	stream.linear.gather [hbm4b:s1+s2], $0x100, $0x38;
	[tilespmem:$0x14B00] =	vst v63  }
0x46: {  	s1 =	sand.u32 $0x1FFFFFE0, s13;
	s13 =	spop (v2sf);
	(v2sf) =	vpush v7, $0x6  }
0x47: {  	s14 =	simm.s32 $0x300;
	s1 =	sadd.s32 s6, s1  }
0x48: {  	[tilespmem:s14], [sflag:$0x1] =	stream.linear.gather [hbm4b:s1+s2], $0x100, $0x38;
	[tilespmem:$0x14B00] =	vst v63  }
0x49: {  	s1 =	sand.u32 $0x1FFFFFE0, s13;
	s13 =	spop (v2sf);
	(v2sf) =	vpush v7, $0x7;
	_ =	sdelay $0x3  }
0x4a: {  	s14 =	simm.s32 $0x400;
	s1 =	sadd.s32 s6, s1  }
0x4b: {  	[tilespmem:s14], [sflag:$0x1] =	stream.linear.gather [hbm4b:s1+s2], $0x100, $0x38;
	[tilespmem:$0x14B00] =	vst v63  }
0x4c: {  	s1 =	sand.u32 $0x1FFFFFE0, s13  }
0x4d: {  	s14 =	simm.s32 $0x500;
	s1 =	sadd.s32 s6, s1;
	s13 =	spop (v2sf);
	(v2sf) =	vpush v7, $0x8  }
0x4e: {  	[tilespmem:s14], [sflag:$0x1] =	stream.linear.gather [hbm4b:s1+s2], $0x100, $0x38;
	[tilespmem:$0x14B00] =	vst v63  }
0x4f: {  	s1 =	sand.u32 $0x1FFFFFE0, s13;
	s13 =	spop (v2sf);
	(v2sf) =	vpush v7, $0x9  }
0x50: {  	s14 =	simm.s32 $0x600;
	s1 =	sadd.s32 s6, s1  }
0x51: {  	[tilespmem:s14], [sflag:$0x1] =	stream.linear.gather [hbm4b:s1+s2], $0x100, $0x38;
	[tilespmem:$0x14B00] =	vst v63  }
0x52: {  	s1 =	sand.u32 $0x1FFFFFE0, s13;
	s13 =	spop (v2sf);
	(v2sf) =	vpush v7, $0xA  }
0x53: {  	s14 =	simm.s32 $0x700;
	s1 =	sadd.s32 s6, s1  }
0x54: {  	[tilespmem:s14], [sflag:$0x1] =	stream.linear.gather [hbm4b:s1+s2], $0x100, $0x38;
	[tilespmem:$0x14B00] =	vst v63  }
0x55: {  	s1 =	sand.u32 $0x1FFFFFE0, s13;
	s13 =	spop (v2sf);
	(v2sf) =	vpush v7, $0xB;
	_ =	sdelay $0x3  }
0x56: {  	s14 =	simm.s32 $0x800;
	s1 =	sadd.s32 s6, s1  }
0x57: {  	[tilespmem:s14], [sflag:$0x1] =	stream.linear.gather [hbm4b:s1+s2], $0x100, $0x38;
	[tilespmem:$0x14B00] =	vst v63  }
0x58: {  	s1 =	sand.u32 $0x1FFFFFE0, s13  }
0x59: {  	s14 =	simm.s32 $0x900;
	s1 =	sadd.s32 s6, s1;
	s13 =	spop (v2sf);
	(v2sf) =	vpush v7, $0xC  }
0x5a: {  	[tilespmem:s14], [sflag:$0x1] =	stream.linear.gather [hbm4b:s1+s2], $0x100, $0x38;
	[tilespmem:$0x14B00] =	vst v63  }
0x5b: {  	s1 =	sand.u32 $0x1FFFFFE0, s13;
	s13 =	spop (v2sf);
	(v2sf) =	vpush v7, $0xD  }
0x5c: {  	s14 =	simm.s32 $0xA00;
	s1 =	sadd.s32 s6, s1  }
0x5d: {  	[tilespmem:s14], [sflag:$0x1] =	stream.linear.gather [hbm4b:s1+s2], $0x100, $0x38;
	[tilespmem:$0x14B00] =	vst v63  }
0x5e: {  	s1 =	sand.u32 $0x1FFFFFE0, s13;
	s13 =	spop (v2sf);
	(v2sf) =	vpush v7, $0xE  }
0x5f: {  	s14 =	simm.s32 $0xB00;
	s1 =	sadd.s32 s6, s1  }
0x60: {  	[tilespmem:s14], [sflag:$0x1] =	stream.linear.gather [hbm4b:s1+s2], $0x100, $0x38;
	[tilespmem:$0x14B00] =	vst v63  }
0x61: {  	s1 =	sand.u32 $0x1FFFFFE0, s13;
	s13 =	spop (v2sf);
	(v2sf) =	vpush v7, $0xF;
	_ =	sdelay $0x1  }
0x62: {  	s14 =	simm.s32 $0xC00;
	s1 =	sadd.s32 s6, s1  }
0x63: {  	[tilespmem:s14], [sflag:$0x1] =	stream.linear.gather [hbm4b:s1+s2], $0x100, $0x38;
	[tilespmem:$0x14B00] =	vst v63  }
0x64: {  	s1 =	sand.u32 $0x1FFFFFE0, s13  }
0x65: {  	s14 =	simm.s32 $0xD00;
	s1 =	sadd.s32 s6, s1  }
0x66: {  	[tilespmem:s14], [sflag:$0x1] =	stream.linear.gather [hbm4b:s1+s2], $0x100, $0x38;
	[tilespmem:$0x14B00] =	vst v63  }
0x67: {  	s13 =	spop (v2sf)  }
0x68: {  	s1 =	sand.u32 $0x1FFFFFE0, s13  }
0x69: {  	s14 =	simm.s32 $0xE00;
	s13 =	spop (v2sf);
	s1 =	sadd.s32 s6, s1  }
0x6a: {  	[tilespmem:s14], [sflag:$0x1] =	stream.linear.gather [hbm4b:s1+s2], $0x100, $0x38;
	[tilespmem:$0x14B00] =	vst v63  }
0x6b: {  	s1 =	sand.u32 $0x1FFFFFE0, s13  }
0x6c: {  	s14 =	simm.s32 $0xF00;
	s13 =	spop (v2sf);
	s1 =	sadd.s32 s6, s1  }
0x6d: {  	[tilespmem:s14], [sflag:$0x1] =	stream.linear.gather [hbm4b:s1+s2], $0x100, $0x38;
	[tilespmem:$0x14B00] =	vst v63  }
0x6e: {  	s1 =	sand.u32 $0x1FFFFFE0, s13  }
0x6f: {  	s14 =	simm.s32 $0x1000;
	s13 =	spop (v2sf);
	s1 =	sadd.s32 s6, s1  }
0x70: {  	[tilespmem:s14], [sflag:$0x1] =	stream.linear.gather [hbm4b:s1+s2], $0x100, $0x38;
	[tilespmem:$0x14B00] =	vst v63  }
0x71: {  	s1 =	sand.u32 $0x1FFFFFE0, s13  }
0x72: {  	s14 =	simm.s32 $0x1100;
	s1 =	sadd.s32 s6, s1  }
0x73: {  	[tilespmem:s14], [sflag:$0x1] =	stream.linear.gather [hbm4b:s1+s2], $0x100, $0x38;
	[tilespmem:$0x14B00] =	vst v63  }
0x74: {  	v46 =	vld [tilespmem:$0x90]  }
0x75: {  	v47 =	vld [tilespmem:$0x110];
	_ =	sdelay $0x1  }
0x76: {  	v48 =	vld [tilespmem:$0x10];
	_ =	sdelay $0x2  }
0x77: {  	vm4 =	vgt.s32 v47, v1;
	vm5 =	veq.s32 v46, $0x1  }
0x78: {  	vm1 =	vmand vm5, vm4  }
0x79: {  	v49 =	vnsel vm1, $0x0, v48  }
0x7a: {  	v7 =	vshll.u32 v49, $0x5  }
0x7b: {  	(v2sf) =	vpush v7, $0x0;
	_ =	sdelay $0x1  }
0x7c: {  	(v2sf) =	vpush v7, $0x1;
	_ =	sdelay $0x2  }
0x7d: {  	(v2sf) =	vpush v7, $0x2;
	_ =	sdelay $0x2  }
0x7e: {  	(v2sf) =	vpush v7, $0x3;
	_ =	sdelay $0x3  }
0x7f: {  	v51 =	vld [tilespmem:$0x1FFD0]  }
0x80: {  	vm6 =	vlt.s32 v48, $0xFF  }
0x81: {  	vm7 =	veq.s32 v46, $0x2;
	v8 =	vnsel vm6, $0xFF, v48  }
0x82: {  	vm0 =	vmand vm7, vm4;
	v50 =	vadd.s32 $0x40, v8;
	s13 =	spop (v2sf);
	(v2sf) =	vpush v7, $0x4  }
0x83: {  	v6 =	vnsel vm0, $0x140, v50  }
0x84: {  	v6 =	vsel vm1, v51, v6;
	s1 =	sand.u32 $0x1FFFFFE0, s13;
	s13 =	spop (v2sf);
	(v2sf) =	vpush v7, $0x5  }
0x85: {  	s14 =	simm.s32 $0x1200;
	[tilespmem:$0x190] =	vst v6;
	s1 =	sadd.s32 s6, s1  }
0x86: {  	[tilespmem:s14], [sflag:$0x1] =	stream.linear.gather [hbm4b:s1+s2], $0x100, $0x38;
	[tilespmem:$0x14B00] =	vst v63  }
0x87: {  	s1 =	sand.u32 $0x1FFFFFE0, s13;
	s13 =	spop (v2sf);
	(v2sf) =	vpush v7, $0x6  }
0x88: {  	s14 =	simm.s32 $0x1300;
	s1 =	sadd.s32 s6, s1  }
0x89: {  	[tilespmem:s14], [sflag:$0x1] =	stream.linear.gather [hbm4b:s1+s2], $0x100, $0x38;
	[tilespmem:$0x14B00] =	vst v63  }
0x8a: {  	s1 =	sand.u32 $0x1FFFFFE0, s13;
	s13 =	spop (v2sf);
	(v2sf) =	vpush v7, $0x7;
	_ =	sdelay $0x3  }
0x8b: {  	s14 =	simm.s32 $0x1400;
	s1 =	sadd.s32 s6, s1  }
0x8c: {  	[tilespmem:s14], [sflag:$0x1] =	stream.linear.gather [hbm4b:s1+s2], $0x100, $0x38;
	[tilespmem:$0x14B00] =	vst v63  }
0x8d: {  	s1 =	sand.u32 $0x1FFFFFE0, s13  }
0x8e: {  	s14 =	simm.s32 $0x1500;
	s1 =	sadd.s32 s6, s1;
	s13 =	spop (v2sf);
	(v2sf) =	vpush v7, $0x8  }
0x8f: {  	[tilespmem:s14], [sflag:$0x1] =	stream.linear.gather [hbm4b:s1+s2], $0x100, $0x38;
	[tilespmem:$0x14B00] =	vst v63  }
0x90: {  	s1 =	sand.u32 $0x1FFFFFE0, s13;
	s13 =	spop (v2sf);
	(v2sf) =	vpush v7, $0x9  }
0x91: {  	s14 =	simm.s32 $0x1600;
	s1 =	sadd.s32 s6, s1  }
0x92: {  	[tilespmem:s14], [sflag:$0x1] =	stream.linear.gather [hbm4b:s1+s2], $0x100, $0x38;
	[tilespmem:$0x14B00] =	vst v63  }
0x93: {  	s1 =	sand.u32 $0x1FFFFFE0, s13;
	s13 =	spop (v2sf);
	(v2sf) =	vpush v7, $0xA  }
0x94: {  	s14 =	simm.s32 $0x1700;
	s1 =	sadd.s32 s6, s1  }
0x95: {  	[tilespmem:s14], [sflag:$0x1] =	stream.linear.gather [hbm4b:s1+s2], $0x100, $0x38;
	[tilespmem:$0x14B00] =	vst v63  }
0x96: {  	s1 =	sand.u32 $0x1FFFFFE0, s13;
	s13 =	spop (v2sf);
	(v2sf) =	vpush v7, $0xB;
	_ =	sdelay $0x3  }
0x97: {  	s14 =	simm.s32 $0x1800;
	s1 =	sadd.s32 s6, s1  }
0x98: {  	[tilespmem:s14], [sflag:$0x1] =	stream.linear.gather [hbm4b:s1+s2], $0x100, $0x38;
	[tilespmem:$0x14B00] =	vst v63  }
0x99: {  	s1 =	sand.u32 $0x1FFFFFE0, s13  }
0x9a: {  	s14 =	simm.s32 $0x1900;
	s1 =	sadd.s32 s6, s1;
	s13 =	spop (v2sf);
	(v2sf) =	vpush v7, $0xC  }
0x9b: {  	[tilespmem:s14], [sflag:$0x1] =	stream.linear.gather [hbm4b:s1+s2], $0x100, $0x38;
	[tilespmem:$0x14B00] =	vst v63  }
0x9c: {  	s1 =	sand.u32 $0x1FFFFFE0, s13;
	s13 =	spop (v2sf);
	(v2sf) =	vpush v7, $0xD  }
0x9d: {  	s14 =	simm.s32 $0x1A00;
	s1 =	sadd.s32 s6, s1  }
0x9e: {  	[tilespmem:s14], [sflag:$0x1] =	stream.linear.gather [hbm4b:s1+s2], $0x100, $0x38;
	[tilespmem:$0x14B00] =	vst v63  }
0x9f: {  	s1 =	sand.u32 $0x1FFFFFE0, s13;
	s13 =	spop (v2sf);
	(v2sf) =	vpush v7, $0xE  }
0xa0: {  	s14 =	simm.s32 $0x1B00;
	s1 =	sadd.s32 s6, s1  }
0xa1: {  	[tilespmem:s14], [sflag:$0x1] =	stream.linear.gather [hbm4b:s1+s2], $0x100, $0x38;
	[tilespmem:$0x14B00] =	vst v63  }
0xa2: {  	s1 =	sand.u32 $0x1FFFFFE0, s13;
	s13 =	spop (v2sf);
	(v2sf) =	vpush v7, $0xF;
	_ =	sdelay $0x1  }
0xa3: {  	s14 =	simm.s32 $0x1C00;
	s1 =	sadd.s32 s6, s1  }
0xa4: {  	[tilespmem:s14], [sflag:$0x1] =	stream.linear.gather [hbm4b:s1+s2], $0x100, $0x38;
	[tilespmem:$0x14B00] =	vst v63  }
0xa5: {  	s1 =	sand.u32 $0x1FFFFFE0, s13  }
0xa6: {  	s14 =	simm.s32 $0x1D00;
	s1 =	sadd.s32 s6, s1  }
0xa7: {  	[tilespmem:s14], [sflag:$0x1] =	stream.linear.gather [hbm4b:s1+s2], $0x100, $0x38;
	[tilespmem:$0x14B00] =	vst v63  }
0xa8: {  	s13 =	spop (v2sf)  }
0xa9: {  	s1 =	sand.u32 $0x1FFFFFE0, s13  }
0xaa: {  	s14 =	simm.s32 $0x1E00;
	s13 =	spop (v2sf);
	s1 =	sadd.s32 s6, s1  }
0xab: {  	[tilespmem:s14], [sflag:$0x1] =	stream.linear.gather [hbm4b:s1+s2], $0x100, $0x38;
	[tilespmem:$0x14B00] =	vst v63  }
0xac: {  	s1 =	sand.u32 $0x1FFFFFE0, s13  }
0xad: {  	s14 =	simm.s32 $0x1F00;
	s13 =	spop (v2sf);
	s1 =	sadd.s32 s6, s1  }
0xae: {  	[tilespmem:s14], [sflag:$0x1] =	stream.linear.gather [hbm4b:s1+s2], $0x100, $0x38;
	[tilespmem:$0x14B00] =	vst v63  }
0xaf: {  	s1 =	sand.u32 $0x1FFFFFE0, s13  }
0xb0: {  	s14 =	simm.s32 $0x2000;
	s13 =	spop (v2sf);
	s1 =	sadd.s32 s6, s1  }
0xb1: {  	[tilespmem:s14], [sflag:$0x1] =	stream.linear.gather [hbm4b:s1+s2], $0x100, $0x38;
	[tilespmem:$0x14B00] =	vst v63  }
0xb2: {  	s1 =	sand.u32 $0x1FFFFFE0, s13  }
0xb3: {  	s14 =	simm.s32 $0x2100;
	s1 =	sadd.s32 s6, s1  }
0xb4: {  	[tilespmem:s14], [sflag:$0x1] =	stream.linear.gather [hbm4b:s1+s2], $0x100, $0x38;
	[tilespmem:$0x14B00] =	vst v63  }
0xb5: {  	v52 =	vld [tilespmem:$0xA0]  }
0xb6: {  	v53 =	vld [tilespmem:$0x120];
	_ =	sdelay $0x1  }
0xb7: {  	v54 =	vld [tilespmem:$0x20];
	_ =	sdelay $0x2  }
0xb8: {  	vm8 =	vgt.s32 v53, v1;
	vm9 =	veq.s32 v52, $0x1  }
0xb9: {  	vm1 =	vmand vm9, vm8  }
0xba: {  	v55 =	vnsel vm1, $0x0, v54  }
0xbb: {  	v7 =	vshll.u32 v55, $0x5  }
0xbc: {  	(v2sf) =	vpush v7, $0x0;
	_ =	sdelay $0x1  }
0xbd: {  	(v2sf) =	vpush v7, $0x1;
	_ =	sdelay $0x2  }
0xbe: {  	(v2sf) =	vpush v7, $0x2;
	_ =	sdelay $0x2  }
0xbf: {  	(v2sf) =	vpush v7, $0x3;
	_ =	sdelay $0x3  }
0xc0: {  	v57 =	vld [tilespmem:$0x1FFE0]  }
0xc1: {  	vm10 =	vlt.s32 v54, $0xFF  }
0xc2: {  	vm11 =	veq.s32 v52, $0x2;
	v8 =	vnsel vm10, $0xFF, v54  }
0xc3: {  	vm0 =	vmand vm11, vm8;
	v56 =	vadd.s32 $0x40, v8;
	s13 =	spop (v2sf);
	(v2sf) =	vpush v7, $0x4  }
0xc4: {  	v6 =	vnsel vm0, $0x140, v56  }
0xc5: {  	v6 =	vsel vm1, v57, v6;
	s1 =	sand.u32 $0x1FFFFFE0, s13;
	s13 =	spop (v2sf);
	(v2sf) =	vpush v7, $0x5  }
0xc6: {  	s14 =	simm.s32 $0x2200;
	[tilespmem:$0x1A0] =	vst v6;
	s1 =	sadd.s32 s6, s1  }
0xc7: {  	[tilespmem:s14], [sflag:$0x1] =	stream.linear.gather [hbm4b:s1+s2], $0x100, $0x38;
	[tilespmem:$0x14B00] =	vst v63  }
0xc8: {  	s1 =	sand.u32 $0x1FFFFFE0, s13;
	s13 =	spop (v2sf);
	(v2sf) =	vpush v7, $0x6  }
0xc9: {  	s14 =	simm.s32 $0x2300;
	s1 =	sadd.s32 s6, s1  }
0xca: {  	[tilespmem:s14], [sflag:$0x1] =	stream.linear.gather [hbm4b:s1+s2], $0x100, $0x38;
	[tilespmem:$0x14B00] =	vst v63  }
0xcb: {  	s1 =	sand.u32 $0x1FFFFFE0, s13;
	s13 =	spop (v2sf);
	(v2sf) =	vpush v7, $0x7;
	_ =	sdelay $0x3  }
0xcc: {  	s14 =	simm.s32 $0x2400;
	s1 =	sadd.s32 s6, s1  }
0xcd: {  	[tilespmem:s14], [sflag:$0x1] =	stream.linear.gather [hbm4b:s1+s2], $0x100, $0x38;
	[tilespmem:$0x14B00] =	vst v63  }
0xce: {  	s1 =	sand.u32 $0x1FFFFFE0, s13  }
0xcf: {  	s14 =	simm.s32 $0x2500;
	s1 =	sadd.s32 s6, s1;
	s13 =	spop (v2sf);
	(v2sf) =	vpush v7, $0x8  }
0xd0: {  	[tilespmem:s14], [sflag:$0x1] =	stream.linear.gather [hbm4b:s1+s2], $0x100, $0x38;
	[tilespmem:$0x14B00] =	vst v63  }
0xd1: {  	s1 =	sand.u32 $0x1FFFFFE0, s13;
	s13 =	spop (v2sf);
	(v2sf) =	vpush v7, $0x9  }
0xd2: {  	s14 =	simm.s32 $0x2600;
	s1 =	sadd.s32 s6, s1  }
0xd3: {  	[tilespmem:s14], [sflag:$0x1] =	stream.linear.gather [hbm4b:s1+s2], $0x100, $0x38;
	[tilespmem:$0x14B00] =	vst v63  }
0xd4: {  	s1 =	sand.u32 $0x1FFFFFE0, s13;
	s13 =	spop (v2sf);
	(v2sf) =	vpush v7, $0xA  }
0xd5: {  	s14 =	simm.s32 $0x2700;
	s1 =	sadd.s32 s6, s1  }
0xd6: {  	[tilespmem:s14], [sflag:$0x1] =	stream.linear.gather [hbm4b:s1+s2], $0x100, $0x38;
	[tilespmem:$0x14B00] =	vst v63  }
0xd7: {  	s1 =	sand.u32 $0x1FFFFFE0, s13;
	s13 =	spop (v2sf);
	(v2sf) =	vpush v7, $0xB;
	_ =	sdelay $0x3  }
0xd8: {  	s14 =	simm.s32 $0x2800;
	s1 =	sadd.s32 s6, s1  }
0xd9: {  	[tilespmem:s14], [sflag:$0x1] =	stream.linear.gather [hbm4b:s1+s2], $0x100, $0x38;
	[tilespmem:$0x14B00] =	vst v63  }
0xda: {  	s1 =	sand.u32 $0x1FFFFFE0, s13  }
0xdb: {  	s14 =	simm.s32 $0x2900;
	s1 =	sadd.s32 s6, s1;
	s13 =	spop (v2sf);
	(v2sf) =	vpush v7, $0xC  }
0xdc: {  	[tilespmem:s14], [sflag:$0x1] =	stream.linear.gather [hbm4b:s1+s2], $0x100, $0x38;
	[tilespmem:$0x14B00] =	vst v63  }
0xdd: {  	s1 =	sand.u32 $0x1FFFFFE0, s13;
	s13 =	spop (v2sf);
	(v2sf) =	vpush v7, $0xD  }
0xde: {  	s14 =	simm.s32 $0x2A00;
	s1 =	sadd.s32 s6, s1  }
0xdf: {  	[tilespmem:s14], [sflag:$0x1] =	stream.linear.gather [hbm4b:s1+s2], $0x100, $0x38;
	[tilespmem:$0x14B00] =	vst v63  }
0xe0: {  	s1 =	sand.u32 $0x1FFFFFE0, s13;
	s13 =	spop (v2sf);
	(v2sf) =	vpush v7, $0xE  }
0xe1: {  	s14 =	simm.s32 $0x2B00;
	s1 =	sadd.s32 s6, s1  }
0xe2: {  	[tilespmem:s14], [sflag:$0x1] =	stream.linear.gather [hbm4b:s1+s2], $0x100, $0x38;
	[tilespmem:$0x14B00] =	vst v63  }
0xe3: {  	s1 =	sand.u32 $0x1FFFFFE0, s13;
	s13 =	spop (v2sf);
	(v2sf) =	vpush v7, $0xF;
	_ =	sdelay $0x1  }
0xe4: {  	s14 =	simm.s32 $0x2C00;
	s1 =	sadd.s32 s6, s1  }
0xe5: {  	[tilespmem:s14], [sflag:$0x1] =	stream.linear.gather [hbm4b:s1+s2], $0x100, $0x38;
	[tilespmem:$0x14B00] =	vst v63  }
0xe6: {  	s1 =	sand.u32 $0x1FFFFFE0, s13  }
0xe7: {  	s14 =	simm.s32 $0x2D00;
	s1 =	sadd.s32 s6, s1  }
0xe8: {  	[tilespmem:s14], [sflag:$0x1] =	stream.linear.gather [hbm4b:s1+s2], $0x100, $0x38;
	[tilespmem:$0x14B00] =	vst v63  }
0xe9: {  	s13 =	spop (v2sf)  }
0xea: {  	s1 =	sand.u32 $0x1FFFFFE0, s13  }
0xeb: {  	s14 =	simm.s32 $0x2E00;
	s13 =	spop (v2sf);
	s1 =	sadd.s32 s6, s1  }
0xec: {  	[tilespmem:s14], [sflag:$0x1] =	stream.linear.gather [hbm4b:s1+s2], $0x100, $0x38;
	[tilespmem:$0x14B00] =	vst v63  }
0xed: {  	s1 =	sand.u32 $0x1FFFFFE0, s13  }
0xee: {  	s14 =	simm.s32 $0x2F00;
	s13 =	spop (v2sf);
	s1 =	sadd.s32 s6, s1  }
0xef: {  	[tilespmem:s14], [sflag:$0x1] =	stream.linear.gather [hbm4b:s1+s2], $0x100, $0x38;
	[tilespmem:$0x14B00] =	vst v63  }
0xf0: {  	s1 =	sand.u32 $0x1FFFFFE0, s13  }
0xf1: {  	s14 =	simm.s32 $0x3000;
	s10 =	spop (v2sf);
	s1 =	sadd.s32 s6, s1  }
0xf2: {  	[tilespmem:s14], [sflag:$0x1] =	stream.linear.gather [hbm4b:s1+s2], $0x100, $0x38;
	[tilespmem:$0x14B00] =	vst v63  }
0xf3: {  	s1 =	sand.u32 $0x1FFFFFE0, s10  }
0xf4: {  	s13 =	simm.s32 $0x3100;
	s1 =	sadd.s32 s6, s1  }
0xf5: {  	[tilespmem:s13], [sflag:$0x1] =	stream.linear.gather [hbm4b:s1+s2], $0x100, $0x38;
	[tilespmem:$0x14B00] =	vst v63  }
0xf6: {  	v58 =	vld [tilespmem:$0xB0]  }
0xf7: {  	v59 =	vld [tilespmem:$0x130];
	_ =	sdelay $0x1  }
0xf8: {  	v60 =	vld [tilespmem:$0x30];
	_ =	sdelay $0x2  }
0xf9: {  	vm12 =	vgt.s32 v59, v1;
	vm13 =	veq.s32 v58, $0x1  }
0xfa: {  	vm1 =	vmand vm13, vm12  }
0xfb: {  	v61 =	vnsel vm1, $0x0, v60  }
0xfc: {  	v7 =	vshll.u32 v61, $0x5  }
0xfd: {  	(v2sf) =	vpush v7, $0x0;
	_ =	sdelay $0x1  }
0xfe: {  	(v2sf) =	vpush v7, $0x1;
	_ =	sdelay $0x1  }
0xff: {  	(v2sf) =	vpush v7, $0x2;
	_ =	sdelay $0x2  }
0x100: {  	(v2sf) =	vpush v7, $0x3;
	_ =	sdelay $0x7  }
0x101: {  	s14 =	spop (v2sf);
	(v2sf) =	vpush v7, $0x4  }
0x102: {  	v63 =	vld [tilespmem:$0x1FFF0]  }
0x103: {  	vm14 =	vlt.s32 v60, $0xFF;
	s10 =	spop (v2sf);
	(v2sf) =	vpush v7, $0x5  }
0x104: {  	vm15 =	veq.s32 v58, $0x2;
	v8 =	vnsel vm14, $0xFF, v60  }
0x105: {  	vm0 =	vmand vm15, vm12;
	v62 =	vadd.s32 $0x40, v8;
	s13 =	spop (v2sf);
	(v2sf) =	vpush v7, $0x6  }
0x106: {  	v6 =	vnsel vm0, $0x140, v62  }
0x107: {  	v6 =	vsel vm1, v63, v6;
	s1 =	sand.u32 $0x1FFFFFE0, s14  }
0x108: {  	[tilespmem:$0x1B0] =	vst v6;
	s1 =	sadd.s32 s6, s1;
	s14 =	spop (v2sf);
	(v2sf) =	vpush v7, $0x7  }
0x109: {  	[tilespmem:s15], [sflag:$0x1] =	stream.linear.gather [hbm4b:s1+s2], $0x100, $0x38;
	[tilespmem:$0x14B00] =	vst v63  }
0x10a: {  	s1 =	sand.u32 $0x1FFFFFE0, s10  }
0x10b: {  	s1 =	sadd.s32 s6, s1  }
0x10c: {  	[tilespmem:s16], [sflag:$0x1] =	stream.linear.gather [hbm4b:s1+s2], $0x100, $0x38;
	[tilespmem:$0x14B00] =	vst v63  }
0x10d: {  	s1 =	sand.u32 $0x1FFFFFE0, s13  }
0x10e: {  	s1 =	sadd.s32 s6, s1  }
0x10f: {  	[tilespmem:s17], [sflag:$0x1] =	stream.linear.gather [hbm4b:s1+s2], $0x100, $0x38;
	[tilespmem:$0x14B00] =	vst v63  }
0x110: {  	s10 =	spop (v2sf);
	(v2sf) =	vpush v7, $0x8  }
0x111: {  	s1 =	sand.u32 $0x1FFFFFE0, s14  }
0x112: {  	s1 =	sadd.s32 s6, s1;
	s13 =	spop (v2sf);
	(v2sf) =	vpush v7, $0x9  }
0x113: {  	[tilespmem:s18], [sflag:$0x1] =	stream.linear.gather [hbm4b:s1+s2], $0x100, $0x38;
	[tilespmem:$0x14B00] =	vst v63  }
0x114: {  	s1 =	sand.u32 $0x1FFFFFE0, s10;
	s14 =	spop (v2sf);
	(v2sf) =	vpush v7, $0xA  }
0x115: {  	s1 =	sadd.s32 s6, s1  }
0x116: {  	[tilespmem:s19], [sflag:$0x1] =	stream.linear.gather [hbm4b:s1+s2], $0x100, $0x38;
	[tilespmem:$0x14B00] =	vst v63  }
0x117: {  	s10 =	spop (v2sf);
	(v2sf) =	vpush v7, $0xB  }
0x118: {  	s1 =	sand.u32 $0x1FFFFFE0, s13  }
0x119: {  	s1 =	sadd.s32 s6, s1  }
0x11a: {  	[tilespmem:s20], [sflag:$0x1] =	stream.linear.gather [hbm4b:s1+s2], $0x100, $0x38;
	[tilespmem:$0x14B00] =	vst v63  }
0x11b: {  	s1 =	sand.u32 $0x1FFFFFE0, s14  }
0x11c: {  	s1 =	sadd.s32 s6, s1  }
0x11d: {  	[tilespmem:s21], [sflag:$0x1] =	stream.linear.gather [hbm4b:s1+s2], $0x100, $0x38;
	[tilespmem:$0x14B00] =	vst v63  }
0x11e: {  	s1 =	sand.u32 $0x1FFFFFE0, s10  }
0x11f: {  	s1 =	sadd.s32 s6, s1;
	s13 =	spop (v2sf);
	(v2sf) =	vpush v7, $0xC  }
0x120: {  	[tilespmem:s22], [sflag:$0x1] =	stream.linear.gather [hbm4b:s1+s2], $0x100, $0x38;
	[tilespmem:$0x14B00] =	vst v63  }
0x121: {  	s14 =	spop (v2sf);
	(v2sf) =	vpush v7, $0xD  }
0x122: {  	s1 =	sand.u32 $0x1FFFFFE0, s13  }
0x123: {  	s1 =	sadd.s32 s6, s1;
	s10 =	spop (v2sf)  }
0x124: {  	(v2sf) =	vpush v7, $0xE;
	[tilespmem:s23], [sflag:$0x1] =	stream.linear.gather [hbm4b:s1+s2], $0x100, $0x38;
	[tilespmem:$0x14B00] =	vst v63  }
0x125: {  	s1 =	sand.u32 $0x1FFFFFE0, s14  }
0x126: {  	s13 =	spop (v2sf);
	s1 =	sadd.s32 s6, s1  }
0x127: {  	(v2sf) =	vpush v7, $0xF;
	[tilespmem:s24], [sflag:$0x1] =	stream.linear.gather [hbm4b:s1+s2], $0x100, $0x38;
	[tilespmem:$0x14B00] =	vst v63  }
0x128: {  	s1 =	sand.u32 $0x1FFFFFE0, s10  }
0x129: {  	s1 =	sadd.s32 s6, s1  }
0x12a: {  	[tilespmem:s25], [sflag:$0x1] =	stream.linear.gather [hbm4b:s1+s2], $0x100, $0x38;
	[tilespmem:$0x14B00] =	vst v63  }
0x12b: {  	s1 =	sand.u32 $0x1FFFFFE0, s13  }
0x12c: {  	s1 =	sadd.s32 s6, s1  }
0x12d: {  	[tilespmem:s26], [sflag:$0x1] =	stream.linear.gather [hbm4b:s1+s2], $0x100, $0x38;
	[tilespmem:$0x14B00] =	vst v63  }
0x12e: {  	s14 =	spop (v2sf)  }
0x12f: {  	s1 =	sand.u32 $0x1FFFFFE0, s14  }
0x130: {  	s10 =	spop (v2sf);
	s1 =	sadd.s32 s6, s1  }
0x131: {  	[tilespmem:s28], [sflag:$0x1] =	stream.linear.gather [hbm4b:s1+s2], $0x100, $0x38;
	[tilespmem:$0x14B00] =	vst v63  }
0x132: {  	s1 =	sand.u32 $0x1FFFFFE0, s10  }
0x133: {  	s13 =	spop (v2sf);
	s1 =	sadd.s32 s6, s1  }
0x134: {  	[tilespmem:s29], [sflag:$0x1] =	stream.linear.gather [hbm4b:s1+s2], $0x100, $0x38;
	[tilespmem:$0x14B00] =	vst v63  }
0x135: {  	s1 =	sand.u32 $0x1FFFFFE0, s13  }
0x136: {  	s14 =	spop (v2sf);
	s1 =	sadd.s32 s6, s1  }
0x137: {  	[tilespmem:s30], [sflag:$0x1] =	stream.linear.gather [hbm4b:s1+s2], $0x100, $0x38;
	[tilespmem:$0x14B00] =	vst v63  }
0x138: {  	s1 =	sand.u32 $0x1FFFFFE0, s14  }
0x139: {  	s1 =	sadd.s32 s6, s1  }
0x13a: {  	[tilespmem:s31], [sflag:$0x1] =	stream.linear.gather [hbm4b:s1+s2], $0x100, $0x38;
	[tilespmem:$0x14B00] =	vst v63  }
0x13b: {  	s1 =	simm.s32 $0x40  }
.LBB2_3:
0x13c: {  	p0 =	sne.s32 s1, $0x1  }
.Ltmp0:
0x13d: {  	_ = 	snop;
	(pc) =	sbr.rel @p0 .LBB2_3-.Ltmp0, $4  }
0x13e: {  	_ = 	snop  }
0x13f: {  	_ =	swait.ge [sflag:s0], $0x100  }
0x140: {  	[sflag:s0] =	ssyncset.done $0x0  }
0x141: {  	s1 =	sadd.s32 $0xFFFFFFFF, s1;
	[sflag:s0] =	ssyncadd.s32 $0xFFFFFF00  }
0x142: {  	s10 =	simm.s32 $0x0;
	s1 =	simm.s32 $0x14400  }
.LBB2_5:
0x143: {  	s13 =	sshra.s32 s10, $0x2  }
0x144: {  	v6 =	vld [tilespmem:s13+$0x180];
	_ =	sdelay $0x4  }
0x145: {  	v6 =	vshll.u32 v6, $0xA  }
0x146: {  	v6 =	vshra.s32 v6, $0x2  }
0x147: {  	(v2sf) =	vpush v6, $0x0;
	_ =	sdelay $0xe  }
0x148: {  	s14 =	spop (v2sf)  }
0x149: {  	(v2sf) =	vpush v6, $0x1;
	v7 =	vld [tilespmem:s14+$0x200]  }
0x14a: {  	v8 =	vld [tilespmem:s14+$0x210]  }
0x14b: {  	v9 =	vld [tilespmem:s14+$0x220]  }
0x14c: {  	v10 =	vld [tilespmem:s14+$0x230]  }
0x14d: {  	v11 =	vld [tilespmem:s14+$0x240]  }
0x14e: {  	v12 =	vld [tilespmem:s14+$0x250]  }
0x14f: {  	v13 =	vld [tilespmem:s14+$0x260]  }
0x150: {  	v14 =	vld [tilespmem:s14+$0x270]  }
0x151: {  	v0 =	vld [tilespmem:s14+$0x280]  }
0x152: {  	v20 =	vld [tilespmem:s14+$0x290]  }
0x153: {  	v24 =	vld [tilespmem:s14+$0x2A0]  }
0x154: {  	v25 =	vld [tilespmem:s14+$0x2B0]  }
0x155: {  	v26 =	vld [tilespmem:s14+$0x2C0]  }
0x156: {  	v27 =	vld [tilespmem:s14+$0x2D0]  }
0x157: {  	v28 =	vld [tilespmem:s14+$0x2E0]  }
0x158: {  	v29 =	vld [tilespmem:s14+$0x2F0];
	s14 =	spop (v2sf)  }
0x159: {  	(v2sf) =	vpush v6, $0x2;
	v23 =	vld [tilespmem:s14+$0x200]  }
0x15a: {  	[tilespmem:$0x1FD10] =	vst v24;
	v24 =	vld [tilespmem:s14+$0x210]  }
0x15b: {  	[tilespmem:$0x1FD20] =	vst v25;
	v25 =	vld [tilespmem:s14+$0x220]  }
0x15c: {  	[tilespmem:$0x1FD30] =	vst v26;
	v26 =	vld [tilespmem:s14+$0x230]  }
0x15d: {  	[tilespmem:$0x1FD40] =	vst v27;
	v27 =	vld [tilespmem:s14+$0x240]  }
0x15e: {  	[tilespmem:$0x1FD50] =	vst v28;
	v28 =	vld [tilespmem:s14+$0x250]  }
0x15f: {  	[tilespmem:$0x1FD60] =	vst v29;
	v29 =	vld [tilespmem:s14+$0x260]  }
0x160: {  	v30 =	vld [tilespmem:s14+$0x270]  }
0x161: {  	v31 =	vld [tilespmem:s14+$0x280]  }
0x162: {  	v32 =	vld [tilespmem:s14+$0x290]  }
0x163: {  	v33 =	vld [tilespmem:s14+$0x2A0]  }
0x164: {  	v34 =	vld [tilespmem:s14+$0x2B0]  }
0x165: {  	v35 =	vld [tilespmem:s14+$0x2C0]  }
0x166: {  	v36 =	vld [tilespmem:s14+$0x2D0]  }
0x167: {  	v37 =	vld [tilespmem:s14+$0x2E0]  }
0x168: {  	v38 =	vld [tilespmem:s14+$0x2F0];
	s14 =	spop (v2sf);
	(v2sf) =	vpush v6, $0x3;
	_ =	sdelay $0xd  }
0x169: {  	v20 =	vadd.f32 v32, v20;
	v32 =	vld [tilespmem:$0x1FD10]  }
0x16a: {  	v39 =	vld [tilespmem:s14+$0x200];
	s13 =	spop (v2sf);
	(v2sf) =	vpush v6, $0x4  }
0x16b: {  	v40 =	vld [tilespmem:s14+$0x210]  }
0x16c: {  	v41 =	vld [tilespmem:s14+$0x220]  }
0x16d: {  	v42 =	vld [tilespmem:s14+$0x230]  }
0x16e: {  	v43 =	vld [tilespmem:s14+$0x240]  }
0x16f: {  	v44 =	vld [tilespmem:s14+$0x250]  }
0x170: {  	v45 =	vld [tilespmem:s14+$0x260]  }
0x171: {  	v46 =	vld [tilespmem:s14+$0x270]  }
0x172: {  	v47 =	vld [tilespmem:s14+$0x280]  }
0x173: {  	v48 =	vld [tilespmem:s14+$0x290]  }
0x174: {  	v49 =	vld [tilespmem:s14+$0x2A0]  }
0x175: {  	v50 =	vld [tilespmem:s14+$0x2B0]  }
0x176: {  	v51 =	vld [tilespmem:s14+$0x2C0]  }
0x177: {  	v52 =	vld [tilespmem:s14+$0x2D0]  }
0x178: {  	v53 =	vld [tilespmem:s14+$0x2E0]  }
0x179: {  	v54 =	vld [tilespmem:s14+$0x2F0];
	s14 =	spop (v2sf)  }
0x17a: {  	v19 =	vld [tilespmem:s14+$0x250]  }
0x17b: {  	v12 =	vadd.f32 v28, v12;
	v28 =	vadd.f32 v33, v32;
	v33 =	vld [tilespmem:$0x1FD20]  }
0x17c: {  	v32 =	vld [tilespmem:$0x1FD40]  }
0x17d: {  	[tilespmem:$0x1FD00] =	vst v0  }
0x17e: {  	v14 =	vadd.f32 v30, v14;
	v30 =	vld [tilespmem:$0x1FD00]  }
0x17f: {  	[tilespmem:$0x1FD70] =	vst v19;
	v19 =	vld [tilespmem:s14+$0x260]  }
0x180: {  	v13 =	vadd.f32 v29, v13;
	v29 =	vadd.f32 v34, v33;
	v34 =	vld [tilespmem:$0x1FD30]  }
0x181: {  	v32 =	vadd.f32 v36, v32;
	v36 =	vld [tilespmem:$0x1FD50]  }
0x182: {  	v55 =	vld [tilespmem:s13+$0x200]  }
0x183: {  	v56 =	vld [tilespmem:s13+$0x210]  }
0x184: {  	[tilespmem:$0x1FD80] =	vst v19;
	v19 =	vld [tilespmem:s14+$0x270]  }
0x185: {  	v57 =	vld [tilespmem:s13+$0x220]  }
0x186: {  	v58 =	vld [tilespmem:s13+$0x230]  }
0x187: {  	v59 =	vld [tilespmem:s13+$0x240]  }
0x188: {  	v60 =	vld [tilespmem:s13+$0x250]  }
0x189: {  	[tilespmem:$0x1FD90] =	vst v19;
	v19 =	vld [tilespmem:s14+$0x280]  }
0x18a: {  	v61 =	vld [tilespmem:s13+$0x260]  }
0x18b: {  	v62 =	vld [tilespmem:s13+$0x270]  }
0x18c: {  	v63 =	vld [tilespmem:s13+$0x280]  }
0x18d: {  	v1 =	vld [tilespmem:s13+$0x290]  }
0x18e: {  	(v2sf) =	vpush v6, $0x5;
	[tilespmem:$0x1FDA0] =	vst v19;
	v19 =	vld [tilespmem:s14+$0x290]  }
0x18f: {  	v0 =	vld [tilespmem:s13+$0x2A0]  }
0x190: {  	v3 =	vld [tilespmem:s13+$0x2B0]  }
0x191: {  	v4 =	vld [tilespmem:s13+$0x2C0]  }
0x192: {  	v5 =	vld [tilespmem:s13+$0x2D0]  }
0x193: {  	[tilespmem:$0x1FDB0] =	vst v19;
	v19 =	vld [tilespmem:s14+$0x2A0]  }
0x194: {  	v16 =	vld [tilespmem:s13+$0x2E0]  }
0x195: {  	v15 =	vld [tilespmem:s13+$0x2F0]  }
0x196: {  	v2 =	vld [tilespmem:s14+$0x200]  }
0x197: {  	v17 =	vld [tilespmem:s14+$0x210]  }
0x198: {  	[tilespmem:$0x1FDC0] =	vst v19;
	v19 =	vld [tilespmem:s14+$0x2B0]  }
0x199: {  	v18 =	vld [tilespmem:s14+$0x220]  }
0x19a: {  	v21 =	vld [tilespmem:s14+$0x230]  }
0x19b: {  	v22 =	vld [tilespmem:s14+$0x240]  }
0x19c: {  	v29 =	vadd.f32 v50, v29;
	v50 =	vld [tilespmem:$0x1FD80]  }
0x19d: {  	s13 =	spop (v2sf);
	(v2sf) =	vpush v6, $0x6;
	[tilespmem:$0x1FDD0] =	vst v19;
	v19 =	vld [tilespmem:s14+$0x2C0]  }
0x19e: {  	v7 =	vadd.f32 v23, v7;
	v23 =	vld [tilespmem:s13+$0x240]  }
0x19f: {  	v8 =	vadd.f32 v24, v8;
	v24 =	vld [tilespmem:s13+$0x250]  }
0x1a0: {  	v9 =	vadd.f32 v25, v9;
	v25 =	vld [tilespmem:s13+$0x260]  }
0x1a1: {  	v10 =	vadd.f32 v26, v10;
	v26 =	vld [tilespmem:s13+$0x270]  }
0x1a2: {  	[tilespmem:$0x1FDE0] =	vst v19;
	v19 =	vld [tilespmem:s14+$0x2D0]  }
0x1a3: {  	v11 =	vadd.f32 v27, v11;
	v27 =	vld [tilespmem:s13+$0x280]  }
0x1a4: {  	v33 =	vld [tilespmem:s13+$0x2A0]  }
0x1a5: {  	v7 =	vadd.f32 v39, v7;
	v39 =	vld [tilespmem:s13+$0x2E0]  }
0x1a6: {  	v8 =	vadd.f32 v40, v8;
	v40 =	vld [tilespmem:s13+$0x2F0]  }
0x1a7: {  	[tilespmem:$0x1FDF0] =	vst v19;
	v19 =	vld [tilespmem:s14+$0x2E0]  }
0x1a8: {  	v32 =	vadd.f32 v52, v32;
	v52 =	vld [tilespmem:$0x1FDA0]  }
0x1a9: {  	v9 =	vadd.f32 v41, v9;
	v7 =	vadd.f32 v55, v7;
	v55 =	vld [tilespmem:$0x1FDD0]  }
0x1aa: {  	v8 =	vadd.f32 v56, v8;
	v56 =	vld [tilespmem:$0x1FDE0]  }
0x1ab: {  	v9 =	vadd.f32 v57, v9;
	v57 =	vld [tilespmem:$0x1FDF0]  }
0x1ac: {  	[tilespmem:$0x1FE00] =	vst v19;
	v19 =	vld [tilespmem:s14+$0x2F0];
	s14 =	spop (v2sf)  }
0x1ad: {  	v41 =	vld [tilespmem:s14+$0x200]  }
0x1ae: {  	v10 =	vadd.f32 v42, v10;
	v42 =	vld [tilespmem:s14+$0x210]  }
0x1af: {  	v11 =	vadd.f32 v43, v11;
	v43 =	vld [tilespmem:s14+$0x220]  }
0x1b0: {  	v12 =	vadd.f32 v44, v12;
	v44 =	vld [tilespmem:s14+$0x230]  }
0x1b1: {  	[tilespmem:$0x1FE10] =	vst v19;
	v19 =	vld [tilespmem:s13+$0x200]  }
0x1b2: {  	v13 =	vadd.f32 v45, v13;
	v45 =	vld [tilespmem:s14+$0x240]  }
0x1b3: {  	v14 =	vadd.f32 v46, v14;
	v46 =	vld [tilespmem:s14+$0x250]  }
0x1b4: {  	v20 =	vadd.f32 v48, v20;
	v48 =	vld [tilespmem:s14+$0x270]  }
0x1b5: {  	v28 =	vadd.f32 v49, v28;
	v49 =	vld [tilespmem:s14+$0x280]  }
0x1b6: {  	[tilespmem:$0x1FE20] =	vst v19;
	v19 =	vld [tilespmem:s13+$0x210]  }
0x1b7: {  	v1 =	vadd.f32 v1, v20;
	v20 =	vld [tilespmem:s14+$0x290]  }
0x1b8: {  	v0 =	vadd.f32 v0, v28;
	v28 =	vld [tilespmem:s14+$0x2A0]  }
0x1b9: {  	v3 =	vadd.f32 v3, v29;
	v29 =	vld [tilespmem:s14+$0x2B0]  }
0x1ba: {  	v2 =	vadd.f32 v2, v7;
	v7 =	vld [tilespmem:s14+$0x2C0]  }
0x1bb: {  	(v2sf) =	vpush v6, $0x7;
	[tilespmem:$0x1FE30] =	vst v19;
	v19 =	vld [tilespmem:s13+$0x220]  }
0x1bc: {  	v10 =	vadd.f32 v58, v10;
	v8 =	vadd.f32 v17, v8;
	v17 =	vld [tilespmem:s14+$0x2D0]  }
0x1bd: {  	v9 =	vadd.f32 v18, v9;
	v18 =	vld [tilespmem:s14+$0x2E0]  }
0x1be: {  	v10 =	vadd.f32 v21, v10;
	v21 =	vld [tilespmem:s14+$0x2F0]  }
0x1bf: {  	v58 =	vld [tilespmem:$0x1FE00]  }
0x1c0: {  	[tilespmem:$0x1FE40] =	vst v19;
	v19 =	vld [tilespmem:s13+$0x230]  }
0x1c1: {  	v11 =	vadd.f32 v59, v11;
	v59 =	vld [tilespmem:$0x1FE10]  }
0x1c2: {  	v12 =	vadd.f32 v60, v12;
	v60 =	vld [tilespmem:$0x1FE20]  }
0x1c3: {  	v13 =	vadd.f32 v61, v13;
	v61 =	vld [tilespmem:$0x1FE30]  }
0x1c4: {  	v14 =	vadd.f32 v62, v14;
	v62 =	vld [tilespmem:$0x1FE40]  }
0x1c5: {  	[tilespmem:$0x1FE50] =	vst v19;
	v19 =	vadd.f32 v31, v30;
	v30 =	vld [tilespmem:s13+$0x290]  }
0x1c6: {  	v31 =	vadd.f32 v35, v34;
	v34 =	vadd.f32 v37, v36;
	v37 =	vld [tilespmem:$0x1FD60]  }
0x1c7: {  	v36 =	vld [tilespmem:s13+$0x2B0]  }
0x1c8: {  	v19 =	vadd.f32 v47, v19;
	v47 =	vld [tilespmem:s14+$0x260]  }
0x1c9: {  	v11 =	vadd.f32 v22, v11;
	v31 =	vadd.f32 v51, v31;
	v51 =	vld [tilespmem:$0x1FD90]  }
0x1ca: {  	v13 =	vadd.f32 v50, v13;
	v34 =	vadd.f32 v53, v34;
	s14 =	spop (v2sf);
	v53 =	vld [tilespmem:$0x1FDB0]  }
0x1cb: {  	v5 =	vadd.f32 v5, v32;
	v11 =	vadd.f32 v23, v11;
	v22 =	vld [tilespmem:s14+$0x200]  }
0x1cc: {  	v13 =	vadd.f32 v25, v13;
	v3 =	vadd.f32 v55, v3;
	v32 =	vld [tilespmem:s14+$0x220]  }
0x1cd: {  	v5 =	vadd.f32 v57, v5;
	v2 =	vadd.f32 v60, v2;
	v50 =	vld [tilespmem:s14+$0x250]  }
0x1ce: {  	v11 =	vadd.f32 v45, v11;
	v8 =	vadd.f32 v61, v8;
	v55 =	vld [tilespmem:s14+$0x290]  }
0x1cf: {  	v2 =	vadd.f32 v41, v2;
	v9 =	vadd.f32 v62, v9;
	v57 =	vld [tilespmem:s14+$0x2B0]  }
0x1d0: {  	v8 =	vadd.f32 v42, v8;
	(v2sf) =	vpush v6, $0x8;
	v60 =	vld [tilespmem:s14+$0x2E0]  }
0x1d1: {  	v9 =	vadd.f32 v43, v9;
	v61 =	vld [tilespmem:s14+$0x2F0];
	v19 =	vadd.f32 v63, v19  }
0x1d2: {  	v4 =	vadd.f32 v4, v31;
	v16 =	vadd.f32 v16, v34;
	v31 =	vld [tilespmem:s14+$0x210]  }
0x1d3: {  	v34 =	vld [tilespmem:s14+$0x230];
	v35 =	vadd.f32 v38, v37;
	v3 =	vadd.f32 v36, v3  }
0x1d4: {  	v63 =	vld [tilespmem:$0x1FE50];
	v19 =	vadd.f32 v52, v19;
	v4 =	vadd.f32 v56, v4  }
0x1d5: {  	v37 =	vld [tilespmem:s13+$0x2C0];
	v16 =	vadd.f32 v58, v16;
	v35 =	vadd.f32 v54, v35  }
0x1d6: {  	v38 =	vld [tilespmem:s13+$0x2D0];
	v14 =	vadd.f32 v51, v14;
	v1 =	vadd.f32 v53, v1  }
0x1d7: {  	v52 =	vld [tilespmem:s14+$0x260];
	v3 =	vadd.f32 v29, v3;
	v19 =	vadd.f32 v27, v19  }
0x1d8: {  	v56 =	vld [tilespmem:s14+$0x2A0];
	v16 =	vadd.f32 v39, v16;
	v2 =	vadd.f32 v22, v2  }
0x1d9: {  	v54 =	vld [tilespmem:$0x1FDC0];
	v9 =	vadd.f32 v32, v9;
	v15 =	vadd.f32 v15, v35  }
0x1da: {  	v35 =	vld [tilespmem:$0x1FD70];
	v10 =	vadd.f32 v63, v10;
	v14 =	vadd.f32 v26, v14  }
0x1db: {  	v58 =	vld [tilespmem:s14+$0x2C0];
	v1 =	vadd.f32 v30, v1;
	v8 =	vadd.f32 v31, v8  }
0x1dc: {  	v53 =	vld [tilespmem:s14+$0x270];
	v63 =	vadd.f32 v47, v13;
	v3 =	vadd.f32 v57, v3  }
0x1dd: {  	v4 =	vadd.f32 v37, v4;
	v15 =	vadd.f32 v59, v15;
	v59 =	vld [tilespmem:s14+$0x2D0]  }
0x1de: {  	v13 =	vadd.f32 v49, v19;
	v0 =	vadd.f32 v54, v0;
	v54 =	vld [tilespmem:s14+$0x280]  }
0x1df: {  	v10 =	vadd.f32 v44, v10;
	v12 =	vadd.f32 v35, v12;
	v35 =	vld [tilespmem:s14+$0x240];
	[tilespmem:s1+$0xFFFFFF00] =	vst v2  }
0x1e0: {  	v19 =	vadd.f32 v18, v16;
	v1 =	vadd.f32 v20, v1;
	[tilespmem:s1+$0xFFFFFF10] =	vst v8  }
0x1e1: {  	v4 =	vadd.f32 v7, v4;
	v10 =	vadd.f32 v34, v10;
	[tilespmem:s1+$0xFFFFFF20] =	vst v9  }
0x1e2: {  	v1 =	vadd.f32 v55, v1;
	v0 =	vadd.f32 v33, v0;
	[tilespmem:s1+$0xFFFFFFB0] =	vst v3  }
0x1e3: {  	v8 =	vadd.f32 v52, v63;
	[tilespmem:s1+$0xFFFFFF30] =	vst v10;
	v12 =	vadd.f32 v24, v12  }
0x1e4: {  	v4 =	vadd.f32 v58, v4;
	[tilespmem:s1+$0xFFFFFF90] =	vst v1;
	v1 =	vadd.f32 v60, v19  }
0x1e5: {  	v0 =	vadd.f32 v28, v0;
	[tilespmem:s1+$0xFFFFFF60] =	vst v8;
	v62 =	vadd.f32 v46, v12  }
0x1e6: {  	[tilespmem:s1+$0xFFFFFFC0] =	vst v4;
	v12 =	vadd.f32 v48, v14;
	v14 =	vadd.f32 v54, v13  }
0x1e7: {  	v15 =	vadd.f32 v40, v15;
	[tilespmem:s1+$0xFFFFFFE0] =	vst v1;
	v0 =	vadd.f32 v56, v0  }
0x1e8: {  	v5 =	vadd.f32 v38, v5;
	v11 =	vadd.f32 v35, v11;
	[tilespmem:s1+$0xFFFFFF80] =	vst v14  }
0x1e9: {  	v20 =	vadd.f32 v21, v15;
	v2 =	vadd.f32 v50, v62;
	[tilespmem:s1+$0xFFFFFFA0] =	vst v0  }
0x1ea: {  	v17 =	vadd.f32 v17, v5;
	v9 =	vadd.f32 v53, v12;
	[tilespmem:s1+$0xFFFFFF40] =	vst v11  }
0x1eb: {  	v0 =	vadd.f32 v61, v20;
	[tilespmem:s1+$0xFFFFFF50] =	vst v2  }
0x1ec: {  	[tilespmem:s1+$0xFFFFFF70] =	vst v9;
	v2 =	vadd.f32 v59, v17  }
0x1ed: {  	[tilespmem:s1+$0xFFFFFFF0] =	vst v0  }
0x1ee: {  	s14 =	spop (v2sf);
	[tilespmem:s1+$0xFFFFFFD0] =	vst v2  }
0x1ef: {  	(v2sf) =	vpush v6, $0x9;
	v0 =	vld [tilespmem:s14+$0x200]  }
0x1f0: {  	v1 =	vld [tilespmem:s14+$0x210]  }
0x1f1: {  	v2 =	vld [tilespmem:s14+$0x220]  }
0x1f2: {  	v3 =	vld [tilespmem:s14+$0x230]  }
0x1f3: {  	v4 =	vld [tilespmem:s14+$0x240]  }
0x1f4: {  	v5 =	vld [tilespmem:s14+$0x250]  }
0x1f5: {  	v7 =	vld [tilespmem:s14+$0x260]  }
0x1f6: {  	v12 =	vld [tilespmem:s14+$0x270]  }
0x1f7: {  	v11 =	vld [tilespmem:s14+$0x280]  }
0x1f8: {  	v16 =	vld [tilespmem:s14+$0x290]  }
0x1f9: {  	v8 =	vld [tilespmem:s14+$0x2A0]  }
0x1fa: {  	v21 =	vld [tilespmem:s14+$0x2B0]  }
0x1fb: {  	v22 =	vld [tilespmem:s14+$0x2C0]  }
0x1fc: {  	v23 =	vld [tilespmem:s14+$0x2D0]  }
0x1fd: {  	v24 =	vld [tilespmem:s14+$0x2E0]  }
0x1fe: {  	v25 =	vld [tilespmem:s14+$0x2F0];
	s14 =	spop (v2sf)  }
0x1ff: {  	(v2sf) =	vpush v6, $0xA;
	v17 =	vld [tilespmem:s14+$0x200]  }
0x200: {  	v18 =	vld [tilespmem:s14+$0x210]  }
0x201: {  	v19 =	vld [tilespmem:s14+$0x220]  }
0x202: {  	v20 =	vld [tilespmem:s14+$0x230]  }
0x203: {  	[tilespmem:$0x1FE70] =	vst v21;
	v21 =	vld [tilespmem:s14+$0x240]  }
0x204: {  	[tilespmem:$0x1FE80] =	vst v22;
	v22 =	vld [tilespmem:s14+$0x250]  }
0x205: {  	[tilespmem:$0x1FE90] =	vst v23;
	v23 =	vld [tilespmem:s14+$0x260]  }
0x206: {  	[tilespmem:$0x1FEA0] =	vst v24;
	v24 =	vld [tilespmem:s14+$0x270]  }
0x207: {  	[tilespmem:$0x1FEB0] =	vst v25;
	v25 =	vld [tilespmem:s14+$0x280]  }
0x208: {  	v26 =	vld [tilespmem:s14+$0x290]  }
0x209: {  	v27 =	vld [tilespmem:s14+$0x2A0]  }
0x20a: {  	v28 =	vld [tilespmem:s14+$0x2B0]  }
0x20b: {  	v29 =	vld [tilespmem:s14+$0x2C0]  }
0x20c: {  	v30 =	vld [tilespmem:s14+$0x2D0]  }
0x20d: {  	v31 =	vld [tilespmem:s14+$0x2E0]  }
0x20e: {  	v32 =	vld [tilespmem:s14+$0x2F0];
	s14 =	spop (v2sf);
	(v2sf) =	vpush v6, $0xB;
	_ =	sdelay $0xe  }
0x20f: {  	v33 =	vld [tilespmem:s14+$0x200];
	s13 =	spop (v2sf);
	(v2sf) =	vpush v6, $0xC  }
0x210: {  	v34 =	vld [tilespmem:s14+$0x210]  }
0x211: {  	v35 =	vld [tilespmem:s14+$0x220]  }
0x212: {  	v36 =	vld [tilespmem:s14+$0x230]  }
0x213: {  	v37 =	vld [tilespmem:s14+$0x240]  }
0x214: {  	v38 =	vld [tilespmem:s14+$0x250]  }
0x215: {  	v39 =	vld [tilespmem:s14+$0x260]  }
0x216: {  	v40 =	vld [tilespmem:s14+$0x270]  }
0x217: {  	v41 =	vld [tilespmem:s14+$0x280]  }
0x218: {  	v42 =	vld [tilespmem:s14+$0x290]  }
0x219: {  	v43 =	vld [tilespmem:s14+$0x2A0]  }
0x21a: {  	v44 =	vld [tilespmem:s14+$0x2B0]  }
0x21b: {  	v45 =	vld [tilespmem:s14+$0x2C0]  }
0x21c: {  	v46 =	vld [tilespmem:s14+$0x2D0]  }
0x21d: {  	v47 =	vld [tilespmem:s14+$0x2E0]  }
0x21e: {  	v48 =	vld [tilespmem:s14+$0x2F0];
	s14 =	spop (v2sf)  }
0x21f: {  	v15 =	vld [tilespmem:s14+$0x240];
	_ =	sdelay $0x4  }
0x220: {  	[tilespmem:$0x1FEC0] =	vst v15;
	v15 =	vld [tilespmem:s14+$0x250];
	_ =	sdelay $0x4  }
0x221: {  	[tilespmem:$0x1FED0] =	vst v15;
	v15 =	vld [tilespmem:s14+$0x260];
	_ =	sdelay $0x4  }
0x222: {  	[tilespmem:$0x1FEE0] =	vst v15;
	v15 =	vld [tilespmem:s14+$0x270];
	_ =	sdelay $0x4  }
0x223: {  	[tilespmem:$0x1FEF0] =	vst v15;
	v15 =	vld [tilespmem:s14+$0x280];
	_ =	sdelay $0x3  }
0x224: {  	[tilespmem:$0x1FE60] =	vst v8  }
0x225: {  	[tilespmem:$0x1FF00] =	vst v15;
	v15 =	vld [tilespmem:s14+$0x290]  }
0x226: {  	v16 =	vadd.f32 v26, v16;
	v26 =	vld [tilespmem:$0x1FE60]  }
0x227: {  	v49 =	vld [tilespmem:s13+$0x200]  }
0x228: {  	v50 =	vld [tilespmem:s13+$0x210]  }
0x229: {  	v51 =	vld [tilespmem:s13+$0x220]  }
0x22a: {  	[tilespmem:$0x1FF10] =	vst v15;
	v15 =	vld [tilespmem:s14+$0x2A0]  }
0x22b: {  	v52 =	vld [tilespmem:s13+$0x230]  }
0x22c: {  	v53 =	vld [tilespmem:s13+$0x240]  }
0x22d: {  	v54 =	vld [tilespmem:s13+$0x250]  }
0x22e: {  	v55 =	vld [tilespmem:s13+$0x260]  }
0x22f: {  	[tilespmem:$0x1FF20] =	vst v15;
	v15 =	vld [tilespmem:s14+$0x2B0]  }
0x230: {  	v56 =	vld [tilespmem:s13+$0x270]  }
0x231: {  	v57 =	vld [tilespmem:s13+$0x280]  }
0x232: {  	v58 =	vld [tilespmem:s13+$0x290];
	(v2sf) =	vpush v6, $0xD  }
0x233: {  	v59 =	vld [tilespmem:s13+$0x2A0]  }
0x234: {  	[tilespmem:$0x1FF30] =	vst v15;
	v15 =	vld [tilespmem:s14+$0x2C0]  }
0x235: {  	v60 =	vld [tilespmem:s13+$0x2B0]  }
0x236: {  	v61 =	vld [tilespmem:s13+$0x2C0]  }
0x237: {  	v62 =	vld [tilespmem:s13+$0x2D0]  }
0x238: {  	v63 =	vld [tilespmem:s13+$0x2E0]  }
0x239: {  	[tilespmem:$0x1FF40] =	vst v15;
	v15 =	vld [tilespmem:s14+$0x2D0]  }
0x23a: {  	v8 =	vld [tilespmem:s13+$0x2F0]  }
0x23b: {  	v9 =	vld [tilespmem:s14+$0x200]  }
0x23c: {  	v3 =	vadd.f32 v20, v3;
	v10 =	vld [tilespmem:s14+$0x210]  }
0x23d: {  	v4 =	vadd.f32 v21, v4;
	v13 =	vld [tilespmem:s14+$0x220]  }
0x23e: {  	v3 =	vadd.f32 v36, v3;
	[tilespmem:$0x1FF50] =	vst v15;
	v15 =	vld [tilespmem:s14+$0x2E0]  }
0x23f: {  	v4 =	vadd.f32 v37, v4;
	v14 =	vld [tilespmem:s14+$0x230]  }
0x240: {  	v3 =	vadd.f32 v52, v3;
	v52 =	vld [tilespmem:$0x1FEC0]  }
0x241: {  	v4 =	vadd.f32 v53, v4;
	v53 =	vld [tilespmem:$0x1FED0];
	s13 =	spop (v2sf)  }
0x242: {  	v0 =	vadd.f32 v17, v0;
	v17 =	vld [tilespmem:s13+$0x240]  }
0x243: {  	(v2sf) =	vpush v6, $0xE;
	[tilespmem:$0x1FF60] =	vst v15;
	v15 =	vld [tilespmem:s14+$0x2F0]  }
0x244: {  	v1 =	vadd.f32 v18, v1;
	v18 =	vld [tilespmem:s13+$0x250]  }
0x245: {  	v2 =	vadd.f32 v19, v2;
	v19 =	vld [tilespmem:s13+$0x260]  }
0x246: {  	v20 =	vld [tilespmem:s13+$0x270]  }
0x247: {  	v21 =	vld [tilespmem:s13+$0x280]  }
0x248: {  	v5 =	vadd.f32 v22, v5;
	[tilespmem:$0x1FF70] =	vst v15;
	v15 =	vld [tilespmem:s13+$0x200]  }
0x249: {  	v7 =	vadd.f32 v23, v7;
	v22 =	vld [tilespmem:s13+$0x290]  }
0x24a: {  	v11 =	vadd.f32 v25, v11;
	v5 =	vadd.f32 v38, v5;
	v25 =	vld [tilespmem:s13+$0x2A0]  }
0x24b: {  	v12 =	vadd.f32 v24, v12;
	v0 =	vadd.f32 v33, v0;
	v33 =	vld [tilespmem:s13+$0x2F0]  }
0x24c: {  	v7 =	vadd.f32 v39, v7;
	v5 =	vadd.f32 v54, v5;
	v54 =	vld [tilespmem:$0x1FEE0]  }
0x24d: {  	v12 =	vadd.f32 v40, v12;
	[tilespmem:$0x1FF80] =	vst v15;
	v15 =	vld [tilespmem:s13+$0x210]  }
0x24e: {  	v11 =	vadd.f32 v41, v11;
	v7 =	vadd.f32 v55, v7;
	v55 =	vld [tilespmem:$0x1FEF0]  }
0x24f: {  	v16 =	vadd.f32 v42, v16;
	v12 =	vadd.f32 v56, v12;
	v56 =	vld [tilespmem:$0x1FF00]  }
0x250: {  	v11 =	vadd.f32 v57, v11;
	v57 =	vld [tilespmem:$0x1FF10]  }
0x251: {  	v16 =	vadd.f32 v58, v16;
	v58 =	vld [tilespmem:$0x1FF20]  }
0x252: {  	s14 =	spop (v2sf);
	[tilespmem:$0x1FF90] =	vst v15;
	v15 =	vld [tilespmem:s13+$0x220]  }
0x253: {  	(v2sf) =	vpush v6, $0xF;
	v6 =	vld [tilespmem:s14+$0x200]  }
0x254: {  	v1 =	vadd.f32 v34, v1;
	v34 =	vld [tilespmem:s14+$0x210]  }
0x255: {  	v2 =	vadd.f32 v35, v2;
	v35 =	vld [tilespmem:s14+$0x220]  }
0x256: {  	v36 =	vld [tilespmem:s14+$0x230]  }
0x257: {  	[tilespmem:$0x1FFA0] =	vst v15;
	v15 =	vld [tilespmem:s13+$0x230]  }
0x258: {  	v37 =	vld [tilespmem:s14+$0x240]  }
0x259: {  	v38 =	vld [tilespmem:s14+$0x250]  }
0x25a: {  	v39 =	vld [tilespmem:s14+$0x260]  }
0x25b: {  	v40 =	vld [tilespmem:s14+$0x270]  }
0x25c: {  	[tilespmem:$0x1FFB0] =	vst v15;
	v15 =	vadd.f32 v27, v26;
	v27 =	vld [tilespmem:$0x1FE70]  }
0x25d: {  	v0 =	vadd.f32 v49, v0;
	v41 =	vld [tilespmem:s14+$0x280]  }
0x25e: {  	v1 =	vadd.f32 v50, v1;
	v42 =	vld [tilespmem:s14+$0x290]  }
0x25f: {  	v0 =	vadd.f32 v9, v0;
	v9 =	vld [tilespmem:s14+$0x2D0]  }
0x260: {  	v2 =	vadd.f32 v51, v2;
	v1 =	vadd.f32 v10, v1;
	v10 =	vld [tilespmem:s14+$0x2E0]  }
0x261: {  	v23 =	vadd.f32 v28, v27;
	v28 =	vld [tilespmem:$0x1FE80]  }
0x262: {  	v2 =	vadd.f32 v13, v2;
	v13 =	vld [tilespmem:s14+$0x2F0]  }
0x263: {  	v4 =	vadd.f32 v52, v4;
	v52 =	vld [tilespmem:$0x1FF80]  }
0x264: {  	v5 =	vadd.f32 v53, v5;
	v53 =	vld [tilespmem:$0x1FF90]  }
0x265: {  	v7 =	vadd.f32 v54, v7;
	v54 =	vld [tilespmem:$0x1FFA0]  }
0x266: {  	v24 =	vadd.f32 v29, v28;
	v29 =	vld [tilespmem:$0x1FE90]  }
0x267: {  	v12 =	vadd.f32 v55, v12;
	v55 =	vld [tilespmem:$0x1FFB0];
	v15 =	vadd.f32 v43, v15  }
0x268: {  	v43 =	vld [tilespmem:s14+$0x2A0]  }
0x269: {  	v15 =	vadd.f32 v59, v15;
	v59 =	vld [tilespmem:$0x1FF30]  }
0x26a: {  	v23 =	vadd.f32 v44, v23;
	v44 =	vld [tilespmem:s14+$0x2B0]  }
0x26b: {  	v26 =	vadd.f32 v30, v29;
	v29 =	vld [tilespmem:$0x1FEB0]  }
0x26c: {  	v30 =	vld [tilespmem:$0x1FEA0]  }
0x26d: {  	v23 =	vadd.f32 v60, v23;
	v60 =	vld [tilespmem:$0x1FF40];
	v24 =	vadd.f32 v45, v24  }
0x26e: {  	v28 =	vld [tilespmem:s13+$0x2B0];
	v26 =	vadd.f32 v46, v26  }
0x26f: {  	v24 =	vadd.f32 v61, v24;
	v61 =	vld [tilespmem:$0x1FF50]  }
0x270: {  	v26 =	vadd.f32 v62, v26;
	v62 =	vld [tilespmem:$0x1FF60];
	v29 =	vadd.f32 v32, v29  }
0x271: {  	v27 =	vadd.f32 v31, v30;
	v30 =	vld [tilespmem:s13+$0x2C0]  }
0x272: {  	v31 =	vld [tilespmem:s13+$0x2D0];
	v29 =	vadd.f32 v48, v29  }
0x273: {  	v32 =	vld [tilespmem:s13+$0x2E0];
	v27 =	vadd.f32 v47, v27  }
0x274: {  	v8 =	vadd.f32 v8, v29;
	v29 =	vld [tilespmem:s14+$0x2C0]  }
0x275: {  	v3 =	vadd.f32 v14, v3;
	v27 =	vadd.f32 v63, v27;
	s14 =	spop (v2sf);
	v63 =	vld [tilespmem:$0x1FF70]  }
0x276: {  	v4 =	vadd.f32 v17, v4;
	v5 =	vadd.f32 v18, v5;
	v14 =	vld [tilespmem:s14+$0x200]  }
0x277: {  	v11 =	vadd.f32 v56, v11;
	v16 =	vadd.f32 v57, v16;
	v45 =	vld [tilespmem:s14+$0x210]  }
0x278: {  	v7 =	vadd.f32 v19, v7;
	v12 =	vadd.f32 v20, v12;
	v46 =	vld [tilespmem:s14+$0x220]  }
0x279: {  	v11 =	vadd.f32 v21, v11;
	v16 =	vadd.f32 v22, v16;
	v47 =	vld [tilespmem:s14+$0x230]  }
0x27a: {  	v4 =	vadd.f32 v37, v4;
	v0 =	vadd.f32 v52, v0;
	v48 =	vld [tilespmem:s14+$0x240]  }
0x27b: {  	v52 =	vadd.f32 v38, v5;
	v1 =	vadd.f32 v53, v1;
	v49 =	vld [tilespmem:s14+$0x250]  }
0x27c: {  	v0 =	vadd.f32 v6, v0;
	v53 =	vadd.f32 v39, v7;
	v56 =	vld [tilespmem:s14+$0x260]  }
0x27d: {  	v1 =	vadd.f32 v34, v1;
	v2 =	vadd.f32 v54, v2;
	v57 =	vld [tilespmem:s14+$0x270]  }
0x27e: {  	v54 =	vadd.f32 v40, v12;
	v15 =	vadd.f32 v58, v15;
	v58 =	vld [tilespmem:s14+$0x280]  }
0x27f: {  	v3 =	vadd.f32 v55, v3;
	v23 =	vadd.f32 v59, v23;
	v59 =	vld [tilespmem:s14+$0x290]  }
0x280: {  	v24 =	vadd.f32 v60, v24;
	v26 =	vadd.f32 v61, v26;
	v61 =	vld [tilespmem:s14+$0x2A0]  }
0x281: {  	v2 =	vadd.f32 v35, v2;
	v3 =	vadd.f32 v36, v3;
	v34 =	vld [tilespmem:s14+$0x2D0]  }
0x282: {  	v35 =	vld [tilespmem:s14+$0x2E0];
	v27 =	vadd.f32 v62, v27;
	v62 =	vadd.f32 v30, v24  }
0x283: {  	v51 =	vld [tilespmem:s14+$0x2F0];
	v8 =	vadd.f32 v63, v8;
	v0 =	vadd.f32 v14, v0  }
0x284: {  	v30 =	vld [tilespmem:s14+$0x2B0];
	v63 =	vadd.f32 v31, v26;
	v1 =	vadd.f32 v45, v1  }
0x285: {  	v31 =	vadd.f32 v32, v27;
	v32 =	vld [tilespmem:s14+$0x2C0];
	v2 =	vadd.f32 v46, v2;
	[tilespmem:s1+$0x0] =	vst v0  }
0x286: {  	v55 =	vadd.f32 v41, v11;
	v3 =	vadd.f32 v47, v3;
	[tilespmem:s1+$0x10] =	vst v1  }
0x287: {  	v15 =	vadd.f32 v25, v15;
	v4 =	vadd.f32 v48, v4;
	[tilespmem:s1+$0x20] =	vst v2  }
0x288: {  	v60 =	vadd.f32 v28, v23;
	v0 =	vadd.f32 v49, v52;
	[tilespmem:s1+$0x30] =	vst v3  }
0x289: {  	v8 =	vadd.f32 v33, v8;
	v1 =	vadd.f32 v56, v53;
	[tilespmem:s1+$0x40] =	vst v4  }
0x28a: {  	v56 =	vadd.f32 v42, v16;
	v2 =	vadd.f32 v57, v54;
	[tilespmem:s1+$0x50] =	vst v0  }
0x28b: {  	v57 =	vadd.f32 v43, v15;
	v3 =	vadd.f32 v58, v55;
	[tilespmem:s1+$0x60] =	vst v1  }
0x28c: {  	v58 =	vadd.f32 v44, v60;
	v4 =	vadd.f32 v59, v56;
	[tilespmem:s1+$0x70] =	vst v2  }
0x28d: {  	v60 =	vadd.f32 v9, v63;
	v0 =	vadd.f32 v61, v57;
	[tilespmem:s1+$0x80] =	vst v3  }
0x28e: {  	v59 =	vadd.f32 v29, v62;
	v1 =	vadd.f32 v30, v58;
	[tilespmem:s1+$0x90] =	vst v4  }
0x28f: {  	p0 =	sne.s32 s10, $0xC0;
	v61 =	vadd.f32 v10, v31;
	v3 =	vadd.f32 v34, v60;
	[tilespmem:s1+$0xA0] =	vst v0  }
.Ltmp1:
0x290: {  	v62 =	vadd.f32 v13, v8;
	v2 =	vadd.f32 v32, v59;
	[tilespmem:s1+$0xB0] =	vst v1;
	(pc) =	sbr.rel @p0 .LBB2_5-.Ltmp1, $4  }
0x291: {  	v63 =	vadd.f32 v35, v61;
	[tilespmem:s1+$0xD0] =	vst v3  }
0x292: {  	v0 =	vadd.f32 v51, v62;
	[tilespmem:s1+$0xC0] =	vst v2  }
0x293: {  	[tilespmem:s1+$0xE0] =	vst v63  }
0x294: {  	s10 =	sadd.s32 $0x40, s10;
	[tilespmem:s1+$0xF0] =	vst v0;
	s1 =	sadd.s32 $0x200, s1  }
0x295: {  	s11 =	sadd.s32 $0x1, s11  }
0x296: {  	s1 =	sshll.u32 s7, $0x5;
	p0 =	sne.s32 s11, $0x40  }
.Ltmp2:
0x297: {  	s1 =	sadd.s32 s8, s1;
	(pc) =	sbr.rel @p0 .LBB2_2-.Ltmp2, $4  }
0x298: {  	[hbm4b:s1+s2] =	stream.linear.scatter [tilespmem:s4], [sflag:$0x2], $0x800, $0x38;
	[tilespmem:$0x14B00] =	vst v63  }
0x299: {  	_ =	swait.ge [sflag:s12], $0x800  }
0x29a: {  	[sflag:s12] =	ssyncset.done $0x0  }
0x29b: {  	[sflag:s12] =	ssyncadd.s32 $0xFFFFF800  }
0x29c: {  	s7 =	rddreg [dreg:$0x5]  }
0x29d: {  	s1 =	rddreg [dreg:$0x4];
	s7 =	sadd.s32 $0x1, s7  }
0x29e: {  	p0 =	sne.s32 s7, s1  }
.Ltmp3:
0x29f: {  	_ = 	snop;
	(pc) =	sbr.rel @p0 .LBB2_1-.Ltmp3, $1  }
0x2a0: {  	_ =	sdelay $0x3  }
0x2a1: {  	_ =	sfence.sel $0x180000  }
0x2a2: {  	[bflag:$0x0] =	sbarrier.arrive $0xFFFF  }
0x2a3: {  	_ =	strace $0x9000004A  }
0x2a4: {  	s0 =	stileid.u32;
	[bflag:$0x2] =	sbarrier.arrive $0xFFFF  }
0x2a5: {  	p0 =	sne.s32 s0, $0x0;
	s0 =	rddreg [dreg:$0x2]  }
0x2a6: {  	s0 =	sadd.s32 @!p0 $0x100000, s0  }
0x2a7: {  	[sflag:s0] =	ssyncadd.tile.s32 @!p0 $0x1;
	_ =	shalt  }
.Lfunc_end2:
_tile_overlayer_lowered:
.L_overlay_start_2:
0x2a8: {  	(tag) =	ssettag $0x2  }
0x2a9: {  	s0 =	rddreg [dreg:$0x0];
	s2 =	stileid.u32  }
0x2aa: {  	s1 =	rddreg [dreg:$0x1];
	p0 =	sne.s32 s2, $0x0  }
0x2ab: {  	s3 =	rddreg [dreg:$0x2];
	[bflag:$0x3] =	sbarrier.arrive $0xFFFF;
	s2 =	simm.s32 @!p0 $0x1C02  }
0x2ac: {  	[timem:s3], [sflag:s2] =	dma.local @!p0 [hbm:s0], s1  }
0x2ad: {  	s0 =	simm.s32 @!p0 $0x2  }
0x2ae: {  	_ =	swait.ge @!p0 [sflag:s0], s1  }
0x2af: {  	s1 =	ssub.s32 @!p0 $0x0, s1;
	[sflag:s0] =	ssyncset.done @!p0 $0x0  }
0x2b0: {  	[sflag:s0] =	ssyncadd.s32 @!p0 s1  }
0x2b1: {  	[bflag:$0x3] =	sbarrier.arrive $0xFFFF  }
0x2b2: {  	_ =	shalt  }

// kernel: sparse-core-data-format-call.cloned.1.call-start
scs
called_computation_lowered:
.L_overlay_start_0:
0x0: {  	s2 =	sld [smem:$0x3FD9]  }
0x1: {  	s3 =	sld [smem:$0x3FFE];
	_ =	sdelay $0x1  }
0x2: {  	s1 =	srdreg.scid  }
0x3: {  	s0 =	sand.u32 $0x1, s1  }
0x4: {  	s18 =	sshll.u32 s0, $0xA;
	s2 =	sadd.s32 s3, s2  }
0x5: {  	s2 =	sadd.s32 s2, s18  }
0x6: {  	[smem:$0x3FC3] =	sst s2  }
0x7: {  	_ = 	snop  }
0x8: {  	s2 =	sld [smem:$0x3FC6];
	(tm) =	ssettm $0x1  }
0x9: {  	s19 =	sld [smem:$0x3FFB];
	_ =	sdelay $0x3  }
0xa: {  	_ =	strace s19  }
0xb: {  	s3 =	sld [smem:$0x3FFC];
	_ =	sdelay $0x3  }
0xc: {  	_ =	strace s3  }
0xd: {  	s3 =	sld [smem:$0x3FFD];
	_ =	sdelay $0x3  }
0xe: {  	_ =	strace s3  }
0xf: {  	_ =	strace $0x8FFFFFFF  }
0x10: {  	s20 =	sld [smem:$0x3FDB];
	_ =	sdelay $0x1  }
0x11: {  	s4 =	simm.s32 $_scs_section_size  }
0x12: {  	s5 =	simm.s32 $_size__tile_overlayer_lowered;
	s6 =	simm.s32 $_tile_overlayer_lowered  }
0x13: {  	s23 =	simm.s32 $0x1BFF;
	s22 =	sshll.u32 s6, $0x1;
	s3 =	sadd.s32 s4, s20  }
0x14: {  	s7 =	simm.s32 $0x0;
	s21 =	sshll.u32 s5, $0x1;
	s5 =	sadd.s32 s22, s3  }
0x15: {  	[timem:s7], [sflag:s23] =	dma.local [hbm:s5], s21  }
0x16: {  	_ =	swait.ge [sflag:s23], s21  }
0x17: {  	s4 =	ssub.s32 $0x0, s21;
	[sflag:s23] =	ssyncset.done $0x0  }
0x18: {  	[sflag:s23] =	ssyncadd.s32 s4;
	_ =	sdelay $0x1  }
0x19: {  	s24 =	simm.s32 $0x1B8B  }
0x1a: {  	_ =	swait.ge [sflag:s24], $0x1  }
0x1b: {  	[sflag:s24] =	ssyncset.done $0x0  }
0x1c: {  	s26 =	simm.s32 $0x1B8E;
	s25 =	sld [smem:$0x3FFE];
	[sflag:s24] =	ssyncadd.s32 $0xFFFFFFFF  }
0x1d: {  	s27 =	simm.s32 $execute0_lowered;
	[smem:$0x3FD2] =	sst s26  }
0x1e: {  	s5 =	sshll.u32 s27, $0x1;
	_ =	strace $0x80000046;
	[dreg:$0x1] =	wrdreg $0xFFFFFFFF  }
0x1f: {  	s28 =	simm.s32 $_size_execute0_lowered;
	s3 =	sadd.s32 s3, s5;
	[dreg:$0x0] =	wrdreg $0x0  }
0x20: {  	s5 =	sshll.u32 s28, $0x1;
	[dreg:$0x2] =	wrdreg s3  }
0x21: {  	[dreg:$0x3] =	wrdreg s5  }
0x22: {  	[dreg:$0x4] =	wrdreg $0xC0  }
0x23: {  	_ =	task [dreg:s7], $0x5FFFF  }
0x24: {  	[dreg:$0x1] =	wrdreg $0xFFFFFFFF  }
0x25: {  	[dreg:$0x0] =	wrdreg $0x60  }
0x26: {  	[dreg:$0x2] =	wrdreg s2  }
0x27: {  	[dreg:$0x3] =	wrdreg s25  }
0x28: {  	[dreg:$0x4] =	wrdreg $0x9  }
0x29: {  	_ =	task.clear_ibuf [dreg:s7], $0x5FFFF;
	_ =	strace $0x90000046  }
0x2a: {  	s29 =	simm.s32 $0x9;
	_ =	strace $0x80000048  }
0x2b: {  	_ =	swait.ge [sflag:s29], $0x1  }
0x2c: {  	[sflag:s29] =	ssyncadd.s32 $0xFFFFFFFF  }
0x2d: {  	_ =	strace $0x90000048  }
0x2e: {  	_ =	sfence  }
0x2f: {  	s30 =	sld [smem:$0x0];
	_ =	sdelay $0x2  }
0x30: {  	s31 =	sshll.u32 s1, $0xD;
	s1 =	sshrl.u32 s1, $0x2  }
0x31: {  	s3 =	sand.u32 $0x4000, s31;
	s1 =	sadd.s32 s1, s30  }
0x32: {  	s0 =	sor.u32 s3, s0;
	s1 =	sshll.u32 s1, $0x11  }
0x33: {  	s0 =	sor.u32 s1, s0  }
0x34: {  	s0 =	sadd.s32 $0x8F2B, s0  }
0x35: {  	[sflag:s0] =	ssyncadd.remote.s32 $0x1  }
0x36: {  	_ =	sfence.sel $0xFFFF  }
0x37: {  	[dreg:$0x0] =	wrdreg $0xFFFFFFFF;
	(pc) =	sbr.abs _section_cstart, $3  }
0x38: {  	[dreg:$0x1] =	wrdreg $0xFFFFFFFF  }
0x39: {  	_ =	task.clear_ibuf [dreg:s7], $0x2FFFF;
	_ =	strace $0x9FFFFFFF  }
0x3a: {  	(tm) =	ssettm $0x7FFFFFFF  }
0x3b: {  	_ =	shalt  }
tec
execute0_lowered:
.L_overlay_start_1:
0x0: {  	(tag) =	ssettag $0x1  }
0x1: {  	s0 =	srdreg.scid;
	s2 =	rddreg [dreg:$0x0]  }
0x2: {  	s5 =	rddreg [dreg:$0x1];
	s1 =	stileid.u32  }
0x3: {  	s4 =	simm.s32 $0x1;
	s6 =	simm.s32 $0x2;
	s0 =	sshll.u32 s0, $0x4  }
0x4: {  	s8 =	simm.s32 $0x0;
	s9 =	simm.s32 $0x0;
	s3 =	sand.u32 $0x10, s0  }
.Ltmp0:
0x5: {  	s13 =	simm.s32 $0x0;
	s3 =	sor.u32 s1, s3;
	(pc) =	sbr.rel .LBB1_1-.Ltmp0, $4  }
0x6: {  	s0 =	rddreg [dreg:$0x2];
	_ =	strace $0x80000047;
	s3 =	sshll.u32 s3, $0x3  }
0x7: {  	s10 =	simm.s32 $0x0;
	[sflag:s4] =	ssyncpa.u1 $0x0;
	s7 =	ssub.s32 $0x30D0, s3  }
0x8: {  	s12 =	simm.s32 $0x0;
	[sflag:s6] =	ssyncpa.u1 $0x0;
	s6 =	sshrl.u32 s7, $0x8  }
0x9: {  	s5 =	sadd.s32 $0x1000, s5;
	s11 =	smov.u32 s3;
	s7 =	sadd.s32 $0x2, s6  }
.LBB1_9:
0xa: {  	s15 =	sshll.u32 s12, $0xE  }
0xb: {  	s16 =	sshll.u32 s10, $0x8;
	s15 =	sand.u32 $0x4000, s15  }
0xc: {  	s16 =	sadd.s32 s5, s16;
	s15 =	sor.u32 $0x8000, s15  }
0xd: {  	[hbm4b:s16+s8] =	stream.linear.scatter [tilespmem:s15], [sflag:$0x2], s14, $0x38;
	[tilespmem:$0x10000] =	vst v63  }
.LBB1_10:
0xe: {  	p0 =	slt.u32 s12, $0x2  }
0xf: {  	p1 =	sgt.s32 @!p0 s13, $0x30CC  }
0x10: {  	s14 =	smov.u32 s13;
	s15 =	sshra.s32 @!p0 s13, $0x1F;
	p1 =	por !p1, p0  }
0x11: {  	s13 =	sand.u32 @!p0 s15, s13;
	s14 =	simm.s32 @p1 $0x30CC  }
0x12: {  	s13 =	ssub.s32 @!p0 s14, s13  }
0x13: {  	s13 =	sadd.s32 @!p0 $0xFFFFCF34, s13  }
0x14: {  	s14 =	sshll.u32 @!p0 s13, $0xD  }
0x15: {  	p1 =	sgt.s32 @!p0 s13, $0x7;
	s13 =	ssub.s32 @!p0 $0x10000, s14  }
0x16: {  	s15 =	sadd.s32 $0x100, s11;
	p1 =	por !p1, p0;
	s13 =	sshrl.u32 @!p0 s13, $0x2  }
0x17: {  	s13 =	simm.s32 @!p1 $0x0;
	p1 =	sgt.s32 s15, $0x30D3  }
0x18: {  	s15 =	smov.u32 @p1 s3;
	p1 =	sne.s32 s12, s7  }
.Ltmp1:
0x19: {  	_ = 	snop;
	(pc) =	sbr.rel @!p1 .LBB1_11-.Ltmp1, $4  }
0x1a: {  	s14 =	simm.s32 @!p0 $0x2  }
0x1b: {  	s9 =	sadd.s32 $0x4000, s9;
	_ =	swait.ge @!p0 [sflag:s14], s13;
	s16 =	ssub.s32 @!p0 $0x0, s13  }
0x1c: {  	s13 =	smov.u32 s10;
	s12 =	sadd.s32 $0x1, s12;
	[sflag:s14] =	ssyncset.done @!p0 $0x0  }
0x1d: {  	s10 =	smov.u32 s11;
	s11 =	smov.u32 s15;
	[sflag:s14] =	ssyncadd.s32 @!p0 s16  }
.LBB1_1:
0x1e: {  	p0 =	sgt.u32 s12, s6  }
0x1f: {  	p1 =	sgt.s32 @!p0 s11, $0x30CC  }
0x20: {  	s14 =	smov.u32 s11;
	s15 =	sshra.s32 @!p0 s11, $0x1F;
	p1 =	por !p1, p0  }
0x21: {  	s15 =	sand.u32 @!p0 s15, s11;
	s14 =	simm.s32 @p1 $0x30CC  }
0x22: {  	s14 =	ssub.s32 @!p0 s14, s15  }
0x23: {  	s14 =	sadd.s32 @!p0 $0xFFFFCF34, s14  }
0x24: {  	s17 =	simm.s32 @!p0 $0x0;
	s15 =	sxor.u32 @!p0 $0xFFFFFFFF, s12;
	s16 =	sshll.u32 @!p0 s14, $0xD  }
0x25: {  	s15 =	sshll.u32 @!p0 s15, $0xE;
	p1 =	sgt.s32 @!p0 s14, $0x7;
	s14 =	ssub.s32 @!p0 $0x10000, s16  }
0x26: {  	p1 =	por !p1, p0;
	s16 =	sshll.u32 @!p0 s11, $0x8;
	s14 =	sshrl.u32 @!p0 s14, $0x2  }
0x27: {  	s15 =	sand.u32 @!p0 $0x4000, s15;
	s16 =	sadd.s32 @!p0 s2, s16;
	s14 =	simm.s32 @!p1 $0x0  }
0x28: {  	[tilespmem:s15], [sflag:$0x1] =	stream.linear.gather @!p0 [hbm4b:s16+s17], s14, $0x38;
	[tilespmem:$0x10000] =	vst v63  }
0x29: {  	p0 =	seq.s32 s12, $0x0  }
0x2a: {  	p1 =	sge.u32 @!p0 s12, s7  }
0x2b: {  	p0 =	por p0, p1  }
.Ltmp2:
0x2c: {  	_ = 	snop;
	(pc) =	sbr.rel @p0 .LBB1_10-.Ltmp2, $1  }
0x2d: {  	_ =	sdelay $0x3  }
0x2e: {  	p0 =	sgt.s32 s10, $0x30CC;
	s14 =	smov.u32 s10;
	s15 =	sshra.s32 s10, $0x1F  }
0x2f: {  	s14 =	simm.s32 @!p0 $0x30CC;
	s15 =	sand.u32 s15, s10  }
0x30: {  	s14 =	ssub.s32 s14, s15  }
0x31: {  	s16 =	sadd.s32 $0x8, s10;
	s14 =	sadd.s32 $0xFFFFCF34, s14  }
0x32: {  	p1 =	slt.s32 s16, $0x30D4;
	s30 =	sshll.u32 s14, $0xD  }
0x33: {  	s16 =	simm.s32 @!p1 $0x30D4;
	s15 =	ssub.s32 $0x10000, s30  }
0x34: {  	p0 =	sgt.s32 s14, $0x7;
	s14 =	sshrl.u32 s15, $0x2;
	s15 =	ssub.s32 s16, s10  }
0x35: {  	s14 =	simm.s32 @p0 $0x0;
	p0 =	slt.s32 s15, $0x1  }
.Ltmp3:
0x36: {  	_ = 	snop;
	(pc) =	sbr.rel @p0 .LBB1_9-.Ltmp3, $4  }
0x37: {  	_ = 	snop  }
0x38: {  	_ =	swait.ge [sflag:s4], s14  }
0x39: {  	s31 =	ssub.s32 $0x0, s14;
	[sflag:s4] =	ssyncset.done $0x0  }
0x3a: {  	[sflag:s4] =	ssyncadd.s32 s31  }
0x3b: {  	s16 =	sshll.u32 s9, $0x2  }
0x3c: {  	s16 =	sand.u32 $0x10000, s16  }
0x3d: {  	s16 =	sshrl.u32 s16, $0x2  }
0x3e: {  	s18 =	simm.s32 $0x0;
	s19 =	simm.s32 $0x0;
	s17 =	sor.u32 $0x8000, s16  }
.LBB1_4:
0x3f: {  	s20 =	sshra.s32 s18, $0x2  }
0x40: {  	v0 =	vmov s20;
	_ =	sdelay $0x3  }
0x41: {  	p1 =	por $0x1, $0x1;
	s20 =	simm.s32 $0x0  }
.LBB1_5:
0x42: {  	_ = 	snop  }
0x43: {  	s21 =	sshll.u32 s20, $0xA  }
0x44: {  	s21 =	sand.u32 $0x3FFFFC00, s21  }
0x45: {  	s21 =	sadd.s32 s21, s16  }
0x46: {  	v5 =	vld.idx.msk [tilespmem:v0+s21+$0x70 ss:$0x1], $0xffff  }
0x47: {  	v6 =	vld.idx.msk [tilespmem:v0+s21+$0x10 ss:$0x1], $0xffff  }
0x48: {  	v7 =	vld.idx.msk [tilespmem:v0+s21+$0x20 ss:$0x1], $0xffff  }
0x49: {  	s31 =	sshll.u32 s20, $0x7;
	v1 =	vld.idx.msk [tilespmem:v0+s21+$0x30 ss:$0x1], $0xffff  }
0x4a: {  	s20 =	sand.u32 $0x3FFFFF80, s31;
	v2 =	vld.idx.msk [tilespmem:v0+s21+$0x40 ss:$0x1], $0xffff  }
0x4b: {  	s20 =	sadd.s32 s20, s17;
	v3 =	vld.idx.msk [tilespmem:v0+s21+$0x50 ss:$0x1], $0xffff  }
0x4c: {  	v4 =	vld.idx.msk [tilespmem:v0+s21+$0x60 ss:$0x1], $0xffff;
	[tilespmem:v0+s20+$0x70 ss:$0x1] =	vst.idx.msk $0xffff, v5  }
0x4d: {  	v5 =	vld.idx.msk [tilespmem:v0+s21+$0x0 ss:$0x1], $0xffff;
	[tilespmem:v0+s20+$0x10 ss:$0x1] =	vst.idx.msk $0xffff, v6;
	s21 =	sadd.s32 $0x80, s21  }
0x4e: {  	p0 =	por p1, p1;
	s22 =	simm.s32 $0x6;
	[tilespmem:v0+s20+$0x20 ss:$0x1] =	vst.idx.msk $0xffff, v7;
	v6 =	vld.idx.msk [tilespmem:v0+s21+$0x70 ss:$0x1], $0xffff  }
.LBB1_6:
0x4f: {  	p1 =	sne.s32 s22, $0x1;
	v7 =	vld.idx.msk [tilespmem:v0+s21+$0x10 ss:$0x1], $0xffff;
	[tilespmem:v0+s20+$0x30 ss:$0x1] =	vst.idx.msk $0xffff, v1  }
0x50: {  	v8 =	vld.idx.msk [tilespmem:v0+s21+$0x20 ss:$0x1], $0xffff;
	[tilespmem:v0+s20+$0x40 ss:$0x1] =	vst.idx.msk $0xffff, v2  }
0x51: {  	v1 =	vld.idx.msk [tilespmem:v0+s21+$0x30 ss:$0x1], $0xffff;
	[tilespmem:v0+s20+$0x50 ss:$0x1] =	vst.idx.msk $0xffff, v3  }
.Ltmp4:
0x52: {  	v2 =	vld.idx.msk [tilespmem:v0+s21+$0x40 ss:$0x1], $0xffff;
	[tilespmem:v0+s20+$0x60 ss:$0x1] =	vst.idx.msk $0xffff, v4;
	(pc) =	sbr.rel @p1 .LBB1_6-.Ltmp4, $4  }
0x53: {  	v3 =	vld.idx.msk [tilespmem:v0+s21+$0x50 ss:$0x1], $0xffff;
	[tilespmem:v0+s20+$0x0 ss:$0x1] =	vst.idx.msk $0xffff, v5;
	s20 =	sadd.s32 $0x100, s20  }
0x54: {  	v4 =	vld.idx.msk [tilespmem:v0+s21+$0x60 ss:$0x1], $0xffff;
	[tilespmem:v0+s20+$0x70 ss:$0x1] =	vst.idx.msk $0xffff, v6  }
0x55: {  	v5 =	vld.idx.msk [tilespmem:v0+s21+$0x0 ss:$0x1], $0xffff;
	[tilespmem:v0+s20+$0x10 ss:$0x1] =	vst.idx.msk $0xffff, v7;
	s21 =	sadd.s32 $0x80, s21  }
0x56: {  	s22 =	sadd.s32 $0xFFFFFFFF, s22;
	v6 =	vld.idx.msk [tilespmem:v0+s21+$0x70 ss:$0x1], $0xffff;
	[tilespmem:v0+s20+$0x20 ss:$0x1] =	vst.idx.msk $0xffff, v8  }
0x57: {  	_ =	sdelay $0x3  }
0x58: {  	[tilespmem:v0+s20+$0x30 ss:$0x1] =	vst.idx.msk $0xffff, v1  }
0x59: {  	v1 =	vld.idx.msk [tilespmem:v0+s21+$0x10 ss:$0x1], $0xffff;
	[tilespmem:v0+s20+$0x40 ss:$0x1] =	vst.idx.msk $0xffff, v2  }
0x5a: {  	v2 =	vld.idx.msk [tilespmem:v0+s21+$0x20 ss:$0x1], $0xffff;
	[tilespmem:v0+s20+$0x50 ss:$0x1] =	vst.idx.msk $0xffff, v3  }
0x5b: {  	v61 =	vld.idx.msk [tilespmem:v0+s21+$0x40 ss:$0x1], $0xffff;
	[tilespmem:v0+s20+$0x60 ss:$0x1] =	vst.idx.msk $0xffff, v4  }
0x5c: {  	s31 =	sadd.s32 $0x100, s20;
	v62 =	vld.idx.msk [tilespmem:v0+s21+$0x50 ss:$0x1], $0xffff;
	[tilespmem:v0+s20+$0x0 ss:$0x1] =	vst.idx.msk $0xffff, v5  }
0x5d: {  	v63 =	vld.idx.msk [tilespmem:v0+s21+$0x60 ss:$0x1], $0xffff;
	[tilespmem:v0+s31+$0x70 ss:$0x1] =	vst.idx.msk $0xffff, v6  }
0x5e: {  	v3 =	vld.idx.msk [tilespmem:v0+s21+$0x30 ss:$0x1], $0xffff;
	[tilespmem:v0+s31+$0x10 ss:$0x1] =	vst.idx.msk $0xffff, v1  }
0x5f: {  	v1 =	vld.idx.msk [tilespmem:v0+s21+$0x0 ss:$0x1], $0xffff;
	[tilespmem:v0+s31+$0x20 ss:$0x1] =	vst.idx.msk $0xffff, v2  }
.Ltmp5:
0x60: {  	[tilespmem:v0+s31+$0x40 ss:$0x1] =	vst.idx.msk $0xffff, v61;
	(pc) =	sbr.rel @p0 .LBB1_5-.Ltmp5, $4  }
0x61: {  	[tilespmem:v0+s31+$0x50 ss:$0x1] =	vst.idx.msk $0xffff, v62  }
0x62: {  	[tilespmem:v0+s31+$0x60 ss:$0x1] =	vst.idx.msk $0xffff, v63  }
0x63: {  	[tilespmem:v0+s31+$0x30 ss:$0x1] =	vst.idx.msk $0xffff, v3  }
0x64: {  	p1 =	por $0x0, $0x0;
	s20 =	simm.s32 $0x1;
	[tilespmem:v0+s31+$0x0 ss:$0x1] =	vst.idx.msk $0xffff, v1  }
0x65: {  	s19 =	sadd.s32 $0x1, s19  }
0x66: {  	p0 =	sne.s32 s19, s15  }
.Ltmp6:
0x67: {  	_ = 	snop;
	(pc) =	sbr.rel @p0 .LBB1_4-.Ltmp6, $4  }
.Ltmp7:
0x68: {  	_ = 	snop;
	(pc) =	sbr.rel @!p0 .LBB1_9-.Ltmp7, $4  }
0x69: {  	_ = 	snop  }
0x6a: {  	_ = 	snop  }
0x6b: {  	s18 =	sadd.s32 $0x2000, s18  }
0x6c: {  	_ = 	snop  }
.LBB1_11:
0x6d: {  	_ =	sfence.sel $0x180000  }
0x6e: {  	s2 =	simm.s32 $0x1;
	[bflag:$0x0] =	sbarrier.arrive $0xFFFF  }
0x6f: {  	s31 =	simm.s32 $0x2;
	[sflag:s2] =	ssyncpa.u1 $0x1  }
0x70: {  	[sflag:s31] =	ssyncpa.u1 $0x1  }
0x71: {  	p0 =	sne.s32 s1, $0x0;
	_ =	strace $0x90000047  }
0x72: {  	s0 =	sadd.s32 @!p0 $0x100000, s0;
	[bflag:$0x2] =	sbarrier.arrive $0xFFFF  }
0x73: {  	[sflag:s0] =	ssyncadd.tile.s32 @!p0 $0x1;
	_ =	shalt  }
.Lfunc_end1:
_tile_overlayer_lowered:
.L_overlay_start_2:
0x74: {  	(tag) =	ssettag $0x2  }
0x75: {  	s0 =	rddreg [dreg:$0x0];
	s2 =	stileid.u32  }
0x76: {  	s1 =	rddreg [dreg:$0x1];
	p0 =	sne.s32 s2, $0x0  }
0x77: {  	s3 =	rddreg [dreg:$0x2];
	[bflag:$0x3] =	sbarrier.arrive $0xFFFF;
	s2 =	simm.s32 @!p0 $0x1C01  }
0x78: {  	[timem:s3], [sflag:s2] =	dma.local @!p0 [hbm:s0], s1  }
0x79: {  	s0 =	simm.s32 @!p0 $0x1  }
0x7a: {  	_ =	swait.ge @!p0 [sflag:s0], s1  }
0x7b: {  	s1 =	ssub.s32 @!p0 $0x0, s1;
	[sflag:s0] =	ssyncset.done @!p0 $0x0  }
0x7c: {  	[sflag:s0] =	ssyncadd.s32 @!p0 s1  }
0x7d: {  	[bflag:$0x3] =	sbarrier.arrive $0xFFFF  }
0x7e: {  	_ =	shalt  }

</sc_bundles>
